<compile_context>
chip_gen: v7x
topology: tpu7x:2x2x1
jax: 0.10.2.dev20260603
libtpu: 0.0.44.dev20260713+nightly
codegen_flags: <defaults>
</compile_context>

<pallas_src>
import functools

import jax
import jax.numpy as jnp
from jax import lax
from jax.experimental import pallas as pl
from jax.experimental.pallas import tpu as pltpu
from jax.experimental.pallas import tpu_sc as plsc

N = 100000
E = 1600000
G = 128
H1 = 16

NC = 2
NS = 16
L = 16

NP = 102400
EP = 1605632
EPT = EP // (NC * NS)
C = 7168
NCK = EPT // C
C3 = 3584
NCK3 = EPT // C3
NPT16 = NP // NS
NPT32 = NP // (NC * NS)
ZB = 3200

_f32 = jnp.float32
_i32 = jnp.int32

_mesh = plsc.VectorSubcoreMesh(core_axis_name="c", subcore_axis_name="s")


def _rsqrt16(d):
    bits = lax.bitcast_convert_type(d, _i32)
    bits = jnp.int32(0x5F3759DF) - lax.shift_right_logical(bits, 1)
    y = lax.bitcast_convert_type(bits, _f32)
    for _ in range(3):
        y = y * (1.5 - 0.5 * d * y * y)
    return y


def _fill(ref, n, value, dtype=_f32):
    for i in range(n // L):
        ref[pl.ds(i * L, L)] = jnp.full((L,), value, dtype)


@functools.partial(
    pl.kernel,
    out_type=[jax.ShapeDtypeStruct((NP,), _f32) for _ in range(2)],
    mesh=_mesh,
    scratch_types=[
        pltpu.VMEM_SHARED((NP,), _f32),
        pltpu.VMEM((C,), _i32),
        pltpu.VMEM((C,), _i32),
        pltpu.VMEM((C,), _i32),
        pltpu.VMEM((C,), _f32),
        pltpu.VMEM((ZB,), _f32),
        pltpu.SemaphoreType.DMA,
        pltpu.SemaphoreType.DMA,
        pltpu.SemaphoreType.DMA,
        pltpu.SemaphoreType.DMA,
    ],
)
def _k_deg(dst_h, o0, o1, acc_sp, db0, db1, db2, onesb, zb, lsem, ss0, ss1, ss2):
    c = lax.axis_index("c")
    s = lax.axis_index("s")
    wid = c * NS + s

    def fl(i, _):
        onesb[pl.ds(i * L, L)] = jnp.full((L,), 1.0, _f32)
        return 0

    lax.fori_loop(0, C // L, fl, 0)

    def fz(i, _):
        zb[pl.ds(i * L, L)] = jnp.zeros((L,), _f32)
        return 0

    lax.fori_loop(0, ZB // L, fz, 0)
    pltpu.sync_copy(zb, acc_sp.at[pl.ds(s * NPT16, ZB)])
    pltpu.sync_copy(zb, acc_sp.at[pl.ds(s * NPT16 + ZB, ZB)])
    plsc.subcore_barrier()

    ssem = [ss0, ss1, ss2]
    dbuf = [db0, db1, db2]
    ldh = pltpu.async_copy(dst_h.at[pl.ds(wid * EPT, C)], dbuf[0], lsem)
    scats = []
    for k in range(NCK):
        r = k % 3
        ldh.wait()
        if k >= 2:
            scats[k - 2].wait()
        if k + 1 < NCK:
            ldh = pltpu.async_copy(
                dst_h.at[pl.ds(wid * EPT + (k + 1) * C, C)], dbuf[(k + 1) % 3], lsem)
        scats.append(pltpu.async_copy(onesb, acc_sp.at[dbuf[r]], ssem[r], add=True))
    scats[-2].wait()
    scats[-1].wait()
    plsc.subcore_barrier()

    @pl.when(c == 0)
    def _():
        pltpu.sync_copy(acc_sp.at[pl.ds(s * NPT16, NPT16)], o0.at[pl.ds(s * NPT16, NPT16)])

    @pl.when(c == 1)
    def _():
        pltpu.sync_copy(acc_sp.at[pl.ds(s * NPT16, NPT16)], o1.at[pl.ds(s * NPT16, NPT16)])


@functools.partial(
    pl.kernel,
    out_type=[jax.ShapeDtypeStruct((NP,), _f32) for _ in range(4)],
    mesh=_mesh,
    scratch_types=[
        pltpu.VMEM_SHARED((NP,), _f32),
        pltpu.VMEM_SHARED((NP,), _f32),
        pltpu.VMEM((C,), _i32),
        pltpu.VMEM((C,), _i32),
        pltpu.VMEM((C,), _i32),
        pltpu.VMEM((C,), _i32),
        pltpu.VMEM((C,), _i32),
        pltpu.VMEM((C,), _i32),
        pltpu.VMEM((ZB,), _f32),
        pltpu.VMEM((C,), _f32),
        pltpu.VMEM((C,), _f32),
        pltpu.VMEM((NPT16,), _f32),
        pltpu.VMEM((NPT16,), _f32),
        pltpu.VMEM((NPT16,), _f32),
        pltpu.VMEM((NPT16,), _f32),
        pltpu.VMEM((NPT16,), _f32),
        pltpu.SemaphoreType.DMA,
        pltpu.SemaphoreType.DMA,
        pltpu.SemaphoreType.DMA,
        pltpu.SemaphoreType.DMA,
        pltpu.SemaphoreType.DMA,
        pltpu.SemaphoreType.DMA,
    ],
)
def _k_t1(src_h, dst_h, d0_h, d1_h, x_h, t1o0, t1o1, dinv_o, xd_o,
          xd_sp, acc_sp, sl0, sl1, sl2, dl0, dl1, dl2, zb, gb0, gb1,
          d0b, d1b, xb, dvb, xdb,
          lsem_s, lsem_d, gsem, ss0, ss1, ss2):
    c = lax.axis_index("c")
    s = lax.axis_index("s")
    wid = c * NS + s
    base = s * NPT16
    pltpu.sync_copy(d0_h.at[pl.ds(base, NPT16)], d0b)
    pltpu.sync_copy(d1_h.at[pl.ds(base, NPT16)], d1b)
    pltpu.sync_copy(x_h.at[pl.ds(base, NPT16)], xb)

    def cloop(i, _):
        sl = pl.ds(i * L, L)
        deg = d0b[sl] + d1b[sl] + 1.0
        dv = _rsqrt16(deg)
        dvb[sl] = dv
        xdb[sl] = xb[sl] * dv
        return 0

    lax.fori_loop(0, NPT16 // L, cloop, 0)
    pltpu.sync_copy(xdb, xd_sp.at[pl.ds(base, NPT16)])

    def fz(i, _):
        zb[pl.ds(i * L, L)] = jnp.zeros((L,), _f32)
        return 0

    lax.fori_loop(0, ZB // L, fz, 0)
    pltpu.sync_copy(zb, acc_sp.at[pl.ds(base, ZB)])
    pltpu.sync_copy(zb, acc_sp.at[pl.ds(base + ZB, ZB)])

    @pl.when(c == 0)
    def _():
        pltpu.sync_copy(dvb, dinv_o.at[pl.ds(base, NPT16)])
        pltpu.sync_copy(xdb, xd_o.at[pl.ds(base, NPT16)])

    plsc.subcore_barrier()

    ssem = [ss0, ss1, ss2]
    sslab = [sl0, sl1, sl2]
    dslab = [dl0, dl1, dl2]
    gb = [gb0, gb1]
    eb = wid * EPT
    lh_s = pltpu.async_copy(src_h.at[pl.ds(eb, C)], sslab[0], lsem_s)
    lh_d = pltpu.async_copy(dst_h.at[pl.ds(eb, C)], dslab[0], lsem_d)
    scats = []
    for k in range(NCK):
        r = k % 3
        p = k % 2
        lh_s.wait()
        lh_d.wait()
        if k >= 2:
            scats[k - 2].wait()
        if k + 1 < NCK:
            nr = (k + 1) % 3
            lh_s = pltpu.async_copy(src_h.at[pl.ds(eb + (k + 1) * C, C)], sslab[nr], lsem_s)
            lh_d = pltpu.async_copy(dst_h.at[pl.ds(eb + (k + 1) * C, C)], dslab[nr], lsem_d)
        pltpu.async_copy(xd_sp.at[sslab[r]], gb[p], gsem).wait()
        scats.append(pltpu.async_copy(gb[p], acc_sp.at[dslab[r]], ssem[r], add=True))
    scats[-2].wait()
    scats[-1].wait()
    plsc.subcore_barrier()

    @pl.when(c == 0)
    def _():
        pltpu.sync_copy(acc_sp.at[pl.ds(s * NPT16, NPT16)], t1o0.at[pl.ds(s * NPT16, NPT16)])

    @pl.when(c == 1)
    def _():
        pltpu.sync_copy(acc_sp.at[pl.ds(s * NPT16, NPT16)], t1o1.at[pl.ds(s * NPT16, NPT16)])


@functools.partial(
    pl.kernel,
    out_type=[jax.ShapeDtypeStruct((NP,), _f32) for _ in range(6)],
    mesh=_mesh,
    scratch_types=[
        pltpu.VMEM_SHARED((NP,), _f32),
        pltpu.VMEM_SHARED((NP,), _f32),
        pltpu.VMEM_SHARED((NP,), _f32),
        pltpu.VMEM_SHARED((NP,), _f32),
        pltpu.VMEM((C3,), _i32),
        pltpu.VMEM((C3,), _i32),
        pltpu.VMEM((C3,), _i32),
        pltpu.VMEM((C3,), _i32),
        pltpu.VMEM((C3,), _i32),
        pltpu.VMEM((C3,), _i32),
        pltpu.VMEM((C3,), _f32),
        pltpu.VMEM((C3,), _f32),
        pltpu.VMEM((C3,), _f32),
        pltpu.VMEM((C3,), _f32),
        pltpu.VMEM((16, 16), _f32),
        pltpu.VMEM((16, 16), _f32),
        pltpu.VMEM((16, 16), _f32),
        pltpu.VMEM((16, 16), _f32),
        pltpu.VMEM((ZB,), _f32),
        pltpu.VMEM((NPT16,), _f32),
        pltpu.VMEM((NPT16,), _f32),
        pltpu.VMEM((NPT16,), _f32),
        pltpu.VMEM((NPT16,), _f32),
        pltpu.VMEM((NPT16,), _f32),
        pltpu.VMEM((NPT16,), _f32),
        pltpu.SemaphoreType.DMA,
        pltpu.SemaphoreType.DMA,
        pltpu.SemaphoreType.DMA,
        pltpu.SemaphoreType.DMA,
        pltpu.SemaphoreType.DMA,
        pltpu.SemaphoreType.DMA,
        pltpu.SemaphoreType.DMA,
        pltpu.SemaphoreType.DMA,
        pltpu.SemaphoreType.DMA,
        pltpu.SemaphoreType.DMA,
    ],
)
def _k_t2(src_h, dst_h, t10_h, t11_h, dv_h, xd_h, w1_h, b1_h, w20_h, w21_h,
          o00, o01, o10, o11, gd0_o, gd1_o,
          gd0_sp, gd1_sp, a0_sp, a1_sp, sl0, sl1, sl2, dl0, dl1, dl2,
          e00, e01, e10, e11,
          w1v, b1v, w20v, w21v, zb, t0b, t1b, dvb, xdb, g0b, g1b,
          lsem_s, lsem_d, gsem0, gsem1, sa0, sa1, sa2, sb0, sb1, sb2):
    c = lax.axis_index("c")
    s = lax.axis_index("s")
    wid = c * NS + s
    pltpu.sync_copy(w1_h, w1v)
    pltpu.sync_copy(b1_h, b1v)
    pltpu.sync_copy(w20_h, w20v)
    pltpu.sync_copy(w21_h, w21v)

    base = s * NPT16
    pltpu.sync_copy(t10_h.at[pl.ds(base, NPT16)], t0b)
    pltpu.sync_copy(t11_h.at[pl.ds(base, NPT16)], t1b)
    pltpu.sync_copy(dv_h.at[pl.ds(base, NPT16)], dvb)
    pltpu.sync_copy(xd_h.at[pl.ds(base, NPT16)], xdb)

    def cloop(i, _):
        sl = pl.ds(i * L, L)
        dv = dvb[sl]
        s1 = dv * (t0b[sl] + t1b[sl] + xdb[sl])
        acc0 = jnp.zeros((L,), _f32)
        acc1 = jnp.zeros((L,), _f32)
        for j in range(H1):
            hr = jnp.maximum(s1 * w1v[j] + b1v[j], 0.0)
            acc0 = acc0 + hr * w20v[j]
            acc1 = acc1 + hr * w21v[j]
        g0b[sl] = acc0 * dv
        g1b[sl] = acc1 * dv
        return 0

    lax.fori_loop(0, NPT16 // L, cloop, 0)
    pltpu.sync_copy(g0b, gd0_sp.at[pl.ds(base, NPT16)])
    pltpu.sync_copy(g1b, gd1_sp.at[pl.ds(base, NPT16)])

    def fz(i, _):
        zb[pl.ds(i * L, L)] = jnp.zeros((L,), _f32)
        return 0

    lax.fori_loop(0, ZB // L, fz, 0)
    pltpu.sync_copy(zb, a0_sp.at[pl.ds(base, ZB)])
    pltpu.sync_copy(zb, a0_sp.at[pl.ds(base + ZB, ZB)])
    pltpu.sync_copy(zb, a1_sp.at[pl.ds(base, ZB)])
    pltpu.sync_copy(zb, a1_sp.at[pl.ds(base + ZB, ZB)])

    @pl.when(c == 0)
    def _():
        pltpu.sync_copy(g0b, gd0_o.at[pl.ds(base, NPT16)])
        pltpu.sync_copy(g1b, gd1_o.at[pl.ds(base, NPT16)])

    plsc.subcore_barrier()

    sA = [sa0, sa1, sa2]
    sB = [sb0, sb1, sb2]
    sslab = [sl0, sl1, sl2]
    dslab = [dl0, dl1, dl2]
    e0b = [e00, e01]
    e1b = [e10, e11]
    eb = wid * EPT
    lh_s = pltpu.async_copy(src_h.at[pl.ds(eb, C3)], sslab[0], lsem_s)
    lh_d = pltpu.async_copy(dst_h.at[pl.ds(eb, C3)], dslab[0], lsem_d)
    scA = []
    scB = []
    for k in range(NCK3):
        r = k % 3
        p = k % 2
        lh_s.wait()
        lh_d.wait()
        if k >= 2:
            scA[k - 2].wait()
            scB[k - 2].wait()
        if k + 1 < NCK3:
            nr = (k + 1) % 3
            lh_s = pltpu.async_copy(src_h.at[pl.ds(eb + (k + 1) * C3, C3)], sslab[nr], lsem_s)
            lh_d = pltpu.async_copy(dst_h.at[pl.ds(eb + (k + 1) * C3, C3)], dslab[nr], lsem_d)
        gh0 = pltpu.async_copy(gd0_sp.at[sslab[r]], e0b[p], gsem0)
        gh1 = pltpu.async_copy(gd1_sp.at[sslab[r]], e1b[p], gsem1)
        gh0.wait()
        scA.append(pltpu.async_copy(e0b[p], a0_sp.at[dslab[r]], sA[r], add=True))
        gh1.wait()
        scB.append(pltpu.async_copy(e1b[p], a1_sp.at[dslab[r]], sB[r], add=True))
    scA[-2].wait()
    scA[-1].wait()
    scB[-2].wait()
    scB[-1].wait()
    plsc.subcore_barrier()

    @pl.when(c == 0)
    def _():
        pltpu.sync_copy(a0_sp.at[pl.ds(s * NPT16, NPT16)], o00.at[pl.ds(s * NPT16, NPT16)])
        pltpu.sync_copy(a1_sp.at[pl.ds(s * NPT16, NPT16)], o01.at[pl.ds(s * NPT16, NPT16)])

    @pl.when(c == 1)
    def _():
        pltpu.sync_copy(a0_sp.at[pl.ds(s * NPT16, NPT16)], o10.at[pl.ds(s * NPT16, NPT16)])
        pltpu.sync_copy(a1_sp.at[pl.ds(s * NPT16, NPT16)], o11.at[pl.ds(s * NPT16, NPT16)])


@functools.partial(
    pl.kernel,
    out_type=[jax.ShapeDtypeStruct((128,), _f32) for _ in range(6)],
    mesh=_mesh,
    scratch_types=[
        pltpu.VMEM_SHARED((136,), _f32),
        pltpu.VMEM_SHARED((136,), _f32),
        pltpu.VMEM_SHARED((136,), _f32),
        pltpu.VMEM((NPT32,), _i32),
        pltpu.VMEM((136,), _f32),
        pltpu.VMEM((NPT32,), _f32),
        pltpu.VMEM((NPT32,), _f32),
        pltpu.VMEM((NPT32,), _f32),
        pltpu.VMEM((NPT32,), _f32),
        pltpu.VMEM((NPT32,), _f32),
        pltpu.VMEM((NPT32,), _f32),
        pltpu.VMEM((NPT32,), _f32),
        pltpu.VMEM((NPT32,), _f32),
        pltpu.VMEM((NPT32,), _f32),
        pltpu.VMEM((NPT32,), _f32),
    ],
)
def _k_pool(t00_h, t01_h, t10_h, t11_h, dv_h, g0_h, g1_h, bt_h,
            po00, po01, pc0, po10, po11, pc1,
            ps0, ps1, psc, btb, zb, onesb,
            a00b, a01b, a10b, a11b, dvb, g0b, g1b, o0b, o1b):
    c = lax.axis_index("c")
    s = lax.axis_index("s")
    wid = c * NS + s
    _fill(zb, 136, 0.0)

    def fl(i, _):
        onesb[pl.ds(i * L, L)] = jnp.full((L,), 1.0, _f32)
        return 0

    lax.fori_loop(0, NPT32 // L, fl, 0)

    @pl.when(s == 0)
    def _():
        pltpu.sync_copy(zb, ps0)
        pltpu.sync_copy(zb, ps1)
        pltpu.sync_copy(zb, psc)

    plsc.subcore_barrier()
    base = wid * NPT32
    pltpu.sync_copy(bt_h.at[pl.ds(base, NPT32)], btb)
    pltpu.sync_copy(t00_h.at[pl.ds(base, NPT32)], a00b)
    pltpu.sync_copy(t01_h.at[pl.ds(base, NPT32)], a01b)
    pltpu.sync_copy(t10_h.at[pl.ds(base, NPT32)], a10b)
    pltpu.sync_copy(t11_h.at[pl.ds(base, NPT32)], a11b)
    pltpu.sync_copy(dv_h.at[pl.ds(base, NPT32)], dvb)
    pltpu.sync_copy(g0_h.at[pl.ds(base, NPT32)], g0b)
    pltpu.sync_copy(g1_h.at[pl.ds(base, NPT32)], g1b)

    def cloop(i, _):
        sl = pl.ds(i * L, L)
        dv = dvb[sl]
        o0b[sl] = dv * (a00b[sl] + a10b[sl] + g0b[sl])
        o1b[sl] = dv * (a01b[sl] + a11b[sl] + g1b[sl])
        return 0

    lax.fori_loop(0, NPT32 // L, cloop, 0)
    pltpu.sync_copy(o0b, ps0.at[btb], add=True)
    pltpu.sync_copy(o1b, ps1.at[btb], add=True)
    pltpu.sync_copy(onesb, psc.at[btb], add=True)
    plsc.subcore_barrier()

    @pl.when(jnp.logical_and(s == 0, c == 0))
    def _():
        pltpu.sync_copy(ps0.at[pl.ds(0, 128)], po00)
        pltpu.sync_copy(ps1.at[pl.ds(0, 128)], po01)
        pltpu.sync_copy(psc.at[pl.ds(0, 128)], pc0)

    @pl.when(jnp.logical_and(s == 0, c == 1))
    def _():
        pltpu.sync_copy(ps0.at[pl.ds(0, 128)], po10)
        pltpu.sync_copy(ps1.at[pl.ds(0, 128)], po11)
        pltpu.sync_copy(psc.at[pl.ds(0, 128)], pc1)


def kernel(x, edge_index, batch, W1, b1, W2, b2):
    x_pad = jnp.concatenate([x[:, 0], jnp.zeros((NP - N,), _f32)])
    pad_idx = jnp.full((EP - E,), N, _i32)
    src1d = jnp.concatenate([edge_index[0], pad_idx])
    dst1d = jnp.concatenate([edge_index[1], pad_idx])
    bt_pad = jnp.concatenate([batch, jnp.full((NP - N,), G, _i32)])
    w1m = jnp.broadcast_to(W1.reshape(H1)[:, None], (H1, 16)).astype(_f32)
    b1m = jnp.broadcast_to(b1[:, None], (H1, 16)).astype(_f32)
    w20m = jnp.broadcast_to(W2[:, 0][:, None], (H1, 16)).astype(_f32)
    w21m = jnp.broadcast_to(W2[:, 1][:, None], (H1, 16)).astype(_f32)

    d0, d1 = _k_deg(dst1d)
    t10, t11, dinv, xd = _k_t1(src1d, dst1d, d0, d1, x_pad)
    t00, t01, t10_, t11_, gd0, gd1 = _k_t2(
        src1d, dst1d, t10, t11, dinv, xd, w1m, b1m, w20m, w21m)
    p00, p01, c0, p10, p11, c1 = _k_pool(
        t00, t01, t10_, t11_, dinv, gd0, gd1, bt_pad)

    pool = jnp.stack([p00 + p10, p01 + p11], axis=1)
    cnt = c0 + c1
    mean = pool / jnp.maximum(cnt, 1.0)[:, None] + b2[None, :]
    return jax.nn.log_softmax(mean, axis=1)

# --- scband reference (transcript-rebuilt; emitter-appended) ---
"""Pipeline reference for scband-net-1236950581356 (READ-ONLY COPY).

The authoritative reference and input builder live on the scoring server;
editing this copy changes nothing except your own understanding.
"""

import jax, jax.numpy as jnp
import numpy as np

N = 100000
E = 1600000
NUM_GRAPHS = 128
H1 = 16
OUT = 2


def setup_inputs(seed: int = 0) -> dict:
    key = jax.random.key(seed)
    k1, k2, k3, k4, k5, k6, k7 = jax.random.split(key, 7)
    x = jax.random.normal(k1, (N, 1), dtype=jnp.float32)
    edge_index = jax.random.randint(k2, (2, E), 0, N, dtype=jnp.int32)
    batch = jnp.sort(jax.random.randint(k3, (N,), 0, NUM_GRAPHS, dtype=jnp.int32))
    # GCNConv(1, 16) and GCNConv(16, 2) parameters (glorot-ish init)
    W1 = jax.random.normal(k4, (1, H1), dtype=jnp.float32) * np.sqrt(2.0 / (1 + H1))
    b1 = jnp.zeros((H1,), dtype=jnp.float32)
    W2 = jax.random.normal(k5, (H1, OUT), dtype=jnp.float32) * np.sqrt(2.0 / (H1 + OUT))
    b2 = jnp.zeros((OUT,), dtype=jnp.float32)
    return {"x": x, "edge_index": edge_index, "batch": batch,
            "W1": W1, "b1": b1, "W2": W2, "b2": b2}


def _gcn_conv(x, src, dst, W, b, num_nodes):
    # symmetric normalization with self-loops already appended to src/dst
    deg = jax.ops.segment_sum(jnp.ones_like(dst, dtype=x.dtype), dst, num_segments=num_nodes)
    dinv = jax.lax.rsqrt(jnp.maximum(deg, 1.0))
    norm = dinv[src] * dinv[dst]
    h = x @ W
    msgs = h[src] * norm[:, None]
    out = jax.ops.segment_sum(msgs, dst, num_segments=num_nodes)
    return out + b


def reference(x, edge_index, batch, W1, b1, W2, b2):
    num_nodes = x.shape[0]
    loops = jnp.arange(num_nodes, dtype=edge_index.dtype)
    src = jnp.concatenate([edge_index[0], loops])
    dst = jnp.concatenate([edge_index[1], loops])
    h = _gcn_conv(x, src, dst, W1, b1, num_nodes)
    h = jax.nn.relu(h)
    # dropout is identity in eval mode
    h = _gcn_conv(h, src, dst, W2, b2, num_nodes)
    # global_mean_pool over graph ids
    s = jax.ops.segment_sum(h, batch, num_segments=NUM_GRAPHS)
    cnt = jax.ops.segment_sum(jnp.ones((num_nodes,), dtype=h.dtype), batch, num_segments=NUM_GRAPHS)
    mean = s / jnp.maximum(cnt, 1.0)[:, None]
    return jax.nn.log_softmax(mean, axis=1)

if __name__ == "__main__":
    import jax
    _d = setup_inputs()
    print(jax.jit(kernel)(*tuple(_d.values())))

</pallas_src>

<mosaic_0001>
#map = affine_map<(d0, d1) -> (0)>
module attributes {stable_mosaic.version = 14 : i64} {
  func.func @_k_deg(%arg0: i32, %arg1: i32, %arg2: memref<1605632xi32, #tpu.memory_space<hbm>>, %arg3: memref<102400xf32, #tpu.memory_space<hbm>>, %arg4: memref<102400xf32, #tpu.memory_space<hbm>>, %arg5: memref<102400xf32, #tpu.memory_space<vmem_shared>>, %arg6: memref<7168xi32, #tpu.memory_space<vmem>>, %arg7: memref<7168xi32, #tpu.memory_space<vmem>>, %arg8: memref<7168xi32, #tpu.memory_space<vmem>>, %arg9: memref<7168xf32, #tpu.memory_space<vmem>>, %arg10: memref<3200xf32, #tpu.memory_space<vmem>>, %arg11: memref<!tpu.dma_semaphore, #tpu.memory_space<semaphore_mem>>, %arg12: memref<!tpu.dma_semaphore, #tpu.memory_space<semaphore_mem>>, %arg13: memref<!tpu.dma_semaphore, #tpu.memory_space<semaphore_mem>>, %arg14: memref<!tpu.dma_semaphore, #tpu.memory_space<semaphore_mem>>) attributes {dimension_semantics = [#tpu.dimension_semantics<core_parallel>, #tpu.dimension_semantics<subcore_parallel>], iteration_bounds = array<i64: 2, 16>, scalar_prefetch = 0 : i64, scratch_operands = 10 : i64, tpu.core_type = #tpu.core_type<sc_vector_subcore>, window_params = [{transform_indices = #map}, {transform_indices = #map}, {transform_indices = #map}]} {
    %mul3A = arith.constant 16 : i32
    %mul3A_0 = arith.muli %arg0, %mul3A : i32
    %add3A = arith.addi %mul3A_0, %arg1 : i32
    %scan3A = arith.constant 0 : i32
    %scan3A_1 = arith.constant 0 : i32
    %scan3A_2 = arith.constant 448 : i32
    %scan3A_3 = arith.addi %scan3A_1, %scan3A_2 : i32
    %scan3A_4 = arith.constant 1 : i32
    %scan3A_5 = scf.for %scan3A_108 = %scan3A_1 to %scan3A_3 step %scan3A_4 iter_args(%scan3A_109 = %scan3A) -> (i32)  : i32 {
      %broadcast_in_dim3A = arith.constant 1.000000e+00 : f32
      %broadcast_in_dim3A_110 = vector.broadcast %broadcast_in_dim3A : f32 to vector<16xf32>
      %mul3A_111 = arith.constant 16 : i32
      %mul3A_112 = arith.muli %scan3A_108, %mul3A_111 : i32
      %swap3A = arith.index_cast %mul3A_112 : i32 to index
      %swap3A_113 = tpu.vector_load %arg9[%swap3A] {strides = array<i32>} : memref<7168xf32, #tpu.memory_space<vmem>>, vector<16xf32>,
      %swap3A_114 = vector.shape_cast %swap3A_113 : vector<16xf32> to vector<16xf32>
      %swap3A_115 = vector.shape_cast %broadcast_in_dim3A_110 : vector<16xf32> to vector<16xf32>
      tpu.vector_store %arg9[%swap3A], %swap3A_115 {strides = array<i32>} : memref<7168xf32, #tpu.memory_space<vmem>>, vector<16xf32>,
      %scan3A_116 = arith.constant 0 : i32
      scf.yield %scan3A_116 : i32
    }
    %scan3A_6 = arith.constant 448 : i32
    %scan3A_7 = arith.constant 0 : i32
    %scan3A_8 = arith.constant 0 : i32
    %scan3A_9 = arith.constant 200 : i32
    %scan3A_10 = arith.addi %scan3A_8, %scan3A_9 : i32
    %scan3A_11 = arith.constant 1 : i32
    %scan3A_12 = scf.for %scan3A_108 = %scan3A_8 to %scan3A_10 step %scan3A_11 iter_args(%scan3A_109 = %scan3A_7) -> (i32)  : i32 {
      %broadcast_in_dim3A = arith.constant 0.000000e+00 : f32
      %broadcast_in_dim3A_110 = vector.broadcast %broadcast_in_dim3A : f32 to vector<16xf32>
      %mul3A_111 = arith.constant 16 : i32
      %mul3A_112 = arith.muli %scan3A_108, %mul3A_111 : i32
      %swap3A = arith.index_cast %mul3A_112 : i32 to index
      %swap3A_113 = tpu.vector_load %arg10[%swap3A] {strides = array<i32>} : memref<3200xf32, #tpu.memory_space<vmem>>, vector<16xf32>,
      %swap3A_114 = vector.shape_cast %swap3A_113 : vector<16xf32> to vector<16xf32>
      %swap3A_115 = vector.shape_cast %broadcast_in_dim3A_110 : vector<16xf32> to vector<16xf32>
      tpu.vector_store %arg10[%swap3A], %swap3A_115 {strides = array<i32>} : memref<3200xf32, #tpu.memory_space<vmem>>, vector<16xf32>,
      %scan3A_116 = arith.constant 0 : i32
      scf.yield %scan3A_116 : i32
    }
    %scan3A_13 = arith.constant 200 : i32
    %mul3A_14 = arith.constant 6400 : i32
    %mul3A_15 = arith.muli %arg1, %mul3A_14 : i32
    "tpu.region"() ({
      %run_scoped3A = tpu.sem_alloc : memref<!tpu.dma_semaphore, #tpu.memory_space<semaphore_mem>>
      %dma_start3A_108 = tpu.memref_slice %arg5[%mul3A_15] : memref<102400xf32, #tpu.memory_space<vmem_shared>> -> memref<3200xf32, #tpu.memory_space<vmem_shared>>
      %dma_start3A_109 = tpu.memref_slice %arg5[%mul3A_15] : memref<102400xf32, #tpu.memory_space<vmem_shared>> -> memref<3200xf32, #tpu.memory_space<vmem_shared>>
      tpu.enqueue_dma source(%arg10 : memref<3200xf32, #tpu.memory_space<vmem>>) target(%dma_start3A_109 : memref<3200xf32, #tpu.memory_space<vmem_shared>>) target_semaphore(%run_scoped3A : memref<!tpu.dma_semaphore, #tpu.memory_space<semaphore_mem>>)
      %dma_wait3A_110 = tpu.memref_slice %arg5[%mul3A_15] : memref<102400xf32, #tpu.memory_space<vmem_shared>> -> memref<3200xf32, #tpu.memory_space<vmem_shared>>
      %dma_wait3A_111 = tpu.memref_slice %arg5[%mul3A_15] : memref<102400xf32, #tpu.memory_space<vmem_shared>> -> memref<3200xf32, #tpu.memory_space<vmem_shared>>
      tpu.wait_dma2 semaphore(%run_scoped3A : memref<!tpu.dma_semaphore, #tpu.memory_space<semaphore_mem>>) src(%arg10 : memref<3200xf32, #tpu.memory_space<vmem>>) dst(%dma_wait3A_111 : memref<3200xf32, #tpu.memory_space<vmem_shared>>)
      tpu.yield
    }) : () -> ()
    %mul3A_16 = arith.constant 6400 : i32
    %mul3A_17 = arith.muli %arg1, %mul3A_16 : i32
    %add3A_18 = arith.constant 3200 : i32
    %add3A_19 = arith.addi %mul3A_17, %add3A_18 : i32
    "tpu.region"() ({
      %run_scoped3A = tpu.sem_alloc : memref<!tpu.dma_semaphore, #tpu.memory_space<semaphore_mem>>
      %dma_start3A_108 = tpu.memref_slice %arg5[%add3A_19] : memref<102400xf32, #tpu.memory_space<vmem_shared>> -> memref<3200xf32, #tpu.memory_space<vmem_shared>>
      %dma_start3A_109 = tpu.memref_slice %arg5[%add3A_19] : memref<102400xf32, #tpu.memory_space<vmem_shared>> -> memref<3200xf32, #tpu.memory_space<vmem_shared>>
      tpu.enqueue_dma source(%arg10 : memref<3200xf32, #tpu.memory_space<vmem>>) target(%dma_start3A_109 : memref<3200xf32, #tpu.memory_space<vmem_shared>>) target_semaphore(%run_scoped3A : memref<!tpu.dma_semaphore, #tpu.memory_space<semaphore_mem>>)
      %dma_wait3A_110 = tpu.memref_slice %arg5[%add3A_19] : memref<102400xf32, #tpu.memory_space<vmem_shared>> -> memref<3200xf32, #tpu.memory_space<vmem_shared>>
      %dma_wait3A_111 = tpu.memref_slice %arg5[%add3A_19] : memref<102400xf32, #tpu.memory_space<vmem_shared>> -> memref<3200xf32, #tpu.memory_space<vmem_shared>>
      tpu.wait_dma2 semaphore(%run_scoped3A : memref<!tpu.dma_semaphore, #tpu.memory_space<semaphore_mem>>) src(%arg10 : memref<3200xf32, #tpu.memory_space<vmem>>) dst(%dma_wait3A_111 : memref<3200xf32, #tpu.memory_space<vmem_shared>>)
      tpu.yield
    }) : () -> ()
    %barrier3A = arith.constant 0 : index
    tpu.barrier barrier_id(%barrier3A)
    %mul3A_20 = arith.constant 50176 : i32
    %mul3A_21 = arith.muli %add3A, %mul3A_20 : i32
    %dma_start3A = tpu.memref_slice %arg2[%mul3A_21] : memref<1605632xi32, #tpu.memory_space<hbm>> -> memref<7168xi32, #tpu.memory_space<hbm>>
    %dma_start3A_22 = tpu.memref_slice %arg2[%mul3A_21] : memref<1605632xi32, #tpu.memory_space<hbm>> -> memref<7168xi32, #tpu.memory_space<hbm>>
    tpu.enqueue_dma source(%dma_start3A_22 : memref<7168xi32, #tpu.memory_space<hbm>>) target(%arg6 : memref<7168xi32, #tpu.memory_space<vmem>>) target_semaphore(%arg11 : memref<!tpu.dma_semaphore, #tpu.memory_space<semaphore_mem>>)
    %dma_wait3A = tpu.memref_slice %arg2[%mul3A_21] : memref<1605632xi32, #tpu.memory_space<hbm>> -> memref<7168xi32, #tpu.memory_space<hbm>>
    %dma_wait3A_23 = tpu.memref_slice %arg2[%mul3A_21] : memref<1605632xi32, #tpu.memory_space<hbm>> -> memref<7168xi32, #tpu.memory_space<hbm>>
    tpu.wait_dma2 semaphore(%arg11 : memref<!tpu.dma_semaphore, #tpu.memory_space<semaphore_mem>>) src(%dma_wait3A_23 : memref<7168xi32, #tpu.memory_space<hbm>>) dst(%arg6 : memref<7168xi32, #tpu.memory_space<vmem>>)
    %mul3A_24 = arith.constant 50176 : i32
    %mul3A_25 = arith.muli %add3A, %mul3A_24 : i32
    %add3A_26 = arith.constant 7168 : i32
    %add3A_27 = arith.addi %mul3A_25, %add3A_26 : i32
    %dma_start3A_28 = tpu.memref_slice %arg2[%add3A_27] : memref<1605632xi32, #tpu.memory_space<hbm>> -> memref<7168xi32, #tpu.memory_space<hbm>>
    %dma_start3A_29 = tpu.memref_slice %arg2[%add3A_27] : memref<1605632xi32, #tpu.memory_space<hbm>> -> memref<7168xi32, #tpu.memory_space<hbm>>
    tpu.enqueue_dma source(%dma_start3A_29 : memref<7168xi32, #tpu.memory_space<hbm>>) target(%arg7 : memref<7168xi32, #tpu.memory_space<vmem>>) target_semaphore(%arg11 : memref<!tpu.dma_semaphore, #tpu.memory_space<semaphore_mem>>)
    %dma_start3A_30 = arith.constant 0 : i32
    %dma_start3A_31 = tpu.memref_slice %arg5[%dma_start3A_30] : memref<102400xf32, #tpu.memory_space<vmem_shared>> -> memref<102400xf32, #tpu.memory_space<vmem_shared>>
    tpu.enqueue_indirect_dma source(%arg9 : memref<7168xf32, #tpu.memory_space<vmem>>) target(%dma_start3A_31 : memref<102400xf32, #tpu.memory_space<vmem_shared>>) offsets(%arg6 : memref<7168xi32, #tpu.memory_space<vmem>>) semaphore(%arg12 : memref<!tpu.dma_semaphore, #tpu.memory_space<semaphore_mem>>) {add = true}
    %dma_wait3A_32 = tpu.memref_slice %arg2[%add3A_27] : memref<1605632xi32, #tpu.memory_space<hbm>> -> memref<7168xi32, #tpu.memory_space<hbm>>
    %dma_wait3A_33 = tpu.memref_slice %arg2[%add3A_27] : memref<1605632xi32, #tpu.memory_space<hbm>> -> memref<7168xi32, #tpu.memory_space<hbm>>
    tpu.wait_dma2 semaphore(%arg11 : memref<!tpu.dma_semaphore, #tpu.memory_space<semaphore_mem>>) src(%dma_wait3A_33 : memref<7168xi32, #tpu.memory_space<hbm>>) dst(%arg7 : memref<7168xi32, #tpu.memory_space<vmem>>)
    %mul3A_34 = arith.constant 50176 : i32
    %mul3A_35 = arith.muli %add3A, %mul3A_34 : i32
    %add3A_36 = arith.constant 14336 : i32
    %add3A_37 = arith.addi %mul3A_35, %add3A_36 : i32
    %dma_start3A_38 = tpu.memref_slice %arg2[%add3A_37] : memref<1605632xi32, #tpu.memory_space<hbm>> -> memref<7168xi32, #tpu.memory_space<hbm>>
    %dma_start3A_39 = tpu.memref_slice %arg2[%add3A_37] : memref<1605632xi32, #tpu.memory_space<hbm>> -> memref<7168xi32, #tpu.memory_space<hbm>>
    tpu.enqueue_dma source(%dma_start3A_39 : memref<7168xi32, #tpu.memory_space<hbm>>) target(%arg8 : memref<7168xi32, #tpu.memory_space<vmem>>) target_semaphore(%arg11 : memref<!tpu.dma_semaphore, #tpu.memory_space<semaphore_mem>>)
    %dma_start3A_40 = arith.constant 0 : i32
    %dma_start3A_41 = tpu.memref_slice %arg5[%dma_start3A_40] : memref<102400xf32, #tpu.memory_space<vmem_shared>> -> memref<102400xf32, #tpu.memory_space<vmem_shared>>
    tpu.enqueue_indirect_dma source(%arg9 : memref<7168xf32, #tpu.memory_space<vmem>>) target(%dma_start3A_41 : memref<102400xf32, #tpu.memory_space<vmem_shared>>) offsets(%arg7 : memref<7168xi32, #tpu.memory_space<vmem>>) semaphore(%arg13 : memref<!tpu.dma_semaphore, #tpu.memory_space<semaphore_mem>>) {add = true}
    %dma_wait3A_42 = tpu.memref_slice %arg2[%add3A_37] : memref<1605632xi32, #tpu.memory_space<hbm>> -> memref<7168xi32, #tpu.memory_space<hbm>>
    %dma_wait3A_43 = tpu.memref_slice %arg2[%add3A_37] : memref<1605632xi32, #tpu.memory_space<hbm>> -> memref<7168xi32, #tpu.memory_space<hbm>>
    tpu.wait_dma2 semaphore(%arg11 : memref<!tpu.dma_semaphore, #tpu.memory_space<semaphore_mem>>) src(%dma_wait3A_43 : memref<7168xi32, #tpu.memory_space<hbm>>) dst(%arg8 : memref<7168xi32, #tpu.memory_space<vmem>>)
    %dma_wait3A_44 = arith.constant 0 : i32
    %dma_wait3A_45 = tpu.memref_slice %arg5[%dma_wait3A_44] : memref<102400xf32, #tpu.memory_space<vmem_shared>> -> memref<102400xf32, #tpu.memory_space<vmem_shared>>
    tpu.wait_indirect_dma semaphore(%arg12 : memref<!tpu.dma_semaphore, #tpu.memory_space<semaphore_mem>>) src(%arg9 : memref<7168xf32, #tpu.memory_space<vmem>>) dst(%dma_wait3A_45 : memref<102400xf32, #tpu.memory_space<vmem_shared>>)
    %mul3A_46 = arith.constant 50176 : i32
    %mul3A_47 = arith.muli %add3A, %mul3A_46 : i32
    %add3A_48 = arith.constant 21504 : i32
    %add3A_49 = arith.addi %mul3A_47, %add3A_48 : i32
    %dma_start3A_50 = tpu.memref_slice %arg2[%add3A_49] : memref<1605632xi32, #tpu.memory_space<hbm>> -> memref<7168xi32, #tpu.memory_space<hbm>>
    %dma_start3A_51 = tpu.memref_slice %arg2[%add3A_49] : memref<1605632xi32, #tpu.memory_space<hbm>> -> memref<7168xi32, #tpu.memory_space<hbm>>
    tpu.enqueue_dma source(%dma_start3A_51 : memref<7168xi32, #tpu.memory_space<hbm>>) target(%arg6 : memref<7168xi32, #tpu.memory_space<vmem>>) target_semaphore(%arg11 : memref<!tpu.dma_semaphore, #tpu.memory_space<semaphore_mem>>)
    %dma_start3A_52 = arith.constant 0 : i32
    %dma_start3A_53 = tpu.memref_slice %arg5[%dma_start3A_52] : memref<102400xf32, #tpu.memory_space<vmem_shared>> -> memref<102400xf32, #tpu.memory_space<vmem_shared>>
    tpu.enqueue_indirect_dma source(%arg9 : memref<7168xf32, #tpu.memory_space<vmem>>) target(%dma_start3A_53 : memref<102400xf32, #tpu.memory_space<vmem_shared>>) offsets(%arg8 : memref<7168xi32, #tpu.memory_space<vmem>>) semaphore(%arg14 : memref<!tpu.dma_semaphore, #tpu.memory_space<semaphore_mem>>) {add = true}
    %dma_wait3A_54 = tpu.memref_slice %arg2[%add3A_49] : memref<1605632xi32, #tpu.memory_space<hbm>> -> memref<7168xi32, #tpu.memory_space<hbm>>
    %dma_wait3A_55 = tpu.memref_slice %arg2[%add3A_49] : memref<1605632xi32, #tpu.memory_space<hbm>> -> memref<7168xi32, #tpu.memory_space<hbm>>
    tpu.wait_dma2 semaphore(%arg11 : memref<!tpu.dma_semaphore, #tpu.memory_space<semaphore_mem>>) src(%dma_wait3A_55 : memref<7168xi32, #tpu.memory_space<hbm>>) dst(%arg6 : memref<7168xi32, #tpu.memory_space<vmem>>)
    %dma_wait3A_56 = arith.constant 0 : i32
    %dma_wait3A_57 = tpu.memref_slice %arg5[%dma_wait3A_56] : memref<102400xf32, #tpu.memory_space<vmem_shared>> -> memref<102400xf32, #tpu.memory_space<vmem_shared>>
    tpu.wait_indirect_dma semaphore(%arg13 : memref<!tpu.dma_semaphore, #tpu.memory_space<semaphore_mem>>) src(%arg9 : memref<7168xf32, #tpu.memory_space<vmem>>) dst(%dma_wait3A_57 : memref<102400xf32, #tpu.memory_space<vmem_shared>>)
    %mul3A_58 = arith.constant 50176 : i32
    %mul3A_59 = arith.muli %add3A, %mul3A_58 : i32
    %add3A_60 = arith.constant 28672 : i32
    %add3A_61 = arith.addi %mul3A_59, %add3A_60 : i32
    %dma_start3A_62 = tpu.memref_slice %arg2[%add3A_61] : memref<1605632xi32, #tpu.memory_space<hbm>> -> memref<7168xi32, #tpu.memory_space<hbm>>
    %dma_start3A_63 = tpu.memref_slice %arg2[%add3A_61] : memref<1605632xi32, #tpu.memory_space<hbm>> -> memref<7168xi32, #tpu.memory_space<hbm>>
    tpu.enqueue_dma source(%dma_start3A_63 : memref<7168xi32, #tpu.memory_space<hbm>>) target(%arg7 : memref<7168xi32, #tpu.memory_space<vmem>>) target_semaphore(%arg11 : memref<!tpu.dma_semaphore, #tpu.memory_space<semaphore_mem>>)
    %dma_start3A_64 = arith.constant 0 : i32
    %dma_start3A_65 = tpu.memref_slice %arg5[%dma_start3A_64] : memref<102400xf32, #tpu.memory_space<vmem_shared>> -> memref<102400xf32, #tpu.memory_space<vmem_shared>>
    tpu.enqueue_indirect_dma source(%arg9 : memref<7168xf32, #tpu.memory_space<vmem>>) target(%dma_start3A_65 : memref<102400xf32, #tpu.memory_space<vmem_shared>>) offsets(%arg6 : memref<7168xi32, #tpu.memory_space<vmem>>) semaphore(%arg12 : memref<!tpu.dma_semaphore, #tpu.memory_space<semaphore_mem>>) {add = true}
    %dma_wait3A_66 = tpu.memref_slice %arg2[%add3A_61] : memref<1605632xi32, #tpu.memory_space<hbm>> -> memref<7168xi32, #tpu.memory_space<hbm>>
    %dma_wait3A_67 = tpu.memref_slice %arg2[%add3A_61] : memref<1605632xi32, #tpu.memory_space<hbm>> -> memref<7168xi32, #tpu.memory_space<hbm>>
    tpu.wait_dma2 semaphore(%arg11 : memref<!tpu.dma_semaphore, #tpu.memory_space<semaphore_mem>>) src(%dma_wait3A_67 : memref<7168xi32, #tpu.memory_space<hbm>>) dst(%arg7 : memref<7168xi32, #tpu.memory_space<vmem>>)
    %dma_wait3A_68 = arith.constant 0 : i32
    %dma_wait3A_69 = tpu.memref_slice %arg5[%dma_wait3A_68] : memref<102400xf32, #tpu.memory_space<vmem_shared>> -> memref<102400xf32, #tpu.memory_space<vmem_shared>>
    tpu.wait_indirect_dma semaphore(%arg14 : memref<!tpu.dma_semaphore, #tpu.memory_space<semaphore_mem>>) src(%arg9 : memref<7168xf32, #tpu.memory_space<vmem>>) dst(%dma_wait3A_69 : memref<102400xf32, #tpu.memory_space<vmem_shared>>)
    %mul3A_70 = arith.constant 50176 : i32
    %mul3A_71 = arith.muli %add3A, %mul3A_70 : i32
    %add3A_72 = arith.constant 35840 : i32
    %add3A_73 = arith.addi %mul3A_71, %add3A_72 : i32
    %dma_start3A_74 = tpu.memref_slice %arg2[%add3A_73] : memref<1605632xi32, #tpu.memory_space<hbm>> -> memref<7168xi32, #tpu.memory_space<hbm>>
    %dma_start3A_75 = tpu.memref_slice %arg2[%add3A_73] : memref<1605632xi32, #tpu.memory_space<hbm>> -> memref<7168xi32, #tpu.memory_space<hbm>>
    tpu.enqueue_dma source(%dma_start3A_75 : memref<7168xi32, #tpu.memory_space<hbm>>) target(%arg8 : memref<7168xi32, #tpu.memory_space<vmem>>) target_semaphore(%arg11 : memref<!tpu.dma_semaphore, #tpu.memory_space<semaphore_mem>>)
    %dma_start3A_76 = arith.constant 0 : i32
    %dma_start3A_77 = tpu.memref_slice %arg5[%dma_start3A_76] : memref<102400xf32, #tpu.memory_space<vmem_shared>> -> memref<102400xf32, #tpu.memory_space<vmem_shared>>
    tpu.enqueue_indirect_dma source(%arg9 : memref<7168xf32, #tpu.memory_space<vmem>>) target(%dma_start3A_77 : memref<102400xf32, #tpu.memory_space<vmem_shared>>) offsets(%arg7 : memref<7168xi32, #tpu.memory_space<vmem>>) semaphore(%arg13 : memref<!tpu.dma_semaphore, #tpu.memory_space<semaphore_mem>>) {add = true}
    %dma_wait3A_78 = tpu.memref_slice %arg2[%add3A_73] : memref<1605632xi32, #tpu.memory_space<hbm>> -> memref<7168xi32, #tpu.memory_space<hbm>>
    %dma_wait3A_79 = tpu.memref_slice %arg2[%add3A_73] : memref<1605632xi32, #tpu.memory_space<hbm>> -> memref<7168xi32, #tpu.memory_space<hbm>>
    tpu.wait_dma2 semaphore(%arg11 : memref<!tpu.dma_semaphore, #tpu.memory_space<semaphore_mem>>) src(%dma_wait3A_79 : memref<7168xi32, #tpu.memory_space<hbm>>) dst(%arg8 : memref<7168xi32, #tpu.memory_space<vmem>>)
    %dma_wait3A_80 = arith.constant 0 : i32
    %dma_wait3A_81 = tpu.memref_slice %arg5[%dma_wait3A_80] : memref<102400xf32, #tpu.memory_space<vmem_shared>> -> memref<102400xf32, #tpu.memory_space<vmem_shared>>
    tpu.wait_indirect_dma semaphore(%arg12 : memref<!tpu.dma_semaphore, #tpu.memory_space<semaphore_mem>>) src(%arg9 : memref<7168xf32, #tpu.memory_space<vmem>>) dst(%dma_wait3A_81 : memref<102400xf32, #tpu.memory_space<vmem_shared>>)
    %mul3A_82 = arith.constant 50176 : i32
    %mul3A_83 = arith.muli %add3A, %mul3A_82 : i32
    %add3A_84 = arith.constant 43008 : i32
    %add3A_85 = arith.addi %mul3A_83, %add3A_84 : i32
    %dma_start3A_86 = tpu.memref_slice %arg2[%add3A_85] : memref<1605632xi32, #tpu.memory_space<hbm>> -> memref<7168xi32, #tpu.memory_space<hbm>>
    %dma_start3A_87 = tpu.memref_slice %arg2[%add3A_85] : memref<1605632xi32, #tpu.memory_space<hbm>> -> memref<7168xi32, #tpu.memory_space<hbm>>
    tpu.enqueue_dma source(%dma_start3A_87 : memref<7168xi32, #tpu.memory_space<hbm>>) target(%arg6 : memref<7168xi32, #tpu.memory_space<vmem>>) target_semaphore(%arg11 : memref<!tpu.dma_semaphore, #tpu.memory_space<semaphore_mem>>)
    %dma_start3A_88 = arith.constant 0 : i32
    %dma_start3A_89 = tpu.memref_slice %arg5[%dma_start3A_88] : memref<102400xf32, #tpu.memory_space<vmem_shared>> -> memref<102400xf32, #tpu.memory_space<vmem_shared>>
    tpu.enqueue_indirect_dma source(%arg9 : memref<7168xf32, #tpu.memory_space<vmem>>) target(%dma_start3A_89 : memref<102400xf32, #tpu.memory_space<vmem_shared>>) offsets(%arg8 : memref<7168xi32, #tpu.memory_space<vmem>>) semaphore(%arg14 : memref<!tpu.dma_semaphore, #tpu.memory_space<semaphore_mem>>) {add = true}
    %dma_wait3A_90 = tpu.memref_slice %arg2[%add3A_85] : memref<1605632xi32, #tpu.memory_space<hbm>> -> memref<7168xi32, #tpu.memory_space<hbm>>
    %dma_wait3A_91 = tpu.memref_slice %arg2[%add3A_85] : memref<1605632xi32, #tpu.memory_space<hbm>> -> memref<7168xi32, #tpu.memory_space<hbm>>
    tpu.wait_dma2 semaphore(%arg11 : memref<!tpu.dma_semaphore, #tpu.memory_space<semaphore_mem>>) src(%dma_wait3A_91 : memref<7168xi32, #tpu.memory_space<hbm>>) dst(%arg6 : memref<7168xi32, #tpu.memory_space<vmem>>)
    %dma_wait3A_92 = arith.constant 0 : i32
    %dma_wait3A_93 = tpu.memref_slice %arg5[%dma_wait3A_92] : memref<102400xf32, #tpu.memory_space<vmem_shared>> -> memref<102400xf32, #tpu.memory_space<vmem_shared>>
    tpu.wait_indirect_dma semaphore(%arg13 : memref<!tpu.dma_semaphore, #tpu.memory_space<semaphore_mem>>) src(%arg9 : memref<7168xf32, #tpu.memory_space<vmem>>) dst(%dma_wait3A_93 : memref<102400xf32, #tpu.memory_space<vmem_shared>>)
    %dma_start3A_94 = arith.constant 0 : i32
    %dma_start3A_95 = tpu.memref_slice %arg5[%dma_start3A_94] : memref<102400xf32, #tpu.memory_space<vmem_shared>> -> memref<102400xf32, #tpu.memory_space<vmem_shared>>
    tpu.enqueue_indirect_dma source(%arg9 : memref<7168xf32, #tpu.memory_space<vmem>>) target(%dma_start3A_95 : memref<102400xf32, #tpu.memory_space<vmem_shared>>) offsets(%arg6 : memref<7168xi32, #tpu.memory_space<vmem>>) semaphore(%arg12 : memref<!tpu.dma_semaphore, #tpu.memory_space<semaphore_mem>>) {add = true}
    %dma_wait3A_96 = arith.constant 0 : i32
    %dma_wait3A_97 = tpu.memref_slice %arg5[%dma_wait3A_96] : memref<102400xf32, #tpu.memory_space<vmem_shared>> -> memref<102400xf32, #tpu.memory_space<vmem_shared>>
    tpu.wait_indirect_dma semaphore(%arg14 : memref<!tpu.dma_semaphore, #tpu.memory_space<semaphore_mem>>) src(%arg9 : memref<7168xf32, #tpu.memory_space<vmem>>) dst(%dma_wait3A_97 : memref<102400xf32, #tpu.memory_space<vmem_shared>>)
    %dma_wait3A_98 = arith.constant 0 : i32
    %dma_wait3A_99 = tpu.memref_slice %arg5[%dma_wait3A_98] : memref<102400xf32, #tpu.memory_space<vmem_shared>> -> memref<102400xf32, #tpu.memory_space<vmem_shared>>
    tpu.wait_indirect_dma semaphore(%arg12 : memref<!tpu.dma_semaphore, #tpu.memory_space<semaphore_mem>>) src(%arg9 : memref<7168xf32, #tpu.memory_space<vmem>>) dst(%dma_wait3A_99 : memref<102400xf32, #tpu.memory_space<vmem_shared>>)
    %barrier3A_100 = arith.constant 0 : index
    tpu.barrier barrier_id(%barrier3A_100)
    %eq3A = arith.constant 0 : i32
    %eq3A_101 = arith.cmpi eq, %arg0, %eq3A : i32
    %convert_element_type3A = arith.extui %eq3A_101 : i1 to i32
    %cond3A = arith.constant 0 : i32
    %cond3A_102 = arith.cmpi ne, %convert_element_type3A, %cond3A : i32
    scf.if %cond3A_102 {
      %mul3A_108 = arith.constant 6400 : i32
      %mul3A_109 = arith.muli %arg1, %mul3A_108 : i32
      %mul3A_110 = arith.constant 6400 : i32
      %mul3A_111 = arith.muli %arg1, %mul3A_110 : i32
      "tpu.region"() ({
        %run_scoped3A = tpu.sem_alloc : memref<!tpu.dma_semaphore, #tpu.memory_space<semaphore_mem>>
        %dma_start3A_112 = tpu.memref_slice %arg3[%mul3A_111] : memref<102400xf32, #tpu.memory_space<hbm>> -> memref<6400xf32, #tpu.memory_space<hbm>>
        %dma_start3A_113 = tpu.memref_slice %arg5[%mul3A_109] : memref<102400xf32, #tpu.memory_space<vmem_shared>> -> memref<6400xf32, #tpu.memory_space<vmem_shared>>
        tpu.enqueue_dma source(%dma_start3A_113 : memref<6400xf32, #tpu.memory_space<vmem_shared>>) target(%dma_start3A_112 : memref<6400xf32, #tpu.memory_space<hbm>>) target_semaphore(%run_scoped3A : memref<!tpu.dma_semaphore, #tpu.memory_space<semaphore_mem>>)
        %dma_wait3A_114 = tpu.memref_slice %arg3[%mul3A_111] : memref<102400xf32, #tpu.memory_space<hbm>> -> memref<6400xf32, #tpu.memory_space<hbm>>
        %dma_wait3A_115 = tpu.memref_slice %arg5[%mul3A_109] : memref<102400xf32, #tpu.memory_space<vmem_shared>> -> memref<6400xf32, #tpu.memory_space<vmem_shared>>
        tpu.wait_dma2 semaphore(%run_scoped3A : memref<!tpu.dma_semaphore, #tpu.memory_space<semaphore_mem>>) src(%dma_wait3A_115 : memref<6400xf32, #tpu.memory_space<vmem_shared>>) dst(%dma_wait3A_114 : memref<6400xf32, #tpu.memory_space<hbm>>)
        tpu.yield
      }) : () -> ()
    } else {
    }
    %eq3A_103 = arith.constant 1 : i32
    %eq3A_104 = arith.cmpi eq, %arg0, %eq3A_103 : i32
    %convert_element_type3A_105 = arith.extui %eq3A_104 : i1 to i32
    %cond3A_106 = arith.constant 0 : i32
    %cond3A_107 = arith.cmpi ne, %convert_element_type3A_105, %cond3A_106 : i32
    scf.if %cond3A_107 {
      %mul3A_108 = arith.constant 6400 : i32
      %mul3A_109 = arith.muli %arg1, %mul3A_108 : i32
      %mul3A_110 = arith.constant 6400 : i32
      %mul3A_111 = arith.muli %arg1, %mul3A_110 : i32
      "tpu.region"() ({
        %run_scoped3A = tpu.sem_alloc : memref<!tpu.dma_semaphore, #tpu.memory_space<semaphore_mem>>
        %dma_start3A_112 = tpu.memref_slice %arg4[%mul3A_111] : memref<102400xf32, #tpu.memory_space<hbm>> -> memref<6400xf32, #tpu.memory_space<hbm>>
        %dma_start3A_113 = tpu.memref_slice %arg5[%mul3A_109] : memref<102400xf32, #tpu.memory_space<vmem_shared>> -> memref<6400xf32, #tpu.memory_space<vmem_shared>>
        tpu.enqueue_dma source(%dma_start3A_113 : memref<6400xf32, #tpu.memory_space<vmem_shared>>) target(%dma_start3A_112 : memref<6400xf32, #tpu.memory_space<hbm>>) target_semaphore(%run_scoped3A : memref<!tpu.dma_semaphore, #tpu.memory_space<semaphore_mem>>)
        %dma_wait3A_114 = tpu.memref_slice %arg4[%mul3A_111] : memref<102400xf32, #tpu.memory_space<hbm>> -> memref<6400xf32, #tpu.memory_space<hbm>>
        %dma_wait3A_115 = tpu.memref_slice %arg5[%mul3A_109] : memref<102400xf32, #tpu.memory_space<vmem_shared>> -> memref<6400xf32, #tpu.memory_space<vmem_shared>>
        tpu.wait_dma2 semaphore(%run_scoped3A : memref<!tpu.dma_semaphore, #tpu.memory_space<semaphore_mem>>) src(%dma_wait3A_115 : memref<6400xf32, #tpu.memory_space<vmem_shared>>) dst(%dma_wait3A_114 : memref<6400xf32, #tpu.memory_space<hbm>>)
        tpu.yield
      }) : () -> ()
    } else {
    }
    return
  }
}

#map = affine_map<(d0, d1) -> (0)>
module attributes {stable_mosaic.version = 14 : i64} {
  func.func @_k_pool(%arg0: i32, %arg1: i32, %arg2: memref<102400xf32, #tpu.memory_space<hbm>>, %arg3: memref<102400xf32, #tpu.memory_space<hbm>>, %arg4: memref<102400xf32, #tpu.memory_space<hbm>>, %arg5: memref<102400xf32, #tpu.memory_space<hbm>>, %arg6: memref<102400xf32, #tpu.memory_space<hbm>>, %arg7: memref<102400xf32, #tpu.memory_space<hbm>>, %arg8: memref<102400xf32, #tpu.memory_space<hbm>>, %arg9: memref<102400xi32, #tpu.memory_space<hbm>>, %arg10: memref<128xf32, #tpu.memory_space<hbm>>, %arg11: memref<128xf32, #tpu.memory_space<hbm>>, %arg12: memref<128xf32, #tpu.memory_space<hbm>>, %arg13: memref<128xf32, #tpu.memory_space<hbm>>, %arg14: memref<128xf32, #tpu.memory_space<hbm>>, %arg15: memref<128xf32, #tpu.memory_space<hbm>>, %arg16: memref<136xf32, #tpu.memory_space<vmem_shared>>, %arg17: memref<136xf32, #tpu.memory_space<vmem_shared>>, %arg18: memref<136xf32, #tpu.memory_space<vmem_shared>>, %arg19: memref<3200xi32, #tpu.memory_space<vmem>>, %arg20: memref<136xf32, #tpu.memory_space<vmem>>, %arg21: memref<3200xf32, #tpu.memory_space<vmem>>, %arg22: memref<3200xf32, #tpu.memory_space<vmem>>, %arg23: memref<3200xf32, #tpu.memory_space<vmem>>, %arg24: memref<3200xf32, #tpu.memory_space<vmem>>, %arg25: memref<3200xf32, #tpu.memory_space<vmem>>, %arg26: memref<3200xf32, #tpu.memory_space<vmem>>, %arg27: memref<3200xf32, #tpu.memory_space<vmem>>, %arg28: memref<3200xf32, #tpu.memory_space<vmem>>, %arg29: memref<3200xf32, #tpu.memory_space<vmem>>, %arg30: memref<3200xf32, #tpu.memory_space<vmem>>) attributes {dimension_semantics = [#tpu.dimension_semantics<core_parallel>, #tpu.dimension_semantics<subcore_parallel>], iteration_bounds = array<i64: 2, 16>, scalar_prefetch = 0 : i64, scratch_operands = 15 : i64, tpu.core_type = #tpu.core_type<sc_vector_subcore>, window_params = [{transform_indices = #map}, {transform_indices = #map}, {transform_indices = #map}, {transform_indices = #map}, {transform_indices = #map}, {transform_indices = #map}, {transform_indices = #map}, {transform_indices = #map}, {transform_indices = #map}, {transform_indices = #map}, {transform_indices = #map}, {transform_indices = #map}, {transform_indices = #map}, {transform_indices = #map}]} {
    %mul3A = arith.constant 16 : i32
    %mul3A_0 = arith.muli %arg0, %mul3A : i32
    %add3A = arith.addi %mul3A_0, %arg1 : i32
    %broadcast_in_dim3A = arith.constant 0.000000e+00 : f32
    %broadcast_in_dim3A_1 = vector.broadcast %broadcast_in_dim3A : f32 to vector<16xf32>
    %swap3A = arith.constant 0 : index
    %swap3A_2 = tpu.vector_load %arg20[%swap3A] {strides = array<i32>} : memref<136xf32, #tpu.memory_space<vmem>>, vector<16xf32>,
    %swap3A_3 = vector.shape_cast %swap3A_2 : vector<16xf32> to vector<16xf32>
    %swap3A_4 = vector.shape_cast %broadcast_in_dim3A_1 : vector<16xf32> to vector<16xf32>
    tpu.vector_store %arg20[%swap3A], %swap3A_4 {strides = array<i32>} : memref<136xf32, #tpu.memory_space<vmem>>, vector<16xf32>,
    %broadcast_in_dim3A_5 = arith.constant 0.000000e+00 : f32
    %broadcast_in_dim3A_6 = vector.broadcast %broadcast_in_dim3A_5 : f32 to vector<16xf32>
    %swap3A_7 = arith.constant 16 : index
    %swap3A_8 = tpu.vector_load %arg20[%swap3A_7] {strides = array<i32>} : memref<136xf32, #tpu.memory_space<vmem>>, vector<16xf32>,
    %swap3A_9 = vector.shape_cast %swap3A_8 : vector<16xf32> to vector<16xf32>
    %swap3A_10 = vector.shape_cast %broadcast_in_dim3A_6 : vector<16xf32> to vector<16xf32>
    tpu.vector_store %arg20[%swap3A_7], %swap3A_10 {strides = array<i32>} : memref<136xf32, #tpu.memory_space<vmem>>, vector<16xf32>,
    %broadcast_in_dim3A_11 = arith.constant 0.000000e+00 : f32
    %broadcast_in_dim3A_12 = vector.broadcast %broadcast_in_dim3A_11 : f32 to vector<16xf32>
    %swap3A_13 = arith.constant 32 : index
    %swap3A_14 = tpu.vector_load %arg20[%swap3A_13] {strides = array<i32>} : memref<136xf32, #tpu.memory_space<vmem>>, vector<16xf32>,
    %swap3A_15 = vector.shape_cast %swap3A_14 : vector<16xf32> to vector<16xf32>
    %swap3A_16 = vector.shape_cast %broadcast_in_dim3A_12 : vector<16xf32> to vector<16xf32>
    tpu.vector_store %arg20[%swap3A_13], %swap3A_16 {strides = array<i32>} : memref<136xf32, #tpu.memory_space<vmem>>, vector<16xf32>,
    %broadcast_in_dim3A_17 = arith.constant 0.000000e+00 : f32
    %broadcast_in_dim3A_18 = vector.broadcast %broadcast_in_dim3A_17 : f32 to vector<16xf32>
    %swap3A_19 = arith.constant 48 : index
    %swap3A_20 = tpu.vector_load %arg20[%swap3A_19] {strides = array<i32>} : memref<136xf32, #tpu.memory_space<vmem>>, vector<16xf32>,
    %swap3A_21 = vector.shape_cast %swap3A_20 : vector<16xf32> to vector<16xf32>
    %swap3A_22 = vector.shape_cast %broadcast_in_dim3A_18 : vector<16xf32> to vector<16xf32>
    tpu.vector_store %arg20[%swap3A_19], %swap3A_22 {strides = array<i32>} : memref<136xf32, #tpu.memory_space<vmem>>, vector<16xf32>,
    %broadcast_in_dim3A_23 = arith.constant 0.000000e+00 : f32
    %broadcast_in_dim3A_24 = vector.broadcast %broadcast_in_dim3A_23 : f32 to vector<16xf32>
    %swap3A_25 = arith.constant 64 : index
    %swap3A_26 = tpu.vector_load %arg20[%swap3A_25] {strides = array<i32>} : memref<136xf32, #tpu.memory_space<vmem>>, vector<16xf32>,
    %swap3A_27 = vector.shape_cast %swap3A_26 : vector<16xf32> to vector<16xf32>
    %swap3A_28 = vector.shape_cast %broadcast_in_dim3A_24 : vector<16xf32> to vector<16xf32>
    tpu.vector_store %arg20[%swap3A_25], %swap3A_28 {strides = array<i32>} : memref<136xf32, #tpu.memory_space<vmem>>, vector<16xf32>,
    %broadcast_in_dim3A_29 = arith.constant 0.000000e+00 : f32
    %broadcast_in_dim3A_30 = vector.broadcast %broadcast_in_dim3A_29 : f32 to vector<16xf32>
    %swap3A_31 = arith.constant 80 : index
    %swap3A_32 = tpu.vector_load %arg20[%swap3A_31] {strides = array<i32>} : memref<136xf32, #tpu.memory_space<vmem>>, vector<16xf32>,
    %swap3A_33 = vector.shape_cast %swap3A_32 : vector<16xf32> to vector<16xf32>
    %swap3A_34 = vector.shape_cast %broadcast_in_dim3A_30 : vector<16xf32> to vector<16xf32>
    tpu.vector_store %arg20[%swap3A_31], %swap3A_34 {strides = array<i32>} : memref<136xf32, #tpu.memory_space<vmem>>, vector<16xf32>,
    %broadcast_in_dim3A_35 = arith.constant 0.000000e+00 : f32
    %broadcast_in_dim3A_36 = vector.broadcast %broadcast_in_dim3A_35 : f32 to vector<16xf32>
    %swap3A_37 = arith.constant 96 : index
    %swap3A_38 = tpu.vector_load %arg20[%swap3A_37] {strides = array<i32>} : memref<136xf32, #tpu.memory_space<vmem>>, vector<16xf32>,
    %swap3A_39 = vector.shape_cast %swap3A_38 : vector<16xf32> to vector<16xf32>
    %swap3A_40 = vector.shape_cast %broadcast_in_dim3A_36 : vector<16xf32> to vector<16xf32>
    tpu.vector_store %arg20[%swap3A_37], %swap3A_40 {strides = array<i32>} : memref<136xf32, #tpu.memory_space<vmem>>, vector<16xf32>,
    %broadcast_in_dim3A_41 = arith.constant 0.000000e+00 : f32
    %broadcast_in_dim3A_42 = vector.broadcast %broadcast_in_dim3A_41 : f32 to vector<16xf32>
    %swap3A_43 = arith.constant 112 : index
    %swap3A_44 = tpu.vector_load %arg20[%swap3A_43] {strides = array<i32>} : memref<136xf32, #tpu.memory_space<vmem>>, vector<16xf32>,
    %swap3A_45 = vector.shape_cast %swap3A_44 : vector<16xf32> to vector<16xf32>
    %swap3A_46 = vector.shape_cast %broadcast_in_dim3A_42 : vector<16xf32> to vector<16xf32>
    tpu.vector_store %arg20[%swap3A_43], %swap3A_46 {strides = array<i32>} : memref<136xf32, #tpu.memory_space<vmem>>, vector<16xf32>,
    %scan3A = arith.constant 0 : i32
    %scan3A_47 = arith.constant 0 : i32
    %scan3A_48 = arith.constant 200 : i32
    %scan3A_49 = arith.addi %scan3A_47, %scan3A_48 : i32
    %scan3A_50 = arith.constant 1 : i32
    %scan3A_51 = scf.for %scan3A_80 = %scan3A_47 to %scan3A_49 step %scan3A_50 iter_args(%scan3A_81 = %scan3A) -> (i32)  : i32 {
      %broadcast_in_dim3A_82 = arith.constant 1.000000e+00 : f32
      %broadcast_in_dim3A_83 = vector.broadcast %broadcast_in_dim3A_82 : f32 to vector<16xf32>
      %mul3A_84 = arith.constant 16 : i32
      %mul3A_85 = arith.muli %scan3A_80, %mul3A_84 : i32
      %swap3A_86 = arith.index_cast %mul3A_85 : i32 to index
      %swap3A_87 = tpu.vector_load %arg21[%swap3A_86] {strides = array<i32>} : memref<3200xf32, #tpu.memory_space<vmem>>, vector<16xf32>,
      %swap3A_88 = vector.shape_cast %swap3A_87 : vector<16xf32> to vector<16xf32>
      %swap3A_89 = vector.shape_cast %broadcast_in_dim3A_83 : vector<16xf32> to vector<16xf32>
      tpu.vector_store %arg21[%swap3A_86], %swap3A_89 {strides = array<i32>} : memref<3200xf32, #tpu.memory_space<vmem>>, vector<16xf32>,
      %scan3A_90 = arith.constant 0 : i32
      scf.yield %scan3A_90 : i32
    }
    %scan3A_52 = arith.constant 200 : i32
    %eq3A = arith.constant 0 : i32
    %eq3A_53 = arith.cmpi eq, %arg1, %eq3A : i32
    %convert_element_type3A = arith.extui %eq3A_53 : i1 to i32
    %cond3A = arith.constant 0 : i32
    %cond3A_54 = arith.cmpi ne, %convert_element_type3A, %cond3A : i32
    scf.if %cond3A_54 {
      "tpu.region"() ({
        %run_scoped3A = tpu.sem_alloc : memref<!tpu.dma_semaphore, #tpu.memory_space<semaphore_mem>>
        tpu.enqueue_dma source(%arg20 : memref<136xf32, #tpu.memory_space<vmem>>) target(%arg16 : memref<136xf32, #tpu.memory_space<vmem_shared>>) target_semaphore(%run_scoped3A : memref<!tpu.dma_semaphore, #tpu.memory_space<semaphore_mem>>)
        tpu.wait_dma2 semaphore(%run_scoped3A : memref<!tpu.dma_semaphore, #tpu.memory_space<semaphore_mem>>) src(%arg20 : memref<136xf32, #tpu.memory_space<vmem>>) dst(%arg16 : memref<136xf32, #tpu.memory_space<vmem_shared>>)
        tpu.yield
      }) : () -> ()
      "tpu.region"() ({
        %run_scoped3A = tpu.sem_alloc : memref<!tpu.dma_semaphore, #tpu.memory_space<semaphore_mem>>
        tpu.enqueue_dma source(%arg20 : memref<136xf32, #tpu.memory_space<vmem>>) target(%arg17 : memref<136xf32, #tpu.memory_space<vmem_shared>>) target_semaphore(%run_scoped3A : memref<!tpu.dma_semaphore, #tpu.memory_space<semaphore_mem>>)
        tpu.wait_dma2 semaphore(%run_scoped3A : memref<!tpu.dma_semaphore, #tpu.memory_space<semaphore_mem>>) src(%arg20 : memref<136xf32, #tpu.memory_space<vmem>>) dst(%arg17 : memref<136xf32, #tpu.memory_space<vmem_shared>>)
        tpu.yield
      }) : () -> ()
      "tpu.region"() ({
        %run_scoped3A = tpu.sem_alloc : memref<!tpu.dma_semaphore, #tpu.memory_space<semaphore_mem>>
        tpu.enqueue_dma source(%arg20 : memref<136xf32, #tpu.memory_space<vmem>>) target(%arg18 : memref<136xf32, #tpu.memory_space<vmem_shared>>) target_semaphore(%run_scoped3A : memref<!tpu.dma_semaphore, #tpu.memory_space<semaphore_mem>>)
        tpu.wait_dma2 semaphore(%run_scoped3A : memref<!tpu.dma_semaphore, #tpu.memory_space<semaphore_mem>>) src(%arg20 : memref<136xf32, #tpu.memory_space<vmem>>) dst(%arg18 : memref<136xf32, #tpu.memory_space<vmem_shared>>)
        tpu.yield
      }) : () -> ()
    } else {
    }
    %barrier3A = arith.constant 0 : index
    tpu.barrier barrier_id(%barrier3A)
    %mul3A_55 = arith.constant 3200 : i32
    %mul3A_56 = arith.muli %add3A, %mul3A_55 : i32
    "tpu.region"() ({
      %run_scoped3A = tpu.sem_alloc : memref<!tpu.dma_semaphore, #tpu.memory_space<semaphore_mem>>
      %dma_start3A = tpu.memref_slice %arg9[%mul3A_56] : memref<102400xi32, #tpu.memory_space<hbm>> -> memref<3200xi32, #tpu.memory_space<hbm>>
      %dma_start3A_80 = tpu.memref_slice %arg9[%mul3A_56] : memref<102400xi32, #tpu.memory_space<hbm>> -> memref<3200xi32, #tpu.memory_space<hbm>>
      tpu.enqueue_dma source(%dma_start3A_80 : memref<3200xi32, #tpu.memory_space<hbm>>) target(%arg19 : memref<3200xi32, #tpu.memory_space<vmem>>) target_semaphore(%run_scoped3A : memref<!tpu.dma_semaphore, #tpu.memory_space<semaphore_mem>>)
      %dma_wait3A = tpu.memref_slice %arg9[%mul3A_56] : memref<102400xi32, #tpu.memory_space<hbm>> -> memref<3200xi32, #tpu.memory_space<hbm>>
      %dma_wait3A_81 = tpu.memref_slice %arg9[%mul3A_56] : memref<102400xi32, #tpu.memory_space<hbm>> -> memref<3200xi32, #tpu.memory_space<hbm>>
      tpu.wait_dma2 semaphore(%run_scoped3A : memref<!tpu.dma_semaphore, #tpu.memory_space<semaphore_mem>>) src(%dma_wait3A_81 : memref<3200xi32, #tpu.memory_space<hbm>>) dst(%arg19 : memref<3200xi32, #tpu.memory_space<vmem>>)
      tpu.yield
    }) : () -> ()
    "tpu.region"() ({
      %run_scoped3A = tpu.sem_alloc : memref<!tpu.dma_semaphore, #tpu.memory_space<semaphore_mem>>
      %dma_start3A = tpu.memref_slice %arg2[%mul3A_56] : memref<102400xf32, #tpu.memory_space<hbm>> -> memref<3200xf32, #tpu.memory_space<hbm>>
      %dma_start3A_80 = tpu.memref_slice %arg2[%mul3A_56] : memref<102400xf32, #tpu.memory_space<hbm>> -> memref<3200xf32, #tpu.memory_space<hbm>>
      tpu.enqueue_dma source(%dma_start3A_80 : memref<3200xf32, #tpu.memory_space<hbm>>) target(%arg22 : memref<3200xf32, #tpu.memory_space<vmem>>) target_semaphore(%run_scoped3A : memref<!tpu.dma_semaphore, #tpu.memory_space<semaphore_mem>>)
      %dma_wait3A = tpu.memref_slice %arg2[%mul3A_56] : memref<102400xf32, #tpu.memory_space<hbm>> -> memref<3200xf32, #tpu.memory_space<hbm>>
      %dma_wait3A_81 = tpu.memref_slice %arg2[%mul3A_56] : memref<102400xf32, #tpu.memory_space<hbm>> -> memref<3200xf32, #tpu.memory_space<hbm>>
      tpu.wait_dma2 semaphore(%run_scoped3A : memref<!tpu.dma_semaphore, #tpu.memory_space<semaphore_mem>>) src(%dma_wait3A_81 : memref<3200xf32, #tpu.memory_space<hbm>>) dst(%arg22 : memref<3200xf32, #tpu.memory_space<vmem>>)
      tpu.yield
    }) : () -> ()
    "tpu.region"() ({
      %run_scoped3A = tpu.sem_alloc : memref<!tpu.dma_semaphore, #tpu.memory_space<semaphore_mem>>
      %dma_start3A = tpu.memref_slice %arg3[%mul3A_56] : memref<102400xf32, #tpu.memory_space<hbm>> -> memref<3200xf32, #tpu.memory_space<hbm>>
      %dma_start3A_80 = tpu.memref_slice %arg3[%mul3A_56] : memref<102400xf32, #tpu.memory_space<hbm>> -> memref<3200xf32, #tpu.memory_space<hbm>>
      tpu.enqueue_dma source(%dma_start3A_80 : memref<3200xf32, #tpu.memory_space<hbm>>) target(%arg23 : memref<3200xf32, #tpu.memory_space<vmem>>) target_semaphore(%run_scoped3A : memref<!tpu.dma_semaphore, #tpu.memory_space<semaphore_mem>>)
      %dma_wait3A = tpu.memref_slice %arg3[%mul3A_56] : memref<102400xf32, #tpu.memory_space<hbm>> -> memref<3200xf32, #tpu.memory_space<hbm>>
      %dma_wait3A_81 = tpu.memref_slice %arg3[%mul3A_56] : memref<102400xf32, #tpu.memory_space<hbm>> -> memref<3200xf32, #tpu.memory_space<hbm>>
      tpu.wait_dma2 semaphore(%run_scoped3A : memref<!tpu.dma_semaphore, #tpu.memory_space<semaphore_mem>>) src(%dma_wait3A_81 : memref<3200xf32, #tpu.memory_space<hbm>>) dst(%arg23 : memref<3200xf32, #tpu.memory_space<vmem>>)
      tpu.yield
    }) : () -> ()
    "tpu.region"() ({
      %run_scoped3A = tpu.sem_alloc : memref<!tpu.dma_semaphore, #tpu.memory_space<semaphore_mem>>
      %dma_start3A = tpu.memref_slice %arg4[%mul3A_56] : memref<102400xf32, #tpu.memory_space<hbm>> -> memref<3200xf32, #tpu.memory_space<hbm>>
      %dma_start3A_80 = tpu.memref_slice %arg4[%mul3A_56] : memref<102400xf32, #tpu.memory_space<hbm>> -> memref<3200xf32, #tpu.memory_space<hbm>>
      tpu.enqueue_dma source(%dma_start3A_80 : memref<3200xf32, #tpu.memory_space<hbm>>) target(%arg24 : memref<3200xf32, #tpu.memory_space<vmem>>) target_semaphore(%run_scoped3A : memref<!tpu.dma_semaphore, #tpu.memory_space<semaphore_mem>>)
      %dma_wait3A = tpu.memref_slice %arg4[%mul3A_56] : memref<102400xf32, #tpu.memory_space<hbm>> -> memref<3200xf32, #tpu.memory_space<hbm>>
      %dma_wait3A_81 = tpu.memref_slice %arg4[%mul3A_56] : memref<102400xf32, #tpu.memory_space<hbm>> -> memref<3200xf32, #tpu.memory_space<hbm>>
      tpu.wait_dma2 semaphore(%run_scoped3A : memref<!tpu.dma_semaphore, #tpu.memory_space<semaphore_mem>>) src(%dma_wait3A_81 : memref<3200xf32, #tpu.memory_space<hbm>>) dst(%arg24 : memref<3200xf32, #tpu.memory_space<vmem>>)
      tpu.yield
    }) : () -> ()
    "tpu.region"() ({
      %run_scoped3A = tpu.sem_alloc : memref<!tpu.dma_semaphore, #tpu.memory_space<semaphore_mem>>
      %dma_start3A = tpu.memref_slice %arg5[%mul3A_56] : memref<102400xf32, #tpu.memory_space<hbm>> -> memref<3200xf32, #tpu.memory_space<hbm>>
      %dma_start3A_80 = tpu.memref_slice %arg5[%mul3A_56] : memref<102400xf32, #tpu.memory_space<hbm>> -> memref<3200xf32, #tpu.memory_space<hbm>>
      tpu.enqueue_dma source(%dma_start3A_80 : memref<3200xf32, #tpu.memory_space<hbm>>) target(%arg25 : memref<3200xf32, #tpu.memory_space<vmem>>) target_semaphore(%run_scoped3A : memref<!tpu.dma_semaphore, #tpu.memory_space<semaphore_mem>>)
      %dma_wait3A = tpu.memref_slice %arg5[%mul3A_56] : memref<102400xf32, #tpu.memory_space<hbm>> -> memref<3200xf32, #tpu.memory_space<hbm>>
      %dma_wait3A_81 = tpu.memref_slice %arg5[%mul3A_56] : memref<102400xf32, #tpu.memory_space<hbm>> -> memref<3200xf32, #tpu.memory_space<hbm>>
      tpu.wait_dma2 semaphore(%run_scoped3A : memref<!tpu.dma_semaphore, #tpu.memory_space<semaphore_mem>>) src(%dma_wait3A_81 : memref<3200xf32, #tpu.memory_space<hbm>>) dst(%arg25 : memref<3200xf32, #tpu.memory_space<vmem>>)
      tpu.yield
    }) : () -> ()
    "tpu.region"() ({
      %run_scoped3A = tpu.sem_alloc : memref<!tpu.dma_semaphore, #tpu.memory_space<semaphore_mem>>
      %dma_start3A = tpu.memref_slice %arg6[%mul3A_56] : memref<102400xf32, #tpu.memory_space<hbm>> -> memref<3200xf32, #tpu.memory_space<hbm>>
      %dma_start3A_80 = tpu.memref_slice %arg6[%mul3A_56] : memref<102400xf32, #tpu.memory_space<hbm>> -> memref<3200xf32, #tpu.memory_space<hbm>>
      tpu.enqueue_dma source(%dma_start3A_80 : memref<3200xf32, #tpu.memory_space<hbm>>) target(%arg26 : memref<3200xf32, #tpu.memory_space<vmem>>) target_semaphore(%run_scoped3A : memref<!tpu.dma_semaphore, #tpu.memory_space<semaphore_mem>>)
      %dma_wait3A = tpu.memref_slice %arg6[%mul3A_56] : memref<102400xf32, #tpu.memory_space<hbm>> -> memref<3200xf32, #tpu.memory_space<hbm>>
      %dma_wait3A_81 = tpu.memref_slice %arg6[%mul3A_56] : memref<102400xf32, #tpu.memory_space<hbm>> -> memref<3200xf32, #tpu.memory_space<hbm>>
      tpu.wait_dma2 semaphore(%run_scoped3A : memref<!tpu.dma_semaphore, #tpu.memory_space<semaphore_mem>>) src(%dma_wait3A_81 : memref<3200xf32, #tpu.memory_space<hbm>>) dst(%arg26 : memref<3200xf32, #tpu.memory_space<vmem>>)
      tpu.yield
    }) : () -> ()
    "tpu.region"() ({
      %run_scoped3A = tpu.sem_alloc : memref<!tpu.dma_semaphore, #tpu.memory_space<semaphore_mem>>
      %dma_start3A = tpu.memref_slice %arg7[%mul3A_56] : memref<102400xf32, #tpu.memory_space<hbm>> -> memref<3200xf32, #tpu.memory_space<hbm>>
      %dma_start3A_80 = tpu.memref_slice %arg7[%mul3A_56] : memref<102400xf32, #tpu.memory_space<hbm>> -> memref<3200xf32, #tpu.memory_space<hbm>>
      tpu.enqueue_dma source(%dma_start3A_80 : memref<3200xf32, #tpu.memory_space<hbm>>) target(%arg27 : memref<3200xf32, #tpu.memory_space<vmem>>) target_semaphore(%run_scoped3A : memref<!tpu.dma_semaphore, #tpu.memory_space<semaphore_mem>>)
      %dma_wait3A = tpu.memref_slice %arg7[%mul3A_56] : memref<102400xf32, #tpu.memory_space<hbm>> -> memref<3200xf32, #tpu.memory_space<hbm>>
      %dma_wait3A_81 = tpu.memref_slice %arg7[%mul3A_56] : memref<102400xf32, #tpu.memory_space<hbm>> -> memref<3200xf32, #tpu.memory_space<hbm>>
      tpu.wait_dma2 semaphore(%run_scoped3A : memref<!tpu.dma_semaphore, #tpu.memory_space<semaphore_mem>>) src(%dma_wait3A_81 : memref<3200xf32, #tpu.memory_space<hbm>>) dst(%arg27 : memref<3200xf32, #tpu.memory_space<vmem>>)
      tpu.yield
    }) : () -> ()
    "tpu.region"() ({
      %run_scoped3A = tpu.sem_alloc : memref<!tpu.dma_semaphore, #tpu.memory_space<semaphore_mem>>
      %dma_start3A = tpu.memref_slice %arg8[%mul3A_56] : memref<102400xf32, #tpu.memory_space<hbm>> -> memref<3200xf32, #tpu.memory_space<hbm>>
      %dma_start3A_80 = tpu.memref_slice %arg8[%mul3A_56] : memref<102400xf32, #tpu.memory_space<hbm>> -> memref<3200xf32, #tpu.memory_space<hbm>>
      tpu.enqueue_dma source(%dma_start3A_80 : memref<3200xf32, #tpu.memory_space<hbm>>) target(%arg28 : memref<3200xf32, #tpu.memory_space<vmem>>) target_semaphore(%run_scoped3A : memref<!tpu.dma_semaphore, #tpu.memory_space<semaphore_mem>>)
      %dma_wait3A = tpu.memref_slice %arg8[%mul3A_56] : memref<102400xf32, #tpu.memory_space<hbm>> -> memref<3200xf32, #tpu.memory_space<hbm>>
      %dma_wait3A_81 = tpu.memref_slice %arg8[%mul3A_56] : memref<102400xf32, #tpu.memory_space<hbm>> -> memref<3200xf32, #tpu.memory_space<hbm>>
      tpu.wait_dma2 semaphore(%run_scoped3A : memref<!tpu.dma_semaphore, #tpu.memory_space<semaphore_mem>>) src(%dma_wait3A_81 : memref<3200xf32, #tpu.memory_space<hbm>>) dst(%arg28 : memref<3200xf32, #tpu.memory_space<vmem>>)
      tpu.yield
    }) : () -> ()
    %scan3A_57 = arith.constant 0 : i32
    %scan3A_58 = arith.constant 0 : i32
    %scan3A_59 = arith.constant 200 : i32
    %scan3A_60 = arith.addi %scan3A_58, %scan3A_59 : i32
    %scan3A_61 = arith.constant 1 : i32
    %scan3A_62 = scf.for %scan3A_80 = %scan3A_58 to %scan3A_60 step %scan3A_61 iter_args(%scan3A_81 = %scan3A_57) -> (i32)  : i32 {
      %mul3A_82 = arith.constant 16 : i32
      %mul3A_83 = arith.muli %scan3A_80, %mul3A_82 : i32
      %get3A = arith.index_cast %mul3A_83 : i32 to index
      %get3A_84 = tpu.vector_load %arg26[%get3A] {strides = array<i32>} : memref<3200xf32, #tpu.memory_space<vmem>>, vector<16xf32>,
      %get3A_85 = vector.shape_cast %get3A_84 : vector<16xf32> to vector<16xf32>
      %get3A_86 = arith.index_cast %mul3A_83 : i32 to index
      %get3A_87 = tpu.vector_load %arg22[%get3A_86] {strides = array<i32>} : memref<3200xf32, #tpu.memory_space<vmem>>, vector<16xf32>,
      %get3A_88 = vector.shape_cast %get3A_87 : vector<16xf32> to vector<16xf32>
      %get3A_89 = arith.index_cast %mul3A_83 : i32 to index
      %get3A_90 = tpu.vector_load %arg24[%get3A_89] {strides = array<i32>} : memref<3200xf32, #tpu.memory_space<vmem>>, vector<16xf32>,
      %get3A_91 = vector.shape_cast %get3A_90 : vector<16xf32> to vector<16xf32>
      %add3A_92 = arith.addf %get3A_88, %get3A_91 : vector<16xf32>
      %get3A_93 = arith.index_cast %mul3A_83 : i32 to index
      %get3A_94 = tpu.vector_load %arg27[%get3A_93] {strides = array<i32>} : memref<3200xf32, #tpu.memory_space<vmem>>, vector<16xf32>,
      %get3A_95 = vector.shape_cast %get3A_94 : vector<16xf32> to vector<16xf32>
      %add3A_96 = arith.addf %add3A_92, %get3A_95 : vector<16xf32>
      %mul3A_97 = arith.mulf %get3A_85, %add3A_96 : vector<16xf32>
      %swap3A_98 = arith.index_cast %mul3A_83 : i32 to index
      %swap3A_99 = tpu.vector_load %arg29[%swap3A_98] {strides = array<i32>} : memref<3200xf32, #tpu.memory_space<vmem>>, vector<16xf32>,
      %swap3A_100 = vector.shape_cast %swap3A_99 : vector<16xf32> to vector<16xf32>
      %swap3A_101 = vector.shape_cast %mul3A_97 : vector<16xf32> to vector<16xf32>
      tpu.vector_store %arg29[%swap3A_98], %swap3A_101 {strides = array<i32>} : memref<3200xf32, #tpu.memory_space<vmem>>, vector<16xf32>,
      %get3A_102 = arith.index_cast %mul3A_83 : i32 to index
      %get3A_103 = tpu.vector_load %arg23[%get3A_102] {strides = array<i32>} : memref<3200xf32, #tpu.memory_space<vmem>>, vector<16xf32>,
      %get3A_104 = vector.shape_cast %get3A_103 : vector<16xf32> to vector<16xf32>
      %get3A_105 = arith.index_cast %mul3A_83 : i32 to index
      %get3A_106 = tpu.vector_load %arg25[%get3A_105] {strides = array<i32>} : memref<3200xf32, #tpu.memory_space<vmem>>, vector<16xf32>,
      %get3A_107 = vector.shape_cast %get3A_106 : vector<16xf32> to vector<16xf32>
      %add3A_108 = arith.addf %get3A_104, %get3A_107 : vector<16xf32>
      %get3A_109 = arith.index_cast %mul3A_83 : i32 to index
      %get3A_110 = tpu.vector_load %arg28[%get3A_109] {strides = array<i32>} : memref<3200xf32, #tpu.memory_space<vmem>>, vector<16xf32>,
      %get3A_111 = vector.shape_cast %get3A_110 : vector<16xf32> to vector<16xf32>
      %add3A_112 = arith.addf %add3A_108, %get3A_111 : vector<16xf32>
      %mul3A_113 = arith.mulf %get3A_85, %add3A_112 : vector<16xf32>
      %swap3A_114 = arith.index_cast %mul3A_83 : i32 to index
      %swap3A_115 = tpu.vector_load %arg30[%swap3A_114] {strides = array<i32>} : memref<3200xf32, #tpu.memory_space<vmem>>, vector<16xf32>,
      %swap3A_116 = vector.shape_cast %swap3A_115 : vector<16xf32> to vector<16xf32>
      %swap3A_117 = vector.shape_cast %mul3A_113 : vector<16xf32> to vector<16xf32>
      tpu.vector_store %arg30[%swap3A_114], %swap3A_117 {strides = array<i32>} : memref<3200xf32, #tpu.memory_space<vmem>>, vector<16xf32>,
      %scan3A_118 = arith.constant 0 : i32
      scf.yield %scan3A_118 : i32
    }
    %scan3A_63 = arith.constant 200 : i32
    "tpu.region"() ({
      %run_scoped3A = tpu.sem_alloc : memref<!tpu.dma_semaphore, #tpu.memory_space<semaphore_mem>>
      %dma_start3A = arith.constant 0 : i32
      %dma_start3A_80 = tpu.memref_slice %arg16[%dma_start3A] : memref<136xf32, #tpu.memory_space<vmem_shared>> -> memref<136xf32, #tpu.memory_space<vmem_shared>>
      tpu.enqueue_indirect_dma source(%arg29 : memref<3200xf32, #tpu.memory_space<vmem>>) target(%dma_start3A_80 : memref<136xf32, #tpu.memory_space<vmem_shared>>) offsets(%arg19 : memref<3200xi32, #tpu.memory_space<vmem>>) semaphore(%run_scoped3A : memref<!tpu.dma_semaphore, #tpu.memory_space<semaphore_mem>>) {add = true}
      %dma_wait3A = arith.constant 0 : i32
      %dma_wait3A_81 = tpu.memref_slice %arg16[%dma_wait3A] : memref<136xf32, #tpu.memory_space<vmem_shared>> -> memref<136xf32, #tpu.memory_space<vmem_shared>>
      tpu.wait_indirect_dma semaphore(%run_scoped3A : memref<!tpu.dma_semaphore, #tpu.memory_space<semaphore_mem>>) src(%arg29 : memref<3200xf32, #tpu.memory_space<vmem>>) dst(%dma_wait3A_81 : memref<136xf32, #tpu.memory_space<vmem_shared>>)
      tpu.yield
    }) : () -> ()
    "tpu.region"() ({
      %run_scoped3A = tpu.sem_alloc : memref<!tpu.dma_semaphore, #tpu.memory_space<semaphore_mem>>
      %dma_start3A = arith.constant 0 : i32
      %dma_start3A_80 = tpu.memref_slice %arg17[%dma_start3A] : memref<136xf32, #tpu.memory_space<vmem_shared>> -> memref<136xf32, #tpu.memory_space<vmem_shared>>
      tpu.enqueue_indirect_dma source(%arg30 : memref<3200xf32, #tpu.memory_space<vmem>>) target(%dma_start3A_80 : memref<136xf32, #tpu.memory_space<vmem_shared>>) offsets(%arg19 : memref<3200xi32, #tpu.memory_space<vmem>>) semaphore(%run_scoped3A : memref<!tpu.dma_semaphore, #tpu.memory_space<semaphore_mem>>) {add = true}
      %dma_wait3A = arith.constant 0 : i32
      %dma_wait3A_81 = tpu.memref_slice %arg17[%dma_wait3A] : memref<136xf32, #tpu.memory_space<vmem_shared>> -> memref<136xf32, #tpu.memory_space<vmem_shared>>
      tpu.wait_indirect_dma semaphore(%run_scoped3A : memref<!tpu.dma_semaphore, #tpu.memory_space<semaphore_mem>>) src(%arg30 : memref<3200xf32, #tpu.memory_space<vmem>>) dst(%dma_wait3A_81 : memref<136xf32, #tpu.memory_space<vmem_shared>>)
      tpu.yield
    }) : () -> ()
    "tpu.region"() ({
      %run_scoped3A = tpu.sem_alloc : memref<!tpu.dma_semaphore, #tpu.memory_space<semaphore_mem>>
      %dma_start3A = arith.constant 0 : i32
      %dma_start3A_80 = tpu.memref_slice %arg18[%dma_start3A] : memref<136xf32, #tpu.memory_space<vmem_shared>> -> memref<136xf32, #tpu.memory_space<vmem_shared>>
      tpu.enqueue_indirect_dma source(%arg21 : memref<3200xf32, #tpu.memory_space<vmem>>) target(%dma_start3A_80 : memref<136xf32, #tpu.memory_space<vmem_shared>>) offsets(%arg19 : memref<3200xi32, #tpu.memory_space<vmem>>) semaphore(%run_scoped3A : memref<!tpu.dma_semaphore, #tpu.memory_space<semaphore_mem>>) {add = true}
      %dma_wait3A = arith.constant 0 : i32
      %dma_wait3A_81 = tpu.memref_slice %arg18[%dma_wait3A] : memref<136xf32, #tpu.memory_space<vmem_shared>> -> memref<136xf32, #tpu.memory_space<vmem_shared>>
      tpu.wait_indirect_dma semaphore(%run_scoped3A : memref<!tpu.dma_semaphore, #tpu.memory_space<semaphore_mem>>) src(%arg21 : memref<3200xf32, #tpu.memory_space<vmem>>) dst(%dma_wait3A_81 : memref<136xf32, #tpu.memory_space<vmem_shared>>)
      tpu.yield
    }) : () -> ()
    %barrier3A_64 = arith.constant 0 : index
    tpu.barrier barrier_id(%barrier3A_64)
    %eq3A_65 = arith.constant 0 : i32
    %eq3A_66 = arith.cmpi eq, %arg1, %eq3A_65 : i32
    %eq3A_67 = arith.constant 0 : i32
    %eq3A_68 = arith.cmpi eq, %arg0, %eq3A_67 : i32
    %and3A = arith.andi %eq3A_66, %eq3A_68 : i1
    %convert_element_type3A_69 = arith.extui %and3A : i1 to i32
    %cond3A_70 = arith.constant 0 : i32
    %cond3A_71 = arith.cmpi ne, %convert_element_type3A_69, %cond3A_70 : i32
    scf.if %cond3A_71 {
      "tpu.region"() ({
        %run_scoped3A = tpu.sem_alloc : memref<!tpu.dma_semaphore, #tpu.memory_space<semaphore_mem>>
        %dma_start3A = arith.constant 0 : i32
        %dma_start3A_80 = tpu.memref_slice %arg16[%dma_start3A] : memref<136xf32, #tpu.memory_space<vmem_shared>> -> memref<128xf32, #tpu.memory_space<vmem_shared>>
        tpu.enqueue_dma source(%dma_start3A_80 : memref<128xf32, #tpu.memory_space<vmem_shared>>) target(%arg10 : memref<128xf32, #tpu.memory_space<hbm>>) target_semaphore(%run_scoped3A : memref<!tpu.dma_semaphore, #tpu.memory_space<semaphore_mem>>)
        %dma_wait3A = arith.constant 0 : i32
        %dma_wait3A_81 = tpu.memref_slice %arg16[%dma_wait3A] : memref<136xf32, #tpu.memory_space<vmem_shared>> -> memref<128xf32, #tpu.memory_space<vmem_shared>>
        tpu.wait_dma2 semaphore(%run_scoped3A : memref<!tpu.dma_semaphore, #tpu.memory_space<semaphore_mem>>) src(%dma_wait3A_81 : memref<128xf32, #tpu.memory_space<vmem_shared>>) dst(%arg10 : memref<128xf32, #tpu.memory_space<hbm>>)
        tpu.yield
      }) : () -> ()
      "tpu.region"() ({
        %run_scoped3A = tpu.sem_alloc : memref<!tpu.dma_semaphore, #tpu.memory_space<semaphore_mem>>
        %dma_start3A = arith.constant 0 : i32
        %dma_start3A_80 = tpu.memref_slice %arg17[%dma_start3A] : memref<136xf32, #tpu.memory_space<vmem_shared>> -> memref<128xf32, #tpu.memory_space<vmem_shared>>
        tpu.enqueue_dma source(%dma_start3A_80 : memref<128xf32, #tpu.memory_space<vmem_shared>>) target(%arg11 : memref<128xf32, #tpu.memory_space<hbm>>) target_semaphore(%run_scoped3A : memref<!tpu.dma_semaphore, #tpu.memory_space<semaphore_mem>>)
        %dma_wait3A = arith.constant 0 : i32
        %dma_wait3A_81 = tpu.memref_slice %arg17[%dma_wait3A] : memref<136xf32, #tpu.memory_space<vmem_shared>> -> memref<128xf32, #tpu.memory_space<vmem_shared>>
        tpu.wait_dma2 semaphore(%run_scoped3A : memref<!tpu.dma_semaphore, #tpu.memory_space<semaphore_mem>>) src(%dma_wait3A_81 : memref<128xf32, #tpu.memory_space<vmem_shared>>) dst(%arg11 : memref<128xf32, #tpu.memory_space<hbm>>)
        tpu.yield
      }) : () -> ()
      "tpu.region"() ({
        %run_scoped3A = tpu.sem_alloc : memref<!tpu.dma_semaphore, #tpu.memory_space<semaphore_mem>>
        %dma_start3A = arith.constant 0 : i32
        %dma_start3A_80 = tpu.memref_slice %arg18[%dma_start3A] : memref<136xf32, #tpu.memory_space<vmem_shared>> -> memref<128xf32, #tpu.memory_space<vmem_shared>>
        tpu.enqueue_dma source(%dma_start3A_80 : memref<128xf32, #tpu.memory_space<vmem_shared>>) target(%arg12 : memref<128xf32, #tpu.memory_space<hbm>>) target_semaphore(%run_scoped3A : memref<!tpu.dma_semaphore, #tpu.memory_space<semaphore_mem>>)
        %dma_wait3A = arith.constant 0 : i32
        %dma_wait3A_81 = tpu.memref_slice %arg18[%dma_wait3A] : memref<136xf32, #tpu.memory_space<vmem_shared>> -> memref<128xf32, #tpu.memory_space<vmem_shared>>
        tpu.wait_dma2 semaphore(%run_scoped3A : memref<!tpu.dma_semaphore, #tpu.memory_space<semaphore_mem>>) src(%dma_wait3A_81 : memref<128xf32, #tpu.memory_space<vmem_shared>>) dst(%arg12 : memref<128xf32, #tpu.memory_space<hbm>>)
        tpu.yield
      }) : () -> ()
    } else {
    }
    %eq3A_72 = arith.constant 0 : i32
    %eq3A_73 = arith.cmpi eq, %arg1, %eq3A_72 : i32
    %eq3A_74 = arith.constant 1 : i32
    %eq3A_75 = arith.cmpi eq, %arg0, %eq3A_74 : i32
    %and3A_76 = arith.andi %eq3A_73, %eq3A_75 : i1
    %convert_element_type3A_77 = arith.extui %and3A_76 : i1 to i32
    %cond3A_78 = arith.constant 0 : i32
    %cond3A_79 = arith.cmpi ne, %convert_element_type3A_77, %cond3A_78 : i32
    scf.if %cond3A_79 {
      "tpu.region"() ({
        %run_scoped3A = tpu.sem_alloc : memref<!tpu.dma_semaphore, #tpu.memory_space<semaphore_mem>>
        %dma_start3A = arith.constant 0 : i32
        %dma_start3A_80 = tpu.memref_slice %arg16[%dma_start3A] : memref<136xf32, #tpu.memory_space<vmem_shared>> -> memref<128xf32, #tpu.memory_space<vmem_shared>>
        tpu.enqueue_dma source(%dma_start3A_80 : memref<128xf32, #tpu.memory_space<vmem_shared>>) target(%arg13 : memref<128xf32, #tpu.memory_space<hbm>>) target_semaphore(%run_scoped3A : memref<!tpu.dma_semaphore, #tpu.memory_space<semaphore_mem>>)
        %dma_wait3A = arith.constant 0 : i32
        %dma_wait3A_81 = tpu.memref_slice %arg16[%dma_wait3A] : memref<136xf32, #tpu.memory_space<vmem_shared>> -> memref<128xf32, #tpu.memory_space<vmem_shared>>
        tpu.wait_dma2 semaphore(%run_scoped3A : memref<!tpu.dma_semaphore, #tpu.memory_space<semaphore_mem>>) src(%dma_wait3A_81 : memref<128xf32, #tpu.memory_space<vmem_shared>>) dst(%arg13 : memref<128xf32, #tpu.memory_space<hbm>>)
        tpu.yield
      }) : () -> ()
      "tpu.region"() ({
        %run_scoped3A = tpu.sem_alloc : memref<!tpu.dma_semaphore, #tpu.memory_space<semaphore_mem>>
        %dma_start3A = arith.constant 0 : i32
        %dma_start3A_80 = tpu.memref_slice %arg17[%dma_start3A] : memref<136xf32, #tpu.memory_space<vmem_shared>> -> memref<128xf32, #tpu.memory_space<vmem_shared>>
        tpu.enqueue_dma source(%dma_start3A_80 : memref<128xf32, #tpu.memory_space<vmem_shared>>) target(%arg14 : memref<128xf32, #tpu.memory_space<hbm>>) target_semaphore(%run_scoped3A : memref<!tpu.dma_semaphore, #tpu.memory_space<semaphore_mem>>)
        %dma_wait3A = arith.constant 0 : i32
        %dma_wait3A_81 = tpu.memref_slice %arg17[%dma_wait3A] : memref<136xf32, #tpu.memory_space<vmem_shared>> -> memref<128xf32, #tpu.memory_space<vmem_shared>>
        tpu.wait_dma2 semaphore(%run_scoped3A : memref<!tpu.dma_semaphore, #tpu.memory_space<semaphore_mem>>) src(%dma_wait3A_81 : memref<128xf32, #tpu.memory_space<vmem_shared>>) dst(%arg14 : memref<128xf32, #tpu.memory_space<hbm>>)
        tpu.yield
      }) : () -> ()
      "tpu.region"() ({
        %run_scoped3A = tpu.sem_alloc : memref<!tpu.dma_semaphore, #tpu.memory_space<semaphore_mem>>
        %dma_start3A = arith.constant 0 : i32
        %dma_start3A_80 = tpu.memref_slice %arg18[%dma_start3A] : memref<136xf32, #tpu.memory_space<vmem_shared>> -> memref<128xf32, #tpu.memory_space<vmem_shared>>
        tpu.enqueue_dma source(%dma_start3A_80 : memref<128xf32, #tpu.memory_space<vmem_shared>>) target(%arg15 : memref<128xf32, #tpu.memory_space<hbm>>) target_semaphore(%run_scoped3A : memref<!tpu.dma_semaphore, #tpu.memory_space<semaphore_mem>>)
        %dma_wait3A = arith.constant 0 : i32
        %dma_wait3A_81 = tpu.memref_slice %arg18[%dma_wait3A] : memref<136xf32, #tpu.memory_space<vmem_shared>> -> memref<128xf32, #tpu.memory_space<vmem_shared>>
        tpu.wait_dma2 semaphore(%run_scoped3A : memref<!tpu.dma_semaphore, #tpu.memory_space<semaphore_mem>>) src(%dma_wait3A_81 : memref<128xf32, #tpu.memory_space<vmem_shared>>) dst(%arg15 : memref<128xf32, #tpu.memory_space<hbm>>)
        tpu.yield
      }) : () -> ()
    } else {
    }
    return
  }
}

#map = affine_map<(d0, d1) -> (0)>
#map1 = affine_map<(d0, d1) -> (0, 0)>
module attributes {stable_mosaic.version = 14 : i64} {
  func.func @_k_t2(%arg0: i32, %arg1: i32, %arg2: memref<1605632xi32, #tpu.memory_space<hbm>>, %arg3: memref<1605632xi32, #tpu.memory_space<hbm>>, %arg4: memref<102400xf32, #tpu.memory_space<hbm>>, %arg5: memref<102400xf32, #tpu.memory_space<hbm>>, %arg6: memref<102400xf32, #tpu.memory_space<hbm>>, %arg7: memref<102400xf32, #tpu.memory_space<hbm>>, %arg8: memref<16x16xf32, #tpu.memory_space<hbm>>, %arg9: memref<16x16xf32, #tpu.memory_space<hbm>>, %arg10: memref<16x16xf32, #tpu.memory_space<hbm>>, %arg11: memref<16x16xf32, #tpu.memory_space<hbm>>, %arg12: memref<102400xf32, #tpu.memory_space<hbm>>, %arg13: memref<102400xf32, #tpu.memory_space<hbm>>, %arg14: memref<102400xf32, #tpu.memory_space<hbm>>, %arg15: memref<102400xf32, #tpu.memory_space<hbm>>, %arg16: memref<102400xf32, #tpu.memory_space<hbm>>, %arg17: memref<102400xf32, #tpu.memory_space<hbm>>, %arg18: memref<102400xf32, #tpu.memory_space<vmem_shared>>, %arg19: memref<102400xf32, #tpu.memory_space<vmem_shared>>, %arg20: memref<102400xf32, #tpu.memory_space<vmem_shared>>, %arg21: memref<102400xf32, #tpu.memory_space<vmem_shared>>, %arg22: memref<3584xi32, #tpu.memory_space<vmem>>, %arg23: memref<3584xi32, #tpu.memory_space<vmem>>, %arg24: memref<3584xi32, #tpu.memory_space<vmem>>, %arg25: memref<3584xi32, #tpu.memory_space<vmem>>, %arg26: memref<3584xi32, #tpu.memory_space<vmem>>, %arg27: memref<3584xi32, #tpu.memory_space<vmem>>, %arg28: memref<3584xf32, #tpu.memory_space<vmem>>, %arg29: memref<3584xf32, #tpu.memory_space<vmem>>, %arg30: memref<3584xf32, #tpu.memory_space<vmem>>, %arg31: memref<3584xf32, #tpu.memory_space<vmem>>, %arg32: memref<16x16xf32, #tpu.memory_space<vmem>>, %arg33: memref<16x16xf32, #tpu.memory_space<vmem>>, %arg34: memref<16x16xf32, #tpu.memory_space<vmem>>, %arg35: memref<16x16xf32, #tpu.memory_space<vmem>>, %arg36: memref<3200xf32, #tpu.memory_space<vmem>>, %arg37: memref<6400xf32, #tpu.memory_space<vmem>>, %arg38: memref<6400xf32, #tpu.memory_space<vmem>>, %arg39: memref<6400xf32, #tpu.memory_space<vmem>>, %arg40: memref<6400xf32, #tpu.memory_space<vmem>>, %arg41: memref<6400xf32, #tpu.memory_space<vmem>>, %arg42: memref<6400xf32, #tpu.memory_space<vmem>>, %arg43: memref<!tpu.dma_semaphore, #tpu.memory_space<semaphore_mem>>, %arg44: memref<!tpu.dma_semaphore, #tpu.memory_space<semaphore_mem>>, %arg45: memref<!tpu.dma_semaphore, #tpu.memory_space<semaphore_mem>>, %arg46: memref<!tpu.dma_semaphore, #tpu.memory_space<semaphore_mem>>, %arg47: memref<!tpu.dma_semaphore, #tpu.memory_space<semaphore_mem>>, %arg48: memref<!tpu.dma_semaphore, #tpu.memory_space<semaphore_mem>>, %arg49: memref<!tpu.dma_semaphore, #tpu.memory_space<semaphore_mem>>, %arg50: memref<!tpu.dma_semaphore, #tpu.memory_space<semaphore_mem>>, %arg51: memref<!tpu.dma_semaphore, #tpu.memory_space<semaphore_mem>>, %arg52: memref<!tpu.dma_semaphore, #tpu.memory_space<semaphore_mem>>) attributes {dimension_semantics = [#tpu.dimension_semantics<core_parallel>, #tpu.dimension_semantics<subcore_parallel>], iteration_bounds = array<i64: 2, 16>, scalar_prefetch = 0 : i64, scratch_operands = 35 : i64, tpu.core_type = #tpu.core_type<sc_vector_subcore>, window_params = [{transform_indices = #map}, {transform_indices = #map}, {transform_indices = #map}, {transform_indices = #map}, {transform_indices = #map}, {transform_indices = #map}, {transform_indices = #map1}, {transform_indices = #map1}, {transform_indices = #map1}, {transform_indices = #map1}, {transform_indices = #map}, {transform_indices = #map}, {transform_indices = #map}, {transform_indices = #map}, {transform_indices = #map}, {transform_indices = #map}]} {
    %mul3A = arith.constant 16 : i32
    %mul3A_0 = arith.muli %arg0, %mul3A : i32
    %add3A = arith.addi %mul3A_0, %arg1 : i32
    "tpu.region"() ({
      %run_scoped3A = tpu.sem_alloc : memref<!tpu.dma_semaphore, #tpu.memory_space<semaphore_mem>>
      tpu.enqueue_dma source(%arg8 : memref<16x16xf32, #tpu.memory_space<hbm>>) target(%arg32 : memref<16x16xf32, #tpu.memory_space<vmem>>) target_semaphore(%run_scoped3A : memref<!tpu.dma_semaphore, #tpu.memory_space<semaphore_mem>>)
      tpu.wait_dma2 semaphore(%run_scoped3A : memref<!tpu.dma_semaphore, #tpu.memory_space<semaphore_mem>>) src(%arg8 : memref<16x16xf32, #tpu.memory_space<hbm>>) dst(%arg32 : memref<16x16xf32, #tpu.memory_space<vmem>>)
      tpu.yield
    }) : () -> ()
    "tpu.region"() ({
      %run_scoped3A = tpu.sem_alloc : memref<!tpu.dma_semaphore, #tpu.memory_space<semaphore_mem>>
      tpu.enqueue_dma source(%arg9 : memref<16x16xf32, #tpu.memory_space<hbm>>) target(%arg33 : memref<16x16xf32, #tpu.memory_space<vmem>>) target_semaphore(%run_scoped3A : memref<!tpu.dma_semaphore, #tpu.memory_space<semaphore_mem>>)
      tpu.wait_dma2 semaphore(%run_scoped3A : memref<!tpu.dma_semaphore, #tpu.memory_space<semaphore_mem>>) src(%arg9 : memref<16x16xf32, #tpu.memory_space<hbm>>) dst(%arg33 : memref<16x16xf32, #tpu.memory_space<vmem>>)
      tpu.yield
    }) : () -> ()
    "tpu.region"() ({
      %run_scoped3A = tpu.sem_alloc : memref<!tpu.dma_semaphore, #tpu.memory_space<semaphore_mem>>
      tpu.enqueue_dma source(%arg10 : memref<16x16xf32, #tpu.memory_space<hbm>>) target(%arg34 : memref<16x16xf32, #tpu.memory_space<vmem>>) target_semaphore(%run_scoped3A : memref<!tpu.dma_semaphore, #tpu.memory_space<semaphore_mem>>)
      tpu.wait_dma2 semaphore(%run_scoped3A : memref<!tpu.dma_semaphore, #tpu.memory_space<semaphore_mem>>) src(%arg10 : memref<16x16xf32, #tpu.memory_space<hbm>>) dst(%arg34 : memref<16x16xf32, #tpu.memory_space<vmem>>)
      tpu.yield
    }) : () -> ()
    "tpu.region"() ({
      %run_scoped3A = tpu.sem_alloc : memref<!tpu.dma_semaphore, #tpu.memory_space<semaphore_mem>>
      tpu.enqueue_dma source(%arg11 : memref<16x16xf32, #tpu.memory_space<hbm>>) target(%arg35 : memref<16x16xf32, #tpu.memory_space<vmem>>) target_semaphore(%run_scoped3A : memref<!tpu.dma_semaphore, #tpu.memory_space<semaphore_mem>>)
      tpu.wait_dma2 semaphore(%run_scoped3A : memref<!tpu.dma_semaphore, #tpu.memory_space<semaphore_mem>>) src(%arg11 : memref<16x16xf32, #tpu.memory_space<hbm>>) dst(%arg35 : memref<16x16xf32, #tpu.memory_space<vmem>>)
      tpu.yield
    }) : () -> ()
    %mul3A_1 = arith.constant 6400 : i32
    %mul3A_2 = arith.muli %arg1, %mul3A_1 : i32
    "tpu.region"() ({
      %run_scoped3A = tpu.sem_alloc : memref<!tpu.dma_semaphore, #tpu.memory_space<semaphore_mem>>
      %dma_start3A_421 = tpu.memref_slice %arg4[%mul3A_2] : memref<102400xf32, #tpu.memory_space<hbm>> -> memref<6400xf32, #tpu.memory_space<hbm>>
      %dma_start3A_422 = tpu.memref_slice %arg4[%mul3A_2] : memref<102400xf32, #tpu.memory_space<hbm>> -> memref<6400xf32, #tpu.memory_space<hbm>>
      tpu.enqueue_dma source(%dma_start3A_422 : memref<6400xf32, #tpu.memory_space<hbm>>) target(%arg37 : memref<6400xf32, #tpu.memory_space<vmem>>) target_semaphore(%run_scoped3A : memref<!tpu.dma_semaphore, #tpu.memory_space<semaphore_mem>>)
      %dma_wait3A_423 = tpu.memref_slice %arg4[%mul3A_2] : memref<102400xf32, #tpu.memory_space<hbm>> -> memref<6400xf32, #tpu.memory_space<hbm>>
      %dma_wait3A_424 = tpu.memref_slice %arg4[%mul3A_2] : memref<102400xf32, #tpu.memory_space<hbm>> -> memref<6400xf32, #tpu.memory_space<hbm>>
      tpu.wait_dma2 semaphore(%run_scoped3A : memref<!tpu.dma_semaphore, #tpu.memory_space<semaphore_mem>>) src(%dma_wait3A_424 : memref<6400xf32, #tpu.memory_space<hbm>>) dst(%arg37 : memref<6400xf32, #tpu.memory_space<vmem>>)
      tpu.yield
    }) : () -> ()
    "tpu.region"() ({
      %run_scoped3A = tpu.sem_alloc : memref<!tpu.dma_semaphore, #tpu.memory_space<semaphore_mem>>
      %dma_start3A_421 = tpu.memref_slice %arg5[%mul3A_2] : memref<102400xf32, #tpu.memory_space<hbm>> -> memref<6400xf32, #tpu.memory_space<hbm>>
      %dma_start3A_422 = tpu.memref_slice %arg5[%mul3A_2] : memref<102400xf32, #tpu.memory_space<hbm>> -> memref<6400xf32, #tpu.memory_space<hbm>>
      tpu.enqueue_dma source(%dma_start3A_422 : memref<6400xf32, #tpu.memory_space<hbm>>) target(%arg38 : memref<6400xf32, #tpu.memory_space<vmem>>) target_semaphore(%run_scoped3A : memref<!tpu.dma_semaphore, #tpu.memory_space<semaphore_mem>>)
      %dma_wait3A_423 = tpu.memref_slice %arg5[%mul3A_2] : memref<102400xf32, #tpu.memory_space<hbm>> -> memref<6400xf32, #tpu.memory_space<hbm>>
      %dma_wait3A_424 = tpu.memref_slice %arg5[%mul3A_2] : memref<102400xf32, #tpu.memory_space<hbm>> -> memref<6400xf32, #tpu.memory_space<hbm>>
      tpu.wait_dma2 semaphore(%run_scoped3A : memref<!tpu.dma_semaphore, #tpu.memory_space<semaphore_mem>>) src(%dma_wait3A_424 : memref<6400xf32, #tpu.memory_space<hbm>>) dst(%arg38 : memref<6400xf32, #tpu.memory_space<vmem>>)
      tpu.yield
    }) : () -> ()
    "tpu.region"() ({
      %run_scoped3A = tpu.sem_alloc : memref<!tpu.dma_semaphore, #tpu.memory_space<semaphore_mem>>
      %dma_start3A_421 = tpu.memref_slice %arg6[%mul3A_2] : memref<102400xf32, #tpu.memory_space<hbm>> -> memref<6400xf32, #tpu.memory_space<hbm>>
      %dma_start3A_422 = tpu.memref_slice %arg6[%mul3A_2] : memref<102400xf32, #tpu.memory_space<hbm>> -> memref<6400xf32, #tpu.memory_space<hbm>>
      tpu.enqueue_dma source(%dma_start3A_422 : memref<6400xf32, #tpu.memory_space<hbm>>) target(%arg39 : memref<6400xf32, #tpu.memory_space<vmem>>) target_semaphore(%run_scoped3A : memref<!tpu.dma_semaphore, #tpu.memory_space<semaphore_mem>>)
      %dma_wait3A_423 = tpu.memref_slice %arg6[%mul3A_2] : memref<102400xf32, #tpu.memory_space<hbm>> -> memref<6400xf32, #tpu.memory_space<hbm>>
      %dma_wait3A_424 = tpu.memref_slice %arg6[%mul3A_2] : memref<102400xf32, #tpu.memory_space<hbm>> -> memref<6400xf32, #tpu.memory_space<hbm>>
      tpu.wait_dma2 semaphore(%run_scoped3A : memref<!tpu.dma_semaphore, #tpu.memory_space<semaphore_mem>>) src(%dma_wait3A_424 : memref<6400xf32, #tpu.memory_space<hbm>>) dst(%arg39 : memref<6400xf32, #tpu.memory_space<vmem>>)
      tpu.yield
    }) : () -> ()
    "tpu.region"() ({
      %run_scoped3A = tpu.sem_alloc : memref<!tpu.dma_semaphore, #tpu.memory_space<semaphore_mem>>
      %dma_start3A_421 = tpu.memref_slice %arg7[%mul3A_2] : memref<102400xf32, #tpu.memory_space<hbm>> -> memref<6400xf32, #tpu.memory_space<hbm>>
      %dma_start3A_422 = tpu.memref_slice %arg7[%mul3A_2] : memref<102400xf32, #tpu.memory_space<hbm>> -> memref<6400xf32, #tpu.memory_space<hbm>>
      tpu.enqueue_dma source(%dma_start3A_422 : memref<6400xf32, #tpu.memory_space<hbm>>) target(%arg40 : memref<6400xf32, #tpu.memory_space<vmem>>) target_semaphore(%run_scoped3A : memref<!tpu.dma_semaphore, #tpu.memory_space<semaphore_mem>>)
      %dma_wait3A_423 = tpu.memref_slice %arg7[%mul3A_2] : memref<102400xf32, #tpu.memory_space<hbm>> -> memref<6400xf32, #tpu.memory_space<hbm>>
      %dma_wait3A_424 = tpu.memref_slice %arg7[%mul3A_2] : memref<102400xf32, #tpu.memory_space<hbm>> -> memref<6400xf32, #tpu.memory_space<hbm>>
      tpu.wait_dma2 semaphore(%run_scoped3A : memref<!tpu.dma_semaphore, #tpu.memory_space<semaphore_mem>>) src(%dma_wait3A_424 : memref<6400xf32, #tpu.memory_space<hbm>>) dst(%arg40 : memref<6400xf32, #tpu.memory_space<vmem>>)
      tpu.yield
    }) : () -> ()
    %scan3A = arith.constant 0 : i32
    %scan3A_3 = arith.constant 0 : i32
    %scan3A_4 = arith.constant 400 : i32
    %scan3A_5 = arith.addi %scan3A_3, %scan3A_4 : i32
    %scan3A_6 = arith.constant 1 : i32
    %scan3A_7 = scf.for %scan3A_421 = %scan3A_3 to %scan3A_5 step %scan3A_6 iter_args(%scan3A_422 = %scan3A) -> (i32)  : i32 {
      %mul3A_423 = arith.constant 16 : i32
      %mul3A_424 = arith.muli %scan3A_421, %mul3A_423 : i32
      %get3A = arith.index_cast %mul3A_424 : i32 to index
      %get3A_425 = tpu.vector_load %arg39[%get3A] {strides = array<i32>} : memref<6400xf32, #tpu.memory_space<vmem>>, vector<16xf32>,
      %get3A_426 = vector.shape_cast %get3A_425 : vector<16xf32> to vector<16xf32>
      %get3A_427 = arith.index_cast %mul3A_424 : i32 to index
      %get3A_428 = tpu.vector_load %arg37[%get3A_427] {strides = array<i32>} : memref<6400xf32, #tpu.memory_space<vmem>>, vector<16xf32>,
      %get3A_429 = vector.shape_cast %get3A_428 : vector<16xf32> to vector<16xf32>
      %get3A_430 = arith.index_cast %mul3A_424 : i32 to index
      %get3A_431 = tpu.vector_load %arg38[%get3A_430] {strides = array<i32>} : memref<6400xf32, #tpu.memory_space<vmem>>, vector<16xf32>,
      %get3A_432 = vector.shape_cast %get3A_431 : vector<16xf32> to vector<16xf32>
      %add3A_433 = arith.addf %get3A_429, %get3A_432 : vector<16xf32>
      %get3A_434 = arith.index_cast %mul3A_424 : i32 to index
      %get3A_435 = tpu.vector_load %arg40[%get3A_434] {strides = array<i32>} : memref<6400xf32, #tpu.memory_space<vmem>>, vector<16xf32>,
      %get3A_436 = vector.shape_cast %get3A_435 : vector<16xf32> to vector<16xf32>
      %add3A_437 = arith.addf %add3A_433, %get3A_436 : vector<16xf32>
      %mul3A_438 = arith.mulf %get3A_426, %add3A_437 : vector<16xf32>
      %broadcast_in_dim3A = arith.constant 0.000000e+00 : f32
      %broadcast_in_dim3A_439 = vector.broadcast %broadcast_in_dim3A : f32 to vector<16xf32>
      %broadcast_in_dim3A_440 = arith.constant 0.000000e+00 : f32
      %broadcast_in_dim3A_441 = vector.broadcast %broadcast_in_dim3A_440 : f32 to vector<16xf32>
      %get3A_442 = arith.constant 0 : i32
      %get3A_443 = arith.index_cast %get3A_442 : i32 to index
      %get3A_444 = arith.constant 0 : index
      %get3A_445 = tpu.vector_load %arg32[%get3A_443, %get3A_444] {strides = array<i32>} : memref<16x16xf32, #tpu.memory_space<vmem>>, vector<1x16xf32>,
      %get3A_446 = vector.shape_cast %get3A_445 : vector<1x16xf32> to vector<16xf32>
      %mul3A_447 = arith.mulf %mul3A_438, %get3A_446 : vector<16xf32>
      %get3A_448 = arith.constant 0 : i32
      %get3A_449 = arith.index_cast %get3A_448 : i32 to index
      %get3A_450 = arith.constant 0 : index
      %get3A_451 = tpu.vector_load %arg33[%get3A_449, %get3A_450] {strides = array<i32>} : memref<16x16xf32, #tpu.memory_space<vmem>>, vector<1x16xf32>,
      %get3A_452 = vector.shape_cast %get3A_451 : vector<1x16xf32> to vector<16xf32>
      %add3A_453 = arith.addf %mul3A_447, %get3A_452 : vector<16xf32>
      %max3A = arith.constant 0.000000e+00 : f32
      %max3A_454 = vector.broadcast %max3A : f32 to vector<16xf32>
      %max3A_455 = arith.maximumf %add3A_453, %max3A_454 : vector<16xf32>
      %get3A_456 = arith.constant 0 : i32
      %get3A_457 = arith.index_cast %get3A_456 : i32 to index
      %get3A_458 = arith.constant 0 : index
      %get3A_459 = tpu.vector_load %arg34[%get3A_457, %get3A_458] {strides = array<i32>} : memref<16x16xf32, #tpu.memory_space<vmem>>, vector<1x16xf32>,
      %get3A_460 = vector.shape_cast %get3A_459 : vector<1x16xf32> to vector<16xf32>
      %mul3A_461 = arith.mulf %max3A_455, %get3A_460 : vector<16xf32>
      %add3A_462 = arith.addf %broadcast_in_dim3A_439, %mul3A_461 : vector<16xf32>
      %get3A_463 = arith.constant 0 : i32
      %get3A_464 = arith.index_cast %get3A_463 : i32 to index
      %get3A_465 = arith.constant 0 : index
      %get3A_466 = tpu.vector_load %arg35[%get3A_464, %get3A_465] {strides = array<i32>} : memref<16x16xf32, #tpu.memory_space<vmem>>, vector<1x16xf32>,
      %get3A_467 = vector.shape_cast %get3A_466 : vector<1x16xf32> to vector<16xf32>
      %mul3A_468 = arith.mulf %max3A_455, %get3A_467 : vector<16xf32>
      %add3A_469 = arith.addf %broadcast_in_dim3A_441, %mul3A_468 : vector<16xf32>
      %get3A_470 = arith.constant 1 : i32
      %get3A_471 = arith.index_cast %get3A_470 : i32 to index
      %get3A_472 = arith.constant 0 : index
      %get3A_473 = tpu.vector_load %arg32[%get3A_471, %get3A_472] {strides = array<i32>} : memref<16x16xf32, #tpu.memory_space<vmem>>, vector<1x16xf32>,
      %get3A_474 = vector.shape_cast %get3A_473 : vector<1x16xf32> to vector<16xf32>
      %mul3A_475 = arith.mulf %mul3A_438, %get3A_474 : vector<16xf32>
      %get3A_476 = arith.constant 1 : i32
      %get3A_477 = arith.index_cast %get3A_476 : i32 to index
      %get3A_478 = arith.constant 0 : index
      %get3A_479 = tpu.vector_load %arg33[%get3A_477, %get3A_478] {strides = array<i32>} : memref<16x16xf32, #tpu.memory_space<vmem>>, vector<1x16xf32>,
      %get3A_480 = vector.shape_cast %get3A_479 : vector<1x16xf32> to vector<16xf32>
      %add3A_481 = arith.addf %mul3A_475, %get3A_480 : vector<16xf32>
      %max3A_482 = arith.constant 0.000000e+00 : f32
      %max3A_483 = vector.broadcast %max3A_482 : f32 to vector<16xf32>
      %max3A_484 = arith.maximumf %add3A_481, %max3A_483 : vector<16xf32>
      %get3A_485 = arith.constant 1 : i32
      %get3A_486 = arith.index_cast %get3A_485 : i32 to index
      %get3A_487 = arith.constant 0 : index
      %get3A_488 = tpu.vector_load %arg34[%get3A_486, %get3A_487] {strides = array<i32>} : memref<16x16xf32, #tpu.memory_space<vmem>>, vector<1x16xf32>,
      %get3A_489 = vector.shape_cast %get3A_488 : vector<1x16xf32> to vector<16xf32>
      %mul3A_490 = arith.mulf %max3A_484, %get3A_489 : vector<16xf32>
      %add3A_491 = arith.addf %add3A_462, %mul3A_490 : vector<16xf32>
      %get3A_492 = arith.constant 1 : i32
      %get3A_493 = arith.index_cast %get3A_492 : i32 to index
      %get3A_494 = arith.constant 0 : index
      %get3A_495 = tpu.vector_load %arg35[%get3A_493, %get3A_494] {strides = array<i32>} : memref<16x16xf32, #tpu.memory_space<vmem>>, vector<1x16xf32>,
      %get3A_496 = vector.shape_cast %get3A_495 : vector<1x16xf32> to vector<16xf32>
      %mul3A_497 = arith.mulf %max3A_484, %get3A_496 : vector<16xf32>
      %add3A_498 = arith.addf %add3A_469, %mul3A_497 : vector<16xf32>
      %get3A_499 = arith.constant 2 : i32
      %get3A_500 = arith.index_cast %get3A_499 : i32 to index
      %get3A_501 = arith.constant 0 : index
      %get3A_502 = tpu.vector_load %arg32[%get3A_500, %get3A_501] {strides = array<i32>} : memref<16x16xf32, #tpu.memory_space<vmem>>, vector<1x16xf32>,
      %get3A_503 = vector.shape_cast %get3A_502 : vector<1x16xf32> to vector<16xf32>
      %mul3A_504 = arith.mulf %mul3A_438, %get3A_503 : vector<16xf32>
      %get3A_505 = arith.constant 2 : i32
      %get3A_506 = arith.index_cast %get3A_505 : i32 to index
      %get3A_507 = arith.constant 0 : index
      %get3A_508 = tpu.vector_load %arg33[%get3A_506, %get3A_507] {strides = array<i32>} : memref<16x16xf32, #tpu.memory_space<vmem>>, vector<1x16xf32>,
      %get3A_509 = vector.shape_cast %get3A_508 : vector<1x16xf32> to vector<16xf32>
      %add3A_510 = arith.addf %mul3A_504, %get3A_509 : vector<16xf32>
      %max3A_511 = arith.constant 0.000000e+00 : f32
      %max3A_512 = vector.broadcast %max3A_511 : f32 to vector<16xf32>
      %max3A_513 = arith.maximumf %add3A_510, %max3A_512 : vector<16xf32>
      %get3A_514 = arith.constant 2 : i32
      %get3A_515 = arith.index_cast %get3A_514 : i32 to index
      %get3A_516 = arith.constant 0 : index
      %get3A_517 = tpu.vector_load %arg34[%get3A_515, %get3A_516] {strides = array<i32>} : memref<16x16xf32, #tpu.memory_space<vmem>>, vector<1x16xf32>,
      %get3A_518 = vector.shape_cast %get3A_517 : vector<1x16xf32> to vector<16xf32>
      %mul3A_519 = arith.mulf %max3A_513, %get3A_518 : vector<16xf32>
      %add3A_520 = arith.addf %add3A_491, %mul3A_519 : vector<16xf32>
      %get3A_521 = arith.constant 2 : i32
      %get3A_522 = arith.index_cast %get3A_521 : i32 to index
      %get3A_523 = arith.constant 0 : index
      %get3A_524 = tpu.vector_load %arg35[%get3A_522, %get3A_523] {strides = array<i32>} : memref<16x16xf32, #tpu.memory_space<vmem>>, vector<1x16xf32>,
      %get3A_525 = vector.shape_cast %get3A_524 : vector<1x16xf32> to vector<16xf32>
      %mul3A_526 = arith.mulf %max3A_513, %get3A_525 : vector<16xf32>
      %add3A_527 = arith.addf %add3A_498, %mul3A_526 : vector<16xf32>
      %get3A_528 = arith.constant 3 : i32
      %get3A_529 = arith.index_cast %get3A_528 : i32 to index
      %get3A_530 = arith.constant 0 : index
      %get3A_531 = tpu.vector_load %arg32[%get3A_529, %get3A_530] {strides = array<i32>} : memref<16x16xf32, #tpu.memory_space<vmem>>, vector<1x16xf32>,
      %get3A_532 = vector.shape_cast %get3A_531 : vector<1x16xf32> to vector<16xf32>
      %mul3A_533 = arith.mulf %mul3A_438, %get3A_532 : vector<16xf32>
      %get3A_534 = arith.constant 3 : i32
      %get3A_535 = arith.index_cast %get3A_534 : i32 to index
      %get3A_536 = arith.constant 0 : index
      %get3A_537 = tpu.vector_load %arg33[%get3A_535, %get3A_536] {strides = array<i32>} : memref<16x16xf32, #tpu.memory_space<vmem>>, vector<1x16xf32>,
      %get3A_538 = vector.shape_cast %get3A_537 : vector<1x16xf32> to vector<16xf32>
      %add3A_539 = arith.addf %mul3A_533, %get3A_538 : vector<16xf32>
      %max3A_540 = arith.constant 0.000000e+00 : f32
      %max3A_541 = vector.broadcast %max3A_540 : f32 to vector<16xf32>
      %max3A_542 = arith.maximumf %add3A_539, %max3A_541 : vector<16xf32>
      %get3A_543 = arith.constant 3 : i32
      %get3A_544 = arith.index_cast %get3A_543 : i32 to index
      %get3A_545 = arith.constant 0 : index
      %get3A_546 = tpu.vector_load %arg34[%get3A_544, %get3A_545] {strides = array<i32>} : memref<16x16xf32, #tpu.memory_space<vmem>>, vector<1x16xf32>,
      %get3A_547 = vector.shape_cast %get3A_546 : vector<1x16xf32> to vector<16xf32>
      %mul3A_548 = arith.mulf %max3A_542, %get3A_547 : vector<16xf32>
      %add3A_549 = arith.addf %add3A_520, %mul3A_548 : vector<16xf32>
      %get3A_550 = arith.constant 3 : i32
      %get3A_551 = arith.index_cast %get3A_550 : i32 to index
      %get3A_552 = arith.constant 0 : index
      %get3A_553 = tpu.vector_load %arg35[%get3A_551, %get3A_552] {strides = array<i32>} : memref<16x16xf32, #tpu.memory_space<vmem>>, vector<1x16xf32>,
      %get3A_554 = vector.shape_cast %get3A_553 : vector<1x16xf32> to vector<16xf32>
      %mul3A_555 = arith.mulf %max3A_542, %get3A_554 : vector<16xf32>
      %add3A_556 = arith.addf %add3A_527, %mul3A_555 : vector<16xf32>
      %get3A_557 = arith.constant 4 : i32
      %get3A_558 = arith.index_cast %get3A_557 : i32 to index
      %get3A_559 = arith.constant 0 : index
      %get3A_560 = tpu.vector_load %arg32[%get3A_558, %get3A_559] {strides = array<i32>} : memref<16x16xf32, #tpu.memory_space<vmem>>, vector<1x16xf32>,
      %get3A_561 = vector.shape_cast %get3A_560 : vector<1x16xf32> to vector<16xf32>
      %mul3A_562 = arith.mulf %mul3A_438, %get3A_561 : vector<16xf32>
      %get3A_563 = arith.constant 4 : i32
      %get3A_564 = arith.index_cast %get3A_563 : i32 to index
      %get3A_565 = arith.constant 0 : index
      %get3A_566 = tpu.vector_load %arg33[%get3A_564, %get3A_565] {strides = array<i32>} : memref<16x16xf32, #tpu.memory_space<vmem>>, vector<1x16xf32>,
      %get3A_567 = vector.shape_cast %get3A_566 : vector<1x16xf32> to vector<16xf32>
      %add3A_568 = arith.addf %mul3A_562, %get3A_567 : vector<16xf32>
      %max3A_569 = arith.constant 0.000000e+00 : f32
      %max3A_570 = vector.broadcast %max3A_569 : f32 to vector<16xf32>
      %max3A_571 = arith.maximumf %add3A_568, %max3A_570 : vector<16xf32>
      %get3A_572 = arith.constant 4 : i32
      %get3A_573 = arith.index_cast %get3A_572 : i32 to index
      %get3A_574 = arith.constant 0 : index
      %get3A_575 = tpu.vector_load %arg34[%get3A_573, %get3A_574] {strides = array<i32>} : memref<16x16xf32, #tpu.memory_space<vmem>>, vector<1x16xf32>,
      %get3A_576 = vector.shape_cast %get3A_575 : vector<1x16xf32> to vector<16xf32>
      %mul3A_577 = arith.mulf %max3A_571, %get3A_576 : vector<16xf32>
      %add3A_578 = arith.addf %add3A_549, %mul3A_577 : vector<16xf32>
      %get3A_579 = arith.constant 4 : i32
      %get3A_580 = arith.index_cast %get3A_579 : i32 to index
      %get3A_581 = arith.constant 0 : index
      %get3A_582 = tpu.vector_load %arg35[%get3A_580, %get3A_581] {strides = array<i32>} : memref<16x16xf32, #tpu.memory_space<vmem>>, vector<1x16xf32>,
      %get3A_583 = vector.shape_cast %get3A_582 : vector<1x16xf32> to vector<16xf32>
      %mul3A_584 = arith.mulf %max3A_571, %get3A_583 : vector<16xf32>
      %add3A_585 = arith.addf %add3A_556, %mul3A_584 : vector<16xf32>
      %get3A_586 = arith.constant 5 : i32
      %get3A_587 = arith.index_cast %get3A_586 : i32 to index
      %get3A_588 = arith.constant 0 : index
      %get3A_589 = tpu.vector_load %arg32[%get3A_587, %get3A_588] {strides = array<i32>} : memref<16x16xf32, #tpu.memory_space<vmem>>, vector<1x16xf32>,
      %get3A_590 = vector.shape_cast %get3A_589 : vector<1x16xf32> to vector<16xf32>
      %mul3A_591 = arith.mulf %mul3A_438, %get3A_590 : vector<16xf32>
      %get3A_592 = arith.constant 5 : i32
      %get3A_593 = arith.index_cast %get3A_592 : i32 to index
      %get3A_594 = arith.constant 0 : index
      %get3A_595 = tpu.vector_load %arg33[%get3A_593, %get3A_594] {strides = array<i32>} : memref<16x16xf32, #tpu.memory_space<vmem>>, vector<1x16xf32>,
      %get3A_596 = vector.shape_cast %get3A_595 : vector<1x16xf32> to vector<16xf32>
      %add3A_597 = arith.addf %mul3A_591, %get3A_596 : vector<16xf32>
      %max3A_598 = arith.constant 0.000000e+00 : f32
      %max3A_599 = vector.broadcast %max3A_598 : f32 to vector<16xf32>
      %max3A_600 = arith.maximumf %add3A_597, %max3A_599 : vector<16xf32>
      %get3A_601 = arith.constant 5 : i32
      %get3A_602 = arith.index_cast %get3A_601 : i32 to index
      %get3A_603 = arith.constant 0 : index
      %get3A_604 = tpu.vector_load %arg34[%get3A_602, %get3A_603] {strides = array<i32>} : memref<16x16xf32, #tpu.memory_space<vmem>>, vector<1x16xf32>,
      %get3A_605 = vector.shape_cast %get3A_604 : vector<1x16xf32> to vector<16xf32>
      %mul3A_606 = arith.mulf %max3A_600, %get3A_605 : vector<16xf32>
      %add3A_607 = arith.addf %add3A_578, %mul3A_606 : vector<16xf32>
      %get3A_608 = arith.constant 5 : i32
      %get3A_609 = arith.index_cast %get3A_608 : i32 to index
      %get3A_610 = arith.constant 0 : index
      %get3A_611 = tpu.vector_load %arg35[%get3A_609, %get3A_610] {strides = array<i32>} : memref<16x16xf32, #tpu.memory_space<vmem>>, vector<1x16xf32>,
      %get3A_612 = vector.shape_cast %get3A_611 : vector<1x16xf32> to vector<16xf32>
      %mul3A_613 = arith.mulf %max3A_600, %get3A_612 : vector<16xf32>
      %add3A_614 = arith.addf %add3A_585, %mul3A_613 : vector<16xf32>
      %get3A_615 = arith.constant 6 : i32
      %get3A_616 = arith.index_cast %get3A_615 : i32 to index
      %get3A_617 = arith.constant 0 : index
      %get3A_618 = tpu.vector_load %arg32[%get3A_616, %get3A_617] {strides = array<i32>} : memref<16x16xf32, #tpu.memory_space<vmem>>, vector<1x16xf32>,
      %get3A_619 = vector.shape_cast %get3A_618 : vector<1x16xf32> to vector<16xf32>
      %mul3A_620 = arith.mulf %mul3A_438, %get3A_619 : vector<16xf32>
      %get3A_621 = arith.constant 6 : i32
      %get3A_622 = arith.index_cast %get3A_621 : i32 to index
      %get3A_623 = arith.constant 0 : index
      %get3A_624 = tpu.vector_load %arg33[%get3A_622, %get3A_623] {strides = array<i32>} : memref<16x16xf32, #tpu.memory_space<vmem>>, vector<1x16xf32>,
      %get3A_625 = vector.shape_cast %get3A_624 : vector<1x16xf32> to vector<16xf32>
      %add3A_626 = arith.addf %mul3A_620, %get3A_625 : vector<16xf32>
      %max3A_627 = arith.constant 0.000000e+00 : f32
      %max3A_628 = vector.broadcast %max3A_627 : f32 to vector<16xf32>
      %max3A_629 = arith.maximumf %add3A_626, %max3A_628 : vector<16xf32>
      %get3A_630 = arith.constant 6 : i32
      %get3A_631 = arith.index_cast %get3A_630 : i32 to index
      %get3A_632 = arith.constant 0 : index
      %get3A_633 = tpu.vector_load %arg34[%get3A_631, %get3A_632] {strides = array<i32>} : memref<16x16xf32, #tpu.memory_space<vmem>>, vector<1x16xf32>,
      %get3A_634 = vector.shape_cast %get3A_633 : vector<1x16xf32> to vector<16xf32>
      %mul3A_635 = arith.mulf %max3A_629, %get3A_634 : vector<16xf32>
      %add3A_636 = arith.addf %add3A_607, %mul3A_635 : vector<16xf32>
      %get3A_637 = arith.constant 6 : i32
      %get3A_638 = arith.index_cast %get3A_637 : i32 to index
      %get3A_639 = arith.constant 0 : index
      %get3A_640 = tpu.vector_load %arg35[%get3A_638, %get3A_639] {strides = array<i32>} : memref<16x16xf32, #tpu.memory_space<vmem>>, vector<1x16xf32>,
      %get3A_641 = vector.shape_cast %get3A_640 : vector<1x16xf32> to vector<16xf32>
      %mul3A_642 = arith.mulf %max3A_629, %get3A_641 : vector<16xf32>
      %add3A_643 = arith.addf %add3A_614, %mul3A_642 : vector<16xf32>
      %get3A_644 = arith.constant 7 : i32
      %get3A_645 = arith.index_cast %get3A_644 : i32 to index
      %get3A_646 = arith.constant 0 : index
      %get3A_647 = tpu.vector_load %arg32[%get3A_645, %get3A_646] {strides = array<i32>} : memref<16x16xf32, #tpu.memory_space<vmem>>, vector<1x16xf32>,
      %get3A_648 = vector.shape_cast %get3A_647 : vector<1x16xf32> to vector<16xf32>
      %mul3A_649 = arith.mulf %mul3A_438, %get3A_648 : vector<16xf32>
      %get3A_650 = arith.constant 7 : i32
      %get3A_651 = arith.index_cast %get3A_650 : i32 to index
      %get3A_652 = arith.constant 0 : index
      %get3A_653 = tpu.vector_load %arg33[%get3A_651, %get3A_652] {strides = array<i32>} : memref<16x16xf32, #tpu.memory_space<vmem>>, vector<1x16xf32>,
      %get3A_654 = vector.shape_cast %get3A_653 : vector<1x16xf32> to vector<16xf32>
      %add3A_655 = arith.addf %mul3A_649, %get3A_654 : vector<16xf32>
      %max3A_656 = arith.constant 0.000000e+00 : f32
      %max3A_657 = vector.broadcast %max3A_656 : f32 to vector<16xf32>
      %max3A_658 = arith.maximumf %add3A_655, %max3A_657 : vector<16xf32>
      %get3A_659 = arith.constant 7 : i32
      %get3A_660 = arith.index_cast %get3A_659 : i32 to index
      %get3A_661 = arith.constant 0 : index
      %get3A_662 = tpu.vector_load %arg34[%get3A_660, %get3A_661] {strides = array<i32>} : memref<16x16xf32, #tpu.memory_space<vmem>>, vector<1x16xf32>,
      %get3A_663 = vector.shape_cast %get3A_662 : vector<1x16xf32> to vector<16xf32>
      %mul3A_664 = arith.mulf %max3A_658, %get3A_663 : vector<16xf32>
      %add3A_665 = arith.addf %add3A_636, %mul3A_664 : vector<16xf32>
      %get3A_666 = arith.constant 7 : i32
      %get3A_667 = arith.index_cast %get3A_666 : i32 to index
      %get3A_668 = arith.constant 0 : index
      %get3A_669 = tpu.vector_load %arg35[%get3A_667, %get3A_668] {strides = array<i32>} : memref<16x16xf32, #tpu.memory_space<vmem>>, vector<1x16xf32>,
      %get3A_670 = vector.shape_cast %get3A_669 : vector<1x16xf32> to vector<16xf32>
      %mul3A_671 = arith.mulf %max3A_658, %get3A_670 : vector<16xf32>
      %add3A_672 = arith.addf %add3A_643, %mul3A_671 : vector<16xf32>
      %get3A_673 = arith.constant 8 : i32
      %get3A_674 = arith.index_cast %get3A_673 : i32 to index
      %get3A_675 = arith.constant 0 : index
      %get3A_676 = tpu.vector_load %arg32[%get3A_674, %get3A_675] {strides = array<i32>} : memref<16x16xf32, #tpu.memory_space<vmem>>, vector<1x16xf32>,
      %get3A_677 = vector.shape_cast %get3A_676 : vector<1x16xf32> to vector<16xf32>
      %mul3A_678 = arith.mulf %mul3A_438, %get3A_677 : vector<16xf32>
      %get3A_679 = arith.constant 8 : i32
      %get3A_680 = arith.index_cast %get3A_679 : i32 to index
      %get3A_681 = arith.constant 0 : index
      %get3A_682 = tpu.vector_load %arg33[%get3A_680, %get3A_681] {strides = array<i32>} : memref<16x16xf32, #tpu.memory_space<vmem>>, vector<1x16xf32>,
      %get3A_683 = vector.shape_cast %get3A_682 : vector<1x16xf32> to vector<16xf32>
      %add3A_684 = arith.addf %mul3A_678, %get3A_683 : vector<16xf32>
      %max3A_685 = arith.constant 0.000000e+00 : f32
      %max3A_686 = vector.broadcast %max3A_685 : f32 to vector<16xf32>
      %max3A_687 = arith.maximumf %add3A_684, %max3A_686 : vector<16xf32>
      %get3A_688 = arith.constant 8 : i32
      %get3A_689 = arith.index_cast %get3A_688 : i32 to index
      %get3A_690 = arith.constant 0 : index
      %get3A_691 = tpu.vector_load %arg34[%get3A_689, %get3A_690] {strides = array<i32>} : memref<16x16xf32, #tpu.memory_space<vmem>>, vector<1x16xf32>,
      %get3A_692 = vector.shape_cast %get3A_691 : vector<1x16xf32> to vector<16xf32>
      %mul3A_693 = arith.mulf %max3A_687, %get3A_692 : vector<16xf32>
      %add3A_694 = arith.addf %add3A_665, %mul3A_693 : vector<16xf32>
      %get3A_695 = arith.constant 8 : i32
      %get3A_696 = arith.index_cast %get3A_695 : i32 to index
      %get3A_697 = arith.constant 0 : index
      %get3A_698 = tpu.vector_load %arg35[%get3A_696, %get3A_697] {strides = array<i32>} : memref<16x16xf32, #tpu.memory_space<vmem>>, vector<1x16xf32>,
      %get3A_699 = vector.shape_cast %get3A_698 : vector<1x16xf32> to vector<16xf32>
      %mul3A_700 = arith.mulf %max3A_687, %get3A_699 : vector<16xf32>
      %add3A_701 = arith.addf %add3A_672, %mul3A_700 : vector<16xf32>
      %get3A_702 = arith.constant 9 : i32
      %get3A_703 = arith.index_cast %get3A_702 : i32 to index
      %get3A_704 = arith.constant 0 : index
      %get3A_705 = tpu.vector_load %arg32[%get3A_703, %get3A_704] {strides = array<i32>} : memref<16x16xf32, #tpu.memory_space<vmem>>, vector<1x16xf32>,
      %get3A_706 = vector.shape_cast %get3A_705 : vector<1x16xf32> to vector<16xf32>
      %mul3A_707 = arith.mulf %mul3A_438, %get3A_706 : vector<16xf32>
      %get3A_708 = arith.constant 9 : i32
      %get3A_709 = arith.index_cast %get3A_708 : i32 to index
      %get3A_710 = arith.constant 0 : index
      %get3A_711 = tpu.vector_load %arg33[%get3A_709, %get3A_710] {strides = array<i32>} : memref<16x16xf32, #tpu.memory_space<vmem>>, vector<1x16xf32>,
      %get3A_712 = vector.shape_cast %get3A_711 : vector<1x16xf32> to vector<16xf32>
      %add3A_713 = arith.addf %mul3A_707, %get3A_712 : vector<16xf32>
      %max3A_714 = arith.constant 0.000000e+00 : f32
      %max3A_715 = vector.broadcast %max3A_714 : f32 to vector<16xf32>
      %max3A_716 = arith.maximumf %add3A_713, %max3A_715 : vector<16xf32>
      %get3A_717 = arith.constant 9 : i32
      %get3A_718 = arith.index_cast %get3A_717 : i32 to index
      %get3A_719 = arith.constant 0 : index
      %get3A_720 = tpu.vector_load %arg34[%get3A_718, %get3A_719] {strides = array<i32>} : memref<16x16xf32, #tpu.memory_space<vmem>>, vector<1x16xf32>,
      %get3A_721 = vector.shape_cast %get3A_720 : vector<1x16xf32> to vector<16xf32>
      %mul3A_722 = arith.mulf %max3A_716, %get3A_721 : vector<16xf32>
      %add3A_723 = arith.addf %add3A_694, %mul3A_722 : vector<16xf32>
      %get3A_724 = arith.constant 9 : i32
      %get3A_725 = arith.index_cast %get3A_724 : i32 to index
      %get3A_726 = arith.constant 0 : index
      %get3A_727 = tpu.vector_load %arg35[%get3A_725, %get3A_726] {strides = array<i32>} : memref<16x16xf32, #tpu.memory_space<vmem>>, vector<1x16xf32>,
      %get3A_728 = vector.shape_cast %get3A_727 : vector<1x16xf32> to vector<16xf32>
      %mul3A_729 = arith.mulf %max3A_716, %get3A_728 : vector<16xf32>
      %add3A_730 = arith.addf %add3A_701, %mul3A_729 : vector<16xf32>
      %get3A_731 = arith.constant 10 : i32
      %get3A_732 = arith.index_cast %get3A_731 : i32 to index
      %get3A_733 = arith.constant 0 : index
      %get3A_734 = tpu.vector_load %arg32[%get3A_732, %get3A_733] {strides = array<i32>} : memref<16x16xf32, #tpu.memory_space<vmem>>, vector<1x16xf32>,
      %get3A_735 = vector.shape_cast %get3A_734 : vector<1x16xf32> to vector<16xf32>
      %mul3A_736 = arith.mulf %mul3A_438, %get3A_735 : vector<16xf32>
      %get3A_737 = arith.constant 10 : i32
      %get3A_738 = arith.index_cast %get3A_737 : i32 to index
      %get3A_739 = arith.constant 0 : index
      %get3A_740 = tpu.vector_load %arg33[%get3A_738, %get3A_739] {strides = array<i32>} : memref<16x16xf32, #tpu.memory_space<vmem>>, vector<1x16xf32>,
      %get3A_741 = vector.shape_cast %get3A_740 : vector<1x16xf32> to vector<16xf32>
      %add3A_742 = arith.addf %mul3A_736, %get3A_741 : vector<16xf32>
      %max3A_743 = arith.constant 0.000000e+00 : f32
      %max3A_744 = vector.broadcast %max3A_743 : f32 to vector<16xf32>
      %max3A_745 = arith.maximumf %add3A_742, %max3A_744 : vector<16xf32>
      %get3A_746 = arith.constant 10 : i32
      %get3A_747 = arith.index_cast %get3A_746 : i32 to index
      %get3A_748 = arith.constant 0 : index
      %get3A_749 = tpu.vector_load %arg34[%get3A_747, %get3A_748] {strides = array<i32>} : memref<16x16xf32, #tpu.memory_space<vmem>>, vector<1x16xf32>,
      %get3A_750 = vector.shape_cast %get3A_749 : vector<1x16xf32> to vector<16xf32>
      %mul3A_751 = arith.mulf %max3A_745, %get3A_750 : vector<16xf32>
      %add3A_752 = arith.addf %add3A_723, %mul3A_751 : vector<16xf32>
      %get3A_753 = arith.constant 10 : i32
      %get3A_754 = arith.index_cast %get3A_753 : i32 to index
      %get3A_755 = arith.constant 0 : index
      %get3A_756 = tpu.vector_load %arg35[%get3A_754, %get3A_755] {strides = array<i32>} : memref<16x16xf32, #tpu.memory_space<vmem>>, vector<1x16xf32>,
      %get3A_757 = vector.shape_cast %get3A_756 : vector<1x16xf32> to vector<16xf32>
      %mul3A_758 = arith.mulf %max3A_745, %get3A_757 : vector<16xf32>
      %add3A_759 = arith.addf %add3A_730, %mul3A_758 : vector<16xf32>
      %get3A_760 = arith.constant 11 : i32
      %get3A_761 = arith.index_cast %get3A_760 : i32 to index
      %get3A_762 = arith.constant 0 : index
      %get3A_763 = tpu.vector_load %arg32[%get3A_761, %get3A_762] {strides = array<i32>} : memref<16x16xf32, #tpu.memory_space<vmem>>, vector<1x16xf32>,
      %get3A_764 = vector.shape_cast %get3A_763 : vector<1x16xf32> to vector<16xf32>
      %mul3A_765 = arith.mulf %mul3A_438, %get3A_764 : vector<16xf32>
      %get3A_766 = arith.constant 11 : i32
      %get3A_767 = arith.index_cast %get3A_766 : i32 to index
      %get3A_768 = arith.constant 0 : index
      %get3A_769 = tpu.vector_load %arg33[%get3A_767, %get3A_768] {strides = array<i32>} : memref<16x16xf32, #tpu.memory_space<vmem>>, vector<1x16xf32>,
      %get3A_770 = vector.shape_cast %get3A_769 : vector<1x16xf32> to vector<16xf32>
      %add3A_771 = arith.addf %mul3A_765, %get3A_770 : vector<16xf32>
      %max3A_772 = arith.constant 0.000000e+00 : f32
      %max3A_773 = vector.broadcast %max3A_772 : f32 to vector<16xf32>
      %max3A_774 = arith.maximumf %add3A_771, %max3A_773 : vector<16xf32>
      %get3A_775 = arith.constant 11 : i32
      %get3A_776 = arith.index_cast %get3A_775 : i32 to index
      %get3A_777 = arith.constant 0 : index
      %get3A_778 = tpu.vector_load %arg34[%get3A_776, %get3A_777] {strides = array<i32>} : memref<16x16xf32, #tpu.memory_space<vmem>>, vector<1x16xf32>,
      %get3A_779 = vector.shape_cast %get3A_778 : vector<1x16xf32> to vector<16xf32>
      %mul3A_780 = arith.mulf %max3A_774, %get3A_779 : vector<16xf32>
      %add3A_781 = arith.addf %add3A_752, %mul3A_780 : vector<16xf32>
      %get3A_782 = arith.constant 11 : i32
      %get3A_783 = arith.index_cast %get3A_782 : i32 to index
      %get3A_784 = arith.constant 0 : index
      %get3A_785 = tpu.vector_load %arg35[%get3A_783, %get3A_784] {strides = array<i32>} : memref<16x16xf32, #tpu.memory_space<vmem>>, vector<1x16xf32>,
      %get3A_786 = vector.shape_cast %get3A_785 : vector<1x16xf32> to vector<16xf32>
      %mul3A_787 = arith.mulf %max3A_774, %get3A_786 : vector<16xf32>
      %add3A_788 = arith.addf %add3A_759, %mul3A_787 : vector<16xf32>
      %get3A_789 = arith.constant 12 : i32
      %get3A_790 = arith.index_cast %get3A_789 : i32 to index
      %get3A_791 = arith.constant 0 : index
      %get3A_792 = tpu.vector_load %arg32[%get3A_790, %get3A_791] {strides = array<i32>} : memref<16x16xf32, #tpu.memory_space<vmem>>, vector<1x16xf32>,
      %get3A_793 = vector.shape_cast %get3A_792 : vector<1x16xf32> to vector<16xf32>
      %mul3A_794 = arith.mulf %mul3A_438, %get3A_793 : vector<16xf32>
      %get3A_795 = arith.constant 12 : i32
      %get3A_796 = arith.index_cast %get3A_795 : i32 to index
      %get3A_797 = arith.constant 0 : index
      %get3A_798 = tpu.vector_load %arg33[%get3A_796, %get3A_797] {strides = array<i32>} : memref<16x16xf32, #tpu.memory_space<vmem>>, vector<1x16xf32>,
      %get3A_799 = vector.shape_cast %get3A_798 : vector<1x16xf32> to vector<16xf32>
      %add3A_800 = arith.addf %mul3A_794, %get3A_799 : vector<16xf32>
      %max3A_801 = arith.constant 0.000000e+00 : f32
      %max3A_802 = vector.broadcast %max3A_801 : f32 to vector<16xf32>
      %max3A_803 = arith.maximumf %add3A_800, %max3A_802 : vector<16xf32>
      %get3A_804 = arith.constant 12 : i32
      %get3A_805 = arith.index_cast %get3A_804 : i32 to index
      %get3A_806 = arith.constant 0 : index
      %get3A_807 = tpu.vector_load %arg34[%get3A_805, %get3A_806] {strides = array<i32>} : memref<16x16xf32, #tpu.memory_space<vmem>>, vector<1x16xf32>,
      %get3A_808 = vector.shape_cast %get3A_807 : vector<1x16xf32> to vector<16xf32>
      %mul3A_809 = arith.mulf %max3A_803, %get3A_808 : vector<16xf32>
      %add3A_810 = arith.addf %add3A_781, %mul3A_809 : vector<16xf32>
      %get3A_811 = arith.constant 12 : i32
      %get3A_812 = arith.index_cast %get3A_811 : i32 to index
      %get3A_813 = arith.constant 0 : index
      %get3A_814 = tpu.vector_load %arg35[%get3A_812, %get3A_813] {strides = array<i32>} : memref<16x16xf32, #tpu.memory_space<vmem>>, vector<1x16xf32>,
      %get3A_815 = vector.shape_cast %get3A_814 : vector<1x16xf32> to vector<16xf32>
      %mul3A_816 = arith.mulf %max3A_803, %get3A_815 : vector<16xf32>
      %add3A_817 = arith.addf %add3A_788, %mul3A_816 : vector<16xf32>
      %get3A_818 = arith.constant 13 : i32
      %get3A_819 = arith.index_cast %get3A_818 : i32 to index
      %get3A_820 = arith.constant 0 : index
      %get3A_821 = tpu.vector_load %arg32[%get3A_819, %get3A_820] {strides = array<i32>} : memref<16x16xf32, #tpu.memory_space<vmem>>, vector<1x16xf32>,
      %get3A_822 = vector.shape_cast %get3A_821 : vector<1x16xf32> to vector<16xf32>
      %mul3A_823 = arith.mulf %mul3A_438, %get3A_822 : vector<16xf32>
      %get3A_824 = arith.constant 13 : i32
      %get3A_825 = arith.index_cast %get3A_824 : i32 to index
      %get3A_826 = arith.constant 0 : index
      %get3A_827 = tpu.vector_load %arg33[%get3A_825, %get3A_826] {strides = array<i32>} : memref<16x16xf32, #tpu.memory_space<vmem>>, vector<1x16xf32>,
      %get3A_828 = vector.shape_cast %get3A_827 : vector<1x16xf32> to vector<16xf32>
      %add3A_829 = arith.addf %mul3A_823, %get3A_828 : vector<16xf32>
      %max3A_830 = arith.constant 0.000000e+00 : f32
      %max3A_831 = vector.broadcast %max3A_830 : f32 to vector<16xf32>
      %max3A_832 = arith.maximumf %add3A_829, %max3A_831 : vector<16xf32>
      %get3A_833 = arith.constant 13 : i32
      %get3A_834 = arith.index_cast %get3A_833 : i32 to index
      %get3A_835 = arith.constant 0 : index
      %get3A_836 = tpu.vector_load %arg34[%get3A_834, %get3A_835] {strides = array<i32>} : memref<16x16xf32, #tpu.memory_space<vmem>>, vector<1x16xf32>,
      %get3A_837 = vector.shape_cast %get3A_836 : vector<1x16xf32> to vector<16xf32>
      %mul3A_838 = arith.mulf %max3A_832, %get3A_837 : vector<16xf32>
      %add3A_839 = arith.addf %add3A_810, %mul3A_838 : vector<16xf32>
      %get3A_840 = arith.constant 13 : i32
      %get3A_841 = arith.index_cast %get3A_840 : i32 to index
      %get3A_842 = arith.constant 0 : index
      %get3A_843 = tpu.vector_load %arg35[%get3A_841, %get3A_842] {strides = array<i32>} : memref<16x16xf32, #tpu.memory_space<vmem>>, vector<1x16xf32>,
      %get3A_844 = vector.shape_cast %get3A_843 : vector<1x16xf32> to vector<16xf32>
      %mul3A_845 = arith.mulf %max3A_832, %get3A_844 : vector<16xf32>
      %add3A_846 = arith.addf %add3A_817, %mul3A_845 : vector<16xf32>
      %get3A_847 = arith.constant 14 : i32
      %get3A_848 = arith.index_cast %get3A_847 : i32 to index
      %get3A_849 = arith.constant 0 : index
      %get3A_850 = tpu.vector_load %arg32[%get3A_848, %get3A_849] {strides = array<i32>} : memref<16x16xf32, #tpu.memory_space<vmem>>, vector<1x16xf32>,
      %get3A_851 = vector.shape_cast %get3A_850 : vector<1x16xf32> to vector<16xf32>
      %mul3A_852 = arith.mulf %mul3A_438, %get3A_851 : vector<16xf32>
      %get3A_853 = arith.constant 14 : i32
      %get3A_854 = arith.index_cast %get3A_853 : i32 to index
      %get3A_855 = arith.constant 0 : index
      %get3A_856 = tpu.vector_load %arg33[%get3A_854, %get3A_855] {strides = array<i32>} : memref<16x16xf32, #tpu.memory_space<vmem>>, vector<1x16xf32>,
      %get3A_857 = vector.shape_cast %get3A_856 : vector<1x16xf32> to vector<16xf32>
      %add3A_858 = arith.addf %mul3A_852, %get3A_857 : vector<16xf32>
      %max3A_859 = arith.constant 0.000000e+00 : f32
      %max3A_860 = vector.broadcast %max3A_859 : f32 to vector<16xf32>
      %max3A_861 = arith.maximumf %add3A_858, %max3A_860 : vector<16xf32>
      %get3A_862 = arith.constant 14 : i32
      %get3A_863 = arith.index_cast %get3A_862 : i32 to index
      %get3A_864 = arith.constant 0 : index
      %get3A_865 = tpu.vector_load %arg34[%get3A_863, %get3A_864] {strides = array<i32>} : memref<16x16xf32, #tpu.memory_space<vmem>>, vector<1x16xf32>,
      %get3A_866 = vector.shape_cast %get3A_865 : vector<1x16xf32> to vector<16xf32>
      %mul3A_867 = arith.mulf %max3A_861, %get3A_866 : vector<16xf32>
      %add3A_868 = arith.addf %add3A_839, %mul3A_867 : vector<16xf32>
      %get3A_869 = arith.constant 14 : i32
      %get3A_870 = arith.index_cast %get3A_869 : i32 to index
      %get3A_871 = arith.constant 0 : index
      %get3A_872 = tpu.vector_load %arg35[%get3A_870, %get3A_871] {strides = array<i32>} : memref<16x16xf32, #tpu.memory_space<vmem>>, vector<1x16xf32>,
      %get3A_873 = vector.shape_cast %get3A_872 : vector<1x16xf32> to vector<16xf32>
      %mul3A_874 = arith.mulf %max3A_861, %get3A_873 : vector<16xf32>
      %add3A_875 = arith.addf %add3A_846, %mul3A_874 : vector<16xf32>
      %get3A_876 = arith.constant 15 : i32
      %get3A_877 = arith.index_cast %get3A_876 : i32 to index
      %get3A_878 = arith.constant 0 : index
      %get3A_879 = tpu.vector_load %arg32[%get3A_877, %get3A_878] {strides = array<i32>} : memref<16x16xf32, #tpu.memory_space<vmem>>, vector<1x16xf32>,
      %get3A_880 = vector.shape_cast %get3A_879 : vector<1x16xf32> to vector<16xf32>
      %mul3A_881 = arith.mulf %mul3A_438, %get3A_880 : vector<16xf32>
      %get3A_882 = arith.constant 15 : i32
      %get3A_883 = arith.index_cast %get3A_882 : i32 to index
      %get3A_884 = arith.constant 0 : index
      %get3A_885 = tpu.vector_load %arg33[%get3A_883, %get3A_884] {strides = array<i32>} : memref<16x16xf32, #tpu.memory_space<vmem>>, vector<1x16xf32>,
      %get3A_886 = vector.shape_cast %get3A_885 : vector<1x16xf32> to vector<16xf32>
      %add3A_887 = arith.addf %mul3A_881, %get3A_886 : vector<16xf32>
      %max3A_888 = arith.constant 0.000000e+00 : f32
      %max3A_889 = vector.broadcast %max3A_888 : f32 to vector<16xf32>
      %max3A_890 = arith.maximumf %add3A_887, %max3A_889 : vector<16xf32>
      %get3A_891 = arith.constant 15 : i32
      %get3A_892 = arith.index_cast %get3A_891 : i32 to index
      %get3A_893 = arith.constant 0 : index
      %get3A_894 = tpu.vector_load %arg34[%get3A_892, %get3A_893] {strides = array<i32>} : memref<16x16xf32, #tpu.memory_space<vmem>>, vector<1x16xf32>,
      %get3A_895 = vector.shape_cast %get3A_894 : vector<1x16xf32> to vector<16xf32>
      %mul3A_896 = arith.mulf %max3A_890, %get3A_895 : vector<16xf32>
      %add3A_897 = arith.addf %add3A_868, %mul3A_896 : vector<16xf32>
      %get3A_898 = arith.constant 15 : i32
      %get3A_899 = arith.index_cast %get3A_898 : i32 to index
      %get3A_900 = arith.constant 0 : index
      %get3A_901 = tpu.vector_load %arg35[%get3A_899, %get3A_900] {strides = array<i32>} : memref<16x16xf32, #tpu.memory_space<vmem>>, vector<1x16xf32>,
      %get3A_902 = vector.shape_cast %get3A_901 : vector<1x16xf32> to vector<16xf32>
      %mul3A_903 = arith.mulf %max3A_890, %get3A_902 : vector<16xf32>
      %add3A_904 = arith.addf %add3A_875, %mul3A_903 : vector<16xf32>
      %mul3A_905 = arith.mulf %add3A_897, %get3A_426 : vector<16xf32>
      %swap3A = arith.index_cast %mul3A_424 : i32 to index
      %swap3A_906 = tpu.vector_load %arg41[%swap3A] {strides = array<i32>} : memref<6400xf32, #tpu.memory_space<vmem>>, vector<16xf32>,
      %swap3A_907 = vector.shape_cast %swap3A_906 : vector<16xf32> to vector<16xf32>
      %swap3A_908 = vector.shape_cast %mul3A_905 : vector<16xf32> to vector<16xf32>
      tpu.vector_store %arg41[%swap3A], %swap3A_908 {strides = array<i32>} : memref<6400xf32, #tpu.memory_space<vmem>>, vector<16xf32>,
      %mul3A_909 = arith.mulf %add3A_904, %get3A_426 : vector<16xf32>
      %swap3A_910 = arith.index_cast %mul3A_424 : i32 to index
      %swap3A_911 = tpu.vector_load %arg42[%swap3A_910] {strides = array<i32>} : memref<6400xf32, #tpu.memory_space<vmem>>, vector<16xf32>,
      %swap3A_912 = vector.shape_cast %swap3A_911 : vector<16xf32> to vector<16xf32>
      %swap3A_913 = vector.shape_cast %mul3A_909 : vector<16xf32> to vector<16xf32>
      tpu.vector_store %arg42[%swap3A_910], %swap3A_913 {strides = array<i32>} : memref<6400xf32, #tpu.memory_space<vmem>>, vector<16xf32>,
      %scan3A_914 = arith.constant 0 : i32
      scf.yield %scan3A_914 : i32
    }
    %scan3A_8 = arith.constant 400 : i32
    "tpu.region"() ({
      %run_scoped3A = tpu.sem_alloc : memref<!tpu.dma_semaphore, #tpu.memory_space<semaphore_mem>>
      %dma_start3A_421 = tpu.memref_slice %arg18[%mul3A_2] : memref<102400xf32, #tpu.memory_space<vmem_shared>> -> memref<6400xf32, #tpu.memory_space<vmem_shared>>
      %dma_start3A_422 = tpu.memref_slice %arg18[%mul3A_2] : memref<102400xf32, #tpu.memory_space<vmem_shared>> -> memref<6400xf32, #tpu.memory_space<vmem_shared>>
      tpu.enqueue_dma source(%arg41 : memref<6400xf32, #tpu.memory_space<vmem>>) target(%dma_start3A_422 : memref<6400xf32, #tpu.memory_space<vmem_shared>>) target_semaphore(%run_scoped3A : memref<!tpu.dma_semaphore, #tpu.memory_space<semaphore_mem>>)
      %dma_wait3A_423 = tpu.memref_slice %arg18[%mul3A_2] : memref<102400xf32, #tpu.memory_space<vmem_shared>> -> memref<6400xf32, #tpu.memory_space<vmem_shared>>
      %dma_wait3A_424 = tpu.memref_slice %arg18[%mul3A_2] : memref<102400xf32, #tpu.memory_space<vmem_shared>> -> memref<6400xf32, #tpu.memory_space<vmem_shared>>
      tpu.wait_dma2 semaphore(%run_scoped3A : memref<!tpu.dma_semaphore, #tpu.memory_space<semaphore_mem>>) src(%arg41 : memref<6400xf32, #tpu.memory_space<vmem>>) dst(%dma_wait3A_424 : memref<6400xf32, #tpu.memory_space<vmem_shared>>)
      tpu.yield
    }) : () -> ()
    "tpu.region"() ({
      %run_scoped3A = tpu.sem_alloc : memref<!tpu.dma_semaphore, #tpu.memory_space<semaphore_mem>>
      %dma_start3A_421 = tpu.memref_slice %arg19[%mul3A_2] : memref<102400xf32, #tpu.memory_space<vmem_shared>> -> memref<6400xf32, #tpu.memory_space<vmem_shared>>
      %dma_start3A_422 = tpu.memref_slice %arg19[%mul3A_2] : memref<102400xf32, #tpu.memory_space<vmem_shared>> -> memref<6400xf32, #tpu.memory_space<vmem_shared>>
      tpu.enqueue_dma source(%arg42 : memref<6400xf32, #tpu.memory_space<vmem>>) target(%dma_start3A_422 : memref<6400xf32, #tpu.memory_space<vmem_shared>>) target_semaphore(%run_scoped3A : memref<!tpu.dma_semaphore, #tpu.memory_space<semaphore_mem>>)
      %dma_wait3A_423 = tpu.memref_slice %arg19[%mul3A_2] : memref<102400xf32, #tpu.memory_space<vmem_shared>> -> memref<6400xf32, #tpu.memory_space<vmem_shared>>
      %dma_wait3A_424 = tpu.memref_slice %arg19[%mul3A_2] : memref<102400xf32, #tpu.memory_space<vmem_shared>> -> memref<6400xf32, #tpu.memory_space<vmem_shared>>
      tpu.wait_dma2 semaphore(%run_scoped3A : memref<!tpu.dma_semaphore, #tpu.memory_space<semaphore_mem>>) src(%arg42 : memref<6400xf32, #tpu.memory_space<vmem>>) dst(%dma_wait3A_424 : memref<6400xf32, #tpu.memory_space<vmem_shared>>)
      tpu.yield
    }) : () -> ()
    %scan3A_9 = arith.constant 0 : i32
    %scan3A_10 = arith.constant 0 : i32
    %scan3A_11 = arith.constant 200 : i32
    %scan3A_12 = arith.addi %scan3A_10, %scan3A_11 : i32
    %scan3A_13 = arith.constant 1 : i32
    %scan3A_14 = scf.for %scan3A_421 = %scan3A_10 to %scan3A_12 step %scan3A_13 iter_args(%scan3A_422 = %scan3A_9) -> (i32)  : i32 {
      %broadcast_in_dim3A = arith.constant 0.000000e+00 : f32
      %broadcast_in_dim3A_423 = vector.broadcast %broadcast_in_dim3A : f32 to vector<16xf32>
      %mul3A_424 = arith.constant 16 : i32
      %mul3A_425 = arith.muli %scan3A_421, %mul3A_424 : i32
      %swap3A = arith.index_cast %mul3A_425 : i32 to index
      %swap3A_426 = tpu.vector_load %arg36[%swap3A] {strides = array<i32>} : memref<3200xf32, #tpu.memory_space<vmem>>, vector<16xf32>,
      %swap3A_427 = vector.shape_cast %swap3A_426 : vector<16xf32> to vector<16xf32>
      %swap3A_428 = vector.shape_cast %broadcast_in_dim3A_423 : vector<16xf32> to vector<16xf32>
      tpu.vector_store %arg36[%swap3A], %swap3A_428 {strides = array<i32>} : memref<3200xf32, #tpu.memory_space<vmem>>, vector<16xf32>,
      %scan3A_429 = arith.constant 0 : i32
      scf.yield %scan3A_429 : i32
    }
    %scan3A_15 = arith.constant 200 : i32
    "tpu.region"() ({
      %run_scoped3A = tpu.sem_alloc : memref<!tpu.dma_semaphore, #tpu.memory_space<semaphore_mem>>
      %dma_start3A_421 = tpu.memref_slice %arg20[%mul3A_2] : memref<102400xf32, #tpu.memory_space<vmem_shared>> -> memref<3200xf32, #tpu.memory_space<vmem_shared>>
      %dma_start3A_422 = tpu.memref_slice %arg20[%mul3A_2] : memref<102400xf32, #tpu.memory_space<vmem_shared>> -> memref<3200xf32, #tpu.memory_space<vmem_shared>>
      tpu.enqueue_dma source(%arg36 : memref<3200xf32, #tpu.memory_space<vmem>>) target(%dma_start3A_422 : memref<3200xf32, #tpu.memory_space<vmem_shared>>) target_semaphore(%run_scoped3A : memref<!tpu.dma_semaphore, #tpu.memory_space<semaphore_mem>>)
      %dma_wait3A_423 = tpu.memref_slice %arg20[%mul3A_2] : memref<102400xf32, #tpu.memory_space<vmem_shared>> -> memref<3200xf32, #tpu.memory_space<vmem_shared>>
      %dma_wait3A_424 = tpu.memref_slice %arg20[%mul3A_2] : memref<102400xf32, #tpu.memory_space<vmem_shared>> -> memref<3200xf32, #tpu.memory_space<vmem_shared>>
      tpu.wait_dma2 semaphore(%run_scoped3A : memref<!tpu.dma_semaphore, #tpu.memory_space<semaphore_mem>>) src(%arg36 : memref<3200xf32, #tpu.memory_space<vmem>>) dst(%dma_wait3A_424 : memref<3200xf32, #tpu.memory_space<vmem_shared>>)
      tpu.yield
    }) : () -> ()
    %add3A_16 = arith.constant 3200 : i32
    %add3A_17 = arith.addi %mul3A_2, %add3A_16 : i32
    "tpu.region"() ({
      %run_scoped3A = tpu.sem_alloc : memref<!tpu.dma_semaphore, #tpu.memory_space<semaphore_mem>>
      %dma_start3A_421 = tpu.memref_slice %arg20[%add3A_17] : memref<102400xf32, #tpu.memory_space<vmem_shared>> -> memref<3200xf32, #tpu.memory_space<vmem_shared>>
      %dma_start3A_422 = tpu.memref_slice %arg20[%add3A_17] : memref<102400xf32, #tpu.memory_space<vmem_shared>> -> memref<3200xf32, #tpu.memory_space<vmem_shared>>
      tpu.enqueue_dma source(%arg36 : memref<3200xf32, #tpu.memory_space<vmem>>) target(%dma_start3A_422 : memref<3200xf32, #tpu.memory_space<vmem_shared>>) target_semaphore(%run_scoped3A : memref<!tpu.dma_semaphore, #tpu.memory_space<semaphore_mem>>)
      %dma_wait3A_423 = tpu.memref_slice %arg20[%add3A_17] : memref<102400xf32, #tpu.memory_space<vmem_shared>> -> memref<3200xf32, #tpu.memory_space<vmem_shared>>
      %dma_wait3A_424 = tpu.memref_slice %arg20[%add3A_17] : memref<102400xf32, #tpu.memory_space<vmem_shared>> -> memref<3200xf32, #tpu.memory_space<vmem_shared>>
      tpu.wait_dma2 semaphore(%run_scoped3A : memref<!tpu.dma_semaphore, #tpu.memory_space<semaphore_mem>>) src(%arg36 : memref<3200xf32, #tpu.memory_space<vmem>>) dst(%dma_wait3A_424 : memref<3200xf32, #tpu.memory_space<vmem_shared>>)
      tpu.yield
    }) : () -> ()
    "tpu.region"() ({
      %run_scoped3A = tpu.sem_alloc : memref<!tpu.dma_semaphore, #tpu.memory_space<semaphore_mem>>
      %dma_start3A_421 = tpu.memref_slice %arg21[%mul3A_2] : memref<102400xf32, #tpu.memory_space<vmem_shared>> -> memref<3200xf32, #tpu.memory_space<vmem_shared>>
      %dma_start3A_422 = tpu.memref_slice %arg21[%mul3A_2] : memref<102400xf32, #tpu.memory_space<vmem_shared>> -> memref<3200xf32, #tpu.memory_space<vmem_shared>>
      tpu.enqueue_dma source(%arg36 : memref<3200xf32, #tpu.memory_space<vmem>>) target(%dma_start3A_422 : memref<3200xf32, #tpu.memory_space<vmem_shared>>) target_semaphore(%run_scoped3A : memref<!tpu.dma_semaphore, #tpu.memory_space<semaphore_mem>>)
      %dma_wait3A_423 = tpu.memref_slice %arg21[%mul3A_2] : memref<102400xf32, #tpu.memory_space<vmem_shared>> -> memref<3200xf32, #tpu.memory_space<vmem_shared>>
      %dma_wait3A_424 = tpu.memref_slice %arg21[%mul3A_2] : memref<102400xf32, #tpu.memory_space<vmem_shared>> -> memref<3200xf32, #tpu.memory_space<vmem_shared>>
      tpu.wait_dma2 semaphore(%run_scoped3A : memref<!tpu.dma_semaphore, #tpu.memory_space<semaphore_mem>>) src(%arg36 : memref<3200xf32, #tpu.memory_space<vmem>>) dst(%dma_wait3A_424 : memref<3200xf32, #tpu.memory_space<vmem_shared>>)
      tpu.yield
    }) : () -> ()
    %add3A_18 = arith.constant 3200 : i32
    %add3A_19 = arith.addi %mul3A_2, %add3A_18 : i32
    "tpu.region"() ({
      %run_scoped3A = tpu.sem_alloc : memref<!tpu.dma_semaphore, #tpu.memory_space<semaphore_mem>>
      %dma_start3A_421 = tpu.memref_slice %arg21[%add3A_19] : memref<102400xf32, #tpu.memory_space<vmem_shared>> -> memref<3200xf32, #tpu.memory_space<vmem_shared>>
      %dma_start3A_422 = tpu.memref_slice %arg21[%add3A_19] : memref<102400xf32, #tpu.memory_space<vmem_shared>> -> memref<3200xf32, #tpu.memory_space<vmem_shared>>
      tpu.enqueue_dma source(%arg36 : memref<3200xf32, #tpu.memory_space<vmem>>) target(%dma_start3A_422 : memref<3200xf32, #tpu.memory_space<vmem_shared>>) target_semaphore(%run_scoped3A : memref<!tpu.dma_semaphore, #tpu.memory_space<semaphore_mem>>)
      %dma_wait3A_423 = tpu.memref_slice %arg21[%add3A_19] : memref<102400xf32, #tpu.memory_space<vmem_shared>> -> memref<3200xf32, #tpu.memory_space<vmem_shared>>
      %dma_wait3A_424 = tpu.memref_slice %arg21[%add3A_19] : memref<102400xf32, #tpu.memory_space<vmem_shared>> -> memref<3200xf32, #tpu.memory_space<vmem_shared>>
      tpu.wait_dma2 semaphore(%run_scoped3A : memref<!tpu.dma_semaphore, #tpu.memory_space<semaphore_mem>>) src(%arg36 : memref<3200xf32, #tpu.memory_space<vmem>>) dst(%dma_wait3A_424 : memref<3200xf32, #tpu.memory_space<vmem_shared>>)
      tpu.yield
    }) : () -> ()
    %eq3A = arith.constant 0 : i32
    %eq3A_20 = arith.cmpi eq, %arg0, %eq3A : i32
    %convert_element_type3A = arith.extui %eq3A_20 : i1 to i32
    %cond3A = arith.constant 0 : i32
    %cond3A_21 = arith.cmpi ne, %convert_element_type3A, %cond3A : i32
    scf.if %cond3A_21 {
      "tpu.region"() ({
        %run_scoped3A = tpu.sem_alloc : memref<!tpu.dma_semaphore, #tpu.memory_space<semaphore_mem>>
        %dma_start3A_421 = tpu.memref_slice %arg16[%mul3A_2] : memref<102400xf32, #tpu.memory_space<hbm>> -> memref<6400xf32, #tpu.memory_space<hbm>>
        %dma_start3A_422 = tpu.memref_slice %arg16[%mul3A_2] : memref<102400xf32, #tpu.memory_space<hbm>> -> memref<6400xf32, #tpu.memory_space<hbm>>
        tpu.enqueue_dma source(%arg41 : memref<6400xf32, #tpu.memory_space<vmem>>) target(%dma_start3A_422 : memref<6400xf32, #tpu.memory_space<hbm>>) target_semaphore(%run_scoped3A : memref<!tpu.dma_semaphore, #tpu.memory_space<semaphore_mem>>)
        %dma_wait3A_423 = tpu.memref_slice %arg16[%mul3A_2] : memref<102400xf32, #tpu.memory_space<hbm>> -> memref<6400xf32, #tpu.memory_space<hbm>>
        %dma_wait3A_424 = tpu.memref_slice %arg16[%mul3A_2] : memref<102400xf32, #tpu.memory_space<hbm>> -> memref<6400xf32, #tpu.memory_space<hbm>>
        tpu.wait_dma2 semaphore(%run_scoped3A : memref<!tpu.dma_semaphore, #tpu.memory_space<semaphore_mem>>) src(%arg41 : memref<6400xf32, #tpu.memory_space<vmem>>) dst(%dma_wait3A_424 : memref<6400xf32, #tpu.memory_space<hbm>>)
        tpu.yield
      }) : () -> ()
      "tpu.region"() ({
        %run_scoped3A = tpu.sem_alloc : memref<!tpu.dma_semaphore, #tpu.memory_space<semaphore_mem>>
        %dma_start3A_421 = tpu.memref_slice %arg17[%mul3A_2] : memref<102400xf32, #tpu.memory_space<hbm>> -> memref<6400xf32, #tpu.memory_space<hbm>>
        %dma_start3A_422 = tpu.memref_slice %arg17[%mul3A_2] : memref<102400xf32, #tpu.memory_space<hbm>> -> memref<6400xf32, #tpu.memory_space<hbm>>
        tpu.enqueue_dma source(%arg42 : memref<6400xf32, #tpu.memory_space<vmem>>) target(%dma_start3A_422 : memref<6400xf32, #tpu.memory_space<hbm>>) target_semaphore(%run_scoped3A : memref<!tpu.dma_semaphore, #tpu.memory_space<semaphore_mem>>)
        %dma_wait3A_423 = tpu.memref_slice %arg17[%mul3A_2] : memref<102400xf32, #tpu.memory_space<hbm>> -> memref<6400xf32, #tpu.memory_space<hbm>>
        %dma_wait3A_424 = tpu.memref_slice %arg17[%mul3A_2] : memref<102400xf32, #tpu.memory_space<hbm>> -> memref<6400xf32, #tpu.memory_space<hbm>>
        tpu.wait_dma2 semaphore(%run_scoped3A : memref<!tpu.dma_semaphore, #tpu.memory_space<semaphore_mem>>) src(%arg42 : memref<6400xf32, #tpu.memory_space<vmem>>) dst(%dma_wait3A_424 : memref<6400xf32, #tpu.memory_space<hbm>>)
        tpu.yield
      }) : () -> ()
    } else {
    }
    %barrier3A = arith.constant 0 : index
    tpu.barrier barrier_id(%barrier3A)
    %mul3A_22 = arith.constant 50176 : i32
    %mul3A_23 = arith.muli %add3A, %mul3A_22 : i32
    %dma_start3A = tpu.memref_slice %arg2[%mul3A_23] : memref<1605632xi32, #tpu.memory_space<hbm>> -> memref<3584xi32, #tpu.memory_space<hbm>>
    %dma_start3A_24 = tpu.memref_slice %arg2[%mul3A_23] : memref<1605632xi32, #tpu.memory_space<hbm>> -> memref<3584xi32, #tpu.memory_space<hbm>>
    tpu.enqueue_dma source(%dma_start3A_24 : memref<3584xi32, #tpu.memory_space<hbm>>) target(%arg22 : memref<3584xi32, #tpu.memory_space<vmem>>) target_semaphore(%arg43 : memref<!tpu.dma_semaphore, #tpu.memory_space<semaphore_mem>>)
    %dma_start3A_25 = tpu.memref_slice %arg3[%mul3A_23] : memref<1605632xi32, #tpu.memory_space<hbm>> -> memref<3584xi32, #tpu.memory_space<hbm>>
    %dma_start3A_26 = tpu.memref_slice %arg3[%mul3A_23] : memref<1605632xi32, #tpu.memory_space<hbm>> -> memref<3584xi32, #tpu.memory_space<hbm>>
    tpu.enqueue_dma source(%dma_start3A_26 : memref<3584xi32, #tpu.memory_space<hbm>>) target(%arg25 : memref<3584xi32, #tpu.memory_space<vmem>>) target_semaphore(%arg44 : memref<!tpu.dma_semaphore, #tpu.memory_space<semaphore_mem>>)
    %dma_wait3A = tpu.memref_slice %arg2[%mul3A_23] : memref<1605632xi32, #tpu.memory_space<hbm>> -> memref<3584xi32, #tpu.memory_space<hbm>>
    %dma_wait3A_27 = tpu.memref_slice %arg2[%mul3A_23] : memref<1605632xi32, #tpu.memory_space<hbm>> -> memref<3584xi32, #tpu.memory_space<hbm>>
    tpu.wait_dma2 semaphore(%arg43 : memref<!tpu.dma_semaphore, #tpu.memory_space<semaphore_mem>>) src(%dma_wait3A_27 : memref<3584xi32, #tpu.memory_space<hbm>>) dst(%arg22 : memref<3584xi32, #tpu.memory_space<vmem>>)
    %dma_wait3A_28 = tpu.memref_slice %arg3[%mul3A_23] : memref<1605632xi32, #tpu.memory_space<hbm>> -> memref<3584xi32, #tpu.memory_space<hbm>>
    %dma_wait3A_29 = tpu.memref_slice %arg3[%mul3A_23] : memref<1605632xi32, #tpu.memory_space<hbm>> -> memref<3584xi32, #tpu.memory_space<hbm>>
    tpu.wait_dma2 semaphore(%arg44 : memref<!tpu.dma_semaphore, #tpu.memory_space<semaphore_mem>>) src(%dma_wait3A_29 : memref<3584xi32, #tpu.memory_space<hbm>>) dst(%arg25 : memref<3584xi32, #tpu.memory_space<vmem>>)
    %add3A_30 = arith.constant 3584 : i32
    %add3A_31 = arith.addi %mul3A_23, %add3A_30 : i32
    %dma_start3A_32 = tpu.memref_slice %arg2[%add3A_31] : memref<1605632xi32, #tpu.memory_space<hbm>> -> memref<3584xi32, #tpu.memory_space<hbm>>
    %dma_start3A_33 = tpu.memref_slice %arg2[%add3A_31] : memref<1605632xi32, #tpu.memory_space<hbm>> -> memref<3584xi32, #tpu.memory_space<hbm>>
    tpu.enqueue_dma source(%dma_start3A_33 : memref<3584xi32, #tpu.memory_space<hbm>>) target(%arg23 : memref<3584xi32, #tpu.memory_space<vmem>>) target_semaphore(%arg43 : memref<!tpu.dma_semaphore, #tpu.memory_space<semaphore_mem>>)
    %add3A_34 = arith.constant 3584 : i32
    %add3A_35 = arith.addi %mul3A_23, %add3A_34 : i32
    %dma_start3A_36 = tpu.memref_slice %arg3[%add3A_35] : memref<1605632xi32, #tpu.memory_space<hbm>> -> memref<3584xi32, #tpu.memory_space<hbm>>
    %dma_start3A_37 = tpu.memref_slice %arg3[%add3A_35] : memref<1605632xi32, #tpu.memory_space<hbm>> -> memref<3584xi32, #tpu.memory_space<hbm>>
    tpu.enqueue_dma source(%dma_start3A_37 : memref<3584xi32, #tpu.memory_space<hbm>>) target(%arg26 : memref<3584xi32, #tpu.memory_space<vmem>>) target_semaphore(%arg44 : memref<!tpu.dma_semaphore, #tpu.memory_space<semaphore_mem>>)
    %dma_start3A_38 = arith.constant 0 : i32
    %dma_start3A_39 = tpu.memref_slice %arg18[%dma_start3A_38] : memref<102400xf32, #tpu.memory_space<vmem_shared>> -> memref<102400xf32, #tpu.memory_space<vmem_shared>>
    tpu.enqueue_indirect_dma source(%dma_start3A_39 : memref<102400xf32, #tpu.memory_space<vmem_shared>>) target(%arg28 : memref<3584xf32, #tpu.memory_space<vmem>>) offsets(%arg22 : memref<3584xi32, #tpu.memory_space<vmem>>) semaphore(%arg45 : memref<!tpu.dma_semaphore, #tpu.memory_space<semaphore_mem>>)
    %dma_start3A_40 = arith.constant 0 : i32
    %dma_start3A_41 = tpu.memref_slice %arg19[%dma_start3A_40] : memref<102400xf32, #tpu.memory_space<vmem_shared>> -> memref<102400xf32, #tpu.memory_space<vmem_shared>>
    tpu.enqueue_indirect_dma source(%dma_start3A_41 : memref<102400xf32, #tpu.memory_space<vmem_shared>>) target(%arg30 : memref<3584xf32, #tpu.memory_space<vmem>>) offsets(%arg22 : memref<3584xi32, #tpu.memory_space<vmem>>) semaphore(%arg46 : memref<!tpu.dma_semaphore, #tpu.memory_space<semaphore_mem>>)
    %dma_wait3A_42 = arith.constant 0 : i32
    %dma_wait3A_43 = tpu.memref_slice %arg18[%dma_wait3A_42] : memref<102400xf32, #tpu.memory_space<vmem_shared>> -> memref<102400xf32, #tpu.memory_space<vmem_shared>>
    tpu.wait_indirect_dma semaphore(%arg45 : memref<!tpu.dma_semaphore, #tpu.memory_space<semaphore_mem>>) src(%dma_wait3A_43 : memref<102400xf32, #tpu.memory_space<vmem_shared>>) dst(%arg28 : memref<3584xf32, #tpu.memory_space<vmem>>)
    %dma_start3A_44 = arith.constant 0 : i32
    %dma_start3A_45 = tpu.memref_slice %arg20[%dma_start3A_44] : memref<102400xf32, #tpu.memory_space<vmem_shared>> -> memref<102400xf32, #tpu.memory_space<vmem_shared>>
    tpu.enqueue_indirect_dma source(%arg28 : memref<3584xf32, #tpu.memory_space<vmem>>) target(%dma_start3A_45 : memref<102400xf32, #tpu.memory_space<vmem_shared>>) offsets(%arg25 : memref<3584xi32, #tpu.memory_space<vmem>>) semaphore(%arg47 : memref<!tpu.dma_semaphore, #tpu.memory_space<semaphore_mem>>) {add = true}
    %dma_wait3A_46 = arith.constant 0 : i32
    %dma_wait3A_47 = tpu.memref_slice %arg19[%dma_wait3A_46] : memref<102400xf32, #tpu.memory_space<vmem_shared>> -> memref<102400xf32, #tpu.memory_space<vmem_shared>>
    tpu.wait_indirect_dma semaphore(%arg46 : memref<!tpu.dma_semaphore, #tpu.memory_space<semaphore_mem>>) src(%dma_wait3A_47 : memref<102400xf32, #tpu.memory_space<vmem_shared>>) dst(%arg30 : memref<3584xf32, #tpu.memory_space<vmem>>)
    %dma_start3A_48 = arith.constant 0 : i32
    %dma_start3A_49 = tpu.memref_slice %arg21[%dma_start3A_48] : memref<102400xf32, #tpu.memory_space<vmem_shared>> -> memref<102400xf32, #tpu.memory_space<vmem_shared>>
    tpu.enqueue_indirect_dma source(%arg30 : memref<3584xf32, #tpu.memory_space<vmem>>) target(%dma_start3A_49 : memref<102400xf32, #tpu.memory_space<vmem_shared>>) offsets(%arg25 : memref<3584xi32, #tpu.memory_space<vmem>>) semaphore(%arg50 : memref<!tpu.dma_semaphore, #tpu.memory_space<semaphore_mem>>) {add = true}
    %dma_wait3A_50 = tpu.memref_slice %arg2[%add3A_31] : memref<1605632xi32, #tpu.memory_space<hbm>> -> memref<3584xi32, #tpu.memory_space<hbm>>
    %dma_wait3A_51 = tpu.memref_slice %arg2[%add3A_31] : memref<1605632xi32, #tpu.memory_space<hbm>> -> memref<3584xi32, #tpu.memory_space<hbm>>
    tpu.wait_dma2 semaphore(%arg43 : memref<!tpu.dma_semaphore, #tpu.memory_space<semaphore_mem>>) src(%dma_wait3A_51 : memref<3584xi32, #tpu.memory_space<hbm>>) dst(%arg23 : memref<3584xi32, #tpu.memory_space<vmem>>)
    %dma_wait3A_52 = tpu.memref_slice %arg3[%add3A_35] : memref<1605632xi32, #tpu.memory_space<hbm>> -> memref<3584xi32, #tpu.memory_space<hbm>>
    %dma_wait3A_53 = tpu.memref_slice %arg3[%add3A_35] : memref<1605632xi32, #tpu.memory_space<hbm>> -> memref<3584xi32, #tpu.memory_space<hbm>>
    tpu.wait_dma2 semaphore(%arg44 : memref<!tpu.dma_semaphore, #tpu.memory_space<semaphore_mem>>) src(%dma_wait3A_53 : memref<3584xi32, #tpu.memory_space<hbm>>) dst(%arg26 : memref<3584xi32, #tpu.memory_space<vmem>>)
    %add3A_54 = arith.constant 7168 : i32
    %add3A_55 = arith.addi %mul3A_23, %add3A_54 : i32
    %dma_start3A_56 = tpu.memref_slice %arg2[%add3A_55] : memref<1605632xi32, #tpu.memory_space<hbm>> -> memref<3584xi32, #tpu.memory_space<hbm>>
    %dma_start3A_57 = tpu.memref_slice %arg2[%add3A_55] : memref<1605632xi32, #tpu.memory_space<hbm>> -> memref<3584xi32, #tpu.memory_space<hbm>>
    tpu.enqueue_dma source(%dma_start3A_57 : memref<3584xi32, #tpu.memory_space<hbm>>) target(%arg24 : memref<3584xi32, #tpu.memory_space<vmem>>) target_semaphore(%arg43 : memref<!tpu.dma_semaphore, #tpu.memory_space<semaphore_mem>>)
    %add3A_58 = arith.constant 7168 : i32
    %add3A_59 = arith.addi %mul3A_23, %add3A_58 : i32
    %dma_start3A_60 = tpu.memref_slice %arg3[%add3A_59] : memref<1605632xi32, #tpu.memory_space<hbm>> -> memref<3584xi32, #tpu.memory_space<hbm>>
    %dma_start3A_61 = tpu.memref_slice %arg3[%add3A_59] : memref<1605632xi32, #tpu.memory_space<hbm>> -> memref<3584xi32, #tpu.memory_space<hbm>>
    tpu.enqueue_dma source(%dma_start3A_61 : memref<3584xi32, #tpu.memory_space<hbm>>) target(%arg27 : memref<3584xi32, #tpu.memory_space<vmem>>) target_semaphore(%arg44 : memref<!tpu.dma_semaphore, #tpu.memory_space<semaphore_mem>>)
    %dma_start3A_62 = arith.constant 0 : i32
    %dma_start3A_63 = tpu.memref_slice %arg18[%dma_start3A_62] : memref<102400xf32, #tpu.memory_space<vmem_shared>> -> memref<102400xf32, #tpu.memory_space<vmem_shared>>
    tpu.enqueue_indirect_dma source(%dma_start3A_63 : memref<102400xf32, #tpu.memory_space<vmem_shared>>) target(%arg29 : memref<3584xf32, #tpu.memory_space<vmem>>) offsets(%arg23 : memref<3584xi32, #tpu.memory_space<vmem>>) semaphore(%arg45 : memref<!tpu.dma_semaphore, #tpu.memory_space<semaphore_mem>>)
    %dma_start3A_64 = arith.constant 0 : i32
    %dma_start3A_65 = tpu.memref_slice %arg19[%dma_start3A_64] : memref<102400xf32, #tpu.memory_space<vmem_shared>> -> memref<102400xf32, #tpu.memory_space<vmem_shared>>
    tpu.enqueue_indirect_dma source(%dma_start3A_65 : memref<102400xf32, #tpu.memory_space<vmem_shared>>) target(%arg31 : memref<3584xf32, #tpu.memory_space<vmem>>) offsets(%arg23 : memref<3584xi32, #tpu.memory_space<vmem>>) semaphore(%arg46 : memref<!tpu.dma_semaphore, #tpu.memory_space<semaphore_mem>>)
    %dma_wait3A_66 = arith.constant 0 : i32
    %dma_wait3A_67 = tpu.memref_slice %arg18[%dma_wait3A_66] : memref<102400xf32, #tpu.memory_space<vmem_shared>> -> memref<102400xf32, #tpu.memory_space<vmem_shared>>
    tpu.wait_indirect_dma semaphore(%arg45 : memref<!tpu.dma_semaphore, #tpu.memory_space<semaphore_mem>>) src(%dma_wait3A_67 : memref<102400xf32, #tpu.memory_space<vmem_shared>>) dst(%arg29 : memref<3584xf32, #tpu.memory_space<vmem>>)
    %dma_start3A_68 = arith.constant 0 : i32
    %dma_start3A_69 = tpu.memref_slice %arg20[%dma_start3A_68] : memref<102400xf32, #tpu.memory_space<vmem_shared>> -> memref<102400xf32, #tpu.memory_space<vmem_shared>>
    tpu.enqueue_indirect_dma source(%arg29 : memref<3584xf32, #tpu.memory_space<vmem>>) target(%dma_start3A_69 : memref<102400xf32, #tpu.memory_space<vmem_shared>>) offsets(%arg26 : memref<3584xi32, #tpu.memory_space<vmem>>) semaphore(%arg48 : memref<!tpu.dma_semaphore, #tpu.memory_space<semaphore_mem>>) {add = true}
    %dma_wait3A_70 = arith.constant 0 : i32
    %dma_wait3A_71 = tpu.memref_slice %arg19[%dma_wait3A_70] : memref<102400xf32, #tpu.memory_space<vmem_shared>> -> memref<102400xf32, #tpu.memory_space<vmem_shared>>
    tpu.wait_indirect_dma semaphore(%arg46 : memref<!tpu.dma_semaphore, #tpu.memory_space<semaphore_mem>>) src(%dma_wait3A_71 : memref<102400xf32, #tpu.memory_space<vmem_shared>>) dst(%arg31 : memref<3584xf32, #tpu.memory_space<vmem>>)
    %dma_start3A_72 = arith.constant 0 : i32
    %dma_start3A_73 = tpu.memref_slice %arg21[%dma_start3A_72] : memref<102400xf32, #tpu.memory_space<vmem_shared>> -> memref<102400xf32, #tpu.memory_space<vmem_shared>>
    tpu.enqueue_indirect_dma source(%arg31 : memref<3584xf32, #tpu.memory_space<vmem>>) target(%dma_start3A_73 : memref<102400xf32, #tpu.memory_space<vmem_shared>>) offsets(%arg26 : memref<3584xi32, #tpu.memory_space<vmem>>) semaphore(%arg51 : memref<!tpu.dma_semaphore, #tpu.memory_space<semaphore_mem>>) {add = true}
    %dma_wait3A_74 = tpu.memref_slice %arg2[%add3A_55] : memref<1605632xi32, #tpu.memory_space<hbm>> -> memref<3584xi32, #tpu.memory_space<hbm>>
    %dma_wait3A_75 = tpu.memref_slice %arg2[%add3A_55] : memref<1605632xi32, #tpu.memory_space<hbm>> -> memref<3584xi32, #tpu.memory_space<hbm>>
    tpu.wait_dma2 semaphore(%arg43 : memref<!tpu.dma_semaphore, #tpu.memory_space<semaphore_mem>>) src(%dma_wait3A_75 : memref<3584xi32, #tpu.memory_space<hbm>>) dst(%arg24 : memref<3584xi32, #tpu.memory_space<vmem>>)
    %dma_wait3A_76 = tpu.memref_slice %arg3[%add3A_59] : memref<1605632xi32, #tpu.memory_space<hbm>> -> memref<3584xi32, #tpu.memory_space<hbm>>
    %dma_wait3A_77 = tpu.memref_slice %arg3[%add3A_59] : memref<1605632xi32, #tpu.memory_space<hbm>> -> memref<3584xi32, #tpu.memory_space<hbm>>
    tpu.wait_dma2 semaphore(%arg44 : memref<!tpu.dma_semaphore, #tpu.memory_space<semaphore_mem>>) src(%dma_wait3A_77 : memref<3584xi32, #tpu.memory_space<hbm>>) dst(%arg27 : memref<3584xi32, #tpu.memory_space<vmem>>)
    %dma_wait3A_78 = arith.constant 0 : i32
    %dma_wait3A_79 = tpu.memref_slice %arg20[%dma_wait3A_78] : memref<102400xf32, #tpu.memory_space<vmem_shared>> -> memref<102400xf32, #tpu.memory_space<vmem_shared>>
    tpu.wait_indirect_dma semaphore(%arg47 : memref<!tpu.dma_semaphore, #tpu.memory_space<semaphore_mem>>) src(%arg28 : memref<3584xf32, #tpu.memory_space<vmem>>) dst(%dma_wait3A_79 : memref<102400xf32, #tpu.memory_space<vmem_shared>>)
    %dma_wait3A_80 = arith.constant 0 : i32
    %dma_wait3A_81 = tpu.memref_slice %arg21[%dma_wait3A_80] : memref<102400xf32, #tpu.memory_space<vmem_shared>> -> memref<102400xf32, #tpu.memory_space<vmem_shared>>
    tpu.wait_indirect_dma semaphore(%arg50 : memref<!tpu.dma_semaphore, #tpu.memory_space<semaphore_mem>>) src(%arg30 : memref<3584xf32, #tpu.memory_space<vmem>>) dst(%dma_wait3A_81 : memref<102400xf32, #tpu.memory_space<vmem_shared>>)
    %add3A_82 = arith.constant 10752 : i32
    %add3A_83 = arith.addi %mul3A_23, %add3A_82 : i32
    %dma_start3A_84 = tpu.memref_slice %arg2[%add3A_83] : memref<1605632xi32, #tpu.memory_space<hbm>> -> memref<3584xi32, #tpu.memory_space<hbm>>
    %dma_start3A_85 = tpu.memref_slice %arg2[%add3A_83] : memref<1605632xi32, #tpu.memory_space<hbm>> -> memref<3584xi32, #tpu.memory_space<hbm>>
    tpu.enqueue_dma source(%dma_start3A_85 : memref<3584xi32, #tpu.memory_space<hbm>>) target(%arg22 : memref<3584xi32, #tpu.memory_space<vmem>>) target_semaphore(%arg43 : memref<!tpu.dma_semaphore, #tpu.memory_space<semaphore_mem>>)
    %add3A_86 = arith.constant 10752 : i32
    %add3A_87 = arith.addi %mul3A_23, %add3A_86 : i32
    %dma_start3A_88 = tpu.memref_slice %arg3[%add3A_87] : memref<1605632xi32, #tpu.memory_space<hbm>> -> memref<3584xi32, #tpu.memory_space<hbm>>
    %dma_start3A_89 = tpu.memref_slice %arg3[%add3A_87] : memref<1605632xi32, #tpu.memory_space<hbm>> -> memref<3584xi32, #tpu.memory_space<hbm>>
    tpu.enqueue_dma source(%dma_start3A_89 : memref<3584xi32, #tpu.memory_space<hbm>>) target(%arg25 : memref<3584xi32, #tpu.memory_space<vmem>>) target_semaphore(%arg44 : memref<!tpu.dma_semaphore, #tpu.memory_space<semaphore_mem>>)
    %dma_start3A_90 = arith.constant 0 : i32
    %dma_start3A_91 = tpu.memref_slice %arg18[%dma_start3A_90] : memref<102400xf32, #tpu.memory_space<vmem_shared>> -> memref<102400xf32, #tpu.memory_space<vmem_shared>>
    tpu.enqueue_indirect_dma source(%dma_start3A_91 : memref<102400xf32, #tpu.memory_space<vmem_shared>>) target(%arg28 : memref<3584xf32, #tpu.memory_space<vmem>>) offsets(%arg24 : memref<3584xi32, #tpu.memory_space<vmem>>) semaphore(%arg45 : memref<!tpu.dma_semaphore, #tpu.memory_space<semaphore_mem>>)
    %dma_start3A_92 = arith.constant 0 : i32
    %dma_start3A_93 = tpu.memref_slice %arg19[%dma_start3A_92] : memref<102400xf32, #tpu.memory_space<vmem_shared>> -> memref<102400xf32, #tpu.memory_space<vmem_shared>>
    tpu.enqueue_indirect_dma source(%dma_start3A_93 : memref<102400xf32, #tpu.memory_space<vmem_shared>>) target(%arg30 : memref<3584xf32, #tpu.memory_space<vmem>>) offsets(%arg24 : memref<3584xi32, #tpu.memory_space<vmem>>) semaphore(%arg46 : memref<!tpu.dma_semaphore, #tpu.memory_space<semaphore_mem>>)
    %dma_wait3A_94 = arith.constant 0 : i32
    %dma_wait3A_95 = tpu.memref_slice %arg18[%dma_wait3A_94] : memref<102400xf32, #tpu.memory_space<vmem_shared>> -> memref<102400xf32, #tpu.memory_space<vmem_shared>>
    tpu.wait_indirect_dma semaphore(%arg45 : memref<!tpu.dma_semaphore, #tpu.memory_space<semaphore_mem>>) src(%dma_wait3A_95 : memref<102400xf32, #tpu.memory_space<vmem_shared>>) dst(%arg28 : memref<3584xf32, #tpu.memory_space<vmem>>)
    %dma_start3A_96 = arith.constant 0 : i32
    %dma_start3A_97 = tpu.memref_slice %arg20[%dma_start3A_96] : memref<102400xf32, #tpu.memory_space<vmem_shared>> -> memref<102400xf32, #tpu.memory_space<vmem_shared>>
    tpu.enqueue_indirect_dma source(%arg28 : memref<3584xf32, #tpu.memory_space<vmem>>) target(%dma_start3A_97 : memref<102400xf32, #tpu.memory_space<vmem_shared>>) offsets(%arg27 : memref<3584xi32, #tpu.memory_space<vmem>>) semaphore(%arg49 : memref<!tpu.dma_semaphore, #tpu.memory_space<semaphore_mem>>) {add = true}
    %dma_wait3A_98 = arith.constant 0 : i32
    %dma_wait3A_99 = tpu.memref_slice %arg19[%dma_wait3A_98] : memref<102400xf32, #tpu.memory_space<vmem_shared>> -> memref<102400xf32, #tpu.memory_space<vmem_shared>>
    tpu.wait_indirect_dma semaphore(%arg46 : memref<!tpu.dma_semaphore, #tpu.memory_space<semaphore_mem>>) src(%dma_wait3A_99 : memref<102400xf32, #tpu.memory_space<vmem_shared>>) dst(%arg30 : memref<3584xf32, #tpu.memory_space<vmem>>)
    %dma_start3A_100 = arith.constant 0 : i32
    %dma_start3A_101 = tpu.memref_slice %arg21[%dma_start3A_100] : memref<102400xf32, #tpu.memory_space<vmem_shared>> -> memref<102400xf32, #tpu.memory_space<vmem_shared>>
    tpu.enqueue_indirect_dma source(%arg30 : memref<3584xf32, #tpu.memory_space<vmem>>) target(%dma_start3A_101 : memref<102400xf32, #tpu.memory_space<vmem_shared>>) offsets(%arg27 : memref<3584xi32, #tpu.memory_space<vmem>>) semaphore(%arg52 : memref<!tpu.dma_semaphore, #tpu.memory_space<semaphore_mem>>) {add = true}
    %dma_wait3A_102 = tpu.memref_slice %arg2[%add3A_83] : memref<1605632xi32, #tpu.memory_space<hbm>> -> memref<3584xi32, #tpu.memory_space<hbm>>
    %dma_wait3A_103 = tpu.memref_slice %arg2[%add3A_83] : memref<1605632xi32, #tpu.memory_space<hbm>> -> memref<3584xi32, #tpu.memory_space<hbm>>
    tpu.wait_dma2 semaphore(%arg43 : memref<!tpu.dma_semaphore, #tpu.memory_space<semaphore_mem>>) src(%dma_wait3A_103 : memref<3584xi32, #tpu.memory_space<hbm>>) dst(%arg22 : memref<3584xi32, #tpu.memory_space<vmem>>)
    %dma_wait3A_104 = tpu.memref_slice %arg3[%add3A_87] : memref<1605632xi32, #tpu.memory_space<hbm>> -> memref<3584xi32, #tpu.memory_space<hbm>>
    %dma_wait3A_105 = tpu.memref_slice %arg3[%add3A_87] : memref<1605632xi32, #tpu.memory_space<hbm>> -> memref<3584xi32, #tpu.memory_space<hbm>>
    tpu.wait_dma2 semaphore(%arg44 : memref<!tpu.dma_semaphore, #tpu.memory_space<semaphore_mem>>) src(%dma_wait3A_105 : memref<3584xi32, #tpu.memory_space<hbm>>) dst(%arg25 : memref<3584xi32, #tpu.memory_space<vmem>>)
    %dma_wait3A_106 = arith.constant 0 : i32
    %dma_wait3A_107 = tpu.memref_slice %arg20[%dma_wait3A_106] : memref<102400xf32, #tpu.memory_space<vmem_shared>> -> memref<102400xf32, #tpu.memory_space<vmem_shared>>
    tpu.wait_indirect_dma semaphore(%arg48 : memref<!tpu.dma_semaphore, #tpu.memory_space<semaphore_mem>>) src(%arg29 : memref<3584xf32, #tpu.memory_space<vmem>>) dst(%dma_wait3A_107 : memref<102400xf32, #tpu.memory_space<vmem_shared>>)
    %dma_wait3A_108 = arith.constant 0 : i32
    %dma_wait3A_109 = tpu.memref_slice %arg21[%dma_wait3A_108] : memref<102400xf32, #tpu.memory_space<vmem_shared>> -> memref<102400xf32, #tpu.memory_space<vmem_shared>>
    tpu.wait_indirect_dma semaphore(%arg51 : memref<!tpu.dma_semaphore, #tpu.memory_space<semaphore_mem>>) src(%arg31 : memref<3584xf32, #tpu.memory_space<vmem>>) dst(%dma_wait3A_109 : memref<102400xf32, #tpu.memory_space<vmem_shared>>)
    %add3A_110 = arith.constant 14336 : i32
    %add3A_111 = arith.addi %mul3A_23, %add3A_110 : i32
    %dma_start3A_112 = tpu.memref_slice %arg2[%add3A_111] : memref<1605632xi32, #tpu.memory_space<hbm>> -> memref<3584xi32, #tpu.memory_space<hbm>>
    %dma_start3A_113 = tpu.memref_slice %arg2[%add3A_111] : memref<1605632xi32, #tpu.memory_space<hbm>> -> memref<3584xi32, #tpu.memory_space<hbm>>
    tpu.enqueue_dma source(%dma_start3A_113 : memref<3584xi32, #tpu.memory_space<hbm>>) target(%arg23 : memref<3584xi32, #tpu.memory_space<vmem>>) target_semaphore(%arg43 : memref<!tpu.dma_semaphore, #tpu.memory_space<semaphore_mem>>)
    %add3A_114 = arith.constant 14336 : i32
    %add3A_115 = arith.addi %mul3A_23, %add3A_114 : i32
    %dma_start3A_116 = tpu.memref_slice %arg3[%add3A_115] : memref<1605632xi32, #tpu.memory_space<hbm>> -> memref<3584xi32, #tpu.memory_space<hbm>>
    %dma_start3A_117 = tpu.memref_slice %arg3[%add3A_115] : memref<1605632xi32, #tpu.memory_space<hbm>> -> memref<3584xi32, #tpu.memory_space<hbm>>
    tpu.enqueue_dma source(%dma_start3A_117 : memref<3584xi32, #tpu.memory_space<hbm>>) target(%arg26 : memref<3584xi32, #tpu.memory_space<vmem>>) target_semaphore(%arg44 : memref<!tpu.dma_semaphore, #tpu.memory_space<semaphore_mem>>)
    %dma_start3A_118 = arith.constant 0 : i32
    %dma_start3A_119 = tpu.memref_slice %arg18[%dma_start3A_118] : memref<102400xf32, #tpu.memory_space<vmem_shared>> -> memref<102400xf32, #tpu.memory_space<vmem_shared>>
    tpu.enqueue_indirect_dma source(%dma_start3A_119 : memref<102400xf32, #tpu.memory_space<vmem_shared>>) target(%arg29 : memref<3584xf32, #tpu.memory_space<vmem>>) offsets(%arg22 : memref<3584xi32, #tpu.memory_space<vmem>>) semaphore(%arg45 : memref<!tpu.dma_semaphore, #tpu.memory_space<semaphore_mem>>)
    %dma_start3A_120 = arith.constant 0 : i32
    %dma_start3A_121 = tpu.memref_slice %arg19[%dma_start3A_120] : memref<102400xf32, #tpu.memory_space<vmem_shared>> -> memref<102400xf32, #tpu.memory_space<vmem_shared>>
    tpu.enqueue_indirect_dma source(%dma_start3A_121 : memref<102400xf32, #tpu.memory_space<vmem_shared>>) target(%arg31 : memref<3584xf32, #tpu.memory_space<vmem>>) offsets(%arg22 : memref<3584xi32, #tpu.memory_space<vmem>>) semaphore(%arg46 : memref<!tpu.dma_semaphore, #tpu.memory_space<semaphore_mem>>)
    %dma_wait3A_122 = arith.constant 0 : i32
    %dma_wait3A_123 = tpu.memref_slice %arg18[%dma_wait3A_122] : memref<102400xf32, #tpu.memory_space<vmem_shared>> -> memref<102400xf32, #tpu.memory_space<vmem_shared>>
    tpu.wait_indirect_dma semaphore(%arg45 : memref<!tpu.dma_semaphore, #tpu.memory_space<semaphore_mem>>) src(%dma_wait3A_123 : memref<102400xf32, #tpu.memory_space<vmem_shared>>) dst(%arg29 : memref<3584xf32, #tpu.memory_space<vmem>>)
    %dma_start3A_124 = arith.constant 0 : i32
    %dma_start3A_125 = tpu.memref_slice %arg20[%dma_start3A_124] : memref<102400xf32, #tpu.memory_space<vmem_shared>> -> memref<102400xf32, #tpu.memory_space<vmem_shared>>
    tpu.enqueue_indirect_dma source(%arg29 : memref<3584xf32, #tpu.memory_space<vmem>>) target(%dma_start3A_125 : memref<102400xf32, #tpu.memory_space<vmem_shared>>) offsets(%arg25 : memref<3584xi32, #tpu.memory_space<vmem>>) semaphore(%arg47 : memref<!tpu.dma_semaphore, #tpu.memory_space<semaphore_mem>>) {add = true}
    %dma_wait3A_126 = arith.constant 0 : i32
    %dma_wait3A_127 = tpu.memref_slice %arg19[%dma_wait3A_126] : memref<102400xf32, #tpu.memory_space<vmem_shared>> -> memref<102400xf32, #tpu.memory_space<vmem_shared>>
    tpu.wait_indirect_dma semaphore(%arg46 : memref<!tpu.dma_semaphore, #tpu.memory_space<semaphore_mem>>) src(%dma_wait3A_127 : memref<102400xf32, #tpu.memory_space<vmem_shared>>) dst(%arg31 : memref<3584xf32, #tpu.memory_space<vmem>>)
    %dma_start3A_128 = arith.constant 0 : i32
    %dma_start3A_129 = tpu.memref_slice %arg21[%dma_start3A_128] : memref<102400xf32, #tpu.memory_space<vmem_shared>> -> memref<102400xf32, #tpu.memory_space<vmem_shared>>
    tpu.enqueue_indirect_dma source(%arg31 : memref<3584xf32, #tpu.memory_space<vmem>>) target(%dma_start3A_129 : memref<102400xf32, #tpu.memory_space<vmem_shared>>) offsets(%arg25 : memref<3584xi32, #tpu.memory_space<vmem>>) semaphore(%arg50 : memref<!tpu.dma_semaphore, #tpu.memory_space<semaphore_mem>>) {add = true}
    %dma_wait3A_130 = tpu.memref_slice %arg2[%add3A_111] : memref<1605632xi32, #tpu.memory_space<hbm>> -> memref<3584xi32, #tpu.memory_space<hbm>>
    %dma_wait3A_131 = tpu.memref_slice %arg2[%add3A_111] : memref<1605632xi32, #tpu.memory_space<hbm>> -> memref<3584xi32, #tpu.memory_space<hbm>>
    tpu.wait_dma2 semaphore(%arg43 : memref<!tpu.dma_semaphore, #tpu.memory_space<semaphore_mem>>) src(%dma_wait3A_131 : memref<3584xi32, #tpu.memory_space<hbm>>) dst(%arg23 : memref<3584xi32, #tpu.memory_space<vmem>>)
    %dma_wait3A_132 = tpu.memref_slice %arg3[%add3A_115] : memref<1605632xi32, #tpu.memory_space<hbm>> -> memref<3584xi32, #tpu.memory_space<hbm>>
    %dma_wait3A_133 = tpu.memref_slice %arg3[%add3A_115] : memref<1605632xi32, #tpu.memory_space<hbm>> -> memref<3584xi32, #tpu.memory_space<hbm>>
    tpu.wait_dma2 semaphore(%arg44 : memref<!tpu.dma_semaphore, #tpu.memory_space<semaphore_mem>>) src(%dma_wait3A_133 : memref<3584xi32, #tpu.memory_space<hbm>>) dst(%arg26 : memref<3584xi32, #tpu.memory_space<vmem>>)
    %dma_wait3A_134 = arith.constant 0 : i32
    %dma_wait3A_135 = tpu.memref_slice %arg20[%dma_wait3A_134] : memref<102400xf32, #tpu.memory_space<vmem_shared>> -> memref<102400xf32, #tpu.memory_space<vmem_shared>>
    tpu.wait_indirect_dma semaphore(%arg49 : memref<!tpu.dma_semaphore, #tpu.memory_space<semaphore_mem>>) src(%arg28 : memref<3584xf32, #tpu.memory_space<vmem>>) dst(%dma_wait3A_135 : memref<102400xf32, #tpu.memory_space<vmem_shared>>)
    %dma_wait3A_136 = arith.constant 0 : i32
    %dma_wait3A_137 = tpu.memref_slice %arg21[%dma_wait3A_136] : memref<102400xf32, #tpu.memory_space<vmem_shared>> -> memref<102400xf32, #tpu.memory_space<vmem_shared>>
    tpu.wait_indirect_dma semaphore(%arg52 : memref<!tpu.dma_semaphore, #tpu.memory_space<semaphore_mem>>) src(%arg30 : memref<3584xf32, #tpu.memory_space<vmem>>) dst(%dma_wait3A_137 : memref<102400xf32, #tpu.memory_space<vmem_shared>>)
    %add3A_138 = arith.constant 17920 : i32
    %add3A_139 = arith.addi %mul3A_23, %add3A_138 : i32
    %dma_start3A_140 = tpu.memref_slice %arg2[%add3A_139] : memref<1605632xi32, #tpu.memory_space<hbm>> -> memref<3584xi32, #tpu.memory_space<hbm>>
    %dma_start3A_141 = tpu.memref_slice %arg2[%add3A_139] : memref<1605632xi32, #tpu.memory_space<hbm>> -> memref<3584xi32, #tpu.memory_space<hbm>>
    tpu.enqueue_dma source(%dma_start3A_141 : memref<3584xi32, #tpu.memory_space<hbm>>) target(%arg24 : memref<3584xi32, #tpu.memory_space<vmem>>) target_semaphore(%arg43 : memref<!tpu.dma_semaphore, #tpu.memory_space<semaphore_mem>>)
    %add3A_142 = arith.constant 17920 : i32
    %add3A_143 = arith.addi %mul3A_23, %add3A_142 : i32
    %dma_start3A_144 = tpu.memref_slice %arg3[%add3A_143] : memref<1605632xi32, #tpu.memory_space<hbm>> -> memref<3584xi32, #tpu.memory_space<hbm>>
    %dma_start3A_145 = tpu.memref_slice %arg3[%add3A_143] : memref<1605632xi32, #tpu.memory_space<hbm>> -> memref<3584xi32, #tpu.memory_space<hbm>>
    tpu.enqueue_dma source(%dma_start3A_145 : memref<3584xi32, #tpu.memory_space<hbm>>) target(%arg27 : memref<3584xi32, #tpu.memory_space<vmem>>) target_semaphore(%arg44 : memref<!tpu.dma_semaphore, #tpu.memory_space<semaphore_mem>>)
    %dma_start3A_146 = arith.constant 0 : i32
    %dma_start3A_147 = tpu.memref_slice %arg18[%dma_start3A_146] : memref<102400xf32, #tpu.memory_space<vmem_shared>> -> memref<102400xf32, #tpu.memory_space<vmem_shared>>
    tpu.enqueue_indirect_dma source(%dma_start3A_147 : memref<102400xf32, #tpu.memory_space<vmem_shared>>) target(%arg28 : memref<3584xf32, #tpu.memory_space<vmem>>) offsets(%arg23 : memref<3584xi32, #tpu.memory_space<vmem>>) semaphore(%arg45 : memref<!tpu.dma_semaphore, #tpu.memory_space<semaphore_mem>>)
    %dma_start3A_148 = arith.constant 0 : i32
    %dma_start3A_149 = tpu.memref_slice %arg19[%dma_start3A_148] : memref<102400xf32, #tpu.memory_space<vmem_shared>> -> memref<102400xf32, #tpu.memory_space<vmem_shared>>
    tpu.enqueue_indirect_dma source(%dma_start3A_149 : memref<102400xf32, #tpu.memory_space<vmem_shared>>) target(%arg30 : memref<3584xf32, #tpu.memory_space<vmem>>) offsets(%arg23 : memref<3584xi32, #tpu.memory_space<vmem>>) semaphore(%arg46 : memref<!tpu.dma_semaphore, #tpu.memory_space<semaphore_mem>>)
    %dma_wait3A_150 = arith.constant 0 : i32
    %dma_wait3A_151 = tpu.memref_slice %arg18[%dma_wait3A_150] : memref<102400xf32, #tpu.memory_space<vmem_shared>> -> memref<102400xf32, #tpu.memory_space<vmem_shared>>
    tpu.wait_indirect_dma semaphore(%arg45 : memref<!tpu.dma_semaphore, #tpu.memory_space<semaphore_mem>>) src(%dma_wait3A_151 : memref<102400xf32, #tpu.memory_space<vmem_shared>>) dst(%arg28 : memref<3584xf32, #tpu.memory_space<vmem>>)
    %dma_start3A_152 = arith.constant 0 : i32
    %dma_start3A_153 = tpu.memref_slice %arg20[%dma_start3A_152] : memref<102400xf32, #tpu.memory_space<vmem_shared>> -> memref<102400xf32, #tpu.memory_space<vmem_shared>>
    tpu.enqueue_indirect_dma source(%arg28 : memref<3584xf32, #tpu.memory_space<vmem>>) target(%dma_start3A_153 : memref<102400xf32, #tpu.memory_space<vmem_shared>>) offsets(%arg26 : memref<3584xi32, #tpu.memory_space<vmem>>) semaphore(%arg48 : memref<!tpu.dma_semaphore, #tpu.memory_space<semaphore_mem>>) {add = true}
    %dma_wait3A_154 = arith.constant 0 : i32
    %dma_wait3A_155 = tpu.memref_slice %arg19[%dma_wait3A_154] : memref<102400xf32, #tpu.memory_space<vmem_shared>> -> memref<102400xf32, #tpu.memory_space<vmem_shared>>
    tpu.wait_indirect_dma semaphore(%arg46 : memref<!tpu.dma_semaphore, #tpu.memory_space<semaphore_mem>>) src(%dma_wait3A_155 : memref<102400xf32, #tpu.memory_space<vmem_shared>>) dst(%arg30 : memref<3584xf32, #tpu.memory_space<vmem>>)
    %dma_start3A_156 = arith.constant 0 : i32
    %dma_start3A_157 = tpu.memref_slice %arg21[%dma_start3A_156] : memref<102400xf32, #tpu.memory_space<vmem_shared>> -> memref<102400xf32, #tpu.memory_space<vmem_shared>>
    tpu.enqueue_indirect_dma source(%arg30 : memref<3584xf32, #tpu.memory_space<vmem>>) target(%dma_start3A_157 : memref<102400xf32, #tpu.memory_space<vmem_shared>>) offsets(%arg26 : memref<3584xi32, #tpu.memory_space<vmem>>) semaphore(%arg51 : memref<!tpu.dma_semaphore, #tpu.memory_space<semaphore_mem>>) {add = true}
    %dma_wait3A_158 = tpu.memref_slice %arg2[%add3A_139] : memref<1605632xi32, #tpu.memory_space<hbm>> -> memref<3584xi32, #tpu.memory_space<hbm>>
    %dma_wait3A_159 = tpu.memref_slice %arg2[%add3A_139] : memref<1605632xi32, #tpu.memory_space<hbm>> -> memref<3584xi32, #tpu.memory_space<hbm>>
    tpu.wait_dma2 semaphore(%arg43 : memref<!tpu.dma_semaphore, #tpu.memory_space<semaphore_mem>>) src(%dma_wait3A_159 : memref<3584xi32, #tpu.memory_space<hbm>>) dst(%arg24 : memref<3584xi32, #tpu.memory_space<vmem>>)
    %dma_wait3A_160 = tpu.memref_slice %arg3[%add3A_143] : memref<1605632xi32, #tpu.memory_space<hbm>> -> memref<3584xi32, #tpu.memory_space<hbm>>
    %dma_wait3A_161 = tpu.memref_slice %arg3[%add3A_143] : memref<1605632xi32, #tpu.memory_space<hbm>> -> memref<3584xi32, #tpu.memory_space<hbm>>
    tpu.wait_dma2 semaphore(%arg44 : memref<!tpu.dma_semaphore, #tpu.memory_space<semaphore_mem>>) src(%dma_wait3A_161 : memref<3584xi32, #tpu.memory_space<hbm>>) dst(%arg27 : memref<3584xi32, #tpu.memory_space<vmem>>)
    %dma_wait3A_162 = arith.constant 0 : i32
    %dma_wait3A_163 = tpu.memref_slice %arg20[%dma_wait3A_162] : memref<102400xf32, #tpu.memory_space<vmem_shared>> -> memref<102400xf32, #tpu.memory_space<vmem_shared>>
    tpu.wait_indirect_dma semaphore(%arg47 : memref<!tpu.dma_semaphore, #tpu.memory_space<semaphore_mem>>) src(%arg29 : memref<3584xf32, #tpu.memory_space<vmem>>) dst(%dma_wait3A_163 : memref<102400xf32, #tpu.memory_space<vmem_shared>>)
    %dma_wait3A_164 = arith.constant 0 : i32
    %dma_wait3A_165 = tpu.memref_slice %arg21[%dma_wait3A_164] : memref<102400xf32, #tpu.memory_space<vmem_shared>> -> memref<102400xf32, #tpu.memory_space<vmem_shared>>
    tpu.wait_indirect_dma semaphore(%arg50 : memref<!tpu.dma_semaphore, #tpu.memory_space<semaphore_mem>>) src(%arg31 : memref<3584xf32, #tpu.memory_space<vmem>>) dst(%dma_wait3A_165 : memref<102400xf32, #tpu.memory_space<vmem_shared>>)
    %add3A_166 = arith.constant 21504 : i32
    %add3A_167 = arith.addi %mul3A_23, %add3A_166 : i32
    %dma_start3A_168 = tpu.memref_slice %arg2[%add3A_167] : memref<1605632xi32, #tpu.memory_space<hbm>> -> memref<3584xi32, #tpu.memory_space<hbm>>
    %dma_start3A_169 = tpu.memref_slice %arg2[%add3A_167] : memref<1605632xi32, #tpu.memory_space<hbm>> -> memref<3584xi32, #tpu.memory_space<hbm>>
    tpu.enqueue_dma source(%dma_start3A_169 : memref<3584xi32, #tpu.memory_space<hbm>>) target(%arg22 : memref<3584xi32, #tpu.memory_space<vmem>>) target_semaphore(%arg43 : memref<!tpu.dma_semaphore, #tpu.memory_space<semaphore_mem>>)
    %add3A_170 = arith.constant 21504 : i32
    %add3A_171 = arith.addi %mul3A_23, %add3A_170 : i32
    %dma_start3A_172 = tpu.memref_slice %arg3[%add3A_171] : memref<1605632xi32, #tpu.memory_space<hbm>> -> memref<3584xi32, #tpu.memory_space<hbm>>
    %dma_start3A_173 = tpu.memref_slice %arg3[%add3A_171] : memref<1605632xi32, #tpu.memory_space<hbm>> -> memref<3584xi32, #tpu.memory_space<hbm>>
    tpu.enqueue_dma source(%dma_start3A_173 : memref<3584xi32, #tpu.memory_space<hbm>>) target(%arg25 : memref<3584xi32, #tpu.memory_space<vmem>>) target_semaphore(%arg44 : memref<!tpu.dma_semaphore, #tpu.memory_space<semaphore_mem>>)
    %dma_start3A_174 = arith.constant 0 : i32
    %dma_start3A_175 = tpu.memref_slice %arg18[%dma_start3A_174] : memref<102400xf32, #tpu.memory_space<vmem_shared>> -> memref<102400xf32, #tpu.memory_space<vmem_shared>>
    tpu.enqueue_indirect_dma source(%dma_start3A_175 : memref<102400xf32, #tpu.memory_space<vmem_shared>>) target(%arg29 : memref<3584xf32, #tpu.memory_space<vmem>>) offsets(%arg24 : memref<3584xi32, #tpu.memory_space<vmem>>) semaphore(%arg45 : memref<!tpu.dma_semaphore, #tpu.memory_space<semaphore_mem>>)
    %dma_start3A_176 = arith.constant 0 : i32
    %dma_start3A_177 = tpu.memref_slice %arg19[%dma_start3A_176] : memref<102400xf32, #tpu.memory_space<vmem_shared>> -> memref<102400xf32, #tpu.memory_space<vmem_shared>>
    tpu.enqueue_indirect_dma source(%dma_start3A_177 : memref<102400xf32, #tpu.memory_space<vmem_shared>>) target(%arg31 : memref<3584xf32, #tpu.memory_space<vmem>>) offsets(%arg24 : memref<3584xi32, #tpu.memory_space<vmem>>) semaphore(%arg46 : memref<!tpu.dma_semaphore, #tpu.memory_space<semaphore_mem>>)
    %dma_wait3A_178 = arith.constant 0 : i32
    %dma_wait3A_179 = tpu.memref_slice %arg18[%dma_wait3A_178] : memref<102400xf32, #tpu.memory_space<vmem_shared>> -> memref<102400xf32, #tpu.memory_space<vmem_shared>>
    tpu.wait_indirect_dma semaphore(%arg45 : memref<!tpu.dma_semaphore, #tpu.memory_space<semaphore_mem>>) src(%dma_wait3A_179 : memref<102400xf32, #tpu.memory_space<vmem_shared>>) dst(%arg29 : memref<3584xf32, #tpu.memory_space<vmem>>)
    %dma_start3A_180 = arith.constant 0 : i32
    %dma_start3A_181 = tpu.memref_slice %arg20[%dma_start3A_180] : memref<102400xf32, #tpu.memory_space<vmem_shared>> -> memref<102400xf32, #tpu.memory_space<vmem_shared>>
    tpu.enqueue_indirect_dma source(%arg29 : memref<3584xf32, #tpu.memory_space<vmem>>) target(%dma_start3A_181 : memref<102400xf32, #tpu.memory_space<vmem_shared>>) offsets(%arg27 : memref<3584xi32, #tpu.memory_space<vmem>>) semaphore(%arg49 : memref<!tpu.dma_semaphore, #tpu.memory_space<semaphore_mem>>) {add = true}
    %dma_wait3A_182 = arith.constant 0 : i32
    %dma_wait3A_183 = tpu.memref_slice %arg19[%dma_wait3A_182] : memref<102400xf32, #tpu.memory_space<vmem_shared>> -> memref<102400xf32, #tpu.memory_space<vmem_shared>>
    tpu.wait_indirect_dma semaphore(%arg46 : memref<!tpu.dma_semaphore, #tpu.memory_space<semaphore_mem>>) src(%dma_wait3A_183 : memref<102400xf32, #tpu.memory_space<vmem_shared>>) dst(%arg31 : memref<3584xf32, #tpu.memory_space<vmem>>)
    %dma_start3A_184 = arith.constant 0 : i32
    %dma_start3A_185 = tpu.memref_slice %arg21[%dma_start3A_184] : memref<102400xf32, #tpu.memory_space<vmem_shared>> -> memref<102400xf32, #tpu.memory_space<vmem_shared>>
    tpu.enqueue_indirect_dma source(%arg31 : memref<3584xf32, #tpu.memory_space<vmem>>) target(%dma_start3A_185 : memref<102400xf32, #tpu.memory_space<vmem_shared>>) offsets(%arg27 : memref<3584xi32, #tpu.memory_space<vmem>>) semaphore(%arg52 : memref<!tpu.dma_semaphore, #tpu.memory_space<semaphore_mem>>) {add = true}
    %dma_wait3A_186 = tpu.memref_slice %arg2[%add3A_167] : memref<1605632xi32, #tpu.memory_space<hbm>> -> memref<3584xi32, #tpu.memory_space<hbm>>
    %dma_wait3A_187 = tpu.memref_slice %arg2[%add3A_167] : memref<1605632xi32, #tpu.memory_space<hbm>> -> memref<3584xi32, #tpu.memory_space<hbm>>
    tpu.wait_dma2 semaphore(%arg43 : memref<!tpu.dma_semaphore, #tpu.memory_space<semaphore_mem>>) src(%dma_wait3A_187 : memref<3584xi32, #tpu.memory_space<hbm>>) dst(%arg22 : memref<3584xi32, #tpu.memory_space<vmem>>)
    %dma_wait3A_188 = tpu.memref_slice %arg3[%add3A_171] : memref<1605632xi32, #tpu.memory_space<hbm>> -> memref<3584xi32, #tpu.memory_space<hbm>>
    %dma_wait3A_189 = tpu.memref_slice %arg3[%add3A_171] : memref<1605632xi32, #tpu.memory_space<hbm>> -> memref<3584xi32, #tpu.memory_space<hbm>>
    tpu.wait_dma2 semaphore(%arg44 : memref<!tpu.dma_semaphore, #tpu.memory_space<semaphore_mem>>) src(%dma_wait3A_189 : memref<3584xi32, #tpu.memory_space<hbm>>) dst(%arg25 : memref<3584xi32, #tpu.memory_space<vmem>>)
    %dma_wait3A_190 = arith.constant 0 : i32
    %dma_wait3A_191 = tpu.memref_slice %arg20[%dma_wait3A_190] : memref<102400xf32, #tpu.memory_space<vmem_shared>> -> memref<102400xf32, #tpu.memory_space<vmem_shared>>
    tpu.wait_indirect_dma semaphore(%arg48 : memref<!tpu.dma_semaphore, #tpu.memory_space<semaphore_mem>>) src(%arg28 : memref<3584xf32, #tpu.memory_space<vmem>>) dst(%dma_wait3A_191 : memref<102400xf32, #tpu.memory_space<vmem_shared>>)
    %dma_wait3A_192 = arith.constant 0 : i32
    %dma_wait3A_193 = tpu.memref_slice %arg21[%dma_wait3A_192] : memref<102400xf32, #tpu.memory_space<vmem_shared>> -> memref<102400xf32, #tpu.memory_space<vmem_shared>>
    tpu.wait_indirect_dma semaphore(%arg51 : memref<!tpu.dma_semaphore, #tpu.memory_space<semaphore_mem>>) src(%arg30 : memref<3584xf32, #tpu.memory_space<vmem>>) dst(%dma_wait3A_193 : memref<102400xf32, #tpu.memory_space<vmem_shared>>)
    %add3A_194 = arith.constant 25088 : i32
    %add3A_195 = arith.addi %mul3A_23, %add3A_194 : i32
    %dma_start3A_196 = tpu.memref_slice %arg2[%add3A_195] : memref<1605632xi32, #tpu.memory_space<hbm>> -> memref<3584xi32, #tpu.memory_space<hbm>>
    %dma_start3A_197 = tpu.memref_slice %arg2[%add3A_195] : memref<1605632xi32, #tpu.memory_space<hbm>> -> memref<3584xi32, #tpu.memory_space<hbm>>
    tpu.enqueue_dma source(%dma_start3A_197 : memref<3584xi32, #tpu.memory_space<hbm>>) target(%arg23 : memref<3584xi32, #tpu.memory_space<vmem>>) target_semaphore(%arg43 : memref<!tpu.dma_semaphore, #tpu.memory_space<semaphore_mem>>)
    %add3A_198 = arith.constant 25088 : i32
    %add3A_199 = arith.addi %mul3A_23, %add3A_198 : i32
    %dma_start3A_200 = tpu.memref_slice %arg3[%add3A_199] : memref<1605632xi32, #tpu.memory_space<hbm>> -> memref<3584xi32, #tpu.memory_space<hbm>>
    %dma_start3A_201 = tpu.memref_slice %arg3[%add3A_199] : memref<1605632xi32, #tpu.memory_space<hbm>> -> memref<3584xi32, #tpu.memory_space<hbm>>
    tpu.enqueue_dma source(%dma_start3A_201 : memref<3584xi32, #tpu.memory_space<hbm>>) target(%arg26 : memref<3584xi32, #tpu.memory_space<vmem>>) target_semaphore(%arg44 : memref<!tpu.dma_semaphore, #tpu.memory_space<semaphore_mem>>)
    %dma_start3A_202 = arith.constant 0 : i32
    %dma_start3A_203 = tpu.memref_slice %arg18[%dma_start3A_202] : memref<102400xf32, #tpu.memory_space<vmem_shared>> -> memref<102400xf32, #tpu.memory_space<vmem_shared>>
    tpu.enqueue_indirect_dma source(%dma_start3A_203 : memref<102400xf32, #tpu.memory_space<vmem_shared>>) target(%arg28 : memref<3584xf32, #tpu.memory_space<vmem>>) offsets(%arg22 : memref<3584xi32, #tpu.memory_space<vmem>>) semaphore(%arg45 : memref<!tpu.dma_semaphore, #tpu.memory_space<semaphore_mem>>)
    %dma_start3A_204 = arith.constant 0 : i32
    %dma_start3A_205 = tpu.memref_slice %arg19[%dma_start3A_204] : memref<102400xf32, #tpu.memory_space<vmem_shared>> -> memref<102400xf32, #tpu.memory_space<vmem_shared>>
    tpu.enqueue_indirect_dma source(%dma_start3A_205 : memref<102400xf32, #tpu.memory_space<vmem_shared>>) target(%arg30 : memref<3584xf32, #tpu.memory_space<vmem>>) offsets(%arg22 : memref<3584xi32, #tpu.memory_space<vmem>>) semaphore(%arg46 : memref<!tpu.dma_semaphore, #tpu.memory_space<semaphore_mem>>)
    %dma_wait3A_206 = arith.constant 0 : i32
    %dma_wait3A_207 = tpu.memref_slice %arg18[%dma_wait3A_206] : memref<102400xf32, #tpu.memory_space<vmem_shared>> -> memref<102400xf32, #tpu.memory_space<vmem_shared>>
    tpu.wait_indirect_dma semaphore(%arg45 : memref<!tpu.dma_semaphore, #tpu.memory_space<semaphore_mem>>) src(%dma_wait3A_207 : memref<102400xf32, #tpu.memory_space<vmem_shared>>) dst(%arg28 : memref<3584xf32, #tpu.memory_space<vmem>>)
    %dma_start3A_208 = arith.constant 0 : i32
    %dma_start3A_209 = tpu.memref_slice %arg20[%dma_start3A_208] : memref<102400xf32, #tpu.memory_space<vmem_shared>> -> memref<102400xf32, #tpu.memory_space<vmem_shared>>
    tpu.enqueue_indirect_dma source(%arg28 : memref<3584xf32, #tpu.memory_space<vmem>>) target(%dma_start3A_209 : memref<102400xf32, #tpu.memory_space<vmem_shared>>) offsets(%arg25 : memref<3584xi32, #tpu.memory_space<vmem>>) semaphore(%arg47 : memref<!tpu.dma_semaphore, #tpu.memory_space<semaphore_mem>>) {add = true}
    %dma_wait3A_210 = arith.constant 0 : i32
    %dma_wait3A_211 = tpu.memref_slice %arg19[%dma_wait3A_210] : memref<102400xf32, #tpu.memory_space<vmem_shared>> -> memref<102400xf32, #tpu.memory_space<vmem_shared>>
    tpu.wait_indirect_dma semaphore(%arg46 : memref<!tpu.dma_semaphore, #tpu.memory_space<semaphore_mem>>) src(%dma_wait3A_211 : memref<102400xf32, #tpu.memory_space<vmem_shared>>) dst(%arg30 : memref<3584xf32, #tpu.memory_space<vmem>>)
    %dma_start3A_212 = arith.constant 0 : i32
    %dma_start3A_213 = tpu.memref_slice %arg21[%dma_start3A_212] : memref<102400xf32, #tpu.memory_space<vmem_shared>> -> memref<102400xf32, #tpu.memory_space<vmem_shared>>
    tpu.enqueue_indirect_dma source(%arg30 : memref<3584xf32, #tpu.memory_space<vmem>>) target(%dma_start3A_213 : memref<102400xf32, #tpu.memory_space<vmem_shared>>) offsets(%arg25 : memref<3584xi32, #tpu.memory_space<vmem>>) semaphore(%arg50 : memref<!tpu.dma_semaphore, #tpu.memory_space<semaphore_mem>>) {add = true}
    %dma_wait3A_214 = tpu.memref_slice %arg2[%add3A_195] : memref<1605632xi32, #tpu.memory_space<hbm>> -> memref<3584xi32, #tpu.memory_space<hbm>>
    %dma_wait3A_215 = tpu.memref_slice %arg2[%add3A_195] : memref<1605632xi32, #tpu.memory_space<hbm>> -> memref<3584xi32, #tpu.memory_space<hbm>>
    tpu.wait_dma2 semaphore(%arg43 : memref<!tpu.dma_semaphore, #tpu.memory_space<semaphore_mem>>) src(%dma_wait3A_215 : memref<3584xi32, #tpu.memory_space<hbm>>) dst(%arg23 : memref<3584xi32, #tpu.memory_space<vmem>>)
    %dma_wait3A_216 = tpu.memref_slice %arg3[%add3A_199] : memref<1605632xi32, #tpu.memory_space<hbm>> -> memref<3584xi32, #tpu.memory_space<hbm>>
    %dma_wait3A_217 = tpu.memref_slice %arg3[%add3A_199] : memref<1605632xi32, #tpu.memory_space<hbm>> -> memref<3584xi32, #tpu.memory_space<hbm>>
    tpu.wait_dma2 semaphore(%arg44 : memref<!tpu.dma_semaphore, #tpu.memory_space<semaphore_mem>>) src(%dma_wait3A_217 : memref<3584xi32, #tpu.memory_space<hbm>>) dst(%arg26 : memref<3584xi32, #tpu.memory_space<vmem>>)
    %dma_wait3A_218 = arith.constant 0 : i32
    %dma_wait3A_219 = tpu.memref_slice %arg20[%dma_wait3A_218] : memref<102400xf32, #tpu.memory_space<vmem_shared>> -> memref<102400xf32, #tpu.memory_space<vmem_shared>>
    tpu.wait_indirect_dma semaphore(%arg49 : memref<!tpu.dma_semaphore, #tpu.memory_space<semaphore_mem>>) src(%arg29 : memref<3584xf32, #tpu.memory_space<vmem>>) dst(%dma_wait3A_219 : memref<102400xf32, #tpu.memory_space<vmem_shared>>)
    %dma_wait3A_220 = arith.constant 0 : i32
    %dma_wait3A_221 = tpu.memref_slice %arg21[%dma_wait3A_220] : memref<102400xf32, #tpu.memory_space<vmem_shared>> -> memref<102400xf32, #tpu.memory_space<vmem_shared>>
    tpu.wait_indirect_dma semaphore(%arg52 : memref<!tpu.dma_semaphore, #tpu.memory_space<semaphore_mem>>) src(%arg31 : memref<3584xf32, #tpu.memory_space<vmem>>) dst(%dma_wait3A_221 : memref<102400xf32, #tpu.memory_space<vmem_shared>>)
    %add3A_222 = arith.constant 28672 : i32
    %add3A_223 = arith.addi %mul3A_23, %add3A_222 : i32
    %dma_start3A_224 = tpu.memref_slice %arg2[%add3A_223] : memref<1605632xi32, #tpu.memory_space<hbm>> -> memref<3584xi32, #tpu.memory_space<hbm>>
    %dma_start3A_225 = tpu.memref_slice %arg2[%add3A_223] : memref<1605632xi32, #tpu.memory_space<hbm>> -> memref<3584xi32, #tpu.memory_space<hbm>>
    tpu.enqueue_dma source(%dma_start3A_225 : memref<3584xi32, #tpu.memory_space<hbm>>) target(%arg24 : memref<3584xi32, #tpu.memory_space<vmem>>) target_semaphore(%arg43 : memref<!tpu.dma_semaphore, #tpu.memory_space<semaphore_mem>>)
    %add3A_226 = arith.constant 28672 : i32
    %add3A_227 = arith.addi %mul3A_23, %add3A_226 : i32
    %dma_start3A_228 = tpu.memref_slice %arg3[%add3A_227] : memref<1605632xi32, #tpu.memory_space<hbm>> -> memref<3584xi32, #tpu.memory_space<hbm>>
    %dma_start3A_229 = tpu.memref_slice %arg3[%add3A_227] : memref<1605632xi32, #tpu.memory_space<hbm>> -> memref<3584xi32, #tpu.memory_space<hbm>>
    tpu.enqueue_dma source(%dma_start3A_229 : memref<3584xi32, #tpu.memory_space<hbm>>) target(%arg27 : memref<3584xi32, #tpu.memory_space<vmem>>) target_semaphore(%arg44 : memref<!tpu.dma_semaphore, #tpu.memory_space<semaphore_mem>>)
    %dma_start3A_230 = arith.constant 0 : i32
    %dma_start3A_231 = tpu.memref_slice %arg18[%dma_start3A_230] : memref<102400xf32, #tpu.memory_space<vmem_shared>> -> memref<102400xf32, #tpu.memory_space<vmem_shared>>
    tpu.enqueue_indirect_dma source(%dma_start3A_231 : memref<102400xf32, #tpu.memory_space<vmem_shared>>) target(%arg29 : memref<3584xf32, #tpu.memory_space<vmem>>) offsets(%arg23 : memref<3584xi32, #tpu.memory_space<vmem>>) semaphore(%arg45 : memref<!tpu.dma_semaphore, #tpu.memory_space<semaphore_mem>>)
    %dma_start3A_232 = arith.constant 0 : i32
    %dma_start3A_233 = tpu.memref_slice %arg19[%dma_start3A_232] : memref<102400xf32, #tpu.memory_space<vmem_shared>> -> memref<102400xf32, #tpu.memory_space<vmem_shared>>
    tpu.enqueue_indirect_dma source(%dma_start3A_233 : memref<102400xf32, #tpu.memory_space<vmem_shared>>) target(%arg31 : memref<3584xf32, #tpu.memory_space<vmem>>) offsets(%arg23 : memref<3584xi32, #tpu.memory_space<vmem>>) semaphore(%arg46 : memref<!tpu.dma_semaphore, #tpu.memory_space<semaphore_mem>>)
    %dma_wait3A_234 = arith.constant 0 : i32
    %dma_wait3A_235 = tpu.memref_slice %arg18[%dma_wait3A_234] : memref<102400xf32, #tpu.memory_space<vmem_shared>> -> memref<102400xf32, #tpu.memory_space<vmem_shared>>
    tpu.wait_indirect_dma semaphore(%arg45 : memref<!tpu.dma_semaphore, #tpu.memory_space<semaphore_mem>>) src(%dma_wait3A_235 : memref<102400xf32, #tpu.memory_space<vmem_shared>>) dst(%arg29 : memref<3584xf32, #tpu.memory_space<vmem>>)
    %dma_start3A_236 = arith.constant 0 : i32
    %dma_start3A_237 = tpu.memref_slice %arg20[%dma_start3A_236] : memref<102400xf32, #tpu.memory_space<vmem_shared>> -> memref<102400xf32, #tpu.memory_space<vmem_shared>>
    tpu.enqueue_indirect_dma source(%arg29 : memref<3584xf32, #tpu.memory_space<vmem>>) target(%dma_start3A_237 : memref<102400xf32, #tpu.memory_space<vmem_shared>>) offsets(%arg26 : memref<3584xi32, #tpu.memory_space<vmem>>) semaphore(%arg48 : memref<!tpu.dma_semaphore, #tpu.memory_space<semaphore_mem>>) {add = true}
    %dma_wait3A_238 = arith.constant 0 : i32
    %dma_wait3A_239 = tpu.memref_slice %arg19[%dma_wait3A_238] : memref<102400xf32, #tpu.memory_space<vmem_shared>> -> memref<102400xf32, #tpu.memory_space<vmem_shared>>
    tpu.wait_indirect_dma semaphore(%arg46 : memref<!tpu.dma_semaphore, #tpu.memory_space<semaphore_mem>>) src(%dma_wait3A_239 : memref<102400xf32, #tpu.memory_space<vmem_shared>>) dst(%arg31 : memref<3584xf32, #tpu.memory_space<vmem>>)
    %dma_start3A_240 = arith.constant 0 : i32
    %dma_start3A_241 = tpu.memref_slice %arg21[%dma_start3A_240] : memref<102400xf32, #tpu.memory_space<vmem_shared>> -> memref<102400xf32, #tpu.memory_space<vmem_shared>>
    tpu.enqueue_indirect_dma source(%arg31 : memref<3584xf32, #tpu.memory_space<vmem>>) target(%dma_start3A_241 : memref<102400xf32, #tpu.memory_space<vmem_shared>>) offsets(%arg26 : memref<3584xi32, #tpu.memory_space<vmem>>) semaphore(%arg51 : memref<!tpu.dma_semaphore, #tpu.memory_space<semaphore_mem>>) {add = true}
    %dma_wait3A_242 = tpu.memref_slice %arg2[%add3A_223] : memref<1605632xi32, #tpu.memory_space<hbm>> -> memref<3584xi32, #tpu.memory_space<hbm>>
    %dma_wait3A_243 = tpu.memref_slice %arg2[%add3A_223] : memref<1605632xi32, #tpu.memory_space<hbm>> -> memref<3584xi32, #tpu.memory_space<hbm>>
    tpu.wait_dma2 semaphore(%arg43 : memref<!tpu.dma_semaphore, #tpu.memory_space<semaphore_mem>>) src(%dma_wait3A_243 : memref<3584xi32, #tpu.memory_space<hbm>>) dst(%arg24 : memref<3584xi32, #tpu.memory_space<vmem>>)
    %dma_wait3A_244 = tpu.memref_slice %arg3[%add3A_227] : memref<1605632xi32, #tpu.memory_space<hbm>> -> memref<3584xi32, #tpu.memory_space<hbm>>
    %dma_wait3A_245 = tpu.memref_slice %arg3[%add3A_227] : memref<1605632xi32, #tpu.memory_space<hbm>> -> memref<3584xi32, #tpu.memory_space<hbm>>
    tpu.wait_dma2 semaphore(%arg44 : memref<!tpu.dma_semaphore, #tpu.memory_space<semaphore_mem>>) src(%dma_wait3A_245 : memref<3584xi32, #tpu.memory_space<hbm>>) dst(%arg27 : memref<3584xi32, #tpu.memory_space<vmem>>)
    %dma_wait3A_246 = arith.constant 0 : i32
    %dma_wait3A_247 = tpu.memref_slice %arg20[%dma_wait3A_246] : memref<102400xf32, #tpu.memory_space<vmem_shared>> -> memref<102400xf32, #tpu.memory_space<vmem_shared>>
    tpu.wait_indirect_dma semaphore(%arg47 : memref<!tpu.dma_semaphore, #tpu.memory_space<semaphore_mem>>) src(%arg28 : memref<3584xf32, #tpu.memory_space<vmem>>) dst(%dma_wait3A_247 : memref<102400xf32, #tpu.memory_space<vmem_shared>>)
    %dma_wait3A_248 = arith.constant 0 : i32
    %dma_wait3A_249 = tpu.memref_slice %arg21[%dma_wait3A_248] : memref<102400xf32, #tpu.memory_space<vmem_shared>> -> memref<102400xf32, #tpu.memory_space<vmem_shared>>
    tpu.wait_indirect_dma semaphore(%arg50 : memref<!tpu.dma_semaphore, #tpu.memory_space<semaphore_mem>>) src(%arg30 : memref<3584xf32, #tpu.memory_space<vmem>>) dst(%dma_wait3A_249 : memref<102400xf32, #tpu.memory_space<vmem_shared>>)
    %add3A_250 = arith.constant 32256 : i32
    %add3A_251 = arith.addi %mul3A_23, %add3A_250 : i32
    %dma_start3A_252 = tpu.memref_slice %arg2[%add3A_251] : memref<1605632xi32, #tpu.memory_space<hbm>> -> memref<3584xi32, #tpu.memory_space<hbm>>
    %dma_start3A_253 = tpu.memref_slice %arg2[%add3A_251] : memref<1605632xi32, #tpu.memory_space<hbm>> -> memref<3584xi32, #tpu.memory_space<hbm>>
    tpu.enqueue_dma source(%dma_start3A_253 : memref<3584xi32, #tpu.memory_space<hbm>>) target(%arg22 : memref<3584xi32, #tpu.memory_space<vmem>>) target_semaphore(%arg43 : memref<!tpu.dma_semaphore, #tpu.memory_space<semaphore_mem>>)
    %add3A_254 = arith.constant 32256 : i32
    %add3A_255 = arith.addi %mul3A_23, %add3A_254 : i32
    %dma_start3A_256 = tpu.memref_slice %arg3[%add3A_255] : memref<1605632xi32, #tpu.memory_space<hbm>> -> memref<3584xi32, #tpu.memory_space<hbm>>
    %dma_start3A_257 = tpu.memref_slice %arg3[%add3A_255] : memref<1605632xi32, #tpu.memory_space<hbm>> -> memref<3584xi32, #tpu.memory_space<hbm>>
    tpu.enqueue_dma source(%dma_start3A_257 : memref<3584xi32, #tpu.memory_space<hbm>>) target(%arg25 : memref<3584xi32, #tpu.memory_space<vmem>>) target_semaphore(%arg44 : memref<!tpu.dma_semaphore, #tpu.memory_space<semaphore_mem>>)
    %dma_start3A_258 = arith.constant 0 : i32
    %dma_start3A_259 = tpu.memref_slice %arg18[%dma_start3A_258] : memref<102400xf32, #tpu.memory_space<vmem_shared>> -> memref<102400xf32, #tpu.memory_space<vmem_shared>>
    tpu.enqueue_indirect_dma source(%dma_start3A_259 : memref<102400xf32, #tpu.memory_space<vmem_shared>>) target(%arg28 : memref<3584xf32, #tpu.memory_space<vmem>>) offsets(%arg24 : memref<3584xi32, #tpu.memory_space<vmem>>) semaphore(%arg45 : memref<!tpu.dma_semaphore, #tpu.memory_space<semaphore_mem>>)
    %dma_start3A_260 = arith.constant 0 : i32
    %dma_start3A_261 = tpu.memref_slice %arg19[%dma_start3A_260] : memref<102400xf32, #tpu.memory_space<vmem_shared>> -> memref<102400xf32, #tpu.memory_space<vmem_shared>>
    tpu.enqueue_indirect_dma source(%dma_start3A_261 : memref<102400xf32, #tpu.memory_space<vmem_shared>>) target(%arg30 : memref<3584xf32, #tpu.memory_space<vmem>>) offsets(%arg24 : memref<3584xi32, #tpu.memory_space<vmem>>) semaphore(%arg46 : memref<!tpu.dma_semaphore, #tpu.memory_space<semaphore_mem>>)
    %dma_wait3A_262 = arith.constant 0 : i32
    %dma_wait3A_263 = tpu.memref_slice %arg18[%dma_wait3A_262] : memref<102400xf32, #tpu.memory_space<vmem_shared>> -> memref<102400xf32, #tpu.memory_space<vmem_shared>>
    tpu.wait_indirect_dma semaphore(%arg45 : memref<!tpu.dma_semaphore, #tpu.memory_space<semaphore_mem>>) src(%dma_wait3A_263 : memref<102400xf32, #tpu.memory_space<vmem_shared>>) dst(%arg28 : memref<3584xf32, #tpu.memory_space<vmem>>)
    %dma_start3A_264 = arith.constant 0 : i32
    %dma_start3A_265 = tpu.memref_slice %arg20[%dma_start3A_264] : memref<102400xf32, #tpu.memory_space<vmem_shared>> -> memref<102400xf32, #tpu.memory_space<vmem_shared>>
    tpu.enqueue_indirect_dma source(%arg28 : memref<3584xf32, #tpu.memory_space<vmem>>) target(%dma_start3A_265 : memref<102400xf32, #tpu.memory_space<vmem_shared>>) offsets(%arg27 : memref<3584xi32, #tpu.memory_space<vmem>>) semaphore(%arg49 : memref<!tpu.dma_semaphore, #tpu.memory_space<semaphore_mem>>) {add = true}
    %dma_wait3A_266 = arith.constant 0 : i32
    %dma_wait3A_267 = tpu.memref_slice %arg19[%dma_wait3A_266] : memref<102400xf32, #tpu.memory_space<vmem_shared>> -> memref<102400xf32, #tpu.memory_space<vmem_shared>>
    tpu.wait_indirect_dma semaphore(%arg46 : memref<!tpu.dma_semaphore, #tpu.memory_space<semaphore_mem>>) src(%dma_wait3A_267 : memref<102400xf32, #tpu.memory_space<vmem_shared>>) dst(%arg30 : memref<3584xf32, #tpu.memory_space<vmem>>)
    %dma_start3A_268 = arith.constant 0 : i32
    %dma_start3A_269 = tpu.memref_slice %arg21[%dma_start3A_268] : memref<102400xf32, #tpu.memory_space<vmem_shared>> -> memref<102400xf32, #tpu.memory_space<vmem_shared>>
    tpu.enqueue_indirect_dma source(%arg30 : memref<3584xf32, #tpu.memory_space<vmem>>) target(%dma_start3A_269 : memref<102400xf32, #tpu.memory_space<vmem_shared>>) offsets(%arg27 : memref<3584xi32, #tpu.memory_space<vmem>>) semaphore(%arg52 : memref<!tpu.dma_semaphore, #tpu.memory_space<semaphore_mem>>) {add = true}
    %dma_wait3A_270 = tpu.memref_slice %arg2[%add3A_251] : memref<1605632xi32, #tpu.memory_space<hbm>> -> memref<3584xi32, #tpu.memory_space<hbm>>
    %dma_wait3A_271 = tpu.memref_slice %arg2[%add3A_251] : memref<1605632xi32, #tpu.memory_space<hbm>> -> memref<3584xi32, #tpu.memory_space<hbm>>
    tpu.wait_dma2 semaphore(%arg43 : memref<!tpu.dma_semaphore, #tpu.memory_space<semaphore_mem>>) src(%dma_wait3A_271 : memref<3584xi32, #tpu.memory_space<hbm>>) dst(%arg22 : memref<3584xi32, #tpu.memory_space<vmem>>)
    %dma_wait3A_272 = tpu.memref_slice %arg3[%add3A_255] : memref<1605632xi32, #tpu.memory_space<hbm>> -> memref<3584xi32, #tpu.memory_space<hbm>>
    %dma_wait3A_273 = tpu.memref_slice %arg3[%add3A_255] : memref<1605632xi32, #tpu.memory_space<hbm>> -> memref<3584xi32, #tpu.memory_space<hbm>>
    tpu.wait_dma2 semaphore(%arg44 : memref<!tpu.dma_semaphore, #tpu.memory_space<semaphore_mem>>) src(%dma_wait3A_273 : memref<3584xi32, #tpu.memory_space<hbm>>) dst(%arg25 : memref<3584xi32, #tpu.memory_space<vmem>>)
    %dma_wait3A_274 = arith.constant 0 : i32
    %dma_wait3A_275 = tpu.memref_slice %arg20[%dma_wait3A_274] : memref<102400xf32, #tpu.memory_space<vmem_shared>> -> memref<102400xf32, #tpu.memory_space<vmem_shared>>
    tpu.wait_indirect_dma semaphore(%arg48 : memref<!tpu.dma_semaphore, #tpu.memory_space<semaphore_mem>>) src(%arg29 : memref<3584xf32, #tpu.memory_space<vmem>>) dst(%dma_wait3A_275 : memref<102400xf32, #tpu.memory_space<vmem_shared>>)
    %dma_wait3A_276 = arith.constant 0 : i32
    %dma_wait3A_277 = tpu.memref_slice %arg21[%dma_wait3A_276] : memref<102400xf32, #tpu.memory_space<vmem_shared>> -> memref<102400xf32, #tpu.memory_space<vmem_shared>>
    tpu.wait_indirect_dma semaphore(%arg51 : memref<!tpu.dma_semaphore, #tpu.memory_space<semaphore_mem>>) src(%arg31 : memref<3584xf32, #tpu.memory_space<vmem>>) dst(%dma_wait3A_277 : memref<102400xf32, #tpu.memory_space<vmem_shared>>)
    %add3A_278 = arith.constant 35840 : i32
    %add3A_279 = arith.addi %mul3A_23, %add3A_278 : i32
    %dma_start3A_280 = tpu.memref_slice %arg2[%add3A_279] : memref<1605632xi32, #tpu.memory_space<hbm>> -> memref<3584xi32, #tpu.memory_space<hbm>>
    %dma_start3A_281 = tpu.memref_slice %arg2[%add3A_279] : memref<1605632xi32, #tpu.memory_space<hbm>> -> memref<3584xi32, #tpu.memory_space<hbm>>
    tpu.enqueue_dma source(%dma_start3A_281 : memref<3584xi32, #tpu.memory_space<hbm>>) target(%arg23 : memref<3584xi32, #tpu.memory_space<vmem>>) target_semaphore(%arg43 : memref<!tpu.dma_semaphore, #tpu.memory_space<semaphore_mem>>)
    %add3A_282 = arith.constant 35840 : i32
    %add3A_283 = arith.addi %mul3A_23, %add3A_282 : i32
    %dma_start3A_284 = tpu.memref_slice %arg3[%add3A_283] : memref<1605632xi32, #tpu.memory_space<hbm>> -> memref<3584xi32, #tpu.memory_space<hbm>>
    %dma_start3A_285 = tpu.memref_slice %arg3[%add3A_283] : memref<1605632xi32, #tpu.memory_space<hbm>> -> memref<3584xi32, #tpu.memory_space<hbm>>
    tpu.enqueue_dma source(%dma_start3A_285 : memref<3584xi32, #tpu.memory_space<hbm>>) target(%arg26 : memref<3584xi32, #tpu.memory_space<vmem>>) target_semaphore(%arg44 : memref<!tpu.dma_semaphore, #tpu.memory_space<semaphore_mem>>)
    %dma_start3A_286 = arith.constant 0 : i32
    %dma_start3A_287 = tpu.memref_slice %arg18[%dma_start3A_286] : memref<102400xf32, #tpu.memory_space<vmem_shared>> -> memref<102400xf32, #tpu.memory_space<vmem_shared>>
    tpu.enqueue_indirect_dma source(%dma_start3A_287 : memref<102400xf32, #tpu.memory_space<vmem_shared>>) target(%arg29 : memref<3584xf32, #tpu.memory_space<vmem>>) offsets(%arg22 : memref<3584xi32, #tpu.memory_space<vmem>>) semaphore(%arg45 : memref<!tpu.dma_semaphore, #tpu.memory_space<semaphore_mem>>)
    %dma_start3A_288 = arith.constant 0 : i32
    %dma_start3A_289 = tpu.memref_slice %arg19[%dma_start3A_288] : memref<102400xf32, #tpu.memory_space<vmem_shared>> -> memref<102400xf32, #tpu.memory_space<vmem_shared>>
    tpu.enqueue_indirect_dma source(%dma_start3A_289 : memref<102400xf32, #tpu.memory_space<vmem_shared>>) target(%arg31 : memref<3584xf32, #tpu.memory_space<vmem>>) offsets(%arg22 : memref<3584xi32, #tpu.memory_space<vmem>>) semaphore(%arg46 : memref<!tpu.dma_semaphore, #tpu.memory_space<semaphore_mem>>)
    %dma_wait3A_290 = arith.constant 0 : i32
    %dma_wait3A_291 = tpu.memref_slice %arg18[%dma_wait3A_290] : memref<102400xf32, #tpu.memory_space<vmem_shared>> -> memref<102400xf32, #tpu.memory_space<vmem_shared>>
    tpu.wait_indirect_dma semaphore(%arg45 : memref<!tpu.dma_semaphore, #tpu.memory_space<semaphore_mem>>) src(%dma_wait3A_291 : memref<102400xf32, #tpu.memory_space<vmem_shared>>) dst(%arg29 : memref<3584xf32, #tpu.memory_space<vmem>>)
    %dma_start3A_292 = arith.constant 0 : i32
    %dma_start3A_293 = tpu.memref_slice %arg20[%dma_start3A_292] : memref<102400xf32, #tpu.memory_space<vmem_shared>> -> memref<102400xf32, #tpu.memory_space<vmem_shared>>
    tpu.enqueue_indirect_dma source(%arg29 : memref<3584xf32, #tpu.memory_space<vmem>>) target(%dma_start3A_293 : memref<102400xf32, #tpu.memory_space<vmem_shared>>) offsets(%arg25 : memref<3584xi32, #tpu.memory_space<vmem>>) semaphore(%arg47 : memref<!tpu.dma_semaphore, #tpu.memory_space<semaphore_mem>>) {add = true}
    %dma_wait3A_294 = arith.constant 0 : i32
    %dma_wait3A_295 = tpu.memref_slice %arg19[%dma_wait3A_294] : memref<102400xf32, #tpu.memory_space<vmem_shared>> -> memref<102400xf32, #tpu.memory_space<vmem_shared>>
    tpu.wait_indirect_dma semaphore(%arg46 : memref<!tpu.dma_semaphore, #tpu.memory_space<semaphore_mem>>) src(%dma_wait3A_295 : memref<102400xf32, #tpu.memory_space<vmem_shared>>) dst(%arg31 : memref<3584xf32, #tpu.memory_space<vmem>>)
    %dma_start3A_296 = arith.constant 0 : i32
    %dma_start3A_297 = tpu.memref_slice %arg21[%dma_start3A_296] : memref<102400xf32, #tpu.memory_space<vmem_shared>> -> memref<102400xf32, #tpu.memory_space<vmem_shared>>
    tpu.enqueue_indirect_dma source(%arg31 : memref<3584xf32, #tpu.memory_space<vmem>>) target(%dma_start3A_297 : memref<102400xf32, #tpu.memory_space<vmem_shared>>) offsets(%arg25 : memref<3584xi32, #tpu.memory_space<vmem>>) semaphore(%arg50 : memref<!tpu.dma_semaphore, #tpu.memory_space<semaphore_mem>>) {add = true}
    %dma_wait3A_298 = tpu.memref_slice %arg2[%add3A_279] : memref<1605632xi32, #tpu.memory_space<hbm>> -> memref<3584xi32, #tpu.memory_space<hbm>>
    %dma_wait3A_299 = tpu.memref_slice %arg2[%add3A_279] : memref<1605632xi32, #tpu.memory_space<hbm>> -> memref<3584xi32, #tpu.memory_space<hbm>>
    tpu.wait_dma2 semaphore(%arg43 : memref<!tpu.dma_semaphore, #tpu.memory_space<semaphore_mem>>) src(%dma_wait3A_299 : memref<3584xi32, #tpu.memory_space<hbm>>) dst(%arg23 : memref<3584xi32, #tpu.memory_space<vmem>>)
    %dma_wait3A_300 = tpu.memref_slice %arg3[%add3A_283] : memref<1605632xi32, #tpu.memory_space<hbm>> -> memref<3584xi32, #tpu.memory_space<hbm>>
    %dma_wait3A_301 = tpu.memref_slice %arg3[%add3A_283] : memref<1605632xi32, #tpu.memory_space<hbm>> -> memref<3584xi32, #tpu.memory_space<hbm>>
    tpu.wait_dma2 semaphore(%arg44 : memref<!tpu.dma_semaphore, #tpu.memory_space<semaphore_mem>>) src(%dma_wait3A_301 : memref<3584xi32, #tpu.memory_space<hbm>>) dst(%arg26 : memref<3584xi32, #tpu.memory_space<vmem>>)
    %dma_wait3A_302 = arith.constant 0 : i32
    %dma_wait3A_303 = tpu.memref_slice %arg20[%dma_wait3A_302] : memref<102400xf32, #tpu.memory_space<vmem_shared>> -> memref<102400xf32, #tpu.memory_space<vmem_shared>>
    tpu.wait_indirect_dma semaphore(%arg49 : memref<!tpu.dma_semaphore, #tpu.memory_space<semaphore_mem>>) src(%arg28 : memref<3584xf32, #tpu.memory_space<vmem>>) dst(%dma_wait3A_303 : memref<102400xf32, #tpu.memory_space<vmem_shared>>)
    %dma_wait3A_304 = arith.constant 0 : i32
    %dma_wait3A_305 = tpu.memref_slice %arg21[%dma_wait3A_304] : memref<102400xf32, #tpu.memory_space<vmem_shared>> -> memref<102400xf32, #tpu.memory_space<vmem_shared>>
    tpu.wait_indirect_dma semaphore(%arg52 : memref<!tpu.dma_semaphore, #tpu.memory_space<semaphore_mem>>) src(%arg30 : memref<3584xf32, #tpu.memory_space<vmem>>) dst(%dma_wait3A_305 : memref<102400xf32, #tpu.memory_space<vmem_shared>>)
    %add3A_306 = arith.constant 39424 : i32
    %add3A_307 = arith.addi %mul3A_23, %add3A_306 : i32
    %dma_start3A_308 = tpu.memref_slice %arg2[%add3A_307] : memref<1605632xi32, #tpu.memory_space<hbm>> -> memref<3584xi32, #tpu.memory_space<hbm>>
    %dma_start3A_309 = tpu.memref_slice %arg2[%add3A_307] : memref<1605632xi32, #tpu.memory_space<hbm>> -> memref<3584xi32, #tpu.memory_space<hbm>>
    tpu.enqueue_dma source(%dma_start3A_309 : memref<3584xi32, #tpu.memory_space<hbm>>) target(%arg24 : memref<3584xi32, #tpu.memory_space<vmem>>) target_semaphore(%arg43 : memref<!tpu.dma_semaphore, #tpu.memory_space<semaphore_mem>>)
    %add3A_310 = arith.constant 39424 : i32
    %add3A_311 = arith.addi %mul3A_23, %add3A_310 : i32
    %dma_start3A_312 = tpu.memref_slice %arg3[%add3A_311] : memref<1605632xi32, #tpu.memory_space<hbm>> -> memref<3584xi32, #tpu.memory_space<hbm>>
    %dma_start3A_313 = tpu.memref_slice %arg3[%add3A_311] : memref<1605632xi32, #tpu.memory_space<hbm>> -> memref<3584xi32, #tpu.memory_space<hbm>>
    tpu.enqueue_dma source(%dma_start3A_313 : memref<3584xi32, #tpu.memory_space<hbm>>) target(%arg27 : memref<3584xi32, #tpu.memory_space<vmem>>) target_semaphore(%arg44 : memref<!tpu.dma_semaphore, #tpu.memory_space<semaphore_mem>>)
    %dma_start3A_314 = arith.constant 0 : i32
    %dma_start3A_315 = tpu.memref_slice %arg18[%dma_start3A_314] : memref<102400xf32, #tpu.memory_space<vmem_shared>> -> memref<102400xf32, #tpu.memory_space<vmem_shared>>
    tpu.enqueue_indirect_dma source(%dma_start3A_315 : memref<102400xf32, #tpu.memory_space<vmem_shared>>) target(%arg28 : memref<3584xf32, #tpu.memory_space<vmem>>) offsets(%arg23 : memref<3584xi32, #tpu.memory_space<vmem>>) semaphore(%arg45 : memref<!tpu.dma_semaphore, #tpu.memory_space<semaphore_mem>>)
    %dma_start3A_316 = arith.constant 0 : i32
    %dma_start3A_317 = tpu.memref_slice %arg19[%dma_start3A_316] : memref<102400xf32, #tpu.memory_space<vmem_shared>> -> memref<102400xf32, #tpu.memory_space<vmem_shared>>
    tpu.enqueue_indirect_dma source(%dma_start3A_317 : memref<102400xf32, #tpu.memory_space<vmem_shared>>) target(%arg30 : memref<3584xf32, #tpu.memory_space<vmem>>) offsets(%arg23 : memref<3584xi32, #tpu.memory_space<vmem>>) semaphore(%arg46 : memref<!tpu.dma_semaphore, #tpu.memory_space<semaphore_mem>>)
    %dma_wait3A_318 = arith.constant 0 : i32
    %dma_wait3A_319 = tpu.memref_slice %arg18[%dma_wait3A_318] : memref<102400xf32, #tpu.memory_space<vmem_shared>> -> memref<102400xf32, #tpu.memory_space<vmem_shared>>
    tpu.wait_indirect_dma semaphore(%arg45 : memref<!tpu.dma_semaphore, #tpu.memory_space<semaphore_mem>>) src(%dma_wait3A_319 : memref<102400xf32, #tpu.memory_space<vmem_shared>>) dst(%arg28 : memref<3584xf32, #tpu.memory_space<vmem>>)
    %dma_start3A_320 = arith.constant 0 : i32
    %dma_start3A_321 = tpu.memref_slice %arg20[%dma_start3A_320] : memref<102400xf32, #tpu.memory_space<vmem_shared>> -> memref<102400xf32, #tpu.memory_space<vmem_shared>>
    tpu.enqueue_indirect_dma source(%arg28 : memref<3584xf32, #tpu.memory_space<vmem>>) target(%dma_start3A_321 : memref<102400xf32, #tpu.memory_space<vmem_shared>>) offsets(%arg26 : memref<3584xi32, #tpu.memory_space<vmem>>) semaphore(%arg48 : memref<!tpu.dma_semaphore, #tpu.memory_space<semaphore_mem>>) {add = true}
    %dma_wait3A_322 = arith.constant 0 : i32
    %dma_wait3A_323 = tpu.memref_slice %arg19[%dma_wait3A_322] : memref<102400xf32, #tpu.memory_space<vmem_shared>> -> memref<102400xf32, #tpu.memory_space<vmem_shared>>
    tpu.wait_indirect_dma semaphore(%arg46 : memref<!tpu.dma_semaphore, #tpu.memory_space<semaphore_mem>>) src(%dma_wait3A_323 : memref<102400xf32, #tpu.memory_space<vmem_shared>>) dst(%arg30 : memref<3584xf32, #tpu.memory_space<vmem>>)
    %dma_start3A_324 = arith.constant 0 : i32
    %dma_start3A_325 = tpu.memref_slice %arg21[%dma_start3A_324] : memref<102400xf32, #tpu.memory_space<vmem_shared>> -> memref<102400xf32, #tpu.memory_space<vmem_shared>>
    tpu.enqueue_indirect_dma source(%arg30 : memref<3584xf32, #tpu.memory_space<vmem>>) target(%dma_start3A_325 : memref<102400xf32, #tpu.memory_space<vmem_shared>>) offsets(%arg26 : memref<3584xi32, #tpu.memory_space<vmem>>) semaphore(%arg51 : memref<!tpu.dma_semaphore, #tpu.memory_space<semaphore_mem>>) {add = true}
    %dma_wait3A_326 = tpu.memref_slice %arg2[%add3A_307] : memref<1605632xi32, #tpu.memory_space<hbm>> -> memref<3584xi32, #tpu.memory_space<hbm>>
    %dma_wait3A_327 = tpu.memref_slice %arg2[%add3A_307] : memref<1605632xi32, #tpu.memory_space<hbm>> -> memref<3584xi32, #tpu.memory_space<hbm>>
    tpu.wait_dma2 semaphore(%arg43 : memref<!tpu.dma_semaphore, #tpu.memory_space<semaphore_mem>>) src(%dma_wait3A_327 : memref<3584xi32, #tpu.memory_space<hbm>>) dst(%arg24 : memref<3584xi32, #tpu.memory_space<vmem>>)
    %dma_wait3A_328 = tpu.memref_slice %arg3[%add3A_311] : memref<1605632xi32, #tpu.memory_space<hbm>> -> memref<3584xi32, #tpu.memory_space<hbm>>
    %dma_wait3A_329 = tpu.memref_slice %arg3[%add3A_311] : memref<1605632xi32, #tpu.memory_space<hbm>> -> memref<3584xi32, #tpu.memory_space<hbm>>
    tpu.wait_dma2 semaphore(%arg44 : memref<!tpu.dma_semaphore, #tpu.memory_space<semaphore_mem>>) src(%dma_wait3A_329 : memref<3584xi32, #tpu.memory_space<hbm>>) dst(%arg27 : memref<3584xi32, #tpu.memory_space<vmem>>)
    %dma_wait3A_330 = arith.constant 0 : i32
    %dma_wait3A_331 = tpu.memref_slice %arg20[%dma_wait3A_330] : memref<102400xf32, #tpu.memory_space<vmem_shared>> -> memref<102400xf32, #tpu.memory_space<vmem_shared>>
    tpu.wait_indirect_dma semaphore(%arg47 : memref<!tpu.dma_semaphore, #tpu.memory_space<semaphore_mem>>) src(%arg29 : memref<3584xf32, #tpu.memory_space<vmem>>) dst(%dma_wait3A_331 : memref<102400xf32, #tpu.memory_space<vmem_shared>>)
    %dma_wait3A_332 = arith.constant 0 : i32
    %dma_wait3A_333 = tpu.memref_slice %arg21[%dma_wait3A_332] : memref<102400xf32, #tpu.memory_space<vmem_shared>> -> memref<102400xf32, #tpu.memory_space<vmem_shared>>
    tpu.wait_indirect_dma semaphore(%arg50 : memref<!tpu.dma_semaphore, #tpu.memory_space<semaphore_mem>>) src(%arg31 : memref<3584xf32, #tpu.memory_space<vmem>>) dst(%dma_wait3A_333 : memref<102400xf32, #tpu.memory_space<vmem_shared>>)
    %add3A_334 = arith.constant 43008 : i32
    %add3A_335 = arith.addi %mul3A_23, %add3A_334 : i32
    %dma_start3A_336 = tpu.memref_slice %arg2[%add3A_335] : memref<1605632xi32, #tpu.memory_space<hbm>> -> memref<3584xi32, #tpu.memory_space<hbm>>
    %dma_start3A_337 = tpu.memref_slice %arg2[%add3A_335] : memref<1605632xi32, #tpu.memory_space<hbm>> -> memref<3584xi32, #tpu.memory_space<hbm>>
    tpu.enqueue_dma source(%dma_start3A_337 : memref<3584xi32, #tpu.memory_space<hbm>>) target(%arg22 : memref<3584xi32, #tpu.memory_space<vmem>>) target_semaphore(%arg43 : memref<!tpu.dma_semaphore, #tpu.memory_space<semaphore_mem>>)
    %add3A_338 = arith.constant 43008 : i32
    %add3A_339 = arith.addi %mul3A_23, %add3A_338 : i32
    %dma_start3A_340 = tpu.memref_slice %arg3[%add3A_339] : memref<1605632xi32, #tpu.memory_space<hbm>> -> memref<3584xi32, #tpu.memory_space<hbm>>
    %dma_start3A_341 = tpu.memref_slice %arg3[%add3A_339] : memref<1605632xi32, #tpu.memory_space<hbm>> -> memref<3584xi32, #tpu.memory_space<hbm>>
    tpu.enqueue_dma source(%dma_start3A_341 : memref<3584xi32, #tpu.memory_space<hbm>>) target(%arg25 : memref<3584xi32, #tpu.memory_space<vmem>>) target_semaphore(%arg44 : memref<!tpu.dma_semaphore, #tpu.memory_space<semaphore_mem>>)
    %dma_start3A_342 = arith.constant 0 : i32
    %dma_start3A_343 = tpu.memref_slice %arg18[%dma_start3A_342] : memref<102400xf32, #tpu.memory_space<vmem_shared>> -> memref<102400xf32, #tpu.memory_space<vmem_shared>>
    tpu.enqueue_indirect_dma source(%dma_start3A_343 : memref<102400xf32, #tpu.memory_space<vmem_shared>>) target(%arg29 : memref<3584xf32, #tpu.memory_space<vmem>>) offsets(%arg24 : memref<3584xi32, #tpu.memory_space<vmem>>) semaphore(%arg45 : memref<!tpu.dma_semaphore, #tpu.memory_space<semaphore_mem>>)
    %dma_start3A_344 = arith.constant 0 : i32
    %dma_start3A_345 = tpu.memref_slice %arg19[%dma_start3A_344] : memref<102400xf32, #tpu.memory_space<vmem_shared>> -> memref<102400xf32, #tpu.memory_space<vmem_shared>>
    tpu.enqueue_indirect_dma source(%dma_start3A_345 : memref<102400xf32, #tpu.memory_space<vmem_shared>>) target(%arg31 : memref<3584xf32, #tpu.memory_space<vmem>>) offsets(%arg24 : memref<3584xi32, #tpu.memory_space<vmem>>) semaphore(%arg46 : memref<!tpu.dma_semaphore, #tpu.memory_space<semaphore_mem>>)
    %dma_wait3A_346 = arith.constant 0 : i32
    %dma_wait3A_347 = tpu.memref_slice %arg18[%dma_wait3A_346] : memref<102400xf32, #tpu.memory_space<vmem_shared>> -> memref<102400xf32, #tpu.memory_space<vmem_shared>>
    tpu.wait_indirect_dma semaphore(%arg45 : memref<!tpu.dma_semaphore, #tpu.memory_space<semaphore_mem>>) src(%dma_wait3A_347 : memref<102400xf32, #tpu.memory_space<vmem_shared>>) dst(%arg29 : memref<3584xf32, #tpu.memory_space<vmem>>)
    %dma_start3A_348 = arith.constant 0 : i32
    %dma_start3A_349 = tpu.memref_slice %arg20[%dma_start3A_348] : memref<102400xf32, #tpu.memory_space<vmem_shared>> -> memref<102400xf32, #tpu.memory_space<vmem_shared>>
    tpu.enqueue_indirect_dma source(%arg29 : memref<3584xf32, #tpu.memory_space<vmem>>) target(%dma_start3A_349 : memref<102400xf32, #tpu.memory_space<vmem_shared>>) offsets(%arg27 : memref<3584xi32, #tpu.memory_space<vmem>>) semaphore(%arg49 : memref<!tpu.dma_semaphore, #tpu.memory_space<semaphore_mem>>) {add = true}
    %dma_wait3A_350 = arith.constant 0 : i32
    %dma_wait3A_351 = tpu.memref_slice %arg19[%dma_wait3A_350] : memref<102400xf32, #tpu.memory_space<vmem_shared>> -> memref<102400xf32, #tpu.memory_space<vmem_shared>>
    tpu.wait_indirect_dma semaphore(%arg46 : memref<!tpu.dma_semaphore, #tpu.memory_space<semaphore_mem>>) src(%dma_wait3A_351 : memref<102400xf32, #tpu.memory_space<vmem_shared>>) dst(%arg31 : memref<3584xf32, #tpu.memory_space<vmem>>)
    %dma_start3A_352 = arith.constant 0 : i32
    %dma_start3A_353 = tpu.memref_slice %arg21[%dma_start3A_352] : memref<102400xf32, #tpu.memory_space<vmem_shared>> -> memref<102400xf32, #tpu.memory_space<vmem_shared>>
    tpu.enqueue_indirect_dma source(%arg31 : memref<3584xf32, #tpu.memory_space<vmem>>) target(%dma_start3A_353 : memref<102400xf32, #tpu.memory_space<vmem_shared>>) offsets(%arg27 : memref<3584xi32, #tpu.memory_space<vmem>>) semaphore(%arg52 : memref<!tpu.dma_semaphore, #tpu.memory_space<semaphore_mem>>) {add = true}
    %dma_wait3A_354 = tpu.memref_slice %arg2[%add3A_335] : memref<1605632xi32, #tpu.memory_space<hbm>> -> memref<3584xi32, #tpu.memory_space<hbm>>
    %dma_wait3A_355 = tpu.memref_slice %arg2[%add3A_335] : memref<1605632xi32, #tpu.memory_space<hbm>> -> memref<3584xi32, #tpu.memory_space<hbm>>
    tpu.wait_dma2 semaphore(%arg43 : memref<!tpu.dma_semaphore, #tpu.memory_space<semaphore_mem>>) src(%dma_wait3A_355 : memref<3584xi32, #tpu.memory_space<hbm>>) dst(%arg22 : memref<3584xi32, #tpu.memory_space<vmem>>)
    %dma_wait3A_356 = tpu.memref_slice %arg3[%add3A_339] : memref<1605632xi32, #tpu.memory_space<hbm>> -> memref<3584xi32, #tpu.memory_space<hbm>>
    %dma_wait3A_357 = tpu.memref_slice %arg3[%add3A_339] : memref<1605632xi32, #tpu.memory_space<hbm>> -> memref<3584xi32, #tpu.memory_space<hbm>>
    tpu.wait_dma2 semaphore(%arg44 : memref<!tpu.dma_semaphore, #tpu.memory_space<semaphore_mem>>) src(%dma_wait3A_357 : memref<3584xi32, #tpu.memory_space<hbm>>) dst(%arg25 : memref<3584xi32, #tpu.memory_space<vmem>>)
    %dma_wait3A_358 = arith.constant 0 : i32
    %dma_wait3A_359 = tpu.memref_slice %arg20[%dma_wait3A_358] : memref<102400xf32, #tpu.memory_space<vmem_shared>> -> memref<102400xf32, #tpu.memory_space<vmem_shared>>
    tpu.wait_indirect_dma semaphore(%arg48 : memref<!tpu.dma_semaphore, #tpu.memory_space<semaphore_mem>>) src(%arg28 : memref<3584xf32, #tpu.memory_space<vmem>>) dst(%dma_wait3A_359 : memref<102400xf32, #tpu.memory_space<vmem_shared>>)
    %dma_wait3A_360 = arith.constant 0 : i32
    %dma_wait3A_361 = tpu.memref_slice %arg21[%dma_wait3A_360] : memref<102400xf32, #tpu.memory_space<vmem_shared>> -> memref<102400xf32, #tpu.memory_space<vmem_shared>>
    tpu.wait_indirect_dma semaphore(%arg51 : memref<!tpu.dma_semaphore, #tpu.memory_space<semaphore_mem>>) src(%arg30 : memref<3584xf32, #tpu.memory_space<vmem>>) dst(%dma_wait3A_361 : memref<102400xf32, #tpu.memory_space<vmem_shared>>)
    %add3A_362 = arith.constant 46592 : i32
    %add3A_363 = arith.addi %mul3A_23, %add3A_362 : i32
    %dma_start3A_364 = tpu.memref_slice %arg2[%add3A_363] : memref<1605632xi32, #tpu.memory_space<hbm>> -> memref<3584xi32, #tpu.memory_space<hbm>>
    %dma_start3A_365 = tpu.memref_slice %arg2[%add3A_363] : memref<1605632xi32, #tpu.memory_space<hbm>> -> memref<3584xi32, #tpu.memory_space<hbm>>
    tpu.enqueue_dma source(%dma_start3A_365 : memref<3584xi32, #tpu.memory_space<hbm>>) target(%arg23 : memref<3584xi32, #tpu.memory_space<vmem>>) target_semaphore(%arg43 : memref<!tpu.dma_semaphore, #tpu.memory_space<semaphore_mem>>)
    %add3A_366 = arith.constant 46592 : i32
    %add3A_367 = arith.addi %mul3A_23, %add3A_366 : i32
    %dma_start3A_368 = tpu.memref_slice %arg3[%add3A_367] : memref<1605632xi32, #tpu.memory_space<hbm>> -> memref<3584xi32, #tpu.memory_space<hbm>>
    %dma_start3A_369 = tpu.memref_slice %arg3[%add3A_367] : memref<1605632xi32, #tpu.memory_space<hbm>> -> memref<3584xi32, #tpu.memory_space<hbm>>
    tpu.enqueue_dma source(%dma_start3A_369 : memref<3584xi32, #tpu.memory_space<hbm>>) target(%arg26 : memref<3584xi32, #tpu.memory_space<vmem>>) target_semaphore(%arg44 : memref<!tpu.dma_semaphore, #tpu.memory_space<semaphore_mem>>)
    %dma_start3A_370 = arith.constant 0 : i32
    %dma_start3A_371 = tpu.memref_slice %arg18[%dma_start3A_370] : memref<102400xf32, #tpu.memory_space<vmem_shared>> -> memref<102400xf32, #tpu.memory_space<vmem_shared>>
    tpu.enqueue_indirect_dma source(%dma_start3A_371 : memref<102400xf32, #tpu.memory_space<vmem_shared>>) target(%arg28 : memref<3584xf32, #tpu.memory_space<vmem>>) offsets(%arg22 : memref<3584xi32, #tpu.memory_space<vmem>>) semaphore(%arg45 : memref<!tpu.dma_semaphore, #tpu.memory_space<semaphore_mem>>)
    %dma_start3A_372 = arith.constant 0 : i32
    %dma_start3A_373 = tpu.memref_slice %arg19[%dma_start3A_372] : memref<102400xf32, #tpu.memory_space<vmem_shared>> -> memref<102400xf32, #tpu.memory_space<vmem_shared>>
    tpu.enqueue_indirect_dma source(%dma_start3A_373 : memref<102400xf32, #tpu.memory_space<vmem_shared>>) target(%arg30 : memref<3584xf32, #tpu.memory_space<vmem>>) offsets(%arg22 : memref<3584xi32, #tpu.memory_space<vmem>>) semaphore(%arg46 : memref<!tpu.dma_semaphore, #tpu.memory_space<semaphore_mem>>)
    %dma_wait3A_374 = arith.constant 0 : i32
    %dma_wait3A_375 = tpu.memref_slice %arg18[%dma_wait3A_374] : memref<102400xf32, #tpu.memory_space<vmem_shared>> -> memref<102400xf32, #tpu.memory_space<vmem_shared>>
    tpu.wait_indirect_dma semaphore(%arg45 : memref<!tpu.dma_semaphore, #tpu.memory_space<semaphore_mem>>) src(%dma_wait3A_375 : memref<102400xf32, #tpu.memory_space<vmem_shared>>) dst(%arg28 : memref<3584xf32, #tpu.memory_space<vmem>>)
    %dma_start3A_376 = arith.constant 0 : i32
    %dma_start3A_377 = tpu.memref_slice %arg20[%dma_start3A_376] : memref<102400xf32, #tpu.memory_space<vmem_shared>> -> memref<102400xf32, #tpu.memory_space<vmem_shared>>
    tpu.enqueue_indirect_dma source(%arg28 : memref<3584xf32, #tpu.memory_space<vmem>>) target(%dma_start3A_377 : memref<102400xf32, #tpu.memory_space<vmem_shared>>) offsets(%arg25 : memref<3584xi32, #tpu.memory_space<vmem>>) semaphore(%arg47 : memref<!tpu.dma_semaphore, #tpu.memory_space<semaphore_mem>>) {add = true}
    %dma_wait3A_378 = arith.constant 0 : i32
    %dma_wait3A_379 = tpu.memref_slice %arg19[%dma_wait3A_378] : memref<102400xf32, #tpu.memory_space<vmem_shared>> -> memref<102400xf32, #tpu.memory_space<vmem_shared>>
    tpu.wait_indirect_dma semaphore(%arg46 : memref<!tpu.dma_semaphore, #tpu.memory_space<semaphore_mem>>) src(%dma_wait3A_379 : memref<102400xf32, #tpu.memory_space<vmem_shared>>) dst(%arg30 : memref<3584xf32, #tpu.memory_space<vmem>>)
    %dma_start3A_380 = arith.constant 0 : i32
    %dma_start3A_381 = tpu.memref_slice %arg21[%dma_start3A_380] : memref<102400xf32, #tpu.memory_space<vmem_shared>> -> memref<102400xf32, #tpu.memory_space<vmem_shared>>
    tpu.enqueue_indirect_dma source(%arg30 : memref<3584xf32, #tpu.memory_space<vmem>>) target(%dma_start3A_381 : memref<102400xf32, #tpu.memory_space<vmem_shared>>) offsets(%arg25 : memref<3584xi32, #tpu.memory_space<vmem>>) semaphore(%arg50 : memref<!tpu.dma_semaphore, #tpu.memory_space<semaphore_mem>>) {add = true}
    %dma_wait3A_382 = tpu.memref_slice %arg2[%add3A_363] : memref<1605632xi32, #tpu.memory_space<hbm>> -> memref<3584xi32, #tpu.memory_space<hbm>>
    %dma_wait3A_383 = tpu.memref_slice %arg2[%add3A_363] : memref<1605632xi32, #tpu.memory_space<hbm>> -> memref<3584xi32, #tpu.memory_space<hbm>>
    tpu.wait_dma2 semaphore(%arg43 : memref<!tpu.dma_semaphore, #tpu.memory_space<semaphore_mem>>) src(%dma_wait3A_383 : memref<3584xi32, #tpu.memory_space<hbm>>) dst(%arg23 : memref<3584xi32, #tpu.memory_space<vmem>>)
    %dma_wait3A_384 = tpu.memref_slice %arg3[%add3A_367] : memref<1605632xi32, #tpu.memory_space<hbm>> -> memref<3584xi32, #tpu.memory_space<hbm>>
    %dma_wait3A_385 = tpu.memref_slice %arg3[%add3A_367] : memref<1605632xi32, #tpu.memory_space<hbm>> -> memref<3584xi32, #tpu.memory_space<hbm>>
    tpu.wait_dma2 semaphore(%arg44 : memref<!tpu.dma_semaphore, #tpu.memory_space<semaphore_mem>>) src(%dma_wait3A_385 : memref<3584xi32, #tpu.memory_space<hbm>>) dst(%arg26 : memref<3584xi32, #tpu.memory_space<vmem>>)
    %dma_wait3A_386 = arith.constant 0 : i32
    %dma_wait3A_387 = tpu.memref_slice %arg20[%dma_wait3A_386] : memref<102400xf32, #tpu.memory_space<vmem_shared>> -> memref<102400xf32, #tpu.memory_space<vmem_shared>>
    tpu.wait_indirect_dma semaphore(%arg49 : memref<!tpu.dma_semaphore, #tpu.memory_space<semaphore_mem>>) src(%arg29 : memref<3584xf32, #tpu.memory_space<vmem>>) dst(%dma_wait3A_387 : memref<102400xf32, #tpu.memory_space<vmem_shared>>)
    %dma_wait3A_388 = arith.constant 0 : i32
    %dma_wait3A_389 = tpu.memref_slice %arg21[%dma_wait3A_388] : memref<102400xf32, #tpu.memory_space<vmem_shared>> -> memref<102400xf32, #tpu.memory_space<vmem_shared>>
    tpu.wait_indirect_dma semaphore(%arg52 : memref<!tpu.dma_semaphore, #tpu.memory_space<semaphore_mem>>) src(%arg31 : memref<3584xf32, #tpu.memory_space<vmem>>) dst(%dma_wait3A_389 : memref<102400xf32, #tpu.memory_space<vmem_shared>>)
    %dma_start3A_390 = arith.constant 0 : i32
    %dma_start3A_391 = tpu.memref_slice %arg18[%dma_start3A_390] : memref<102400xf32, #tpu.memory_space<vmem_shared>> -> memref<102400xf32, #tpu.memory_space<vmem_shared>>
    tpu.enqueue_indirect_dma source(%dma_start3A_391 : memref<102400xf32, #tpu.memory_space<vmem_shared>>) target(%arg29 : memref<3584xf32, #tpu.memory_space<vmem>>) offsets(%arg23 : memref<3584xi32, #tpu.memory_space<vmem>>) semaphore(%arg45 : memref<!tpu.dma_semaphore, #tpu.memory_space<semaphore_mem>>)
    %dma_start3A_392 = arith.constant 0 : i32
    %dma_start3A_393 = tpu.memref_slice %arg19[%dma_start3A_392] : memref<102400xf32, #tpu.memory_space<vmem_shared>> -> memref<102400xf32, #tpu.memory_space<vmem_shared>>
    tpu.enqueue_indirect_dma source(%dma_start3A_393 : memref<102400xf32, #tpu.memory_space<vmem_shared>>) target(%arg31 : memref<3584xf32, #tpu.memory_space<vmem>>) offsets(%arg23 : memref<3584xi32, #tpu.memory_space<vmem>>) semaphore(%arg46 : memref<!tpu.dma_semaphore, #tpu.memory_space<semaphore_mem>>)
    %dma_wait3A_394 = arith.constant 0 : i32
    %dma_wait3A_395 = tpu.memref_slice %arg18[%dma_wait3A_394] : memref<102400xf32, #tpu.memory_space<vmem_shared>> -> memref<102400xf32, #tpu.memory_space<vmem_shared>>
    tpu.wait_indirect_dma semaphore(%arg45 : memref<!tpu.dma_semaphore, #tpu.memory_space<semaphore_mem>>) src(%dma_wait3A_395 : memref<102400xf32, #tpu.memory_space<vmem_shared>>) dst(%arg29 : memref<3584xf32, #tpu.memory_space<vmem>>)
    %dma_start3A_396 = arith.constant 0 : i32
    %dma_start3A_397 = tpu.memref_slice %arg20[%dma_start3A_396] : memref<102400xf32, #tpu.memory_space<vmem_shared>> -> memref<102400xf32, #tpu.memory_space<vmem_shared>>
    tpu.enqueue_indirect_dma source(%arg29 : memref<3584xf32, #tpu.memory_space<vmem>>) target(%dma_start3A_397 : memref<102400xf32, #tpu.memory_space<vmem_shared>>) offsets(%arg26 : memref<3584xi32, #tpu.memory_space<vmem>>) semaphore(%arg48 : memref<!tpu.dma_semaphore, #tpu.memory_space<semaphore_mem>>) {add = true}
    %dma_wait3A_398 = arith.constant 0 : i32
    %dma_wait3A_399 = tpu.memref_slice %arg19[%dma_wait3A_398] : memref<102400xf32, #tpu.memory_space<vmem_shared>> -> memref<102400xf32, #tpu.memory_space<vmem_shared>>
    tpu.wait_indirect_dma semaphore(%arg46 : memref<!tpu.dma_semaphore, #tpu.memory_space<semaphore_mem>>) src(%dma_wait3A_399 : memref<102400xf32, #tpu.memory_space<vmem_shared>>) dst(%arg31 : memref<3584xf32, #tpu.memory_space<vmem>>)
    %dma_start3A_400 = arith.constant 0 : i32
    %dma_start3A_401 = tpu.memref_slice %arg21[%dma_start3A_400] : memref<102400xf32, #tpu.memory_space<vmem_shared>> -> memref<102400xf32, #tpu.memory_space<vmem_shared>>
    tpu.enqueue_indirect_dma source(%arg31 : memref<3584xf32, #tpu.memory_space<vmem>>) target(%dma_start3A_401 : memref<102400xf32, #tpu.memory_space<vmem_shared>>) offsets(%arg26 : memref<3584xi32, #tpu.memory_space<vmem>>) semaphore(%arg51 : memref<!tpu.dma_semaphore, #tpu.memory_space<semaphore_mem>>) {add = true}
    %dma_wait3A_402 = arith.constant 0 : i32
    %dma_wait3A_403 = tpu.memref_slice %arg20[%dma_wait3A_402] : memref<102400xf32, #tpu.memory_space<vmem_shared>> -> memref<102400xf32, #tpu.memory_space<vmem_shared>>
    tpu.wait_indirect_dma semaphore(%arg47 : memref<!tpu.dma_semaphore, #tpu.memory_space<semaphore_mem>>) src(%arg28 : memref<3584xf32, #tpu.memory_space<vmem>>) dst(%dma_wait3A_403 : memref<102400xf32, #tpu.memory_space<vmem_shared>>)
    %dma_wait3A_404 = arith.constant 0 : i32
    %dma_wait3A_405 = tpu.memref_slice %arg20[%dma_wait3A_404] : memref<102400xf32, #tpu.memory_space<vmem_shared>> -> memref<102400xf32, #tpu.memory_space<vmem_shared>>
    tpu.wait_indirect_dma semaphore(%arg48 : memref<!tpu.dma_semaphore, #tpu.memory_space<semaphore_mem>>) src(%arg29 : memref<3584xf32, #tpu.memory_space<vmem>>) dst(%dma_wait3A_405 : memref<102400xf32, #tpu.memory_space<vmem_shared>>)
    %dma_wait3A_406 = arith.constant 0 : i32
    %dma_wait3A_407 = tpu.memref_slice %arg21[%dma_wait3A_406] : memref<102400xf32, #tpu.memory_space<vmem_shared>> -> memref<102400xf32, #tpu.memory_space<vmem_shared>>
    tpu.wait_indirect_dma semaphore(%arg50 : memref<!tpu.dma_semaphore, #tpu.memory_space<semaphore_mem>>) src(%arg30 : memref<3584xf32, #tpu.memory_space<vmem>>) dst(%dma_wait3A_407 : memref<102400xf32, #tpu.memory_space<vmem_shared>>)
    %dma_wait3A_408 = arith.constant 0 : i32
    %dma_wait3A_409 = tpu.memref_slice %arg21[%dma_wait3A_408] : memref<102400xf32, #tpu.memory_space<vmem_shared>> -> memref<102400xf32, #tpu.memory_space<vmem_shared>>
    tpu.wait_indirect_dma semaphore(%arg51 : memref<!tpu.dma_semaphore, #tpu.memory_space<semaphore_mem>>) src(%arg31 : memref<3584xf32, #tpu.memory_space<vmem>>) dst(%dma_wait3A_409 : memref<102400xf32, #tpu.memory_space<vmem_shared>>)
    %barrier3A_410 = arith.constant 0 : index
    tpu.barrier barrier_id(%barrier3A_410)
    %eq3A_411 = arith.constant 0 : i32
    %eq3A_412 = arith.cmpi eq, %arg0, %eq3A_411 : i32
    %convert_element_type3A_413 = arith.extui %eq3A_412 : i1 to i32
    %cond3A_414 = arith.constant 0 : i32
    %cond3A_415 = arith.cmpi ne, %convert_element_type3A_413, %cond3A_414 : i32
    scf.if %cond3A_415 {
      %mul3A_421 = arith.constant 6400 : i32
      %mul3A_422 = arith.muli %arg1, %mul3A_421 : i32
      %mul3A_423 = arith.constant 6400 : i32
      %mul3A_424 = arith.muli %arg1, %mul3A_423 : i32
      "tpu.region"() ({
        %run_scoped3A = tpu.sem_alloc : memref<!tpu.dma_semaphore, #tpu.memory_space<semaphore_mem>>
        %dma_start3A_429 = tpu.memref_slice %arg12[%mul3A_424] : memref<102400xf32, #tpu.memory_space<hbm>> -> memref<6400xf32, #tpu.memory_space<hbm>>
        %dma_start3A_430 = tpu.memref_slice %arg20[%mul3A_422] : memref<102400xf32, #tpu.memory_space<vmem_shared>> -> memref<6400xf32, #tpu.memory_space<vmem_shared>>
        tpu.enqueue_dma source(%dma_start3A_430 : memref<6400xf32, #tpu.memory_space<vmem_shared>>) target(%dma_start3A_429 : memref<6400xf32, #tpu.memory_space<hbm>>) target_semaphore(%run_scoped3A : memref<!tpu.dma_semaphore, #tpu.memory_space<semaphore_mem>>)
        %dma_wait3A_431 = tpu.memref_slice %arg12[%mul3A_424] : memref<102400xf32, #tpu.memory_space<hbm>> -> memref<6400xf32, #tpu.memory_space<hbm>>
        %dma_wait3A_432 = tpu.memref_slice %arg20[%mul3A_422] : memref<102400xf32, #tpu.memory_space<vmem_shared>> -> memref<6400xf32, #tpu.memory_space<vmem_shared>>
        tpu.wait_dma2 semaphore(%run_scoped3A : memref<!tpu.dma_semaphore, #tpu.memory_space<semaphore_mem>>) src(%dma_wait3A_432 : memref<6400xf32, #tpu.memory_space<vmem_shared>>) dst(%dma_wait3A_431 : memref<6400xf32, #tpu.memory_space<hbm>>)
        tpu.yield
      }) : () -> ()
      %mul3A_425 = arith.constant 6400 : i32
      %mul3A_426 = arith.muli %arg1, %mul3A_425 : i32
      %mul3A_427 = arith.constant 6400 : i32
      %mul3A_428 = arith.muli %arg1, %mul3A_427 : i32
      "tpu.region"() ({
        %run_scoped3A = tpu.sem_alloc : memref<!tpu.dma_semaphore, #tpu.memory_space<semaphore_mem>>
        %dma_start3A_429 = tpu.memref_slice %arg13[%mul3A_428] : memref<102400xf32, #tpu.memory_space<hbm>> -> memref<6400xf32, #tpu.memory_space<hbm>>
        %dma_start3A_430 = tpu.memref_slice %arg21[%mul3A_426] : memref<102400xf32, #tpu.memory_space<vmem_shared>> -> memref<6400xf32, #tpu.memory_space<vmem_shared>>
        tpu.enqueue_dma source(%dma_start3A_430 : memref<6400xf32, #tpu.memory_space<vmem_shared>>) target(%dma_start3A_429 : memref<6400xf32, #tpu.memory_space<hbm>>) target_semaphore(%run_scoped3A : memref<!tpu.dma_semaphore, #tpu.memory_space<semaphore_mem>>)
        %dma_wait3A_431 = tpu.memref_slice %arg13[%mul3A_428] : memref<102400xf32, #tpu.memory_space<hbm>> -> memref<6400xf32, #tpu.memory_space<hbm>>
        %dma_wait3A_432 = tpu.memref_slice %arg21[%mul3A_426] : memref<102400xf32, #tpu.memory_space<vmem_shared>> -> memref<6400xf32, #tpu.memory_space<vmem_shared>>
        tpu.wait_dma2 semaphore(%run_scoped3A : memref<!tpu.dma_semaphore, #tpu.memory_space<semaphore_mem>>) src(%dma_wait3A_432 : memref<6400xf32, #tpu.memory_space<vmem_shared>>) dst(%dma_wait3A_431 : memref<6400xf32, #tpu.memory_space<hbm>>)
        tpu.yield
      }) : () -> ()
    } else {
    }
    %eq3A_416 = arith.constant 1 : i32
    %eq3A_417 = arith.cmpi eq, %arg0, %eq3A_416 : i32
    %convert_element_type3A_418 = arith.extui %eq3A_417 : i1 to i32
    %cond3A_419 = arith.constant 0 : i32
    %cond3A_420 = arith.cmpi ne, %convert_element_type3A_418, %cond3A_419 : i32
    scf.if %cond3A_420 {
      %mul3A_421 = arith.constant 6400 : i32
      %mul3A_422 = arith.muli %arg1, %mul3A_421 : i32
      %mul3A_423 = arith.constant 6400 : i32
      %mul3A_424 = arith.muli %arg1, %mul3A_423 : i32
      "tpu.region"() ({
        %run_scoped3A = tpu.sem_alloc : memref<!tpu.dma_semaphore, #tpu.memory_space<semaphore_mem>>
        %dma_start3A_429 = tpu.memref_slice %arg14[%mul3A_424] : memref<102400xf32, #tpu.memory_space<hbm>> -> memref<6400xf32, #tpu.memory_space<hbm>>
        %dma_start3A_430 = tpu.memref_slice %arg20[%mul3A_422] : memref<102400xf32, #tpu.memory_space<vmem_shared>> -> memref<6400xf32, #tpu.memory_space<vmem_shared>>
        tpu.enqueue_dma source(%dma_start3A_430 : memref<6400xf32, #tpu.memory_space<vmem_shared>>) target(%dma_start3A_429 : memref<6400xf32, #tpu.memory_space<hbm>>) target_semaphore(%run_scoped3A : memref<!tpu.dma_semaphore, #tpu.memory_space<semaphore_mem>>)
        %dma_wait3A_431 = tpu.memref_slice %arg14[%mul3A_424] : memref<102400xf32, #tpu.memory_space<hbm>> -> memref<6400xf32, #tpu.memory_space<hbm>>
        %dma_wait3A_432 = tpu.memref_slice %arg20[%mul3A_422] : memref<102400xf32, #tpu.memory_space<vmem_shared>> -> memref<6400xf32, #tpu.memory_space<vmem_shared>>
        tpu.wait_dma2 semaphore(%run_scoped3A : memref<!tpu.dma_semaphore, #tpu.memory_space<semaphore_mem>>) src(%dma_wait3A_432 : memref<6400xf32, #tpu.memory_space<vmem_shared>>) dst(%dma_wait3A_431 : memref<6400xf32, #tpu.memory_space<hbm>>)
        tpu.yield
      }) : () -> ()
      %mul3A_425 = arith.constant 6400 : i32
      %mul3A_426 = arith.muli %arg1, %mul3A_425 : i32
      %mul3A_427 = arith.constant 6400 : i32
      %mul3A_428 = arith.muli %arg1, %mul3A_427 : i32
      "tpu.region"() ({
        %run_scoped3A = tpu.sem_alloc : memref<!tpu.dma_semaphore, #tpu.memory_space<semaphore_mem>>
        %dma_start3A_429 = tpu.memref_slice %arg15[%mul3A_428] : memref<102400xf32, #tpu.memory_space<hbm>> -> memref<6400xf32, #tpu.memory_space<hbm>>
        %dma_start3A_430 = tpu.memref_slice %arg21[%mul3A_426] : memref<102400xf32, #tpu.memory_space<vmem_shared>> -> memref<6400xf32, #tpu.memory_space<vmem_shared>>
        tpu.enqueue_dma source(%dma_start3A_430 : memref<6400xf32, #tpu.memory_space<vmem_shared>>) target(%dma_start3A_429 : memref<6400xf32, #tpu.memory_space<hbm>>) target_semaphore(%run_scoped3A : memref<!tpu.dma_semaphore, #tpu.memory_space<semaphore_mem>>)
        %dma_wait3A_431 = tpu.memref_slice %arg15[%mul3A_428] : memref<102400xf32, #tpu.memory_space<hbm>> -> memref<6400xf32, #tpu.memory_space<hbm>>
        %dma_wait3A_432 = tpu.memref_slice %arg21[%mul3A_426] : memref<102400xf32, #tpu.memory_space<vmem_shared>> -> memref<6400xf32, #tpu.memory_space<vmem_shared>>
        tpu.wait_dma2 semaphore(%run_scoped3A : memref<!tpu.dma_semaphore, #tpu.memory_space<semaphore_mem>>) src(%dma_wait3A_432 : memref<6400xf32, #tpu.memory_space<vmem_shared>>) dst(%dma_wait3A_431 : memref<6400xf32, #tpu.memory_space<hbm>>)
        tpu.yield
      }) : () -> ()
    } else {
    }
    return
  }
}

#map = affine_map<(d0, d1) -> (0)>
module attributes {stable_mosaic.version = 14 : i64} {
  func.func @_k_t1(%arg0: i32, %arg1: i32, %arg2: memref<1605632xi32, #tpu.memory_space<hbm>>, %arg3: memref<1605632xi32, #tpu.memory_space<hbm>>, %arg4: memref<102400xf32, #tpu.memory_space<hbm>>, %arg5: memref<102400xf32, #tpu.memory_space<hbm>>, %arg6: memref<102400xf32, #tpu.memory_space<hbm>>, %arg7: memref<102400xf32, #tpu.memory_space<hbm>>, %arg8: memref<102400xf32, #tpu.memory_space<hbm>>, %arg9: memref<102400xf32, #tpu.memory_space<hbm>>, %arg10: memref<102400xf32, #tpu.memory_space<hbm>>, %arg11: memref<102400xf32, #tpu.memory_space<vmem_shared>>, %arg12: memref<102400xf32, #tpu.memory_space<vmem_shared>>, %arg13: memref<7168xi32, #tpu.memory_space<vmem>>, %arg14: memref<7168xi32, #tpu.memory_space<vmem>>, %arg15: memref<7168xi32, #tpu.memory_space<vmem>>, %arg16: memref<7168xi32, #tpu.memory_space<vmem>>, %arg17: memref<7168xi32, #tpu.memory_space<vmem>>, %arg18: memref<7168xi32, #tpu.memory_space<vmem>>, %arg19: memref<3200xf32, #tpu.memory_space<vmem>>, %arg20: memref<7168xf32, #tpu.memory_space<vmem>>, %arg21: memref<7168xf32, #tpu.memory_space<vmem>>, %arg22: memref<6400xf32, #tpu.memory_space<vmem>>, %arg23: memref<6400xf32, #tpu.memory_space<vmem>>, %arg24: memref<6400xf32, #tpu.memory_space<vmem>>, %arg25: memref<6400xf32, #tpu.memory_space<vmem>>, %arg26: memref<6400xf32, #tpu.memory_space<vmem>>, %arg27: memref<!tpu.dma_semaphore, #tpu.memory_space<semaphore_mem>>, %arg28: memref<!tpu.dma_semaphore, #tpu.memory_space<semaphore_mem>>, %arg29: memref<!tpu.dma_semaphore, #tpu.memory_space<semaphore_mem>>, %arg30: memref<!tpu.dma_semaphore, #tpu.memory_space<semaphore_mem>>, %arg31: memref<!tpu.dma_semaphore, #tpu.memory_space<semaphore_mem>>, %arg32: memref<!tpu.dma_semaphore, #tpu.memory_space<semaphore_mem>>) attributes {dimension_semantics = [#tpu.dimension_semantics<core_parallel>, #tpu.dimension_semantics<subcore_parallel>], iteration_bounds = array<i64: 2, 16>, scalar_prefetch = 0 : i64, scratch_operands = 22 : i64, tpu.core_type = #tpu.core_type<sc_vector_subcore>, window_params = [{transform_indices = #map}, {transform_indices = #map}, {transform_indices = #map}, {transform_indices = #map}, {transform_indices = #map}, {transform_indices = #map}, {transform_indices = #map}, {transform_indices = #map}, {transform_indices = #map}]} {
    %mul3A = arith.constant 16 : i32
    %mul3A_0 = arith.muli %arg0, %mul3A : i32
    %add3A = arith.addi %mul3A_0, %arg1 : i32
    %mul3A_1 = arith.constant 6400 : i32
    %mul3A_2 = arith.muli %arg1, %mul3A_1 : i32
    "tpu.region"() ({
      %run_scoped3A = tpu.sem_alloc : memref<!tpu.dma_semaphore, #tpu.memory_space<semaphore_mem>>
      %dma_start3A_167 = tpu.memref_slice %arg4[%mul3A_2] : memref<102400xf32, #tpu.memory_space<hbm>> -> memref<6400xf32, #tpu.memory_space<hbm>>
      %dma_start3A_168 = tpu.memref_slice %arg4[%mul3A_2] : memref<102400xf32, #tpu.memory_space<hbm>> -> memref<6400xf32, #tpu.memory_space<hbm>>
      tpu.enqueue_dma source(%dma_start3A_168 : memref<6400xf32, #tpu.memory_space<hbm>>) target(%arg22 : memref<6400xf32, #tpu.memory_space<vmem>>) target_semaphore(%run_scoped3A : memref<!tpu.dma_semaphore, #tpu.memory_space<semaphore_mem>>)
      %dma_wait3A_169 = tpu.memref_slice %arg4[%mul3A_2] : memref<102400xf32, #tpu.memory_space<hbm>> -> memref<6400xf32, #tpu.memory_space<hbm>>
      %dma_wait3A_170 = tpu.memref_slice %arg4[%mul3A_2] : memref<102400xf32, #tpu.memory_space<hbm>> -> memref<6400xf32, #tpu.memory_space<hbm>>
      tpu.wait_dma2 semaphore(%run_scoped3A : memref<!tpu.dma_semaphore, #tpu.memory_space<semaphore_mem>>) src(%dma_wait3A_170 : memref<6400xf32, #tpu.memory_space<hbm>>) dst(%arg22 : memref<6400xf32, #tpu.memory_space<vmem>>)
      tpu.yield
    }) : () -> ()
    "tpu.region"() ({
      %run_scoped3A = tpu.sem_alloc : memref<!tpu.dma_semaphore, #tpu.memory_space<semaphore_mem>>
      %dma_start3A_167 = tpu.memref_slice %arg5[%mul3A_2] : memref<102400xf32, #tpu.memory_space<hbm>> -> memref<6400xf32, #tpu.memory_space<hbm>>
      %dma_start3A_168 = tpu.memref_slice %arg5[%mul3A_2] : memref<102400xf32, #tpu.memory_space<hbm>> -> memref<6400xf32, #tpu.memory_space<hbm>>
      tpu.enqueue_dma source(%dma_start3A_168 : memref<6400xf32, #tpu.memory_space<hbm>>) target(%arg23 : memref<6400xf32, #tpu.memory_space<vmem>>) target_semaphore(%run_scoped3A : memref<!tpu.dma_semaphore, #tpu.memory_space<semaphore_mem>>)
      %dma_wait3A_169 = tpu.memref_slice %arg5[%mul3A_2] : memref<102400xf32, #tpu.memory_space<hbm>> -> memref<6400xf32, #tpu.memory_space<hbm>>
      %dma_wait3A_170 = tpu.memref_slice %arg5[%mul3A_2] : memref<102400xf32, #tpu.memory_space<hbm>> -> memref<6400xf32, #tpu.memory_space<hbm>>
      tpu.wait_dma2 semaphore(%run_scoped3A : memref<!tpu.dma_semaphore, #tpu.memory_space<semaphore_mem>>) src(%dma_wait3A_170 : memref<6400xf32, #tpu.memory_space<hbm>>) dst(%arg23 : memref<6400xf32, #tpu.memory_space<vmem>>)
      tpu.yield
    }) : () -> ()
    "tpu.region"() ({
      %run_scoped3A = tpu.sem_alloc : memref<!tpu.dma_semaphore, #tpu.memory_space<semaphore_mem>>
      %dma_start3A_167 = tpu.memref_slice %arg6[%mul3A_2] : memref<102400xf32, #tpu.memory_space<hbm>> -> memref<6400xf32, #tpu.memory_space<hbm>>
      %dma_start3A_168 = tpu.memref_slice %arg6[%mul3A_2] : memref<102400xf32, #tpu.memory_space<hbm>> -> memref<6400xf32, #tpu.memory_space<hbm>>
      tpu.enqueue_dma source(%dma_start3A_168 : memref<6400xf32, #tpu.memory_space<hbm>>) target(%arg24 : memref<6400xf32, #tpu.memory_space<vmem>>) target_semaphore(%run_scoped3A : memref<!tpu.dma_semaphore, #tpu.memory_space<semaphore_mem>>)
      %dma_wait3A_169 = tpu.memref_slice %arg6[%mul3A_2] : memref<102400xf32, #tpu.memory_space<hbm>> -> memref<6400xf32, #tpu.memory_space<hbm>>
      %dma_wait3A_170 = tpu.memref_slice %arg6[%mul3A_2] : memref<102400xf32, #tpu.memory_space<hbm>> -> memref<6400xf32, #tpu.memory_space<hbm>>
      tpu.wait_dma2 semaphore(%run_scoped3A : memref<!tpu.dma_semaphore, #tpu.memory_space<semaphore_mem>>) src(%dma_wait3A_170 : memref<6400xf32, #tpu.memory_space<hbm>>) dst(%arg24 : memref<6400xf32, #tpu.memory_space<vmem>>)
      tpu.yield
    }) : () -> ()
    %scan3A = arith.constant 0 : i32
    %scan3A_3 = arith.constant 0 : i32
    %scan3A_4 = arith.constant 400 : i32
    %scan3A_5 = arith.addi %scan3A_3, %scan3A_4 : i32
    %scan3A_6 = arith.constant 1 : i32
    %scan3A_7 = scf.for %scan3A_167 = %scan3A_3 to %scan3A_5 step %scan3A_6 iter_args(%scan3A_168 = %scan3A) -> (i32)  : i32 {
      %mul3A_169 = arith.constant 16 : i32
      %mul3A_170 = arith.muli %scan3A_167, %mul3A_169 : i32
      %get3A = arith.index_cast %mul3A_170 : i32 to index
      %get3A_171 = tpu.vector_load %arg22[%get3A] {strides = array<i32>} : memref<6400xf32, #tpu.memory_space<vmem>>, vector<16xf32>,
      %get3A_172 = vector.shape_cast %get3A_171 : vector<16xf32> to vector<16xf32>
      %get3A_173 = arith.index_cast %mul3A_170 : i32 to index
      %get3A_174 = tpu.vector_load %arg23[%get3A_173] {strides = array<i32>} : memref<6400xf32, #tpu.memory_space<vmem>>, vector<16xf32>,
      %get3A_175 = vector.shape_cast %get3A_174 : vector<16xf32> to vector<16xf32>
      %add3A_176 = arith.addf %get3A_172, %get3A_175 : vector<16xf32>
      %add3A_177 = arith.constant 1.000000e+00 : f32
      %add3A_178 = vector.broadcast %add3A_177 : f32 to vector<16xf32>
      %add3A_179 = arith.addf %add3A_176, %add3A_178 : vector<16xf32>
      %bitcast_convert_type3A = tpu.bitcast %add3A_179 : vector<16xf32> -> vector<16xi32>
      %shift_right_logical3A = arith.constant 1 : i32
      %shift_right_logical3A_180 = vector.broadcast %shift_right_logical3A : i32 to vector<16xi32>
      %shift_right_logical3A_181 = arith.shrui %bitcast_convert_type3A, %shift_right_logical3A_180 : vector<16xi32>
      %sub3A = arith.constant 1597463007 : i32
      %sub3A_182 = vector.broadcast %sub3A : i32 to vector<16xi32>
      %sub3A_183 = arith.subi %sub3A_182, %shift_right_logical3A_181 : vector<16xi32>
      %bitcast_convert_type3A_184 = tpu.bitcast %sub3A_183 : vector<16xi32> -> vector<16xf32>
      %mul3A_185 = arith.constant 5.000000e-01 : f32
      %mul3A_186 = vector.broadcast %mul3A_185 : f32 to vector<16xf32>
      %mul3A_187 = arith.mulf %mul3A_186, %add3A_179 : vector<16xf32>
      %mul3A_188 = arith.mulf %mul3A_187, %bitcast_convert_type3A_184 : vector<16xf32>
      %mul3A_189 = arith.mulf %mul3A_188, %bitcast_convert_type3A_184 : vector<16xf32>
      %sub3A_190 = arith.constant 1.500000e+00 : f32
      %sub3A_191 = vector.broadcast %sub3A_190 : f32 to vector<16xf32>
      %sub3A_192 = arith.subf %sub3A_191, %mul3A_189 : vector<16xf32>
      %mul3A_193 = arith.mulf %bitcast_convert_type3A_184, %sub3A_192 : vector<16xf32>
      %mul3A_194 = arith.constant 5.000000e-01 : f32
      %mul3A_195 = vector.broadcast %mul3A_194 : f32 to vector<16xf32>
      %mul3A_196 = arith.mulf %mul3A_195, %add3A_179 : vector<16xf32>
      %mul3A_197 = arith.mulf %mul3A_196, %mul3A_193 : vector<16xf32>
      %mul3A_198 = arith.mulf %mul3A_197, %mul3A_193 : vector<16xf32>
      %sub3A_199 = arith.constant 1.500000e+00 : f32
      %sub3A_200 = vector.broadcast %sub3A_199 : f32 to vector<16xf32>
      %sub3A_201 = arith.subf %sub3A_200, %mul3A_198 : vector<16xf32>
      %mul3A_202 = arith.mulf %mul3A_193, %sub3A_201 : vector<16xf32>
      %mul3A_203 = arith.constant 5.000000e-01 : f32
      %mul3A_204 = vector.broadcast %mul3A_203 : f32 to vector<16xf32>
      %mul3A_205 = arith.mulf %mul3A_204, %add3A_179 : vector<16xf32>
      %mul3A_206 = arith.mulf %mul3A_205, %mul3A_202 : vector<16xf32>
      %mul3A_207 = arith.mulf %mul3A_206, %mul3A_202 : vector<16xf32>
      %sub3A_208 = arith.constant 1.500000e+00 : f32
      %sub3A_209 = vector.broadcast %sub3A_208 : f32 to vector<16xf32>
      %sub3A_210 = arith.subf %sub3A_209, %mul3A_207 : vector<16xf32>
      %mul3A_211 = arith.mulf %mul3A_202, %sub3A_210 : vector<16xf32>
      %swap3A = arith.index_cast %mul3A_170 : i32 to index
      %swap3A_212 = tpu.vector_load %arg25[%swap3A] {strides = array<i32>} : memref<6400xf32, #tpu.memory_space<vmem>>, vector<16xf32>,
      %swap3A_213 = vector.shape_cast %swap3A_212 : vector<16xf32> to vector<16xf32>
      %swap3A_214 = vector.shape_cast %mul3A_211 : vector<16xf32> to vector<16xf32>
      tpu.vector_store %arg25[%swap3A], %swap3A_214 {strides = array<i32>} : memref<6400xf32, #tpu.memory_space<vmem>>, vector<16xf32>,
      %get3A_215 = arith.index_cast %mul3A_170 : i32 to index
      %get3A_216 = tpu.vector_load %arg24[%get3A_215] {strides = array<i32>} : memref<6400xf32, #tpu.memory_space<vmem>>, vector<16xf32>,
      %get3A_217 = vector.shape_cast %get3A_216 : vector<16xf32> to vector<16xf32>
      %mul3A_218 = arith.mulf %get3A_217, %mul3A_211 : vector<16xf32>
      %swap3A_219 = arith.index_cast %mul3A_170 : i32 to index
      %swap3A_220 = tpu.vector_load %arg26[%swap3A_219] {strides = array<i32>} : memref<6400xf32, #tpu.memory_space<vmem>>, vector<16xf32>,
      %swap3A_221 = vector.shape_cast %swap3A_220 : vector<16xf32> to vector<16xf32>
      %swap3A_222 = vector.shape_cast %mul3A_218 : vector<16xf32> to vector<16xf32>
      tpu.vector_store %arg26[%swap3A_219], %swap3A_222 {strides = array<i32>} : memref<6400xf32, #tpu.memory_space<vmem>>, vector<16xf32>,
      %scan3A_223 = arith.constant 0 : i32
      scf.yield %scan3A_223 : i32
    }
    %scan3A_8 = arith.constant 400 : i32
    "tpu.region"() ({
      %run_scoped3A = tpu.sem_alloc : memref<!tpu.dma_semaphore, #tpu.memory_space<semaphore_mem>>
      %dma_start3A_167 = tpu.memref_slice %arg11[%mul3A_2] : memref<102400xf32, #tpu.memory_space<vmem_shared>> -> memref<6400xf32, #tpu.memory_space<vmem_shared>>
      %dma_start3A_168 = tpu.memref_slice %arg11[%mul3A_2] : memref<102400xf32, #tpu.memory_space<vmem_shared>> -> memref<6400xf32, #tpu.memory_space<vmem_shared>>
      tpu.enqueue_dma source(%arg26 : memref<6400xf32, #tpu.memory_space<vmem>>) target(%dma_start3A_168 : memref<6400xf32, #tpu.memory_space<vmem_shared>>) target_semaphore(%run_scoped3A : memref<!tpu.dma_semaphore, #tpu.memory_space<semaphore_mem>>)
      %dma_wait3A_169 = tpu.memref_slice %arg11[%mul3A_2] : memref<102400xf32, #tpu.memory_space<vmem_shared>> -> memref<6400xf32, #tpu.memory_space<vmem_shared>>
      %dma_wait3A_170 = tpu.memref_slice %arg11[%mul3A_2] : memref<102400xf32, #tpu.memory_space<vmem_shared>> -> memref<6400xf32, #tpu.memory_space<vmem_shared>>
      tpu.wait_dma2 semaphore(%run_scoped3A : memref<!tpu.dma_semaphore, #tpu.memory_space<semaphore_mem>>) src(%arg26 : memref<6400xf32, #tpu.memory_space<vmem>>) dst(%dma_wait3A_170 : memref<6400xf32, #tpu.memory_space<vmem_shared>>)
      tpu.yield
    }) : () -> ()
    %scan3A_9 = arith.constant 0 : i32
    %scan3A_10 = arith.constant 0 : i32
    %scan3A_11 = arith.constant 200 : i32
    %scan3A_12 = arith.addi %scan3A_10, %scan3A_11 : i32
    %scan3A_13 = arith.constant 1 : i32
    %scan3A_14 = scf.for %scan3A_167 = %scan3A_10 to %scan3A_12 step %scan3A_13 iter_args(%scan3A_168 = %scan3A_9) -> (i32)  : i32 {
      %broadcast_in_dim3A = arith.constant 0.000000e+00 : f32
      %broadcast_in_dim3A_169 = vector.broadcast %broadcast_in_dim3A : f32 to vector<16xf32>
      %mul3A_170 = arith.constant 16 : i32
      %mul3A_171 = arith.muli %scan3A_167, %mul3A_170 : i32
      %swap3A = arith.index_cast %mul3A_171 : i32 to index
      %swap3A_172 = tpu.vector_load %arg19[%swap3A] {strides = array<i32>} : memref<3200xf32, #tpu.memory_space<vmem>>, vector<16xf32>,
      %swap3A_173 = vector.shape_cast %swap3A_172 : vector<16xf32> to vector<16xf32>
      %swap3A_174 = vector.shape_cast %broadcast_in_dim3A_169 : vector<16xf32> to vector<16xf32>
      tpu.vector_store %arg19[%swap3A], %swap3A_174 {strides = array<i32>} : memref<3200xf32, #tpu.memory_space<vmem>>, vector<16xf32>,
      %scan3A_175 = arith.constant 0 : i32
      scf.yield %scan3A_175 : i32
    }
    %scan3A_15 = arith.constant 200 : i32
    "tpu.region"() ({
      %run_scoped3A = tpu.sem_alloc : memref<!tpu.dma_semaphore, #tpu.memory_space<semaphore_mem>>
      %dma_start3A_167 = tpu.memref_slice %arg12[%mul3A_2] : memref<102400xf32, #tpu.memory_space<vmem_shared>> -> memref<3200xf32, #tpu.memory_space<vmem_shared>>
      %dma_start3A_168 = tpu.memref_slice %arg12[%mul3A_2] : memref<102400xf32, #tpu.memory_space<vmem_shared>> -> memref<3200xf32, #tpu.memory_space<vmem_shared>>
      tpu.enqueue_dma source(%arg19 : memref<3200xf32, #tpu.memory_space<vmem>>) target(%dma_start3A_168 : memref<3200xf32, #tpu.memory_space<vmem_shared>>) target_semaphore(%run_scoped3A : memref<!tpu.dma_semaphore, #tpu.memory_space<semaphore_mem>>)
      %dma_wait3A_169 = tpu.memref_slice %arg12[%mul3A_2] : memref<102400xf32, #tpu.memory_space<vmem_shared>> -> memref<3200xf32, #tpu.memory_space<vmem_shared>>
      %dma_wait3A_170 = tpu.memref_slice %arg12[%mul3A_2] : memref<102400xf32, #tpu.memory_space<vmem_shared>> -> memref<3200xf32, #tpu.memory_space<vmem_shared>>
      tpu.wait_dma2 semaphore(%run_scoped3A : memref<!tpu.dma_semaphore, #tpu.memory_space<semaphore_mem>>) src(%arg19 : memref<3200xf32, #tpu.memory_space<vmem>>) dst(%dma_wait3A_170 : memref<3200xf32, #tpu.memory_space<vmem_shared>>)
      tpu.yield
    }) : () -> ()
    %add3A_16 = arith.constant 3200 : i32
    %add3A_17 = arith.addi %mul3A_2, %add3A_16 : i32
    "tpu.region"() ({
      %run_scoped3A = tpu.sem_alloc : memref<!tpu.dma_semaphore, #tpu.memory_space<semaphore_mem>>
      %dma_start3A_167 = tpu.memref_slice %arg12[%add3A_17] : memref<102400xf32, #tpu.memory_space<vmem_shared>> -> memref<3200xf32, #tpu.memory_space<vmem_shared>>
      %dma_start3A_168 = tpu.memref_slice %arg12[%add3A_17] : memref<102400xf32, #tpu.memory_space<vmem_shared>> -> memref<3200xf32, #tpu.memory_space<vmem_shared>>
      tpu.enqueue_dma source(%arg19 : memref<3200xf32, #tpu.memory_space<vmem>>) target(%dma_start3A_168 : memref<3200xf32, #tpu.memory_space<vmem_shared>>) target_semaphore(%run_scoped3A : memref<!tpu.dma_semaphore, #tpu.memory_space<semaphore_mem>>)
      %dma_wait3A_169 = tpu.memref_slice %arg12[%add3A_17] : memref<102400xf32, #tpu.memory_space<vmem_shared>> -> memref<3200xf32, #tpu.memory_space<vmem_shared>>
      %dma_wait3A_170 = tpu.memref_slice %arg12[%add3A_17] : memref<102400xf32, #tpu.memory_space<vmem_shared>> -> memref<3200xf32, #tpu.memory_space<vmem_shared>>
      tpu.wait_dma2 semaphore(%run_scoped3A : memref<!tpu.dma_semaphore, #tpu.memory_space<semaphore_mem>>) src(%arg19 : memref<3200xf32, #tpu.memory_space<vmem>>) dst(%dma_wait3A_170 : memref<3200xf32, #tpu.memory_space<vmem_shared>>)
      tpu.yield
    }) : () -> ()
    %eq3A = arith.constant 0 : i32
    %eq3A_18 = arith.cmpi eq, %arg0, %eq3A : i32
    %convert_element_type3A = arith.extui %eq3A_18 : i1 to i32
    %cond3A = arith.constant 0 : i32
    %cond3A_19 = arith.cmpi ne, %convert_element_type3A, %cond3A : i32
    scf.if %cond3A_19 {
      "tpu.region"() ({
        %run_scoped3A = tpu.sem_alloc : memref<!tpu.dma_semaphore, #tpu.memory_space<semaphore_mem>>
        %dma_start3A_167 = tpu.memref_slice %arg9[%mul3A_2] : memref<102400xf32, #tpu.memory_space<hbm>> -> memref<6400xf32, #tpu.memory_space<hbm>>
        %dma_start3A_168 = tpu.memref_slice %arg9[%mul3A_2] : memref<102400xf32, #tpu.memory_space<hbm>> -> memref<6400xf32, #tpu.memory_space<hbm>>
        tpu.enqueue_dma source(%arg25 : memref<6400xf32, #tpu.memory_space<vmem>>) target(%dma_start3A_168 : memref<6400xf32, #tpu.memory_space<hbm>>) target_semaphore(%run_scoped3A : memref<!tpu.dma_semaphore, #tpu.memory_space<semaphore_mem>>)
        %dma_wait3A_169 = tpu.memref_slice %arg9[%mul3A_2] : memref<102400xf32, #tpu.memory_space<hbm>> -> memref<6400xf32, #tpu.memory_space<hbm>>
        %dma_wait3A_170 = tpu.memref_slice %arg9[%mul3A_2] : memref<102400xf32, #tpu.memory_space<hbm>> -> memref<6400xf32, #tpu.memory_space<hbm>>
        tpu.wait_dma2 semaphore(%run_scoped3A : memref<!tpu.dma_semaphore, #tpu.memory_space<semaphore_mem>>) src(%arg25 : memref<6400xf32, #tpu.memory_space<vmem>>) dst(%dma_wait3A_170 : memref<6400xf32, #tpu.memory_space<hbm>>)
        tpu.yield
      }) : () -> ()
      "tpu.region"() ({
        %run_scoped3A = tpu.sem_alloc : memref<!tpu.dma_semaphore, #tpu.memory_space<semaphore_mem>>
        %dma_start3A_167 = tpu.memref_slice %arg10[%mul3A_2] : memref<102400xf32, #tpu.memory_space<hbm>> -> memref<6400xf32, #tpu.memory_space<hbm>>
        %dma_start3A_168 = tpu.memref_slice %arg10[%mul3A_2] : memref<102400xf32, #tpu.memory_space<hbm>> -> memref<6400xf32, #tpu.memory_space<hbm>>
        tpu.enqueue_dma source(%arg26 : memref<6400xf32, #tpu.memory_space<vmem>>) target(%dma_start3A_168 : memref<6400xf32, #tpu.memory_space<hbm>>) target_semaphore(%run_scoped3A : memref<!tpu.dma_semaphore, #tpu.memory_space<semaphore_mem>>)
        %dma_wait3A_169 = tpu.memref_slice %arg10[%mul3A_2] : memref<102400xf32, #tpu.memory_space<hbm>> -> memref<6400xf32, #tpu.memory_space<hbm>>
        %dma_wait3A_170 = tpu.memref_slice %arg10[%mul3A_2] : memref<102400xf32, #tpu.memory_space<hbm>> -> memref<6400xf32, #tpu.memory_space<hbm>>
        tpu.wait_dma2 semaphore(%run_scoped3A : memref<!tpu.dma_semaphore, #tpu.memory_space<semaphore_mem>>) src(%arg26 : memref<6400xf32, #tpu.memory_space<vmem>>) dst(%dma_wait3A_170 : memref<6400xf32, #tpu.memory_space<hbm>>)
        tpu.yield
      }) : () -> ()
    } else {
    }
    %barrier3A = arith.constant 0 : index
    tpu.barrier barrier_id(%barrier3A)
    %mul3A_20 = arith.constant 50176 : i32
    %mul3A_21 = arith.muli %add3A, %mul3A_20 : i32
    %dma_start3A = tpu.memref_slice %arg2[%mul3A_21] : memref<1605632xi32, #tpu.memory_space<hbm>> -> memref<7168xi32, #tpu.memory_space<hbm>>
    %dma_start3A_22 = tpu.memref_slice %arg2[%mul3A_21] : memref<1605632xi32, #tpu.memory_space<hbm>> -> memref<7168xi32, #tpu.memory_space<hbm>>
    tpu.enqueue_dma source(%dma_start3A_22 : memref<7168xi32, #tpu.memory_space<hbm>>) target(%arg13 : memref<7168xi32, #tpu.memory_space<vmem>>) target_semaphore(%arg27 : memref<!tpu.dma_semaphore, #tpu.memory_space<semaphore_mem>>)
    %dma_start3A_23 = tpu.memref_slice %arg3[%mul3A_21] : memref<1605632xi32, #tpu.memory_space<hbm>> -> memref<7168xi32, #tpu.memory_space<hbm>>
    %dma_start3A_24 = tpu.memref_slice %arg3[%mul3A_21] : memref<1605632xi32, #tpu.memory_space<hbm>> -> memref<7168xi32, #tpu.memory_space<hbm>>
    tpu.enqueue_dma source(%dma_start3A_24 : memref<7168xi32, #tpu.memory_space<hbm>>) target(%arg16 : memref<7168xi32, #tpu.memory_space<vmem>>) target_semaphore(%arg28 : memref<!tpu.dma_semaphore, #tpu.memory_space<semaphore_mem>>)
    %dma_wait3A = tpu.memref_slice %arg2[%mul3A_21] : memref<1605632xi32, #tpu.memory_space<hbm>> -> memref<7168xi32, #tpu.memory_space<hbm>>
    %dma_wait3A_25 = tpu.memref_slice %arg2[%mul3A_21] : memref<1605632xi32, #tpu.memory_space<hbm>> -> memref<7168xi32, #tpu.memory_space<hbm>>
    tpu.wait_dma2 semaphore(%arg27 : memref<!tpu.dma_semaphore, #tpu.memory_space<semaphore_mem>>) src(%dma_wait3A_25 : memref<7168xi32, #tpu.memory_space<hbm>>) dst(%arg13 : memref<7168xi32, #tpu.memory_space<vmem>>)
    %dma_wait3A_26 = tpu.memref_slice %arg3[%mul3A_21] : memref<1605632xi32, #tpu.memory_space<hbm>> -> memref<7168xi32, #tpu.memory_space<hbm>>
    %dma_wait3A_27 = tpu.memref_slice %arg3[%mul3A_21] : memref<1605632xi32, #tpu.memory_space<hbm>> -> memref<7168xi32, #tpu.memory_space<hbm>>
    tpu.wait_dma2 semaphore(%arg28 : memref<!tpu.dma_semaphore, #tpu.memory_space<semaphore_mem>>) src(%dma_wait3A_27 : memref<7168xi32, #tpu.memory_space<hbm>>) dst(%arg16 : memref<7168xi32, #tpu.memory_space<vmem>>)
    %add3A_28 = arith.constant 7168 : i32
    %add3A_29 = arith.addi %mul3A_21, %add3A_28 : i32
    %dma_start3A_30 = tpu.memref_slice %arg2[%add3A_29] : memref<1605632xi32, #tpu.memory_space<hbm>> -> memref<7168xi32, #tpu.memory_space<hbm>>
    %dma_start3A_31 = tpu.memref_slice %arg2[%add3A_29] : memref<1605632xi32, #tpu.memory_space<hbm>> -> memref<7168xi32, #tpu.memory_space<hbm>>
    tpu.enqueue_dma source(%dma_start3A_31 : memref<7168xi32, #tpu.memory_space<hbm>>) target(%arg14 : memref<7168xi32, #tpu.memory_space<vmem>>) target_semaphore(%arg27 : memref<!tpu.dma_semaphore, #tpu.memory_space<semaphore_mem>>)
    %add3A_32 = arith.constant 7168 : i32
    %add3A_33 = arith.addi %mul3A_21, %add3A_32 : i32
    %dma_start3A_34 = tpu.memref_slice %arg3[%add3A_33] : memref<1605632xi32, #tpu.memory_space<hbm>> -> memref<7168xi32, #tpu.memory_space<hbm>>
    %dma_start3A_35 = tpu.memref_slice %arg3[%add3A_33] : memref<1605632xi32, #tpu.memory_space<hbm>> -> memref<7168xi32, #tpu.memory_space<hbm>>
    tpu.enqueue_dma source(%dma_start3A_35 : memref<7168xi32, #tpu.memory_space<hbm>>) target(%arg17 : memref<7168xi32, #tpu.memory_space<vmem>>) target_semaphore(%arg28 : memref<!tpu.dma_semaphore, #tpu.memory_space<semaphore_mem>>)
    %dma_start3A_36 = arith.constant 0 : i32
    %dma_start3A_37 = tpu.memref_slice %arg11[%dma_start3A_36] : memref<102400xf32, #tpu.memory_space<vmem_shared>> -> memref<102400xf32, #tpu.memory_space<vmem_shared>>
    tpu.enqueue_indirect_dma source(%dma_start3A_37 : memref<102400xf32, #tpu.memory_space<vmem_shared>>) target(%arg20 : memref<7168xf32, #tpu.memory_space<vmem>>) offsets(%arg13 : memref<7168xi32, #tpu.memory_space<vmem>>) semaphore(%arg29 : memref<!tpu.dma_semaphore, #tpu.memory_space<semaphore_mem>>)
    %dma_wait3A_38 = arith.constant 0 : i32
    %dma_wait3A_39 = tpu.memref_slice %arg11[%dma_wait3A_38] : memref<102400xf32, #tpu.memory_space<vmem_shared>> -> memref<102400xf32, #tpu.memory_space<vmem_shared>>
    tpu.wait_indirect_dma semaphore(%arg29 : memref<!tpu.dma_semaphore, #tpu.memory_space<semaphore_mem>>) src(%dma_wait3A_39 : memref<102400xf32, #tpu.memory_space<vmem_shared>>) dst(%arg20 : memref<7168xf32, #tpu.memory_space<vmem>>)
    %dma_start3A_40 = arith.constant 0 : i32
    %dma_start3A_41 = tpu.memref_slice %arg12[%dma_start3A_40] : memref<102400xf32, #tpu.memory_space<vmem_shared>> -> memref<102400xf32, #tpu.memory_space<vmem_shared>>
    tpu.enqueue_indirect_dma source(%arg20 : memref<7168xf32, #tpu.memory_space<vmem>>) target(%dma_start3A_41 : memref<102400xf32, #tpu.memory_space<vmem_shared>>) offsets(%arg16 : memref<7168xi32, #tpu.memory_space<vmem>>) semaphore(%arg30 : memref<!tpu.dma_semaphore, #tpu.memory_space<semaphore_mem>>) {add = true}
    %dma_wait3A_42 = tpu.memref_slice %arg2[%add3A_29] : memref<1605632xi32, #tpu.memory_space<hbm>> -> memref<7168xi32, #tpu.memory_space<hbm>>
    %dma_wait3A_43 = tpu.memref_slice %arg2[%add3A_29] : memref<1605632xi32, #tpu.memory_space<hbm>> -> memref<7168xi32, #tpu.memory_space<hbm>>
    tpu.wait_dma2 semaphore(%arg27 : memref<!tpu.dma_semaphore, #tpu.memory_space<semaphore_mem>>) src(%dma_wait3A_43 : memref<7168xi32, #tpu.memory_space<hbm>>) dst(%arg14 : memref<7168xi32, #tpu.memory_space<vmem>>)
    %dma_wait3A_44 = tpu.memref_slice %arg3[%add3A_33] : memref<1605632xi32, #tpu.memory_space<hbm>> -> memref<7168xi32, #tpu.memory_space<hbm>>
    %dma_wait3A_45 = tpu.memref_slice %arg3[%add3A_33] : memref<1605632xi32, #tpu.memory_space<hbm>> -> memref<7168xi32, #tpu.memory_space<hbm>>
    tpu.wait_dma2 semaphore(%arg28 : memref<!tpu.dma_semaphore, #tpu.memory_space<semaphore_mem>>) src(%dma_wait3A_45 : memref<7168xi32, #tpu.memory_space<hbm>>) dst(%arg17 : memref<7168xi32, #tpu.memory_space<vmem>>)
    %add3A_46 = arith.constant 14336 : i32
    %add3A_47 = arith.addi %mul3A_21, %add3A_46 : i32
    %dma_start3A_48 = tpu.memref_slice %arg2[%add3A_47] : memref<1605632xi32, #tpu.memory_space<hbm>> -> memref<7168xi32, #tpu.memory_space<hbm>>
    %dma_start3A_49 = tpu.memref_slice %arg2[%add3A_47] : memref<1605632xi32, #tpu.memory_space<hbm>> -> memref<7168xi32, #tpu.memory_space<hbm>>
    tpu.enqueue_dma source(%dma_start3A_49 : memref<7168xi32, #tpu.memory_space<hbm>>) target(%arg15 : memref<7168xi32, #tpu.memory_space<vmem>>) target_semaphore(%arg27 : memref<!tpu.dma_semaphore, #tpu.memory_space<semaphore_mem>>)
    %add3A_50 = arith.constant 14336 : i32
    %add3A_51 = arith.addi %mul3A_21, %add3A_50 : i32
    %dma_start3A_52 = tpu.memref_slice %arg3[%add3A_51] : memref<1605632xi32, #tpu.memory_space<hbm>> -> memref<7168xi32, #tpu.memory_space<hbm>>
    %dma_start3A_53 = tpu.memref_slice %arg3[%add3A_51] : memref<1605632xi32, #tpu.memory_space<hbm>> -> memref<7168xi32, #tpu.memory_space<hbm>>
    tpu.enqueue_dma source(%dma_start3A_53 : memref<7168xi32, #tpu.memory_space<hbm>>) target(%arg18 : memref<7168xi32, #tpu.memory_space<vmem>>) target_semaphore(%arg28 : memref<!tpu.dma_semaphore, #tpu.memory_space<semaphore_mem>>)
    %dma_start3A_54 = arith.constant 0 : i32
    %dma_start3A_55 = tpu.memref_slice %arg11[%dma_start3A_54] : memref<102400xf32, #tpu.memory_space<vmem_shared>> -> memref<102400xf32, #tpu.memory_space<vmem_shared>>
    tpu.enqueue_indirect_dma source(%dma_start3A_55 : memref<102400xf32, #tpu.memory_space<vmem_shared>>) target(%arg21 : memref<7168xf32, #tpu.memory_space<vmem>>) offsets(%arg14 : memref<7168xi32, #tpu.memory_space<vmem>>) semaphore(%arg29 : memref<!tpu.dma_semaphore, #tpu.memory_space<semaphore_mem>>)
    %dma_wait3A_56 = arith.constant 0 : i32
    %dma_wait3A_57 = tpu.memref_slice %arg11[%dma_wait3A_56] : memref<102400xf32, #tpu.memory_space<vmem_shared>> -> memref<102400xf32, #tpu.memory_space<vmem_shared>>
    tpu.wait_indirect_dma semaphore(%arg29 : memref<!tpu.dma_semaphore, #tpu.memory_space<semaphore_mem>>) src(%dma_wait3A_57 : memref<102400xf32, #tpu.memory_space<vmem_shared>>) dst(%arg21 : memref<7168xf32, #tpu.memory_space<vmem>>)
    %dma_start3A_58 = arith.constant 0 : i32
    %dma_start3A_59 = tpu.memref_slice %arg12[%dma_start3A_58] : memref<102400xf32, #tpu.memory_space<vmem_shared>> -> memref<102400xf32, #tpu.memory_space<vmem_shared>>
    tpu.enqueue_indirect_dma source(%arg21 : memref<7168xf32, #tpu.memory_space<vmem>>) target(%dma_start3A_59 : memref<102400xf32, #tpu.memory_space<vmem_shared>>) offsets(%arg17 : memref<7168xi32, #tpu.memory_space<vmem>>) semaphore(%arg31 : memref<!tpu.dma_semaphore, #tpu.memory_space<semaphore_mem>>) {add = true}
    %dma_wait3A_60 = tpu.memref_slice %arg2[%add3A_47] : memref<1605632xi32, #tpu.memory_space<hbm>> -> memref<7168xi32, #tpu.memory_space<hbm>>
    %dma_wait3A_61 = tpu.memref_slice %arg2[%add3A_47] : memref<1605632xi32, #tpu.memory_space<hbm>> -> memref<7168xi32, #tpu.memory_space<hbm>>
    tpu.wait_dma2 semaphore(%arg27 : memref<!tpu.dma_semaphore, #tpu.memory_space<semaphore_mem>>) src(%dma_wait3A_61 : memref<7168xi32, #tpu.memory_space<hbm>>) dst(%arg15 : memref<7168xi32, #tpu.memory_space<vmem>>)
    %dma_wait3A_62 = tpu.memref_slice %arg3[%add3A_51] : memref<1605632xi32, #tpu.memory_space<hbm>> -> memref<7168xi32, #tpu.memory_space<hbm>>
    %dma_wait3A_63 = tpu.memref_slice %arg3[%add3A_51] : memref<1605632xi32, #tpu.memory_space<hbm>> -> memref<7168xi32, #tpu.memory_space<hbm>>
    tpu.wait_dma2 semaphore(%arg28 : memref<!tpu.dma_semaphore, #tpu.memory_space<semaphore_mem>>) src(%dma_wait3A_63 : memref<7168xi32, #tpu.memory_space<hbm>>) dst(%arg18 : memref<7168xi32, #tpu.memory_space<vmem>>)
    %dma_wait3A_64 = arith.constant 0 : i32
    %dma_wait3A_65 = tpu.memref_slice %arg12[%dma_wait3A_64] : memref<102400xf32, #tpu.memory_space<vmem_shared>> -> memref<102400xf32, #tpu.memory_space<vmem_shared>>
    tpu.wait_indirect_dma semaphore(%arg30 : memref<!tpu.dma_semaphore, #tpu.memory_space<semaphore_mem>>) src(%arg20 : memref<7168xf32, #tpu.memory_space<vmem>>) dst(%dma_wait3A_65 : memref<102400xf32, #tpu.memory_space<vmem_shared>>)
    %add3A_66 = arith.constant 21504 : i32
    %add3A_67 = arith.addi %mul3A_21, %add3A_66 : i32
    %dma_start3A_68 = tpu.memref_slice %arg2[%add3A_67] : memref<1605632xi32, #tpu.memory_space<hbm>> -> memref<7168xi32, #tpu.memory_space<hbm>>
    %dma_start3A_69 = tpu.memref_slice %arg2[%add3A_67] : memref<1605632xi32, #tpu.memory_space<hbm>> -> memref<7168xi32, #tpu.memory_space<hbm>>
    tpu.enqueue_dma source(%dma_start3A_69 : memref<7168xi32, #tpu.memory_space<hbm>>) target(%arg13 : memref<7168xi32, #tpu.memory_space<vmem>>) target_semaphore(%arg27 : memref<!tpu.dma_semaphore, #tpu.memory_space<semaphore_mem>>)
    %add3A_70 = arith.constant 21504 : i32
    %add3A_71 = arith.addi %mul3A_21, %add3A_70 : i32
    %dma_start3A_72 = tpu.memref_slice %arg3[%add3A_71] : memref<1605632xi32, #tpu.memory_space<hbm>> -> memref<7168xi32, #tpu.memory_space<hbm>>
    %dma_start3A_73 = tpu.memref_slice %arg3[%add3A_71] : memref<1605632xi32, #tpu.memory_space<hbm>> -> memref<7168xi32, #tpu.memory_space<hbm>>
    tpu.enqueue_dma source(%dma_start3A_73 : memref<7168xi32, #tpu.memory_space<hbm>>) target(%arg16 : memref<7168xi32, #tpu.memory_space<vmem>>) target_semaphore(%arg28 : memref<!tpu.dma_semaphore, #tpu.memory_space<semaphore_mem>>)
    %dma_start3A_74 = arith.constant 0 : i32
    %dma_start3A_75 = tpu.memref_slice %arg11[%dma_start3A_74] : memref<102400xf32, #tpu.memory_space<vmem_shared>> -> memref<102400xf32, #tpu.memory_space<vmem_shared>>
    tpu.enqueue_indirect_dma source(%dma_start3A_75 : memref<102400xf32, #tpu.memory_space<vmem_shared>>) target(%arg20 : memref<7168xf32, #tpu.memory_space<vmem>>) offsets(%arg15 : memref<7168xi32, #tpu.memory_space<vmem>>) semaphore(%arg29 : memref<!tpu.dma_semaphore, #tpu.memory_space<semaphore_mem>>)
    %dma_wait3A_76 = arith.constant 0 : i32
    %dma_wait3A_77 = tpu.memref_slice %arg11[%dma_wait3A_76] : memref<102400xf32, #tpu.memory_space<vmem_shared>> -> memref<102400xf32, #tpu.memory_space<vmem_shared>>
    tpu.wait_indirect_dma semaphore(%arg29 : memref<!tpu.dma_semaphore, #tpu.memory_space<semaphore_mem>>) src(%dma_wait3A_77 : memref<102400xf32, #tpu.memory_space<vmem_shared>>) dst(%arg20 : memref<7168xf32, #tpu.memory_space<vmem>>)
    %dma_start3A_78 = arith.constant 0 : i32
    %dma_start3A_79 = tpu.memref_slice %arg12[%dma_start3A_78] : memref<102400xf32, #tpu.memory_space<vmem_shared>> -> memref<102400xf32, #tpu.memory_space<vmem_shared>>
    tpu.enqueue_indirect_dma source(%arg20 : memref<7168xf32, #tpu.memory_space<vmem>>) target(%dma_start3A_79 : memref<102400xf32, #tpu.memory_space<vmem_shared>>) offsets(%arg18 : memref<7168xi32, #tpu.memory_space<vmem>>) semaphore(%arg32 : memref<!tpu.dma_semaphore, #tpu.memory_space<semaphore_mem>>) {add = true}
    %dma_wait3A_80 = tpu.memref_slice %arg2[%add3A_67] : memref<1605632xi32, #tpu.memory_space<hbm>> -> memref<7168xi32, #tpu.memory_space<hbm>>
    %dma_wait3A_81 = tpu.memref_slice %arg2[%add3A_67] : memref<1605632xi32, #tpu.memory_space<hbm>> -> memref<7168xi32, #tpu.memory_space<hbm>>
    tpu.wait_dma2 semaphore(%arg27 : memref<!tpu.dma_semaphore, #tpu.memory_space<semaphore_mem>>) src(%dma_wait3A_81 : memref<7168xi32, #tpu.memory_space<hbm>>) dst(%arg13 : memref<7168xi32, #tpu.memory_space<vmem>>)
    %dma_wait3A_82 = tpu.memref_slice %arg3[%add3A_71] : memref<1605632xi32, #tpu.memory_space<hbm>> -> memref<7168xi32, #tpu.memory_space<hbm>>
    %dma_wait3A_83 = tpu.memref_slice %arg3[%add3A_71] : memref<1605632xi32, #tpu.memory_space<hbm>> -> memref<7168xi32, #tpu.memory_space<hbm>>
    tpu.wait_dma2 semaphore(%arg28 : memref<!tpu.dma_semaphore, #tpu.memory_space<semaphore_mem>>) src(%dma_wait3A_83 : memref<7168xi32, #tpu.memory_space<hbm>>) dst(%arg16 : memref<7168xi32, #tpu.memory_space<vmem>>)
    %dma_wait3A_84 = arith.constant 0 : i32
    %dma_wait3A_85 = tpu.memref_slice %arg12[%dma_wait3A_84] : memref<102400xf32, #tpu.memory_space<vmem_shared>> -> memref<102400xf32, #tpu.memory_space<vmem_shared>>
    tpu.wait_indirect_dma semaphore(%arg31 : memref<!tpu.dma_semaphore, #tpu.memory_space<semaphore_mem>>) src(%arg21 : memref<7168xf32, #tpu.memory_space<vmem>>) dst(%dma_wait3A_85 : memref<102400xf32, #tpu.memory_space<vmem_shared>>)
    %add3A_86 = arith.constant 28672 : i32
    %add3A_87 = arith.addi %mul3A_21, %add3A_86 : i32
    %dma_start3A_88 = tpu.memref_slice %arg2[%add3A_87] : memref<1605632xi32, #tpu.memory_space<hbm>> -> memref<7168xi32, #tpu.memory_space<hbm>>
    %dma_start3A_89 = tpu.memref_slice %arg2[%add3A_87] : memref<1605632xi32, #tpu.memory_space<hbm>> -> memref<7168xi32, #tpu.memory_space<hbm>>
    tpu.enqueue_dma source(%dma_start3A_89 : memref<7168xi32, #tpu.memory_space<hbm>>) target(%arg14 : memref<7168xi32, #tpu.memory_space<vmem>>) target_semaphore(%arg27 : memref<!tpu.dma_semaphore, #tpu.memory_space<semaphore_mem>>)
    %add3A_90 = arith.constant 28672 : i32
    %add3A_91 = arith.addi %mul3A_21, %add3A_90 : i32
    %dma_start3A_92 = tpu.memref_slice %arg3[%add3A_91] : memref<1605632xi32, #tpu.memory_space<hbm>> -> memref<7168xi32, #tpu.memory_space<hbm>>
    %dma_start3A_93 = tpu.memref_slice %arg3[%add3A_91] : memref<1605632xi32, #tpu.memory_space<hbm>> -> memref<7168xi32, #tpu.memory_space<hbm>>
    tpu.enqueue_dma source(%dma_start3A_93 : memref<7168xi32, #tpu.memory_space<hbm>>) target(%arg17 : memref<7168xi32, #tpu.memory_space<vmem>>) target_semaphore(%arg28 : memref<!tpu.dma_semaphore, #tpu.memory_space<semaphore_mem>>)
    %dma_start3A_94 = arith.constant 0 : i32
    %dma_start3A_95 = tpu.memref_slice %arg11[%dma_start3A_94] : memref<102400xf32, #tpu.memory_space<vmem_shared>> -> memref<102400xf32, #tpu.memory_space<vmem_shared>>
    tpu.enqueue_indirect_dma source(%dma_start3A_95 : memref<102400xf32, #tpu.memory_space<vmem_shared>>) target(%arg21 : memref<7168xf32, #tpu.memory_space<vmem>>) offsets(%arg13 : memref<7168xi32, #tpu.memory_space<vmem>>) semaphore(%arg29 : memref<!tpu.dma_semaphore, #tpu.memory_space<semaphore_mem>>)
    %dma_wait3A_96 = arith.constant 0 : i32
    %dma_wait3A_97 = tpu.memref_slice %arg11[%dma_wait3A_96] : memref<102400xf32, #tpu.memory_space<vmem_shared>> -> memref<102400xf32, #tpu.memory_space<vmem_shared>>
    tpu.wait_indirect_dma semaphore(%arg29 : memref<!tpu.dma_semaphore, #tpu.memory_space<semaphore_mem>>) src(%dma_wait3A_97 : memref<102400xf32, #tpu.memory_space<vmem_shared>>) dst(%arg21 : memref<7168xf32, #tpu.memory_space<vmem>>)
    %dma_start3A_98 = arith.constant 0 : i32
    %dma_start3A_99 = tpu.memref_slice %arg12[%dma_start3A_98] : memref<102400xf32, #tpu.memory_space<vmem_shared>> -> memref<102400xf32, #tpu.memory_space<vmem_shared>>
    tpu.enqueue_indirect_dma source(%arg21 : memref<7168xf32, #tpu.memory_space<vmem>>) target(%dma_start3A_99 : memref<102400xf32, #tpu.memory_space<vmem_shared>>) offsets(%arg16 : memref<7168xi32, #tpu.memory_space<vmem>>) semaphore(%arg30 : memref<!tpu.dma_semaphore, #tpu.memory_space<semaphore_mem>>) {add = true}
    %dma_wait3A_100 = tpu.memref_slice %arg2[%add3A_87] : memref<1605632xi32, #tpu.memory_space<hbm>> -> memref<7168xi32, #tpu.memory_space<hbm>>
    %dma_wait3A_101 = tpu.memref_slice %arg2[%add3A_87] : memref<1605632xi32, #tpu.memory_space<hbm>> -> memref<7168xi32, #tpu.memory_space<hbm>>
    tpu.wait_dma2 semaphore(%arg27 : memref<!tpu.dma_semaphore, #tpu.memory_space<semaphore_mem>>) src(%dma_wait3A_101 : memref<7168xi32, #tpu.memory_space<hbm>>) dst(%arg14 : memref<7168xi32, #tpu.memory_space<vmem>>)
    %dma_wait3A_102 = tpu.memref_slice %arg3[%add3A_91] : memref<1605632xi32, #tpu.memory_space<hbm>> -> memref<7168xi32, #tpu.memory_space<hbm>>
    %dma_wait3A_103 = tpu.memref_slice %arg3[%add3A_91] : memref<1605632xi32, #tpu.memory_space<hbm>> -> memref<7168xi32, #tpu.memory_space<hbm>>
    tpu.wait_dma2 semaphore(%arg28 : memref<!tpu.dma_semaphore, #tpu.memory_space<semaphore_mem>>) src(%dma_wait3A_103 : memref<7168xi32, #tpu.memory_space<hbm>>) dst(%arg17 : memref<7168xi32, #tpu.memory_space<vmem>>)
    %dma_wait3A_104 = arith.constant 0 : i32
    %dma_wait3A_105 = tpu.memref_slice %arg12[%dma_wait3A_104] : memref<102400xf32, #tpu.memory_space<vmem_shared>> -> memref<102400xf32, #tpu.memory_space<vmem_shared>>
    tpu.wait_indirect_dma semaphore(%arg32 : memref<!tpu.dma_semaphore, #tpu.memory_space<semaphore_mem>>) src(%arg20 : memref<7168xf32, #tpu.memory_space<vmem>>) dst(%dma_wait3A_105 : memref<102400xf32, #tpu.memory_space<vmem_shared>>)
    %add3A_106 = arith.constant 35840 : i32
    %add3A_107 = arith.addi %mul3A_21, %add3A_106 : i32
    %dma_start3A_108 = tpu.memref_slice %arg2[%add3A_107] : memref<1605632xi32, #tpu.memory_space<hbm>> -> memref<7168xi32, #tpu.memory_space<hbm>>
    %dma_start3A_109 = tpu.memref_slice %arg2[%add3A_107] : memref<1605632xi32, #tpu.memory_space<hbm>> -> memref<7168xi32, #tpu.memory_space<hbm>>
    tpu.enqueue_dma source(%dma_start3A_109 : memref<7168xi32, #tpu.memory_space<hbm>>) target(%arg15 : memref<7168xi32, #tpu.memory_space<vmem>>) target_semaphore(%arg27 : memref<!tpu.dma_semaphore, #tpu.memory_space<semaphore_mem>>)
    %add3A_110 = arith.constant 35840 : i32
    %add3A_111 = arith.addi %mul3A_21, %add3A_110 : i32
    %dma_start3A_112 = tpu.memref_slice %arg3[%add3A_111] : memref<1605632xi32, #tpu.memory_space<hbm>> -> memref<7168xi32, #tpu.memory_space<hbm>>
    %dma_start3A_113 = tpu.memref_slice %arg3[%add3A_111] : memref<1605632xi32, #tpu.memory_space<hbm>> -> memref<7168xi32, #tpu.memory_space<hbm>>
    tpu.enqueue_dma source(%dma_start3A_113 : memref<7168xi32, #tpu.memory_space<hbm>>) target(%arg18 : memref<7168xi32, #tpu.memory_space<vmem>>) target_semaphore(%arg28 : memref<!tpu.dma_semaphore, #tpu.memory_space<semaphore_mem>>)
    %dma_start3A_114 = arith.constant 0 : i32
    %dma_start3A_115 = tpu.memref_slice %arg11[%dma_start3A_114] : memref<102400xf32, #tpu.memory_space<vmem_shared>> -> memref<102400xf32, #tpu.memory_space<vmem_shared>>
    tpu.enqueue_indirect_dma source(%dma_start3A_115 : memref<102400xf32, #tpu.memory_space<vmem_shared>>) target(%arg20 : memref<7168xf32, #tpu.memory_space<vmem>>) offsets(%arg14 : memref<7168xi32, #tpu.memory_space<vmem>>) semaphore(%arg29 : memref<!tpu.dma_semaphore, #tpu.memory_space<semaphore_mem>>)
    %dma_wait3A_116 = arith.constant 0 : i32
    %dma_wait3A_117 = tpu.memref_slice %arg11[%dma_wait3A_116] : memref<102400xf32, #tpu.memory_space<vmem_shared>> -> memref<102400xf32, #tpu.memory_space<vmem_shared>>
    tpu.wait_indirect_dma semaphore(%arg29 : memref<!tpu.dma_semaphore, #tpu.memory_space<semaphore_mem>>) src(%dma_wait3A_117 : memref<102400xf32, #tpu.memory_space<vmem_shared>>) dst(%arg20 : memref<7168xf32, #tpu.memory_space<vmem>>)
    %dma_start3A_118 = arith.constant 0 : i32
    %dma_start3A_119 = tpu.memref_slice %arg12[%dma_start3A_118] : memref<102400xf32, #tpu.memory_space<vmem_shared>> -> memref<102400xf32, #tpu.memory_space<vmem_shared>>
    tpu.enqueue_indirect_dma source(%arg20 : memref<7168xf32, #tpu.memory_space<vmem>>) target(%dma_start3A_119 : memref<102400xf32, #tpu.memory_space<vmem_shared>>) offsets(%arg17 : memref<7168xi32, #tpu.memory_space<vmem>>) semaphore(%arg31 : memref<!tpu.dma_semaphore, #tpu.memory_space<semaphore_mem>>) {add = true}
    %dma_wait3A_120 = tpu.memref_slice %arg2[%add3A_107] : memref<1605632xi32, #tpu.memory_space<hbm>> -> memref<7168xi32, #tpu.memory_space<hbm>>
    %dma_wait3A_121 = tpu.memref_slice %arg2[%add3A_107] : memref<1605632xi32, #tpu.memory_space<hbm>> -> memref<7168xi32, #tpu.memory_space<hbm>>
    tpu.wait_dma2 semaphore(%arg27 : memref<!tpu.dma_semaphore, #tpu.memory_space<semaphore_mem>>) src(%dma_wait3A_121 : memref<7168xi32, #tpu.memory_space<hbm>>) dst(%arg15 : memref<7168xi32, #tpu.memory_space<vmem>>)
    %dma_wait3A_122 = tpu.memref_slice %arg3[%add3A_111] : memref<1605632xi32, #tpu.memory_space<hbm>> -> memref<7168xi32, #tpu.memory_space<hbm>>
    %dma_wait3A_123 = tpu.memref_slice %arg3[%add3A_111] : memref<1605632xi32, #tpu.memory_space<hbm>> -> memref<7168xi32, #tpu.memory_space<hbm>>
    tpu.wait_dma2 semaphore(%arg28 : memref<!tpu.dma_semaphore, #tpu.memory_space<semaphore_mem>>) src(%dma_wait3A_123 : memref<7168xi32, #tpu.memory_space<hbm>>) dst(%arg18 : memref<7168xi32, #tpu.memory_space<vmem>>)
    %dma_wait3A_124 = arith.constant 0 : i32
    %dma_wait3A_125 = tpu.memref_slice %arg12[%dma_wait3A_124] : memref<102400xf32, #tpu.memory_space<vmem_shared>> -> memref<102400xf32, #tpu.memory_space<vmem_shared>>
    tpu.wait_indirect_dma semaphore(%arg30 : memref<!tpu.dma_semaphore, #tpu.memory_space<semaphore_mem>>) src(%arg21 : memref<7168xf32, #tpu.memory_space<vmem>>) dst(%dma_wait3A_125 : memref<102400xf32, #tpu.memory_space<vmem_shared>>)
    %add3A_126 = arith.constant 43008 : i32
    %add3A_127 = arith.addi %mul3A_21, %add3A_126 : i32
    %dma_start3A_128 = tpu.memref_slice %arg2[%add3A_127] : memref<1605632xi32, #tpu.memory_space<hbm>> -> memref<7168xi32, #tpu.memory_space<hbm>>
    %dma_start3A_129 = tpu.memref_slice %arg2[%add3A_127] : memref<1605632xi32, #tpu.memory_space<hbm>> -> memref<7168xi32, #tpu.memory_space<hbm>>
    tpu.enqueue_dma source(%dma_start3A_129 : memref<7168xi32, #tpu.memory_space<hbm>>) target(%arg13 : memref<7168xi32, #tpu.memory_space<vmem>>) target_semaphore(%arg27 : memref<!tpu.dma_semaphore, #tpu.memory_space<semaphore_mem>>)
    %add3A_130 = arith.constant 43008 : i32
    %add3A_131 = arith.addi %mul3A_21, %add3A_130 : i32
    %dma_start3A_132 = tpu.memref_slice %arg3[%add3A_131] : memref<1605632xi32, #tpu.memory_space<hbm>> -> memref<7168xi32, #tpu.memory_space<hbm>>
    %dma_start3A_133 = tpu.memref_slice %arg3[%add3A_131] : memref<1605632xi32, #tpu.memory_space<hbm>> -> memref<7168xi32, #tpu.memory_space<hbm>>
    tpu.enqueue_dma source(%dma_start3A_133 : memref<7168xi32, #tpu.memory_space<hbm>>) target(%arg16 : memref<7168xi32, #tpu.memory_space<vmem>>) target_semaphore(%arg28 : memref<!tpu.dma_semaphore, #tpu.memory_space<semaphore_mem>>)
    %dma_start3A_134 = arith.constant 0 : i32
    %dma_start3A_135 = tpu.memref_slice %arg11[%dma_start3A_134] : memref<102400xf32, #tpu.memory_space<vmem_shared>> -> memref<102400xf32, #tpu.memory_space<vmem_shared>>
    tpu.enqueue_indirect_dma source(%dma_start3A_135 : memref<102400xf32, #tpu.memory_space<vmem_shared>>) target(%arg21 : memref<7168xf32, #tpu.memory_space<vmem>>) offsets(%arg15 : memref<7168xi32, #tpu.memory_space<vmem>>) semaphore(%arg29 : memref<!tpu.dma_semaphore, #tpu.memory_space<semaphore_mem>>)
    %dma_wait3A_136 = arith.constant 0 : i32
    %dma_wait3A_137 = tpu.memref_slice %arg11[%dma_wait3A_136] : memref<102400xf32, #tpu.memory_space<vmem_shared>> -> memref<102400xf32, #tpu.memory_space<vmem_shared>>
    tpu.wait_indirect_dma semaphore(%arg29 : memref<!tpu.dma_semaphore, #tpu.memory_space<semaphore_mem>>) src(%dma_wait3A_137 : memref<102400xf32, #tpu.memory_space<vmem_shared>>) dst(%arg21 : memref<7168xf32, #tpu.memory_space<vmem>>)
    %dma_start3A_138 = arith.constant 0 : i32
    %dma_start3A_139 = tpu.memref_slice %arg12[%dma_start3A_138] : memref<102400xf32, #tpu.memory_space<vmem_shared>> -> memref<102400xf32, #tpu.memory_space<vmem_shared>>
    tpu.enqueue_indirect_dma source(%arg21 : memref<7168xf32, #tpu.memory_space<vmem>>) target(%dma_start3A_139 : memref<102400xf32, #tpu.memory_space<vmem_shared>>) offsets(%arg18 : memref<7168xi32, #tpu.memory_space<vmem>>) semaphore(%arg32 : memref<!tpu.dma_semaphore, #tpu.memory_space<semaphore_mem>>) {add = true}
    %dma_wait3A_140 = tpu.memref_slice %arg2[%add3A_127] : memref<1605632xi32, #tpu.memory_space<hbm>> -> memref<7168xi32, #tpu.memory_space<hbm>>
    %dma_wait3A_141 = tpu.memref_slice %arg2[%add3A_127] : memref<1605632xi32, #tpu.memory_space<hbm>> -> memref<7168xi32, #tpu.memory_space<hbm>>
    tpu.wait_dma2 semaphore(%arg27 : memref<!tpu.dma_semaphore, #tpu.memory_space<semaphore_mem>>) src(%dma_wait3A_141 : memref<7168xi32, #tpu.memory_space<hbm>>) dst(%arg13 : memref<7168xi32, #tpu.memory_space<vmem>>)
    %dma_wait3A_142 = tpu.memref_slice %arg3[%add3A_131] : memref<1605632xi32, #tpu.memory_space<hbm>> -> memref<7168xi32, #tpu.memory_space<hbm>>
    %dma_wait3A_143 = tpu.memref_slice %arg3[%add3A_131] : memref<1605632xi32, #tpu.memory_space<hbm>> -> memref<7168xi32, #tpu.memory_space<hbm>>
    tpu.wait_dma2 semaphore(%arg28 : memref<!tpu.dma_semaphore, #tpu.memory_space<semaphore_mem>>) src(%dma_wait3A_143 : memref<7168xi32, #tpu.memory_space<hbm>>) dst(%arg16 : memref<7168xi32, #tpu.memory_space<vmem>>)
    %dma_wait3A_144 = arith.constant 0 : i32
    %dma_wait3A_145 = tpu.memref_slice %arg12[%dma_wait3A_144] : memref<102400xf32, #tpu.memory_space<vmem_shared>> -> memref<102400xf32, #tpu.memory_space<vmem_shared>>
    tpu.wait_indirect_dma semaphore(%arg31 : memref<!tpu.dma_semaphore, #tpu.memory_space<semaphore_mem>>) src(%arg20 : memref<7168xf32, #tpu.memory_space<vmem>>) dst(%dma_wait3A_145 : memref<102400xf32, #tpu.memory_space<vmem_shared>>)
    %dma_start3A_146 = arith.constant 0 : i32
    %dma_start3A_147 = tpu.memref_slice %arg11[%dma_start3A_146] : memref<102400xf32, #tpu.memory_space<vmem_shared>> -> memref<102400xf32, #tpu.memory_space<vmem_shared>>
    tpu.enqueue_indirect_dma source(%dma_start3A_147 : memref<102400xf32, #tpu.memory_space<vmem_shared>>) target(%arg20 : memref<7168xf32, #tpu.memory_space<vmem>>) offsets(%arg13 : memref<7168xi32, #tpu.memory_space<vmem>>) semaphore(%arg29 : memref<!tpu.dma_semaphore, #tpu.memory_space<semaphore_mem>>)
    %dma_wait3A_148 = arith.constant 0 : i32
    %dma_wait3A_149 = tpu.memref_slice %arg11[%dma_wait3A_148] : memref<102400xf32, #tpu.memory_space<vmem_shared>> -> memref<102400xf32, #tpu.memory_space<vmem_shared>>
    tpu.wait_indirect_dma semaphore(%arg29 : memref<!tpu.dma_semaphore, #tpu.memory_space<semaphore_mem>>) src(%dma_wait3A_149 : memref<102400xf32, #tpu.memory_space<vmem_shared>>) dst(%arg20 : memref<7168xf32, #tpu.memory_space<vmem>>)
    %dma_start3A_150 = arith.constant 0 : i32
    %dma_start3A_151 = tpu.memref_slice %arg12[%dma_start3A_150] : memref<102400xf32, #tpu.memory_space<vmem_shared>> -> memref<102400xf32, #tpu.memory_space<vmem_shared>>
    tpu.enqueue_indirect_dma source(%arg20 : memref<7168xf32, #tpu.memory_space<vmem>>) target(%dma_start3A_151 : memref<102400xf32, #tpu.memory_space<vmem_shared>>) offsets(%arg16 : memref<7168xi32, #tpu.memory_space<vmem>>) semaphore(%arg30 : memref<!tpu.dma_semaphore, #tpu.memory_space<semaphore_mem>>) {add = true}
    %dma_wait3A_152 = arith.constant 0 : i32
    %dma_wait3A_153 = tpu.memref_slice %arg12[%dma_wait3A_152] : memref<102400xf32, #tpu.memory_space<vmem_shared>> -> memref<102400xf32, #tpu.memory_space<vmem_shared>>
    tpu.wait_indirect_dma semaphore(%arg32 : memref<!tpu.dma_semaphore, #tpu.memory_space<semaphore_mem>>) src(%arg21 : memref<7168xf32, #tpu.memory_space<vmem>>) dst(%dma_wait3A_153 : memref<102400xf32, #tpu.memory_space<vmem_shared>>)
    %dma_wait3A_154 = arith.constant 0 : i32
    %dma_wait3A_155 = tpu.memref_slice %arg12[%dma_wait3A_154] : memref<102400xf32, #tpu.memory_space<vmem_shared>> -> memref<102400xf32, #tpu.memory_space<vmem_shared>>
    tpu.wait_indirect_dma semaphore(%arg30 : memref<!tpu.dma_semaphore, #tpu.memory_space<semaphore_mem>>) src(%arg20 : memref<7168xf32, #tpu.memory_space<vmem>>) dst(%dma_wait3A_155 : memref<102400xf32, #tpu.memory_space<vmem_shared>>)
    %barrier3A_156 = arith.constant 0 : index
    tpu.barrier barrier_id(%barrier3A_156)
    %eq3A_157 = arith.constant 0 : i32
    %eq3A_158 = arith.cmpi eq, %arg0, %eq3A_157 : i32
    %convert_element_type3A_159 = arith.extui %eq3A_158 : i1 to i32
    %cond3A_160 = arith.constant 0 : i32
    %cond3A_161 = arith.cmpi ne, %convert_element_type3A_159, %cond3A_160 : i32
    scf.if %cond3A_161 {
      %mul3A_167 = arith.constant 6400 : i32
      %mul3A_168 = arith.muli %arg1, %mul3A_167 : i32
      %mul3A_169 = arith.constant 6400 : i32
      %mul3A_170 = arith.muli %arg1, %mul3A_169 : i32
      "tpu.region"() ({
        %run_scoped3A = tpu.sem_alloc : memref<!tpu.dma_semaphore, #tpu.memory_space<semaphore_mem>>
        %dma_start3A_171 = tpu.memref_slice %arg7[%mul3A_170] : memref<102400xf32, #tpu.memory_space<hbm>> -> memref<6400xf32, #tpu.memory_space<hbm>>
        %dma_start3A_172 = tpu.memref_slice %arg12[%mul3A_168] : memref<102400xf32, #tpu.memory_space<vmem_shared>> -> memref<6400xf32, #tpu.memory_space<vmem_shared>>
        tpu.enqueue_dma source(%dma_start3A_172 : memref<6400xf32, #tpu.memory_space<vmem_shared>>) target(%dma_start3A_171 : memref<6400xf32, #tpu.memory_space<hbm>>) target_semaphore(%run_scoped3A : memref<!tpu.dma_semaphore, #tpu.memory_space<semaphore_mem>>)
        %dma_wait3A_173 = tpu.memref_slice %arg7[%mul3A_170] : memref<102400xf32, #tpu.memory_space<hbm>> -> memref<6400xf32, #tpu.memory_space<hbm>>
        %dma_wait3A_174 = tpu.memref_slice %arg12[%mul3A_168] : memref<102400xf32, #tpu.memory_space<vmem_shared>> -> memref<6400xf32, #tpu.memory_space<vmem_shared>>
        tpu.wait_dma2 semaphore(%run_scoped3A : memref<!tpu.dma_semaphore, #tpu.memory_space<semaphore_mem>>) src(%dma_wait3A_174 : memref<6400xf32, #tpu.memory_space<vmem_shared>>) dst(%dma_wait3A_173 : memref<6400xf32, #tpu.memory_space<hbm>>)
        tpu.yield
      }) : () -> ()
    } else {
    }
    %eq3A_162 = arith.constant 1 : i32
    %eq3A_163 = arith.cmpi eq, %arg0, %eq3A_162 : i32
    %convert_element_type3A_164 = arith.extui %eq3A_163 : i1 to i32
    %cond3A_165 = arith.constant 0 : i32
    %cond3A_166 = arith.cmpi ne, %convert_element_type3A_164, %cond3A_165 : i32
    scf.if %cond3A_166 {
      %mul3A_167 = arith.constant 6400 : i32
      %mul3A_168 = arith.muli %arg1, %mul3A_167 : i32
      %mul3A_169 = arith.constant 6400 : i32
      %mul3A_170 = arith.muli %arg1, %mul3A_169 : i32
      "tpu.region"() ({
        %run_scoped3A = tpu.sem_alloc : memref<!tpu.dma_semaphore, #tpu.memory_space<semaphore_mem>>
        %dma_start3A_171 = tpu.memref_slice %arg8[%mul3A_170] : memref<102400xf32, #tpu.memory_space<hbm>> -> memref<6400xf32, #tpu.memory_space<hbm>>
        %dma_start3A_172 = tpu.memref_slice %arg12[%mul3A_168] : memref<102400xf32, #tpu.memory_space<vmem_shared>> -> memref<6400xf32, #tpu.memory_space<vmem_shared>>
        tpu.enqueue_dma source(%dma_start3A_172 : memref<6400xf32, #tpu.memory_space<vmem_shared>>) target(%dma_start3A_171 : memref<6400xf32, #tpu.memory_space<hbm>>) target_semaphore(%run_scoped3A : memref<!tpu.dma_semaphore, #tpu.memory_space<semaphore_mem>>)
        %dma_wait3A_173 = tpu.memref_slice %arg8[%mul3A_170] : memref<102400xf32, #tpu.memory_space<hbm>> -> memref<6400xf32, #tpu.memory_space<hbm>>
        %dma_wait3A_174 = tpu.memref_slice %arg12[%mul3A_168] : memref<102400xf32, #tpu.memory_space<vmem_shared>> -> memref<6400xf32, #tpu.memory_space<vmem_shared>>
        tpu.wait_dma2 semaphore(%run_scoped3A : memref<!tpu.dma_semaphore, #tpu.memory_space<semaphore_mem>>) src(%dma_wait3A_174 : memref<6400xf32, #tpu.memory_space<vmem_shared>>) dst(%dma_wait3A_173 : memref<6400xf32, #tpu.memory_space<hbm>>)
        tpu.yield
      }) : () -> ()
    } else {
    }
    return
  }
}

</mosaic_0001>

<sc_bundles>
// kernel: kernel.12.cloned.1.call-start
scs
__scs_entry_jumppad:
0x0: {  	(pc) =	sbr.rel $0x88, $3  }
0x1: {  	(tag) =	ssettag $0x0;
	lr =	simm.s32 $0x1  }
0x2: {  	[smem:$0x3F9A] =	sst lr;
	_ =	strace $0xD0000000  }
0x3: {  	_ = 	snop  }
0x4: {  	_ = 	snop  }
0x5: {  	_ = 	snop  }
0x6: {  	_ = 	snop  }
0x7: {  	_ = 	snop  }
__scs_overlays_trampoline_lowered:
0x8: {  	[smem:$0x3FA9] =	sst s0  }
0x9: {  	[smem:$0x3FAA] =	sst s1  }
0xa: {  	[smem:$0x3FAB] =	sst s2  }
0xb: {  	[smem:$0x3FAC] =	sst s3  }
0xc: {  	[smem:$0x3FAD] =	sst s4  }
0xd: {  	[smem:$0x3FAE] =	sst s5  }
0xe: {  	[smem:$0x3FAF] =	sst s6  }
0xf: {  	[smem:$0x3FB0] =	sst s7  }
0x10: {  	[smem:$0x3FB1] =	sst s8  }
0x11: {  	[smem:$0x3FB2] =	sst s9;
	s0 =	simm.s32 @!p0 $0x0  }
0x12: {  	s1 =	sld [smem:$0x3F98];
	s0 =	simm.s32 @p0 $0x1  }
0x13: {  	[smem:$0x3FB3] =	sst s0;
	s0 =	simm.s32 @!p1 $0x0  }
0x14: {  	s2 =	sld [smem:$0x3F97];
	s0 =	simm.s32 @p1 $0x1  }
0x15: {  	[smem:$0x3FB4] =	sst s0;
	s0 =	simm.s32 @!p2 $0x0  }
0x16: {  	s3 =	sld [smem:$0x3FDB];
	s0 =	simm.s32 @p2 $0x1  }
0x17: {  	s4 =	simm.s32 $0x1BF5;
	[smem:$0x3FB6] =	sst s0  }
0x18: {  	s0 =	sld [smem:$0x3F99];
	_ =	swait.ge [sflag:s4], $0x0  }
0x19: {  	s7 =	sld [smem:$0x3F9A]  }
0x1a: {  	s8 =	sadd.s32 $0xFFFFE003, lr  }
0x1b: {  	s9 =	sadd.s32 $0xFFFFFEF7, lr;
	s5 =	simm.s32 $0xFFFFFFFF;
	p2 =	slt.u32 s8, $0xFFFFF086  }
0x1c: {  	p1 =	slt.u32 s9, $0xF7A;
	s5 =	simm.s32 @!p2 $0x0  }
0x1d: {  	s5 =	simm.s32 @p1 $0x1;
	p0 =	seq.s32 s7, s2  }
0x1e: {  	s7 =	smul.u32 @!p0 $0xF7A, s2;
	p2 =	seq.s32 @!p0 s5, $0x0  }
0x1f: {  	s9 =	smul.u32 $0xF7A, s1;
	s8 =	simm.s32 @!p0 $0x1BF5;
	p2 =	por !p2, p0  }
0x20: {  	[sflag:s8] =	ssyncset.s32 @!p0 $0xFFFFF086;
	s6 =	sadd.s32 @!p0 s3, s7;
	s7 =	simm.s32 @!p0 $0x108  }
0x21: {  	s3 =	sadd.s32 s3, s9;
	s6 =	sadd.s32 @!p0 $0x88, s6;
	s7 =	simm.s32 @p2 $0x1082  }
0x22: {  	[simem:s7], [sflag:s8] =	dma.local @!p0 [hbm:s6], $0xF7A  }
0x23: {  	s9 =	sor.u32 $0xD0000000, s2;
	s6 =	simm.s32 $0x108;
	_ =	swait.ge @!p0 [sflag:s8], $0x0  }
0x24: {  	s3 =	sadd.s32 $0x88, s3;
	s6 =	simm.s32 @!p1 $0x1082;
	[sflag:s4] =	ssyncset.s32 $0xFFFFF086  }
0x25: {  	[simem:s6], [sflag:s4] =	dma.local [hbm:s3], $0xF7A  }
0x26: {  	[smem:$0x3F9A] =	sst s1;
	(tag) =	ssettag s2;
	_ =	strace s9  }
0x27: {  	s1 =	sld [smem:$0x3FAA]  }
0x28: {  	s2 =	sld [smem:$0x3FAB]  }
0x29: {  	s4 =	sld [smem:$0x3FAD]  }
0x2a: {  	p0 =	seq.s32 s5, $0x0;
	s5 =	sld [smem:$0x3FAE]  }
0x2b: {  	s6 =	sld [smem:$0x3FAF]  }
0x2c: {  	s7 =	sld [smem:$0x3FB0]  }
0x2d: {  	s3 =	simm.s32 $0x108;
	s8 =	sld [smem:$0x3FB1]  }
0x2e: {  	s3 =	simm.s32 @!p0 $0x1082;
	s9 =	sld [smem:$0x3FB2]  }
0x2f: {  	lr =	sadd.s32 s0, s3;
	s0 =	sld [smem:$0x3FA9]  }
0x30: {  	s3 =	sld [smem:$0x3FAC]  }
0x31: {  	[smem:$0x3FB5] =	sst s10  }
0x32: {  	s10 =	sld [smem:$0x3FB3];
	_ =	sdelay $0x3  }
0x33: {  	p0 =	seq.s32 s10, $0x1;
	s10 =	sld [smem:$0x3FB5];
	_ =	sdelay $0x3  }
0x34: {  	[smem:$0x3FB5] =	sst s10  }
0x35: {  	s10 =	sld [smem:$0x3FB4];
	_ =	sdelay $0x3  }
0x36: {  	p1 =	seq.s32 s10, $0x1;
	s10 =	sld [smem:$0x3FB5];
	_ =	sdelay $0x3  }
0x37: {  	[smem:$0x3FB5] =	sst s10  }
0x38: {  	s10 =	sld [smem:$0x3FB6]  }
0x39: {  	_ = 	snop;
	(pc) =	sbr.ind lr, $3  }
0x3a: {  	_ = 	snop  }
0x3b: {  	_ = 	snop  }
0x3c: {  	p2 =	seq.s32 s10, $0x1;
	s10 =	sld [smem:$0x3FB5]  }
0x3d: {  	_ =	shalt  }
0x3e: {  	_ =	shalt  }
0x3f: {  	_ =	shalt  }
0x40: {  	_ =	shalt  }
0x41: {  	_ =	shalt  }
0x42: {  	_ =	shalt  }
0x43: {  	_ =	shalt  }
0x44: {  	_ =	shalt  }
0x45: {  	_ =	shalt  }
0x46: {  	_ =	shalt  }
0x47: {  	_ =	shalt  }
0x48: {  	_ =	shalt  }
0x49: {  	_ =	shalt  }
0x4a: {  	_ =	shalt  }
0x4b: {  	_ =	shalt  }
0x4c: {  	_ =	shalt  }
0x4d: {  	_ =	shalt  }
0x4e: {  	_ =	shalt  }
0x4f: {  	_ =	shalt  }
0x50: {  	_ =	shalt  }
0x51: {  	_ =	shalt  }
0x52: {  	_ =	shalt  }
0x53: {  	_ =	shalt  }
0x54: {  	_ =	shalt  }
0x55: {  	_ =	shalt  }
0x56: {  	_ =	shalt  }
0x57: {  	_ =	shalt  }
0x58: {  	_ =	shalt  }
0x59: {  	_ =	shalt  }
0x5a: {  	_ =	shalt  }
0x5b: {  	_ =	shalt  }
0x5c: {  	_ =	shalt  }
0x5d: {  	_ =	shalt  }
0x5e: {  	_ =	shalt  }
0x5f: {  	_ =	shalt  }
0x60: {  	_ =	shalt  }
0x61: {  	_ =	shalt  }
0x62: {  	_ =	shalt  }
0x63: {  	_ =	shalt  }
0x64: {  	_ =	shalt  }
0x65: {  	_ =	shalt  }
0x66: {  	_ =	shalt  }
0x67: {  	_ =	shalt  }
0x68: {  	_ =	shalt  }
0x69: {  	_ =	shalt  }
0x6a: {  	_ =	shalt  }
0x6b: {  	_ =	shalt  }
0x6c: {  	_ =	shalt  }
0x6d: {  	_ =	shalt  }
0x6e: {  	_ =	shalt  }
0x6f: {  	_ =	shalt  }
0x70: {  	_ =	shalt  }
0x71: {  	_ =	shalt  }
0x72: {  	_ =	shalt  }
0x73: {  	_ =	shalt  }
0x74: {  	_ =	shalt  }
0x75: {  	_ =	shalt  }
0x76: {  	_ =	shalt  }
0x77: {  	_ =	shalt  }
0x78: {  	_ =	shalt  }
0x79: {  	_ =	shalt  }
0x7a: {  	_ =	shalt  }
0x7b: {  	_ =	shalt  }
0x7c: {  	_ =	shalt  }
0x7d: {  	_ =	shalt  }
0x7e: {  	_ =	shalt  }
0x7f: {  	_ =	shalt  }
0x80: {  	_ =	shalt  }
0x81: {  	_ =	shalt  }
0x82: {  	_ =	shalt  }
0x83: {  	_ =	shalt  }
0x84: {  	_ =	shalt  }
0x85: {  	_ =	shalt  }
0x86: {  	_ =	shalt  }
0x87: {  	_ =	shalt  }
.Lfunc_end0:
.L_simem_size_0:
called_computation.2_lowered:
.L_overlay_start_0:
0x88: {  	s2 =	sld [smem:$0x3FD9]  }
0x89: {  	s3 =	sld [smem:$0x3FFE];
	_ =	sdelay $0x1  }
0x8a: {  	s1 =	srdreg.scid  }
0x8b: {  	s0 =	sand.u32 $0x1, s1  }
0x8c: {  	s16 =	sshll.u32 s0, $0xA;
	s2 =	sadd.s32 s3, s2  }
0x8d: {  	s2 =	sadd.s32 s2, s16  }
0x8e: {  	[smem:$0x3FC1] =	sst s2  }
0x8f: {  	_ = 	snop  }
0x90: {  	(tm) =	ssettm $0x1  }
0x91: {  	s17 =	sld [smem:$0x3FFB];
	_ =	sdelay $0x3  }
0x92: {  	_ =	strace s17  }
0x93: {  	s2 =	sld [smem:$0x3FFC];
	_ =	sdelay $0x3  }
0x94: {  	_ =	strace s2  }
0x95: {  	s2 =	sld [smem:$0x3FFD];
	_ =	sdelay $0x3  }
0x96: {  	_ =	strace s2  }
0x97: {  	_ =	strace $0x8FFFFFFF  }
0x98: {  	s18 =	sld [smem:$0x3FDB];
	_ =	sdelay $0x1  }
0x99: {  	s19 =	simm.s32 $_scs_section_size  }
0x9a: {  	s4 =	simm.s32 $_size__tile_overlayer_lowered;
	s5 =	simm.s32 $_tile_overlayer_lowered  }
0x9b: {  	s22 =	simm.s32 $0x1BFF;
	s21 =	sshll.u32 s5, $0x1;
	s2 =	sadd.s32 s19, s18  }
0x9c: {  	s6 =	simm.s32 $0x0;
	s20 =	sshll.u32 s4, $0x1;
	s4 =	sadd.s32 s21, s2  }
0x9d: {  	[timem:s6], [sflag:s22] =	dma.local [hbm:s4], s20  }
0x9e: {  	_ =	swait.ge [sflag:s22], s20  }
0x9f: {  	s3 =	ssub.s32 $0x0, s20;
	[sflag:s22] =	ssyncset.done $0x0  }
0xa0: {  	[sflag:s22] =	ssyncadd.s32 s3;
	_ =	sdelay $0x1  }
0xa1: {  	s23 =	simm.s32 $0x1B8B  }
0xa2: {  	_ =	swait.ge [sflag:s23], $0x1  }
0xa3: {  	[sflag:s23] =	ssyncset.done $0x0  }
0xa4: {  	s25 =	simm.s32 $0x1B8E;
	s24 =	sld [smem:$0x3FFE];
	[sflag:s23] =	ssyncadd.s32 $0xFFFFFFFF  }
0xa5: {  	s26 =	simm.s32 $execute0_lowered;
	[smem:$0x3FD2] =	sst s25  }
0xa6: {  	s4 =	sshll.u32 s26, $0x1;
	_ =	strace $0x8000004C;
	[dreg:$0x1] =	wrdreg $0xFFFFFFFF  }
0xa7: {  	s28 =	simm.s32 $_size_execute0_lowered;
	s2 =	sadd.s32 s2, s4;
	[dreg:$0x0] =	wrdreg $0x0  }
0xa8: {  	s4 =	sshll.u32 s28, $0x1;
	[dreg:$0x2] =	wrdreg s2  }
0xa9: {  	[dreg:$0x3] =	wrdreg s4  }
0xaa: {  	[dreg:$0x4] =	wrdreg $0xC0  }
0xab: {  	_ =	task [dreg:s6], $0x5FFFF  }
0xac: {  	[dreg:$0x1] =	wrdreg $0xFFFFFFFF  }
0xad: {  	[dreg:$0x0] =	wrdreg $0x60  }
0xae: {  	[dreg:$0x2] =	wrdreg s24  }
0xaf: {  	[dreg:$0x3] =	wrdreg $0x0  }
0xb0: {  	[dreg:$0x4] =	wrdreg $0x19000  }
0xb1: {  	[dreg:$0x5] =	wrdreg $0x32000  }
0xb2: {  	[dreg:$0x6] =	wrdreg $0x4B000  }
0xb3: {  	[dreg:$0x7] =	wrdreg $0x9  }
0xb4: {  	_ =	task.clear_ibuf [dreg:s6], $0x8FFFF;
	_ =	strace $0x9000004C  }
0xb5: {  	s29 =	simm.s32 $0x9;
	_ =	strace $0x8000004E  }
0xb6: {  	_ =	swait.ge [sflag:s29], $0x1  }
0xb7: {  	[sflag:s29] =	ssyncadd.s32 $0xFFFFFFFF  }
0xb8: {  	_ =	strace $0x9000004E  }
0xb9: {  	_ =	sfence  }
0xba: {  	s30 =	sld [smem:$0x0];
	_ =	sdelay $0x2  }
0xbb: {  	s31 =	sshll.u32 s1, $0xD;
	s1 =	sshrl.u32 s1, $0x2  }
0xbc: {  	s3 =	sand.u32 $0x4000, s31;
	s1 =	sadd.s32 s1, s30  }
0xbd: {  	s0 =	sor.u32 s3, s0;
	s1 =	sshll.u32 s1, $0x11  }
0xbe: {  	s0 =	sor.u32 s1, s0  }
0xbf: {  	s0 =	sadd.s32 $0x8F2B, s0  }
0xc0: {  	[sflag:s0] =	ssyncadd.remote.s32 $0x1  }
0xc1: {  	_ =	sfence.sel $0xFFFF  }
0xc2: {  	[dreg:$0x0] =	wrdreg $0xFFFFFFFF;
	(pc) =	sbr.abs _section_cstart, $3  }
0xc3: {  	[dreg:$0x1] =	wrdreg $0xFFFFFFFF  }
0xc4: {  	_ =	task.clear_ibuf [dreg:s6], $0x2FFFF;
	_ =	strace $0x9FFFFFFF  }
0xc5: {  	(tm) =	ssettm $0x7FFFFFFF  }
tec
execute0_lowered:
.L_overlay_start_1:
0x0: {  	(tag) =	ssettag $0x1  }
0x1: {  	s0 =	srdreg.scid  }
0x2: {  	s2 =	sand.u32 $0x1, s0  }
0x3: {  	s9 =	stileid.u32;
	s0 =	sshll.u32 s2, $0x4  }
0x4: {  	s0 =	sor.u32 s9, s0  }
0x5: {  	s3 =	rddreg [dreg:$0x0];
	s0 =	smul.u32 $0xC400, s0  }
0x6: {  	s1 =	simm.s32 $0x0;
	s29 =	rddreg [dreg:$0x3]  }
0x7: {  	[smem:$0x7FF] =	sst s1;
	s6 =	sshrl.u32 s0, $0x3  }
0x8: {  	s4 =	sadd.s32 $0x38C00, s3;
	s5 =	ssub.s32 $0x2, s2;
	s8 =	sadd.s32 $0x1C0, s6  }
0x9: {  	s7 =	sadd.s32 $0x1800, s3;
	s11 =	sshrl.u32 s5, $0x1;
	s12 =	sadd.s32 s4, s8  }
0xa: {  	s13 =	sadd.s32 $0x380, s6;
	s8 =	sadd.s32 s7, s8;
	[dreg:$0x6] =	wrdreg s12  }
0xb: {  	s0 =	ssub.s32 s5, s11;
	s14 =	sadd.s32 s4, s13;
	[dreg:$0x7] =	wrdreg s8  }
0xc: {  	s15 =	sadd.s32 $0x540, s6;
	s5 =	sadd.s32 s7, s13;
	[dreg:$0x8] =	wrdreg s14  }
0xd: {  	s17 =	sadd.s32 $0x700, s6;
	s16 =	sadd.s32 s4, s15;
	[dreg:$0x9] =	wrdreg s5  }
0xe: {  	s19 =	sadd.s32 $0x8C0, s6;
	s18 =	sadd.s32 s4, s17;
	[dreg:$0xa] =	wrdreg s16  }
0xf: {  	s21 =	sadd.s32 $0xA80, s6;
	s20 =	sadd.s32 s4, s19;
	[dreg:$0xc] =	wrdreg s18  }
0x10: {  	s23 =	sadd.s32 $0xC40, s6;
	s22 =	sadd.s32 s4, s21;
	[dreg:$0xe] =	wrdreg s20  }
0x11: {  	s25 =	sadd.s32 $0xE00, s6;
	s24 =	sadd.s32 s4, s23;
	[dreg:$0x10] =	wrdreg s22  }
0x12: {  	s10 =	sadd.s32 $0x1180, s6;
	s26 =	sadd.s32 s4, s25;
	[dreg:$0x12] =	wrdreg s24  }
0x13: {  	s13 =	sadd.s32 s4, s10;
	[dreg:$0x14] =	wrdreg s26  }
0x14: {  	[dreg:$0x18] =	wrdreg s13  }
0x15: {  	s8 =	sadd.s32 s7, s15;
	s22 =	rddreg [dreg:$0x1]  }
0x16: {  	s5 =	sadd.s32 s7, s17;
	[dreg:$0xb] =	wrdreg s8  }
0x17: {  	s14 =	sadd.s32 s7, s10;
	[dreg:$0xd] =	wrdreg s5  }
0x18: {  	s17 =	sadd.s32 s4, s6;
	[dreg:$0x19] =	wrdreg s14  }
0x19: {  	s18 =	sadd.s32 s7, s6;
	[dreg:$0x1c] =	wrdreg s17  }
0x1a: {  	s8 =	sadd.s32 s7, s19;
	[dreg:$0x1d] =	wrdreg s18  }
0x1b: {  	s15 =	sadd.s32 $0x1340, s6;
	s5 =	sadd.s32 s7, s21;
	[dreg:$0xf] =	wrdreg s8  }
0x1c: {  	s16 =	sadd.s32 s4, s15;
	[dreg:$0x11] =	wrdreg s5  }
0x1d: {  	p0 =	sne.s32 s2, $0x0;
	s2 =	sadd.s32 s7, s15;
	[dreg:$0x1a] =	wrdreg s16  }
0x1e: {  	[dreg:$0x1b] =	wrdreg s2  }
0x1f: {  	s8 =	sadd.s32 s7, s23;
	s5 =	sadd.s32 s7, s25;
	s25 =	rddreg [dreg:$0x2]  }
0x20: {  	s19 =	sadd.s32 $0x1500, s6;
	[dreg:$0x13] =	wrdreg s8  }
0x21: {  	s20 =	sadd.s32 $0x16C0, s6;
	s21 =	sadd.s32 s4, s19;
	[dreg:$0x15] =	wrdreg s5  }
0x22: {  	s24 =	smul.u32 $0x1900, s9;
	s2 =	sadd.s32 s7, s19;
	[dreg:$0x1e] =	wrdreg s21  }
0x23: {  	s23 =	sadd.s32 s4, s20;
	[dreg:$0x1f] =	wrdreg s2  }
0x24: {  	s10 =	sadd.s32 $0x69C00, s3;
	s26 =	sshrl.u32 s24, $0x3;
	[smem:$0x7E9] =	sst s23  }
0x25: {  	s8 =	sadd.s32 $0xFC0, s6;
	s2 =	rddreg [dreg:$0x4];
	s5 =	sadd.s32 s7, s20  }
0x26: {  	s6 =	sadd.s32 $0x79600, s3;
	s11 =	sadd.s32 s4, s8;
	[smem:$0x7EA] =	sst s5  }
0x27: {  	s9 =	sadd.s32 s26, s3;
	s12 =	sadd.s32 s7, s8;
	[dreg:$0x16] =	wrdreg s11  }
0x28: {  	s4 =	sadd.s32 $0x32800, s3;
	s5 =	sadd.s32 $0x35A00, s3;
	[dreg:$0x17] =	wrdreg s12  }
0x29: {  	s11 =	sadd.s32 $0x69E00, s3;
	_ =	strace $0x8000004D;
	[smem:$0x7ED] =	sst s10  }
0x2a: {  	s4 =	smov.u32 @p0 s6;
	s12 =	sadd.s32 $0x6A000, s3;
	[smem:$0x7EE] =	sst s11  }
0x2b: {  	s6 =	sadd.s32 $0x7C800, s3;
	s3 =	sadd.s32 $0x6A200, s3;
	[smem:$0x7EF] =	sst s12  }
0x2c: {  	s13 =	sadd.s32 s24, s22;
	[smem:$0x7F0] =	sst s3  }
0x2d: {  	s14 =	sadd.s32 s24, s25;
	[smem:$0x7F1] =	sst s13  }
0x2e: {  	s16 =	sadd.s32 s24, s29;
	[smem:$0x7F2] =	sst s14  }
0x2f: {  	s15 =	sadd.s32 $0xC80, s24;
	s17 =	sadd.s32 s24, s2;
	[smem:$0x7F3] =	sst s16  }
0x30: {  	s18 =	sadd.s32 s15, s29;
	[smem:$0x7F4] =	sst s17  }
0x31: {  	s28 =	simm.s32 $0x6400;
	s19 =	sadd.s32 $0x6CE00, s9;
	[smem:$0x7F5] =	sst s18  }
0x32: {  	s30 =	simm.s32 $0x8E00;
	s20 =	sadd.s32 $0x70000, s9;
	[smem:$0x7F7] =	sst s19  }
0x33: {  	s31 =	simm.s32 $0x1;
	s21 =	sadd.s32 $0x76400, s9;
	[smem:$0x7F8] =	sst s20  }
0x34: {  	s0 =	smax.u32 s0, $0x1;
	s23 =	sadd.s32 $0x73200, s9;
	[smem:$0x7F9] =	sst s21  }
0x35: {  	s24 =	sadd.s32 $0x7FA00, s9;
	s7 =	simm.s32 $0xD400;
	[smem:$0x7FA] =	sst s23  }
0x36: {  	s8 =	simm.s32 $0x3;
	s5 =	smov.u32 @p0 s6;
	[smem:$0x7FB] =	sst s24  }
0x37: {  	s4 =	sadd.s32 s4, s26;
	s3 =	sadd.s32 s15, s2;
	[smem:$0x7FD] =	sst s0  }
0x38: {  	s24 =	simm.s32 $0xB;
	s0 =	simm.s32 $0x2;
	s14 =	simm.s32 $0xC600  }
0x39: {  	s15 =	simm.s32 $0xE200;
	s16 =	simm.s32 $0x5;
	s17 =	simm.s32 $0x8  }
0x3a: {  	s18 =	simm.s32 $0x6;
	s19 =	simm.s32 $0x9;
	s21 =	simm.s32 $0xA  }
0x3b: {  	s23 =	simm.s32 $0x0;
	[smem:$0x7EB] =	sst s4;
	s6 =	sadd.s32 s5, s26  }
0x3c: {  	[smem:$0x7F6] =	sst s3;
	s26 =	sadd.s32 $0x82C00, s9;
	s3 =	simm.s32 $0x7200  }
0x3d: {  	s4 =	simm.s32 $0x9C00;
	s5 =	simm.s32 $0xE00;
	[smem:$0x7EC] =	sst s6  }
0x3e: {  	v0 =	vimm.f32 $0.0e+00;
	s9 =	simm.s32 $0x4;
	[smem:$0x7FC] =	sst s26;
	s6 =	simm.s32 $0xB800  }
.LBB2_1:
0x3f: {  	s12 =	sld [smem:$0x7ED];
	_ =	sdelay $0x1  }
0x40: {  	s10 =	simm.s32 $0xF000  }
0x41: {  	[tilespmem:s10], [sflag:$0xB] =	stream.linear.gather [hbm4b:s12+s1], $0x800, $0x38;
	[tilespmem:$0x1B280] =	vst v63  }
0x42: {  	_ =	swait.ge [sflag:s24], $0x800  }
0x43: {  	s11 =	sld [smem:$0x7EE]  }
0x44: {  	[sflag:s24] =	ssyncset.done $0x0  }
0x45: {  	s13 =	simm.s32 $0xF800;
	[sflag:s24] =	ssyncadd.s32 $0xFFFFF800  }
0x46: {  	[tilespmem:s13], [sflag:$0xB] =	stream.linear.gather [hbm4b:s11+s1], $0x800, $0x38;
	[tilespmem:$0x1B280] =	vst v63  }
0x47: {  	_ =	swait.ge [sflag:s24], $0x800  }
0x48: {  	s20 =	sld [smem:$0x7EF]  }
0x49: {  	[sflag:s24] =	ssyncset.done $0x0  }
0x4a: {  	s26 =	simm.s32 $0x10000;
	[sflag:s24] =	ssyncadd.s32 $0xFFFFF800  }
0x4b: {  	[tilespmem:s26], [sflag:$0xB] =	stream.linear.gather [hbm4b:s20+s1], $0x800, $0x38;
	[tilespmem:$0x1B280] =	vst v63  }
0x4c: {  	_ =	swait.ge [sflag:s24], $0x800  }
0x4d: {  	s10 =	sld [smem:$0x7F0]  }
0x4e: {  	[sflag:s24] =	ssyncset.done $0x0  }
0x4f: {  	s11 =	simm.s32 $0x10800;
	[sflag:s24] =	ssyncadd.s32 $0xFFFFF800  }
0x50: {  	[tilespmem:s11], [sflag:$0xB] =	stream.linear.gather [hbm4b:s10+s1], $0x800, $0x38;
	[tilespmem:$0x1B280] =	vst v63  }
0x51: {  	_ =	swait.ge [sflag:s24], $0x800  }
0x52: {  	s13 =	sld [smem:$0x7F7]  }
0x53: {  	[sflag:s24] =	ssyncset.done $0x0  }
0x54: {  	s11 =	simm.s32 $0x11C80;
	[sflag:s24] =	ssyncadd.s32 $0xFFFFF800  }
0x55: {  	[tilespmem:s11], [sflag:$0xB] =	stream.linear.gather [hbm4b:s13+s1], $0x1900, $0x38;
	[tilespmem:$0x1B280] =	vst v63  }
0x56: {  	_ =	swait.ge [sflag:s24], $0x1900  }
0x57: {  	s20 =	sld [smem:$0x7F8]  }
0x58: {  	[sflag:s24] =	ssyncset.done $0x0  }
0x59: {  	s26 =	simm.s32 $0x13580;
	[sflag:s24] =	ssyncadd.s32 $0xFFFFE700  }
0x5a: {  	[tilespmem:s26], [sflag:$0xB] =	stream.linear.gather [hbm4b:s20+s1], $0x1900, $0x38;
	[tilespmem:$0x1B280] =	vst v63  }
0x5b: {  	_ =	swait.ge [sflag:s24], $0x1900  }
0x5c: {  	s12 =	sld [smem:$0x7F9]  }
0x5d: {  	[sflag:s24] =	ssyncset.done $0x0  }
0x5e: {  	s13 =	simm.s32 $0x14E80;
	[sflag:s24] =	ssyncadd.s32 $0xFFFFE700  }
0x5f: {  	[tilespmem:s13], [sflag:$0xB] =	stream.linear.gather [hbm4b:s12+s1], $0x1900, $0x38;
	[tilespmem:$0x1B280] =	vst v63  }
0x60: {  	_ =	swait.ge [sflag:s24], $0x1900  }
0x61: {  	s20 =	sld [smem:$0x7FA]  }
0x62: {  	[sflag:s24] =	ssyncset.done $0x0  }
0x63: {  	s26 =	simm.s32 $0x16780;
	[sflag:s24] =	ssyncadd.s32 $0xFFFFE700  }
0x64: {  	[tilespmem:s26], [sflag:$0xB] =	stream.linear.gather [hbm4b:s20+s1], $0x1900, $0x38;
	[tilespmem:$0x1B280] =	vst v63  }
0x65: {  	_ =	swait.ge [sflag:s24], $0x1900  }
0x66: {  	[sflag:s24] =	ssyncset.done $0x0  }
0x67: {  	[sflag:s24] =	ssyncadd.s32 $0xFFFFE700  }
0x68: {  	v2 =	vld [tilespmem:$0xFF80]  }
0x69: {  	v3 =	vld [tilespmem:$0xF780]  }
0x6a: {  	v4 =	vld [tilespmem:$0xFF00]  }
0x6b: {  	v5 =	vld [tilespmem:$0xF700]  }
0x6c: {  	v6 =	vld [tilespmem:$0xFE00]  }
0x6d: {  	v7 =	vld [tilespmem:$0xF600]  }
0x6e: {  	v9 =	vld [tilespmem:$0xFD80]  }
0x6f: {  	v10 =	vld [tilespmem:$0xF580]  }
0x70: {  	v11 =	vld [tilespmem:$0xFD00]  }
0x71: {  	v12 =	vld [tilespmem:$0xFC00]  }
0x72: {  	v13 =	vld [tilespmem:$0x10B00]  }
0x73: {  	v14 =	vld [tilespmem:$0x10A80]  }
0x74: {  	v15 =	vld [tilespmem:$0xF400]  }
0x75: {  	v16 =	vld [tilespmem:$0x10A00]  }
0x76: {  	v17 =	vld [tilespmem:$0x10880]  }
0x77: {  	v18 =	vld [tilespmem:$0xF300]  }
0x78: {  	v19 =	vld [tilespmem:$0xFA80]  }
0x79: {  	v20 =	vld [tilespmem:$0x10800]  }
0x7a: {  	v21 =	vld [tilespmem:$0xFA00]  }
0x7b: {  	v22 =	vld [tilespmem:$0xF280]  }
0x7c: {  	v23 =	vld [tilespmem:$0xF900]  }
0x7d: {  	s12 =	simm.s32 $0x0;
	v24 =	vld [tilespmem:$0xF200]  }
0x7e: {  	v8 =	vld [tilespmem:s12+$0x11C80]  }
0x7f: {  	v25 =	vld [tilespmem:s12+$0x13580]  }
0x80: {  	v26 =	vld [tilespmem:s12+$0x16780]  }
0x81: {  	v27 =	vld [tilespmem:$0xF180]  }
0x82: {  	v1 =	vld [tilespmem:s12+$0x14E80]  }
0x83: {  	v28 =	vld [tilespmem:$0xF500]  }
0x84: {  	v29 =	vld [tilespmem:$0xF680];
	v8 =	vadd.f32 v25, v8  }
0x85: {  	v46 =	vld [tilespmem:$0xF000]  }
0x86: {  	v30 =	vld [tilespmem:$0xF100];
	v8 =	vadd.f32 v26, v8  }
0x87: {  	v47 =	vld [tilespmem:$0xF800]  }
0x88: {  	v31 =	vld [tilespmem:$0xF080];
	v8 =	vmul.f32 v8, v1  }
0x89: {  	v55 =	vld [tilespmem:$0xF380]  }
0x8a: {  	v32 =	vld [tilespmem:$0xF980];
	v25 =	vmul.f32 v8, v46;
	v29 =	vmul.f32 v29, v8  }
0x8b: {  	v34 =	vld [tilespmem:$0xF880];
	v30 =	vmul.f32 v30, v8;
	v28 =	vmul.f32 v28, v8  }
0x8c: {  	v33 =	vld [tilespmem:$0x10000];
	v48 =	vmul.f32 v27, v8;
	v24 =	vmul.f32 v24, v8  }
0x8d: {  	v35 =	vld [tilespmem:$0x10980];
	v31 =	vmul.f32 v31, v8;
	v22 =	vmul.f32 v22, v8  }
0x8e: {  	v50 =	vld [tilespmem:$0x10080];
	v18 =	vmul.f32 v18, v8;
	v62 =	vmul.f32 v55, v8;
	v25 =	vadd.f32 v25, v47  }
0x8f: {  	v49 =	vld [tilespmem:$0x10100];
	v15 =	vmul.f32 v15, v8;
	v10 =	vmul.f32 v10, v8  }
0x90: {  	v51 =	vld [tilespmem:$0x10180];
	v7 =	vmul.f32 v7, v8;
	v53 =	vadd.f32 v34, v31;
	v25 =	vmax.f32 v25, $0.0e+00  }
0x91: {  	v54 =	vld [tilespmem:$0x10900];
	v5 =	vmul.f32 v5, v8;
	v23 =	vadd.f32 v23, v30;
	v52 =	vmul.f32 v25, v33  }
0x92: {  	v57 =	vld [tilespmem:$0x10200];
	v26 =	vadd.f32 v32, v48;
	v20 =	vmul.f32 v25, v20;
	v25 =	vmax.f32 v53, $0.0e+00  }
0x93: {  	v58 =	vld [tilespmem:$0xFB00];
	v21 =	vadd.f32 v21, v24;
	v30 =	vmul.f32 v25, v50;
	v24 =	vadd.f32 $0.0e+00, v52  }
0x94: {  	v59 =	vld [tilespmem:$0x10280];
	v23 =	vmax.f32 v23, $0.0e+00;
	v17 =	vmul.f32 v17, v25;
	v20 =	vadd.f32 $0.0e+00, v20  }
0x95: {  	v60 =	vld [tilespmem:$0xFB80];
	v19 =	vadd.f32 v19, v22;
	v27 =	vmul.f32 v23, v49;
	v24 =	vadd.f32 v30, v24  }
0x96: {  	v61 =	vld [tilespmem:$0x10300];
	v26 =	vmax.f32 v26, $0.0e+00;
	v23 =	vmul.f32 v54, v23;
	v17 =	vadd.f32 v17, v20  }
0x97: {  	v37 =	vld [tilespmem:$0x10380];
	v56 =	vmul.f32 v35, v26;
	v26 =	vmul.f32 v26, v51;
	v24 =	vadd.f32 v27, v24  }
0x98: {  	v38 =	vld [tilespmem:$0xFC80];
	v18 =	vadd.f32 v58, v18;
	v21 =	vmax.f32 v21, $0.0e+00;
	v17 =	vadd.f32 v23, v17  }
0x99: {  	v12 =	vadd.f32 v12, v15;
	v63 =	vmul.f32 v21, v57;
	v33 =	vld [tilespmem:$0xF480];
	v24 =	vadd.f32 v26, v24  }
0x9a: {  	v40 =	vld [tilespmem:$0x10400];
	v19 =	vmax.f32 v19, $0.0e+00;
	v16 =	vmul.f32 v16, v21;
	v17 =	vadd.f32 v56, v17  }
0x9b: {  	v18 =	vmax.f32 v18, $0.0e+00;
	v35 =	vld [tilespmem:$0x10B80];
	v36 =	vmul.f32 v19, v59;
	v20 =	vadd.f32 v63, v24  }
0x9c: {  	v42 =	vld [tilespmem:$0x10C00];
	v14 =	vmul.f32 v14, v19;
	v25 =	vadd.f32 v60, v62;
	v16 =	vadd.f32 v16, v17  }
0x9d: {  	v44 =	vld [tilespmem:$0x10480];
	v39 =	vmul.f32 v18, v61;
	v13 =	vmul.f32 v13, v18;
	v20 =	vadd.f32 v36, v20  }
0x9e: {  	v45 =	vld [tilespmem:$0x10C80];
	v41 =	vmax.f32 v25, $0.0e+00;
	v21 =	vmul.f32 v33, v8;
	v14 =	vadd.f32 v14, v16  }
0x9f: {  	v47 =	vld [tilespmem:$0x10500];
	v12 =	vmax.f32 v12, $0.0e+00;
	v19 =	vmul.f32 v41, v37;
	v20 =	vadd.f32 v39, v20  }
0xa0: {  	v48 =	vld [tilespmem:$0x10D00];
	v43 =	vmul.f32 v35, v41;
	v46 =	vadd.f32 v38, v21;
	v13 =	vadd.f32 v13, v14  }
0xa1: {  	v11 =	vadd.f32 v11, v28;
	v18 =	vmul.f32 v12, v40;
	v51 =	vld [tilespmem:$0x10D80];
	v19 =	vadd.f32 v19, v20  }
0xa2: {  	v12 =	vmul.f32 v42, v12;
	v50 =	vld [tilespmem:$0x10580];
	v49 =	vmax.f32 v46, $0.0e+00;
	v13 =	vadd.f32 v43, v13  }
0xa3: {  	v9 =	vadd.f32 v9, v10;
	v52 =	vld [tilespmem:$0xFE80];
	v15 =	vmul.f32 v49, v44;
	v53 =	vadd.f32 v18, v19  }
0xa4: {  	v55 =	vld [tilespmem:$0x10600];
	v11 =	vmax.f32 v11, $0.0e+00;
	v14 =	vmul.f32 v45, v49;
	v12 =	vadd.f32 v12, v13  }
0xa5: {  	v6 =	vadd.f32 v6, v7;
	v54 =	vmul.f32 v11, v47;
	v56 =	vld [tilespmem:$0x10E00];
	v15 =	vadd.f32 v15, v53  }
0xa6: {  	v7 =	vld [tilespmem:$0x10680];
	v9 =	vmax.f32 v9, $0.0e+00;
	v11 =	vmul.f32 v48, v11;
	v12 =	vadd.f32 v14, v12  }
0xa7: {  	v6 =	vmax.f32 v6, $0.0e+00;
	v57 =	vld [tilespmem:$0x10E80];
	v16 =	vmul.f32 v9, v50;
	v15 =	vadd.f32 v54, v15  }
0xa8: {  	v58 =	vld [tilespmem:$0x10700];
	v10 =	vadd.f32 v52, v29;
	v9 =	vmul.f32 v51, v9;
	v11 =	vadd.f32 v11, v12  }
0xa9: {  	v4 =	vadd.f32 v4, v5;
	v5 =	vld [tilespmem:$0x10F00];
	v59 =	vmul.f32 v6, v55;
	v15 =	vadd.f32 v16, v15  }
0xaa: {  	v60 =	vld [tilespmem:$0x10F80];
	v10 =	vmax.f32 v10, $0.0e+00;
	v6 =	vmul.f32 v56, v6;
	v9 =	vadd.f32 v9, v11  }
0xab: {  	v3 =	vmul.f32 v3, v8;
	v62 =	vld [tilespmem:$0x10780];
	v7 =	vmul.f32 v10, v7;
	v61 =	vadd.f32 v59, v15  }
0xac: {  	v4 =	vmax.f32 v4, $0.0e+00;
	v10 =	vmul.f32 v57, v10;
	v6 =	vadd.f32 v6, v9  }
0xad: {  	v2 =	vadd.f32 v2, v3;
	v63 =	vmul.f32 v4, v58;
	v3 =	vadd.f32 v7, v61  }
0xae: {  	v4 =	vmul.f32 v5, v4;
	v5 =	vadd.f32 v10, v6  }
0xaf: {  	v6 =	vmax.f32 v2, $0.0e+00;
	v2 =	vadd.f32 v63, v3  }
0xb0: {  	s13 =	simm.s32 $0x40;
	v3 =	vadd.f32 v4, v5;
	v4 =	vmul.f32 v6, v62;
	v5 =	vmul.f32 v60, v6  }
.LBB2_2:
0xb1: {  	p1 =	sne.s32 s13, $0x63C0;
	s26 =	smov.u32 s13;
	s13 =	sadd.s32 $0x40, s13  }
0xb2: {  	v2 =	vadd.f32 v4, v2;
	v3 =	vadd.f32 v5, v3;
	_ =	sdelay $0x1  }
0xb3: {  	v2 =	vmul.f32 v2, v1;
	v1 =	vmul.f32 v3, v1;
	_ =	sdelay $0x1  }
0xb4: {  	[tilespmem:s12+$0x18080] =	vst v2  }
0xb5: {  	[tilespmem:s12+$0x19980] =	vst v1  }
0xb6: {  	v2 =	vld [tilespmem:$0xFF80]  }
0xb7: {  	v3 =	vld [tilespmem:$0xF780]  }
0xb8: {  	v4 =	vld [tilespmem:$0xFF00]  }
0xb9: {  	v5 =	vld [tilespmem:$0xF700]  }
0xba: {  	v6 =	vld [tilespmem:$0xFE00]  }
0xbb: {  	v7 =	vld [tilespmem:$0xF600]  }
0xbc: {  	v8 =	vld [tilespmem:$0xFD80]  }
0xbd: {  	v9 =	vld [tilespmem:$0xF580]  }
0xbe: {  	v11 =	vld [tilespmem:$0xFD00]  }
0xbf: {  	v12 =	vld [tilespmem:$0xFC00]  }
0xc0: {  	v14 =	vld [tilespmem:$0x10B00]  }
0xc1: {  	v15 =	vld [tilespmem:$0x10A80]  }
0xc2: {  	v16 =	vld [tilespmem:$0xF400]  }
0xc3: {  	v17 =	vld [tilespmem:$0x10A00]  }
0xc4: {  	v18 =	vld [tilespmem:$0xF380]  }
0xc5: {  	v19 =	vld [tilespmem:$0x10880]  }
0xc6: {  	v20 =	vld [tilespmem:$0xF300]  }
0xc7: {  	v21 =	vld [tilespmem:$0xFA80]  }
0xc8: {  	v22 =	vld [tilespmem:$0x10800]  }
0xc9: {  	v23 =	vld [tilespmem:$0xFA00]  }
0xca: {  	v24 =	vld [tilespmem:$0xF280]  }
0xcb: {  	v25 =	vld [tilespmem:$0xF900]  }
0xcc: {  	s12 =	sshra.s32 s26, $0x2;
	v26 =	vld [tilespmem:$0xF200]  }
0xcd: {  	v10 =	vld [tilespmem:s12+$0x11C80]  }
0xce: {  	v13 =	vld [tilespmem:s12+$0x13580]  }
0xcf: {  	v27 =	vld [tilespmem:s12+$0x16780]  }
0xd0: {  	v28 =	vld [tilespmem:$0xF180]  }
0xd1: {  	v1 =	vld [tilespmem:s12+$0x14E80]  }
0xd2: {  	v29 =	vld [tilespmem:$0xF500]  }
0xd3: {  	v10 =	vadd.f32 v13, v10;
	v13 =	vld [tilespmem:$0xF680]  }
0xd4: {  	v30 =	vld [tilespmem:$0xF000]  }
0xd5: {  	v10 =	vadd.f32 v27, v10;
	v27 =	vld [tilespmem:$0xF100]  }
0xd6: {  	v31 =	vld [tilespmem:$0xF800]  }
0xd7: {  	v10 =	vmul.f32 v10, v1;
	v32 =	vld [tilespmem:$0xF080]  }
0xd8: {  	v33 =	vld [tilespmem:$0xF980]  }
0xd9: {  	v30 =	vmul.f32 v10, v30;
	v34 =	vld [tilespmem:$0x10000];
	v13 =	vmul.f32 v13, v10  }
0xda: {  	v29 =	vmul.f32 v29, v10;
	v35 =	vld [tilespmem:$0xF880];
	v27 =	vmul.f32 v27, v10  }
0xdb: {  	v28 =	vmul.f32 v28, v10;
	v26 =	vmul.f32 v26, v10;
	v30 =	vadd.f32 v30, v31;
	v31 =	vld [tilespmem:$0x10980]  }
0xdc: {  	v24 =	vmul.f32 v24, v10;
	v32 =	vmul.f32 v32, v10;
	v25 =	vadd.f32 v25, v27;
	v27 =	vld [tilespmem:$0x10100]  }
0xdd: {  	v23 =	vadd.f32 v23, v26;
	v30 =	vmax.f32 v30, $0.0e+00;
	v28 =	vadd.f32 v33, v28;
	v33 =	vld [tilespmem:$0x10180]  }
0xde: {  	v26 =	vmul.f32 v30, v34;
	v22 =	vmul.f32 v30, v22;
	v30 =	vld [tilespmem:$0x10080];
	v25 =	vmax.f32 v25, $0.0e+00  }
0xdf: {  	v23 =	vmax.f32 v23, $0.0e+00;
	v32 =	vadd.f32 v35, v32;
	v34 =	vld [tilespmem:$0x10900];
	v28 =	vmax.f32 v28, $0.0e+00  }
0xe0: {  	v26 =	vadd.f32 $0.0e+00, v26;
	v22 =	vadd.f32 $0.0e+00, v22;
	v31 =	vmul.f32 v31, v28;
	v35 =	vld [tilespmem:$0x10200]  }
0xe1: {  	v21 =	vadd.f32 v21, v24;
	v32 =	vmax.f32 v32, $0.0e+00;
	v27 =	vmul.f32 v25, v27;
	v24 =	vld [tilespmem:$0xFB00]  }
0xe2: {  	v20 =	vmul.f32 v20, v10;
	v28 =	vmul.f32 v28, v33;
	v33 =	vld [tilespmem:$0x10280]  }
0xe3: {  	v19 =	vmul.f32 v19, v32;
	v30 =	vmul.f32 v32, v30;
	v32 =	vld [tilespmem:$0xFB80]  }
0xe4: {  	v18 =	vmul.f32 v18, v10;
	v21 =	vmax.f32 v21, $0.0e+00;
	v25 =	vmul.f32 v34, v25;
	v34 =	vld [tilespmem:$0x10300]  }
0xe5: {  	v17 =	vmul.f32 v17, v23;
	v26 =	vadd.f32 v30, v26;
	v30 =	vmul.f32 v23, v35;
	v23 =	vld [tilespmem:$0xF480]  }
0xe6: {  	v16 =	vmul.f32 v16, v10;
	v19 =	vadd.f32 v19, v22;
	v20 =	vadd.f32 v24, v20;
	v22 =	vld [tilespmem:$0x10B80]  }
0xe7: {  	v15 =	vmul.f32 v15, v21;
	v24 =	vadd.f32 v27, v26;
	v26 =	vmul.f32 v21, v33;
	v21 =	vld [tilespmem:$0x10380]  }
0xe8: {  	v19 =	vadd.f32 v25, v19;
	v20 =	vmax.f32 v20, $0.0e+00;
	v18 =	vadd.f32 v32, v18;
	v25 =	vld [tilespmem:$0xFC80]  }
0xe9: {  	v24 =	vadd.f32 v28, v24;
	v27 =	vmul.f32 v20, v34;
	v14 =	vmul.f32 v14, v20;
	v20 =	vld [tilespmem:$0x10400]  }
0xea: {  	v19 =	vadd.f32 v31, v19;
	v18 =	vmax.f32 v18, $0.0e+00;
	v28 =	vld [tilespmem:$0x10C00];
	v23 =	vmul.f32 v23, v10  }
0xeb: {  	v12 =	vadd.f32 v12, v16;
	v24 =	vadd.f32 v30, v24;
	v22 =	vmul.f32 v22, v18;
	v16 =	vld [tilespmem:$0x10480]  }
0xec: {  	v11 =	vadd.f32 v11, v29;
	v17 =	vadd.f32 v17, v19;
	v18 =	vmul.f32 v18, v21;
	v19 =	vld [tilespmem:$0x10C80]  }
0xed: {  	v12 =	vmax.f32 v12, $0.0e+00;
	v21 =	vadd.f32 v26, v24;
	v23 =	vadd.f32 v25, v23;
	v24 =	vld [tilespmem:$0x10500]  }
0xee: {  	v9 =	vmul.f32 v9, v10;
	v15 =	vadd.f32 v15, v17;
	v17 =	vmul.f32 v12, v20;
	v20 =	vld [tilespmem:$0x10D00]  }
0xef: {  	v21 =	vadd.f32 v27, v21;
	v12 =	vmul.f32 v28, v12;
	v23 =	vmax.f32 v23, $0.0e+00;
	v25 =	vld [tilespmem:$0x10580]  }
0xf0: {  	v11 =	vmax.f32 v11, $0.0e+00;
	v14 =	vadd.f32 v14, v15;
	v15 =	vmul.f32 v23, v16;
	v16 =	vld [tilespmem:$0x10D80]  }
0xf1: {  	v8 =	vadd.f32 v8, v9;
	v18 =	vadd.f32 v18, v21;
	v19 =	vmul.f32 v19, v23;
	v9 =	vld [tilespmem:$0xFE80]  }
0xf2: {  	v7 =	vmul.f32 v7, v10;
	v14 =	vadd.f32 v22, v14;
	v21 =	vmul.f32 v11, v24;
	v22 =	vld [tilespmem:$0x10600]  }
0xf3: {  	v8 =	vmax.f32 v8, $0.0e+00;
	v17 =	vadd.f32 v17, v18;
	v11 =	vmul.f32 v20, v11;
	v18 =	vld [tilespmem:$0x10E00]  }
0xf4: {  	v6 =	vadd.f32 v6, v7;
	v12 =	vadd.f32 v12, v14;
	v14 =	vmul.f32 v8, v25;
	v7 =	vld [tilespmem:$0x10680]  }
0xf5: {  	v5 =	vmul.f32 v5, v10;
	v15 =	vadd.f32 v15, v17;
	v8 =	vmul.f32 v16, v8;
	v16 =	vld [tilespmem:$0x10E80]  }
0xf6: {  	v6 =	vmax.f32 v6, $0.0e+00;
	v12 =	vadd.f32 v19, v12;
	v9 =	vadd.f32 v9, v13;
	v13 =	vld [tilespmem:$0x10700]  }
0xf7: {  	v4 =	vadd.f32 v4, v5;
	v15 =	vadd.f32 v21, v15;
	v17 =	vmul.f32 v6, v22;
	v5 =	vld [tilespmem:$0x10F00]  }
0xf8: {  	v11 =	vadd.f32 v11, v12;
	v6 =	vmul.f32 v18, v6;
	v9 =	vmax.f32 v9, $0.0e+00  }
0xf9: {  	v3 =	vmul.f32 v3, v10;
	v12 =	vadd.f32 v14, v15;
	v7 =	vmul.f32 v9, v7  }
0xfa: {  	v4 =	vmax.f32 v4, $0.0e+00;
	v8 =	vadd.f32 v8, v11;
	v9 =	vmul.f32 v16, v9;
	v10 =	vld [tilespmem:$0x10F80]  }
0xfb: {  	v2 =	vadd.f32 v2, v3;
	v11 =	vadd.f32 v17, v12;
	v12 =	vmul.f32 v4, v13;
	v13 =	vld [tilespmem:$0x10780]  }
.Ltmp0:
0xfc: {  	v3 =	vadd.f32 v6, v8;
	v4 =	vmul.f32 v5, v4;
	(pc) =	sbr.rel @p1 .LBB2_2-.Ltmp0, $4  }
0xfd: {  	v6 =	vmax.f32 v2, $0.0e+00;
	v5 =	vadd.f32 v7, v11  }
0xfe: {  	v3 =	vadd.f32 v9, v3  }
0xff: {  	v2 =	vadd.f32 v12, v5  }
0x100: {  	v3 =	vadd.f32 v4, v3;
	v5 =	vmul.f32 v10, v6;
	v4 =	vmul.f32 v6, v13  }
0x101: {  	_ = 	snop  }
0x102: {  	v2 =	vadd.f32 v4, v2  }
0x103: {  	v3 =	vadd.f32 v5, v3  }
0x104: {  	v2 =	vmul.f32 v2, v1  }
0x105: {  	s13 =	sld [smem:$0x7F1];
	v1 =	vmul.f32 v3, v1  }
0x106: {  	[tilespmem:s12+$0x18080] =	vst v2  }
0x107: {  	s10 =	simm.s32 $0x18080;
	[tilespmem:s12+$0x19980] =	vst v1  }
0x108: {  	[spmem:s13] =	stream.linear.scatter [tilespmem:s10], [sflag:$0xB], $0x1900, $0x38;
	[tilespmem:$0x1B280] =	vst v63  }
0x109: {  	_ =	swait.ge [sflag:s24], $0x1900  }
0x10a: {  	s20 =	sld [smem:$0x7F2]  }
0x10b: {  	[sflag:s24] =	ssyncset.done $0x0  }
0x10c: {  	s26 =	simm.s32 $0x19980;
	[sflag:s24] =	ssyncadd.s32 $0xFFFFE700  }
0x10d: {  	[spmem:s20] =	stream.linear.scatter [tilespmem:s26], [sflag:$0xB], $0x1900, $0x38;
	[tilespmem:$0x1B280] =	vst v63  }
0x10e: {  	_ =	swait.ge [sflag:s24], $0x1900  }
0x10f: {  	[sflag:s24] =	ssyncset.done $0x0  }
0x110: {  	s12 =	simm.s32 $0x40;
	s13 =	simm.s32 $0x0;
	[sflag:s24] =	ssyncadd.s32 $0xFFFFE700  }
.LBB2_4:
0x111: {  	p1 =	sne.s32 s12, $0x31C0;
	[tilespmem:s13+$0x11000] =	vst v0;
	s13 =	smov.u32 s12;
	s12 =	sadd.s32 $0x40, s12  }
.Ltmp1:
0x112: {  	(pc) =	sbr.rel @p1 .LBB2_4-.Ltmp1, $2  }
0x113: {  	_ =	sdelay $0x2  }
0x114: {  	s13 =	sshra.s32 s13, $0x2  }
0x115: {  	s10 =	sld [smem:$0x7F3];
	_ =	sdelay $0x1  }
0x116: {  	[tilespmem:s13+$0x11000] =	vst v0;
	s26 =	simm.s32 $0x11000  }
0x117: {  	[spmem:s10] =	stream.linear.scatter [tilespmem:s26], [sflag:$0xB], $0xC80, $0x38;
	[tilespmem:$0x1B280] =	vst v63  }
0x118: {  	_ =	swait.ge [sflag:s24], $0xC80  }
0x119: {  	s11 =	sld [smem:$0x7F5]  }
0x11a: {  	[sflag:s24] =	ssyncset.done $0x0  }
0x11b: {  	[sflag:s24] =	ssyncadd.s32 $0xFFFFF380  }
0x11c: {  	[spmem:s11] =	stream.linear.scatter [tilespmem:s26], [sflag:$0xB], $0xC80, $0x38;
	[tilespmem:$0x1B280] =	vst v63  }
0x11d: {  	_ =	swait.ge [sflag:s24], $0xC80  }
0x11e: {  	s11 =	sld [smem:$0x7F4]  }
0x11f: {  	[sflag:s24] =	ssyncset.done $0x0  }
0x120: {  	[sflag:s24] =	ssyncadd.s32 $0xFFFFF380  }
0x121: {  	[spmem:s11] =	stream.linear.scatter [tilespmem:s26], [sflag:$0xB], $0xC80, $0x38;
	[tilespmem:$0x1B280] =	vst v63  }
0x122: {  	_ =	swait.ge [sflag:s24], $0xC80  }
0x123: {  	s12 =	sld [smem:$0x7F6]  }
0x124: {  	[sflag:s24] =	ssyncset.done $0x0  }
0x125: {  	[sflag:s24] =	ssyncadd.s32 $0xFFFFF380  }
0x126: {  	[spmem:s12] =	stream.linear.scatter [tilespmem:s26], [sflag:$0xB], $0xC80, $0x38;
	[tilespmem:$0x1B280] =	vst v63  }
0x127: {  	_ =	swait.ge [sflag:s24], $0xC80  }
0x128: {  	s26 =	sld [smem:$0x7FB]  }
0x129: {  	[sflag:s24] =	ssyncset.done $0x0  }
0x12a: {  	s13 =	simm.s32 @!p0 $0x18080;
	s12 =	simm.s32 @!p0 $0x0;
	[sflag:s24] =	ssyncadd.s32 $0xFFFFF380  }
0x12b: {  	[hbm4b:s26+s12] =	stream.linear.scatter @!p0 [tilespmem:s13], [sflag:$0xB], $0x1900, $0x38;
	[tilespmem:$0x1B280] =	vst v63  }
0x12c: {  	s13 =	simm.s32 @!p0 $0xB  }
0x12d: {  	_ =	swait.ge @!p0 [sflag:s13], $0x1900  }
0x12e: {  	s20 =	sld [smem:$0x7FC]  }
0x12f: {  	[sflag:s13] =	ssyncset.done @!p0 $0x0  }
0x130: {  	s26 =	simm.s32 @!p0 $0x19980;
	[sflag:s13] =	ssyncadd.s32 @!p0 $0xFFFFE700  }
0x131: {  	[hbm4b:s20+s12] =	stream.linear.scatter @!p0 [tilespmem:s26], [sflag:$0xB], $0x1900, $0x38;
	[tilespmem:$0x1B280] =	vst v63  }
0x132: {  	_ =	swait.ge @!p0 [sflag:s13], $0x1900  }
0x133: {  	[sflag:s13] =	ssyncset.done @!p0 $0x0  }
0x134: {  	[sflag:s13] =	ssyncadd.s32 @!p0 $0xFFFFE700  }
0x135: {  	[bflag:$0x0] =	sbarrier.arrive $0xFFFF  }
0x136: {  	s13 =	rddreg [dreg:$0x1c]  }
0x137: {  	[tilespmem:s28], [sflag:$0x1] =	stream.linear.gather [hbm4b:s13+s1], $0xE00, $0x38;
	[tilespmem:$0x1B280] =	vst v63  }
0x138: {  	s20 =	rddreg [dreg:$0x1d]  }
0x139: {  	[tilespmem:s30], [sflag:$0x2] =	stream.linear.gather [hbm4b:s20+s1], $0xE00, $0x38;
	[tilespmem:$0x1B280] =	vst v63  }
0x13a: {  	_ =	swait.ge [sflag:s31], $0xE00  }
0x13b: {  	[sflag:s31] =	ssyncset.done $0x0  }
0x13c: {  	[sflag:s31] =	ssyncadd.s32 $0xFFFFF200  }
0x13d: {  	_ =	swait.ge [sflag:s0], $0xE00  }
0x13e: {  	[sflag:s0] =	ssyncset.done $0x0  }
0x13f: {  	s26 =	rddreg [dreg:$0x6];
	[sflag:s0] =	ssyncadd.s32 $0xFFFFF200  }
0x140: {  	[tilespmem:s3], [sflag:$0x1] =	stream.linear.gather [hbm4b:s26+s1], $0xE00, $0x38;
	[tilespmem:$0x1B280] =	vst v63  }
0x141: {  	s13 =	rddreg [dreg:$0x7]  }
0x142: {  	[tilespmem:s4], [sflag:$0x2] =	stream.linear.gather [hbm4b:s13+s1], $0xE00, $0x38;
	[tilespmem:$0x1B280] =	vst v63  }
0x143: {  	_ = 	snop  }
0x144: {  	[tilespmem:s6], [sflag:$0x3] =	stream.indirect.gather [spmem:s22], $0x1, s28, s5, $0xb8;
	[tilespmem:$0x1B280] =	vst v63  }
0x145: {  	_ = 	snop  }
0x146: {  	[tilespmem:s7], [sflag:$0x4] =	stream.indirect.gather [spmem:s25], $0x1, s28, s5, $0xb8;
	[tilespmem:$0x1B280] =	vst v63  }
0x147: {  	_ =	swait.ge [sflag:s8], $0xE00  }
0x148: {  	[sflag:s8] =	ssyncset.done $0x0  }
0x149: {  	[sflag:s8] =	ssyncadd.s32 $0xFFFFF200  }
0x14a: {  	[spmem:s29] =	stream.indirect.scatter.add.f32 [tilespmem:s6], [sflag:$0x5], $0x1, s30, s5, $0xb8;
	[tilespmem:$0x1B280] =	vst v63  }
0x14b: {  	_ =	swait.ge [sflag:s9], $0xE00  }
0x14c: {  	[sflag:s9] =	ssyncset.done $0x0  }
0x14d: {  	[sflag:s9] =	ssyncadd.s32 $0xFFFFF200  }
0x14e: {  	[spmem:s2] =	stream.indirect.scatter.add.f32 [tilespmem:s7], [sflag:$0x8], $0x1, s30, s5, $0xb8;
	[tilespmem:$0x1B280] =	vst v63  }
0x14f: {  	_ =	swait.ge [sflag:s31], $0xE00  }
0x150: {  	[sflag:s31] =	ssyncset.done $0x0  }
0x151: {  	[sflag:s31] =	ssyncadd.s32 $0xFFFFF200  }
0x152: {  	_ =	swait.ge [sflag:s0], $0xE00  }
0x153: {  	[sflag:s0] =	ssyncset.done $0x0  }
0x154: {  	s13 =	simm.s32 $0x8000;
	s20 =	rddreg [dreg:$0x8];
	[sflag:s0] =	ssyncadd.s32 $0xFFFFF200  }
0x155: {  	[tilespmem:s13], [sflag:$0x1] =	stream.linear.gather [hbm4b:s20+s1], $0xE00, $0x38;
	[tilespmem:$0x1B280] =	vst v63  }
0x156: {  	s26 =	rddreg [dreg:$0x9];
	s20 =	simm.s32 $0xAA00  }
0x157: {  	[tilespmem:s20], [sflag:$0x2] =	stream.linear.gather [hbm4b:s26+s1], $0xE00, $0x38;
	[tilespmem:$0x1B280] =	vst v63  }
0x158: {  	_ = 	snop  }
0x159: {  	[tilespmem:s14], [sflag:$0x3] =	stream.indirect.gather [spmem:s22], $0x1, s3, s5, $0xb8;
	[tilespmem:$0x1B280] =	vst v63  }
0x15a: {  	_ = 	snop  }
0x15b: {  	[tilespmem:s15], [sflag:$0x4] =	stream.indirect.gather [spmem:s25], $0x1, s3, s5, $0xb8;
	[tilespmem:$0x1B280] =	vst v63  }
0x15c: {  	_ =	swait.ge [sflag:s8], $0xE00  }
0x15d: {  	[sflag:s8] =	ssyncset.done $0x0  }
0x15e: {  	[sflag:s8] =	ssyncadd.s32 $0xFFFFF200  }
0x15f: {  	[spmem:s29] =	stream.indirect.scatter.add.f32 [tilespmem:s14], [sflag:$0x6], $0x1, s4, s5, $0xb8;
	[tilespmem:$0x1B280] =	vst v63  }
0x160: {  	_ =	swait.ge [sflag:s9], $0xE00  }
0x161: {  	[sflag:s9] =	ssyncset.done $0x0  }
0x162: {  	[sflag:s9] =	ssyncadd.s32 $0xFFFFF200  }
0x163: {  	[spmem:s2] =	stream.indirect.scatter.add.f32 [tilespmem:s15], [sflag:$0x9], $0x1, s4, s5, $0xb8;
	[tilespmem:$0x1B280] =	vst v63  }
0x164: {  	_ =	swait.ge [sflag:s31], $0xE00  }
0x165: {  	[sflag:s31] =	ssyncset.done $0x0  }
0x166: {  	[sflag:s31] =	ssyncadd.s32 $0xFFFFF200  }
0x167: {  	_ =	swait.ge [sflag:s0], $0xE00  }
0x168: {  	[sflag:s0] =	ssyncset.done $0x0  }
0x169: {  	[sflag:s0] =	ssyncadd.s32 $0xFFFFF200  }
0x16a: {  	_ =	swait.ge [sflag:s16], $0xE00  }
0x16b: {  	[sflag:s16] =	ssyncset.done $0x0  }
0x16c: {  	[sflag:s16] =	ssyncadd.s32 $0xFFFFF200  }
0x16d: {  	_ =	swait.ge [sflag:s17], $0xE00  }
0x16e: {  	[sflag:s17] =	ssyncset.done $0x0  }
0x16f: {  	s26 =	rddreg [dreg:$0xa];
	[sflag:s17] =	ssyncadd.s32 $0xFFFFF200  }
0x170: {  	[tilespmem:s28], [sflag:$0x1] =	stream.linear.gather [hbm4b:s26+s1], $0xE00, $0x38;
	[tilespmem:$0x1B280] =	vst v63  }
0x171: {  	s26 =	rddreg [dreg:$0xb]  }
0x172: {  	[tilespmem:s30], [sflag:$0x2] =	stream.linear.gather [hbm4b:s26+s1], $0xE00, $0x38;
	[tilespmem:$0x1B280] =	vst v63  }
0x173: {  	_ = 	snop  }
0x174: {  	[tilespmem:s6], [sflag:$0x3] =	stream.indirect.gather [spmem:s22], $0x1, s13, s5, $0xb8;
	[tilespmem:$0x1B280] =	vst v63  }
0x175: {  	_ = 	snop  }
0x176: {  	[tilespmem:s7], [sflag:$0x4] =	stream.indirect.gather [spmem:s25], $0x1, s13, s5, $0xb8;
	[tilespmem:$0x1B280] =	vst v63  }
0x177: {  	_ =	swait.ge [sflag:s8], $0xE00  }
0x178: {  	[sflag:s8] =	ssyncset.done $0x0  }
0x179: {  	[sflag:s8] =	ssyncadd.s32 $0xFFFFF200  }
0x17a: {  	[spmem:s29] =	stream.indirect.scatter.add.f32 [tilespmem:s6], [sflag:$0x7], $0x1, s20, s5, $0xb8;
	[tilespmem:$0x1B280] =	vst v63  }
0x17b: {  	_ =	swait.ge [sflag:s9], $0xE00  }
0x17c: {  	[sflag:s9] =	ssyncset.done $0x0  }
0x17d: {  	[sflag:s9] =	ssyncadd.s32 $0xFFFFF200  }
0x17e: {  	[spmem:s2] =	stream.indirect.scatter.add.f32 [tilespmem:s7], [sflag:$0xA], $0x1, s20, s5, $0xb8;
	[tilespmem:$0x1B280] =	vst v63  }
0x17f: {  	_ =	swait.ge [sflag:s31], $0xE00  }
0x180: {  	[sflag:s31] =	ssyncset.done $0x0  }
0x181: {  	[sflag:s31] =	ssyncadd.s32 $0xFFFFF200  }
0x182: {  	_ =	swait.ge [sflag:s0], $0xE00  }
0x183: {  	[sflag:s0] =	ssyncset.done $0x0  }
0x184: {  	[sflag:s0] =	ssyncadd.s32 $0xFFFFF200  }
0x185: {  	_ =	swait.ge [sflag:s18], $0xE00  }
0x186: {  	[sflag:s18] =	ssyncset.done $0x0  }
0x187: {  	[sflag:s18] =	ssyncadd.s32 $0xFFFFF200  }
0x188: {  	_ =	swait.ge [sflag:s19], $0xE00  }
0x189: {  	[sflag:s19] =	ssyncset.done $0x0  }
0x18a: {  	s26 =	rddreg [dreg:$0xc];
	[sflag:s19] =	ssyncadd.s32 $0xFFFFF200  }
0x18b: {  	[tilespmem:s3], [sflag:$0x1] =	stream.linear.gather [hbm4b:s26+s1], $0xE00, $0x38;
	[tilespmem:$0x1B280] =	vst v63  }
0x18c: {  	s26 =	rddreg [dreg:$0xd]  }
0x18d: {  	[tilespmem:s4], [sflag:$0x2] =	stream.linear.gather [hbm4b:s26+s1], $0xE00, $0x38;
	[tilespmem:$0x1B280] =	vst v63  }
0x18e: {  	_ = 	snop  }
0x18f: {  	[tilespmem:s14], [sflag:$0x3] =	stream.indirect.gather [spmem:s22], $0x1, s28, s5, $0xb8;
	[tilespmem:$0x1B280] =	vst v63  }
0x190: {  	_ = 	snop  }
0x191: {  	[tilespmem:s15], [sflag:$0x4] =	stream.indirect.gather [spmem:s25], $0x1, s28, s5, $0xb8;
	[tilespmem:$0x1B280] =	vst v63  }
0x192: {  	_ =	swait.ge [sflag:s8], $0xE00  }
0x193: {  	[sflag:s8] =	ssyncset.done $0x0  }
0x194: {  	[sflag:s8] =	ssyncadd.s32 $0xFFFFF200  }
0x195: {  	[spmem:s29] =	stream.indirect.scatter.add.f32 [tilespmem:s14], [sflag:$0x5], $0x1, s30, s5, $0xb8;
	[tilespmem:$0x1B280] =	vst v63  }
0x196: {  	_ =	swait.ge [sflag:s9], $0xE00  }
0x197: {  	[sflag:s9] =	ssyncset.done $0x0  }
0x198: {  	[sflag:s9] =	ssyncadd.s32 $0xFFFFF200  }
0x199: {  	[spmem:s2] =	stream.indirect.scatter.add.f32 [tilespmem:s15], [sflag:$0x8], $0x1, s30, s5, $0xb8;
	[tilespmem:$0x1B280] =	vst v63  }
0x19a: {  	_ =	swait.ge [sflag:s31], $0xE00  }
0x19b: {  	[sflag:s31] =	ssyncset.done $0x0  }
0x19c: {  	[sflag:s31] =	ssyncadd.s32 $0xFFFFF200  }
0x19d: {  	_ =	swait.ge [sflag:s0], $0xE00  }
0x19e: {  	[sflag:s0] =	ssyncset.done $0x0  }
0x19f: {  	s26 =	simm.s32 $0x7;
	[sflag:s0] =	ssyncadd.s32 $0xFFFFF200  }
0x1a0: {  	_ =	swait.ge [sflag:s26], $0xE00  }
0x1a1: {  	[sflag:s26] =	ssyncset.done $0x0  }
0x1a2: {  	[sflag:s26] =	ssyncadd.s32 $0xFFFFF200  }
0x1a3: {  	_ =	swait.ge [sflag:s21], $0xE00  }
0x1a4: {  	[sflag:s21] =	ssyncset.done $0x0  }
0x1a5: {  	s12 =	rddreg [dreg:$0xe];
	[sflag:s21] =	ssyncadd.s32 $0xFFFFF200  }
0x1a6: {  	[tilespmem:s13], [sflag:$0x1] =	stream.linear.gather [hbm4b:s12+s1], $0xE00, $0x38;
	[tilespmem:$0x1B280] =	vst v63  }
0x1a7: {  	s12 =	rddreg [dreg:$0xf]  }
0x1a8: {  	[tilespmem:s20], [sflag:$0x2] =	stream.linear.gather [hbm4b:s12+s1], $0xE00, $0x38;
	[tilespmem:$0x1B280] =	vst v63  }
0x1a9: {  	_ = 	snop  }
0x1aa: {  	[tilespmem:s6], [sflag:$0x3] =	stream.indirect.gather [spmem:s22], $0x1, s3, s5, $0xb8;
	[tilespmem:$0x1B280] =	vst v63  }
0x1ab: {  	_ = 	snop  }
0x1ac: {  	[tilespmem:s7], [sflag:$0x4] =	stream.indirect.gather [spmem:s25], $0x1, s3, s5, $0xb8;
	[tilespmem:$0x1B280] =	vst v63  }
0x1ad: {  	_ =	swait.ge [sflag:s8], $0xE00  }
0x1ae: {  	[sflag:s8] =	ssyncset.done $0x0  }
0x1af: {  	[sflag:s8] =	ssyncadd.s32 $0xFFFFF200  }
0x1b0: {  	[spmem:s29] =	stream.indirect.scatter.add.f32 [tilespmem:s6], [sflag:$0x6], $0x1, s4, s5, $0xb8;
	[tilespmem:$0x1B280] =	vst v63  }
0x1b1: {  	_ =	swait.ge [sflag:s9], $0xE00  }
0x1b2: {  	[sflag:s9] =	ssyncset.done $0x0  }
0x1b3: {  	[sflag:s9] =	ssyncadd.s32 $0xFFFFF200  }
0x1b4: {  	[spmem:s2] =	stream.indirect.scatter.add.f32 [tilespmem:s7], [sflag:$0x9], $0x1, s4, s5, $0xb8;
	[tilespmem:$0x1B280] =	vst v63  }
0x1b5: {  	_ =	swait.ge [sflag:s31], $0xE00  }
0x1b6: {  	[sflag:s31] =	ssyncset.done $0x0  }
0x1b7: {  	[sflag:s31] =	ssyncadd.s32 $0xFFFFF200  }
0x1b8: {  	_ =	swait.ge [sflag:s0], $0xE00  }
0x1b9: {  	[sflag:s0] =	ssyncset.done $0x0  }
0x1ba: {  	[sflag:s0] =	ssyncadd.s32 $0xFFFFF200  }
0x1bb: {  	_ =	swait.ge [sflag:s16], $0xE00  }
0x1bc: {  	[sflag:s16] =	ssyncset.done $0x0  }
0x1bd: {  	[sflag:s16] =	ssyncadd.s32 $0xFFFFF200  }
0x1be: {  	_ =	swait.ge [sflag:s17], $0xE00  }
0x1bf: {  	[sflag:s17] =	ssyncset.done $0x0  }
0x1c0: {  	s12 =	rddreg [dreg:$0x10];
	[sflag:s17] =	ssyncadd.s32 $0xFFFFF200  }
0x1c1: {  	[tilespmem:s28], [sflag:$0x1] =	stream.linear.gather [hbm4b:s12+s1], $0xE00, $0x38;
	[tilespmem:$0x1B280] =	vst v63  }
0x1c2: {  	s12 =	rddreg [dreg:$0x11]  }
0x1c3: {  	[tilespmem:s30], [sflag:$0x2] =	stream.linear.gather [hbm4b:s12+s1], $0xE00, $0x38;
	[tilespmem:$0x1B280] =	vst v63  }
0x1c4: {  	_ = 	snop  }
0x1c5: {  	[tilespmem:s14], [sflag:$0x3] =	stream.indirect.gather [spmem:s22], $0x1, s13, s5, $0xb8;
	[tilespmem:$0x1B280] =	vst v63  }
0x1c6: {  	_ = 	snop  }
0x1c7: {  	[tilespmem:s15], [sflag:$0x4] =	stream.indirect.gather [spmem:s25], $0x1, s13, s5, $0xb8;
	[tilespmem:$0x1B280] =	vst v63  }
0x1c8: {  	_ =	swait.ge [sflag:s8], $0xE00  }
0x1c9: {  	[sflag:s8] =	ssyncset.done $0x0  }
0x1ca: {  	[sflag:s8] =	ssyncadd.s32 $0xFFFFF200  }
0x1cb: {  	[spmem:s29] =	stream.indirect.scatter.add.f32 [tilespmem:s14], [sflag:$0x7], $0x1, s20, s5, $0xb8;
	[tilespmem:$0x1B280] =	vst v63  }
0x1cc: {  	_ =	swait.ge [sflag:s9], $0xE00  }
0x1cd: {  	[sflag:s9] =	ssyncset.done $0x0  }
0x1ce: {  	[sflag:s9] =	ssyncadd.s32 $0xFFFFF200  }
0x1cf: {  	[spmem:s2] =	stream.indirect.scatter.add.f32 [tilespmem:s15], [sflag:$0xA], $0x1, s20, s5, $0xb8;
	[tilespmem:$0x1B280] =	vst v63  }
0x1d0: {  	_ =	swait.ge [sflag:s31], $0xE00  }
0x1d1: {  	[sflag:s31] =	ssyncset.done $0x0  }
0x1d2: {  	[sflag:s31] =	ssyncadd.s32 $0xFFFFF200  }
0x1d3: {  	_ =	swait.ge [sflag:s0], $0xE00  }
0x1d4: {  	[sflag:s0] =	ssyncset.done $0x0  }
0x1d5: {  	[sflag:s0] =	ssyncadd.s32 $0xFFFFF200  }
0x1d6: {  	_ =	swait.ge [sflag:s18], $0xE00  }
0x1d7: {  	[sflag:s18] =	ssyncset.done $0x0  }
0x1d8: {  	[sflag:s18] =	ssyncadd.s32 $0xFFFFF200  }
0x1d9: {  	_ =	swait.ge [sflag:s19], $0xE00  }
0x1da: {  	[sflag:s19] =	ssyncset.done $0x0  }
0x1db: {  	s12 =	rddreg [dreg:$0x12];
	[sflag:s19] =	ssyncadd.s32 $0xFFFFF200  }
0x1dc: {  	[tilespmem:s3], [sflag:$0x1] =	stream.linear.gather [hbm4b:s12+s1], $0xE00, $0x38;
	[tilespmem:$0x1B280] =	vst v63  }
0x1dd: {  	s12 =	rddreg [dreg:$0x13]  }
0x1de: {  	[tilespmem:s4], [sflag:$0x2] =	stream.linear.gather [hbm4b:s12+s1], $0xE00, $0x38;
	[tilespmem:$0x1B280] =	vst v63  }
0x1df: {  	_ = 	snop  }
0x1e0: {  	[tilespmem:s6], [sflag:$0x3] =	stream.indirect.gather [spmem:s22], $0x1, s28, s5, $0xb8;
	[tilespmem:$0x1B280] =	vst v63  }
0x1e1: {  	_ = 	snop  }
0x1e2: {  	[tilespmem:s7], [sflag:$0x4] =	stream.indirect.gather [spmem:s25], $0x1, s28, s5, $0xb8;
	[tilespmem:$0x1B280] =	vst v63  }
0x1e3: {  	_ =	swait.ge [sflag:s8], $0xE00  }
0x1e4: {  	[sflag:s8] =	ssyncset.done $0x0  }
0x1e5: {  	[sflag:s8] =	ssyncadd.s32 $0xFFFFF200  }
0x1e6: {  	[spmem:s29] =	stream.indirect.scatter.add.f32 [tilespmem:s6], [sflag:$0x5], $0x1, s30, s5, $0xb8;
	[tilespmem:$0x1B280] =	vst v63  }
0x1e7: {  	_ =	swait.ge [sflag:s9], $0xE00  }
0x1e8: {  	[sflag:s9] =	ssyncset.done $0x0  }
0x1e9: {  	[sflag:s9] =	ssyncadd.s32 $0xFFFFF200  }
0x1ea: {  	[spmem:s2] =	stream.indirect.scatter.add.f32 [tilespmem:s7], [sflag:$0x8], $0x1, s30, s5, $0xb8;
	[tilespmem:$0x1B280] =	vst v63  }
0x1eb: {  	_ =	swait.ge [sflag:s31], $0xE00  }
0x1ec: {  	[sflag:s31] =	ssyncset.done $0x0  }
0x1ed: {  	[sflag:s31] =	ssyncadd.s32 $0xFFFFF200  }
0x1ee: {  	_ =	swait.ge [sflag:s0], $0xE00  }
0x1ef: {  	[sflag:s0] =	ssyncset.done $0x0  }
0x1f0: {  	[sflag:s0] =	ssyncadd.s32 $0xFFFFF200  }
0x1f1: {  	_ =	swait.ge [sflag:s26], $0xE00  }
0x1f2: {  	[sflag:s26] =	ssyncset.done $0x0  }
0x1f3: {  	[sflag:s26] =	ssyncadd.s32 $0xFFFFF200  }
0x1f4: {  	_ =	swait.ge [sflag:s21], $0xE00  }
0x1f5: {  	[sflag:s21] =	ssyncset.done $0x0  }
0x1f6: {  	s12 =	rddreg [dreg:$0x14];
	[sflag:s21] =	ssyncadd.s32 $0xFFFFF200  }
0x1f7: {  	[tilespmem:s13], [sflag:$0x1] =	stream.linear.gather [hbm4b:s12+s1], $0xE00, $0x38;
	[tilespmem:$0x1B280] =	vst v63  }
0x1f8: {  	s12 =	rddreg [dreg:$0x15]  }
0x1f9: {  	[tilespmem:s20], [sflag:$0x2] =	stream.linear.gather [hbm4b:s12+s1], $0xE00, $0x38;
	[tilespmem:$0x1B280] =	vst v63  }
0x1fa: {  	_ = 	snop  }
0x1fb: {  	[tilespmem:s14], [sflag:$0x3] =	stream.indirect.gather [spmem:s22], $0x1, s3, s5, $0xb8;
	[tilespmem:$0x1B280] =	vst v63  }
0x1fc: {  	_ = 	snop  }
0x1fd: {  	[tilespmem:s15], [sflag:$0x4] =	stream.indirect.gather [spmem:s25], $0x1, s3, s5, $0xb8;
	[tilespmem:$0x1B280] =	vst v63  }
0x1fe: {  	_ =	swait.ge [sflag:s8], $0xE00  }
0x1ff: {  	[sflag:s8] =	ssyncset.done $0x0  }
0x200: {  	[sflag:s8] =	ssyncadd.s32 $0xFFFFF200  }
0x201: {  	[spmem:s29] =	stream.indirect.scatter.add.f32 [tilespmem:s14], [sflag:$0x6], $0x1, s4, s5, $0xb8;
	[tilespmem:$0x1B280] =	vst v63  }
0x202: {  	_ =	swait.ge [sflag:s9], $0xE00  }
0x203: {  	[sflag:s9] =	ssyncset.done $0x0  }
0x204: {  	[sflag:s9] =	ssyncadd.s32 $0xFFFFF200  }
0x205: {  	[spmem:s2] =	stream.indirect.scatter.add.f32 [tilespmem:s15], [sflag:$0x9], $0x1, s4, s5, $0xb8;
	[tilespmem:$0x1B280] =	vst v63  }
0x206: {  	_ =	swait.ge [sflag:s31], $0xE00  }
0x207: {  	[sflag:s31] =	ssyncset.done $0x0  }
0x208: {  	[sflag:s31] =	ssyncadd.s32 $0xFFFFF200  }
0x209: {  	_ =	swait.ge [sflag:s0], $0xE00  }
0x20a: {  	[sflag:s0] =	ssyncset.done $0x0  }
0x20b: {  	[sflag:s0] =	ssyncadd.s32 $0xFFFFF200  }
0x20c: {  	_ =	swait.ge [sflag:s16], $0xE00  }
0x20d: {  	[sflag:s16] =	ssyncset.done $0x0  }
0x20e: {  	[sflag:s16] =	ssyncadd.s32 $0xFFFFF200  }
0x20f: {  	_ =	swait.ge [sflag:s17], $0xE00  }
0x210: {  	[sflag:s17] =	ssyncset.done $0x0  }
0x211: {  	s12 =	rddreg [dreg:$0x16];
	[sflag:s17] =	ssyncadd.s32 $0xFFFFF200  }
0x212: {  	[tilespmem:s28], [sflag:$0x1] =	stream.linear.gather [hbm4b:s12+s1], $0xE00, $0x38;
	[tilespmem:$0x1B280] =	vst v63  }
0x213: {  	s12 =	rddreg [dreg:$0x17]  }
0x214: {  	[tilespmem:s30], [sflag:$0x2] =	stream.linear.gather [hbm4b:s12+s1], $0xE00, $0x38;
	[tilespmem:$0x1B280] =	vst v63  }
0x215: {  	_ = 	snop  }
0x216: {  	[tilespmem:s6], [sflag:$0x3] =	stream.indirect.gather [spmem:s22], $0x1, s13, s5, $0xb8;
	[tilespmem:$0x1B280] =	vst v63  }
0x217: {  	_ = 	snop  }
0x218: {  	[tilespmem:s7], [sflag:$0x4] =	stream.indirect.gather [spmem:s25], $0x1, s13, s5, $0xb8;
	[tilespmem:$0x1B280] =	vst v63  }
0x219: {  	_ =	swait.ge [sflag:s8], $0xE00  }
0x21a: {  	[sflag:s8] =	ssyncset.done $0x0  }
0x21b: {  	[sflag:s8] =	ssyncadd.s32 $0xFFFFF200  }
0x21c: {  	[spmem:s29] =	stream.indirect.scatter.add.f32 [tilespmem:s6], [sflag:$0x7], $0x1, s20, s5, $0xb8;
	[tilespmem:$0x1B280] =	vst v63  }
0x21d: {  	_ =	swait.ge [sflag:s9], $0xE00  }
0x21e: {  	[sflag:s9] =	ssyncset.done $0x0  }
0x21f: {  	[sflag:s9] =	ssyncadd.s32 $0xFFFFF200  }
0x220: {  	[spmem:s2] =	stream.indirect.scatter.add.f32 [tilespmem:s7], [sflag:$0xA], $0x1, s20, s5, $0xb8;
	[tilespmem:$0x1B280] =	vst v63  }
0x221: {  	_ =	swait.ge [sflag:s31], $0xE00  }
0x222: {  	[sflag:s31] =	ssyncset.done $0x0  }
0x223: {  	[sflag:s31] =	ssyncadd.s32 $0xFFFFF200  }
0x224: {  	_ =	swait.ge [sflag:s0], $0xE00  }
0x225: {  	[sflag:s0] =	ssyncset.done $0x0  }
0x226: {  	[sflag:s0] =	ssyncadd.s32 $0xFFFFF200  }
0x227: {  	_ =	swait.ge [sflag:s18], $0xE00  }
0x228: {  	[sflag:s18] =	ssyncset.done $0x0  }
0x229: {  	[sflag:s18] =	ssyncadd.s32 $0xFFFFF200  }
0x22a: {  	_ =	swait.ge [sflag:s19], $0xE00  }
0x22b: {  	[sflag:s19] =	ssyncset.done $0x0  }
0x22c: {  	s12 =	rddreg [dreg:$0x18];
	[sflag:s19] =	ssyncadd.s32 $0xFFFFF200  }
0x22d: {  	[tilespmem:s3], [sflag:$0x1] =	stream.linear.gather [hbm4b:s12+s1], $0xE00, $0x38;
	[tilespmem:$0x1B280] =	vst v63  }
0x22e: {  	s12 =	rddreg [dreg:$0x19]  }
0x22f: {  	[tilespmem:s4], [sflag:$0x2] =	stream.linear.gather [hbm4b:s12+s1], $0xE00, $0x38;
	[tilespmem:$0x1B280] =	vst v63  }
0x230: {  	_ = 	snop  }
0x231: {  	[tilespmem:s14], [sflag:$0x3] =	stream.indirect.gather [spmem:s22], $0x1, s28, s5, $0xb8;
	[tilespmem:$0x1B280] =	vst v63  }
0x232: {  	_ = 	snop  }
0x233: {  	[tilespmem:s15], [sflag:$0x4] =	stream.indirect.gather [spmem:s25], $0x1, s28, s5, $0xb8;
	[tilespmem:$0x1B280] =	vst v63  }
0x234: {  	_ =	swait.ge [sflag:s8], $0xE00  }
0x235: {  	[sflag:s8] =	ssyncset.done $0x0  }
0x236: {  	[sflag:s8] =	ssyncadd.s32 $0xFFFFF200  }
0x237: {  	[spmem:s29] =	stream.indirect.scatter.add.f32 [tilespmem:s14], [sflag:$0x5], $0x1, s30, s5, $0xb8;
	[tilespmem:$0x1B280] =	vst v63  }
0x238: {  	_ =	swait.ge [sflag:s9], $0xE00  }
0x239: {  	[sflag:s9] =	ssyncset.done $0x0  }
0x23a: {  	[sflag:s9] =	ssyncadd.s32 $0xFFFFF200  }
0x23b: {  	[spmem:s2] =	stream.indirect.scatter.add.f32 [tilespmem:s15], [sflag:$0x8], $0x1, s30, s5, $0xb8;
	[tilespmem:$0x1B280] =	vst v63  }
0x23c: {  	_ =	swait.ge [sflag:s31], $0xE00  }
0x23d: {  	[sflag:s31] =	ssyncset.done $0x0  }
0x23e: {  	[sflag:s31] =	ssyncadd.s32 $0xFFFFF200  }
0x23f: {  	_ =	swait.ge [sflag:s0], $0xE00  }
0x240: {  	[sflag:s0] =	ssyncset.done $0x0  }
0x241: {  	[sflag:s0] =	ssyncadd.s32 $0xFFFFF200  }
0x242: {  	_ =	swait.ge [sflag:s26], $0xE00  }
0x243: {  	[sflag:s26] =	ssyncset.done $0x0  }
0x244: {  	[sflag:s26] =	ssyncadd.s32 $0xFFFFF200  }
0x245: {  	_ =	swait.ge [sflag:s21], $0xE00  }
0x246: {  	[sflag:s21] =	ssyncset.done $0x0  }
0x247: {  	s12 =	rddreg [dreg:$0x1a];
	[sflag:s21] =	ssyncadd.s32 $0xFFFFF200  }
0x248: {  	[tilespmem:s13], [sflag:$0x1] =	stream.linear.gather [hbm4b:s12+s1], $0xE00, $0x38;
	[tilespmem:$0x1B280] =	vst v63  }
0x249: {  	s12 =	rddreg [dreg:$0x1b]  }
0x24a: {  	[tilespmem:s20], [sflag:$0x2] =	stream.linear.gather [hbm4b:s12+s1], $0xE00, $0x38;
	[tilespmem:$0x1B280] =	vst v63  }
0x24b: {  	_ = 	snop  }
0x24c: {  	[tilespmem:s6], [sflag:$0x3] =	stream.indirect.gather [spmem:s22], $0x1, s3, s5, $0xb8;
	[tilespmem:$0x1B280] =	vst v63  }
0x24d: {  	_ = 	snop  }
0x24e: {  	[tilespmem:s7], [sflag:$0x4] =	stream.indirect.gather [spmem:s25], $0x1, s3, s5, $0xb8;
	[tilespmem:$0x1B280] =	vst v63  }
0x24f: {  	_ =	swait.ge [sflag:s8], $0xE00  }
0x250: {  	[sflag:s8] =	ssyncset.done $0x0  }
0x251: {  	[sflag:s8] =	ssyncadd.s32 $0xFFFFF200  }
0x252: {  	[spmem:s29] =	stream.indirect.scatter.add.f32 [tilespmem:s6], [sflag:$0x6], $0x1, s4, s5, $0xb8;
	[tilespmem:$0x1B280] =	vst v63  }
0x253: {  	_ =	swait.ge [sflag:s9], $0xE00  }
0x254: {  	[sflag:s9] =	ssyncset.done $0x0  }
0x255: {  	[sflag:s9] =	ssyncadd.s32 $0xFFFFF200  }
0x256: {  	[spmem:s2] =	stream.indirect.scatter.add.f32 [tilespmem:s7], [sflag:$0x9], $0x1, s4, s5, $0xb8;
	[tilespmem:$0x1B280] =	vst v63  }
0x257: {  	_ =	swait.ge [sflag:s31], $0xE00  }
0x258: {  	[sflag:s31] =	ssyncset.done $0x0  }
0x259: {  	[sflag:s31] =	ssyncadd.s32 $0xFFFFF200  }
0x25a: {  	_ =	swait.ge [sflag:s0], $0xE00  }
0x25b: {  	[sflag:s0] =	ssyncset.done $0x0  }
0x25c: {  	[sflag:s0] =	ssyncadd.s32 $0xFFFFF200  }
0x25d: {  	_ =	swait.ge [sflag:s16], $0xE00  }
0x25e: {  	[sflag:s16] =	ssyncset.done $0x0  }
0x25f: {  	[sflag:s16] =	ssyncadd.s32 $0xFFFFF200  }
0x260: {  	_ =	swait.ge [sflag:s17], $0xE00  }
0x261: {  	[sflag:s17] =	ssyncset.done $0x0  }
0x262: {  	s12 =	rddreg [dreg:$0x1e];
	[sflag:s17] =	ssyncadd.s32 $0xFFFFF200  }
0x263: {  	[tilespmem:s28], [sflag:$0x1] =	stream.linear.gather [hbm4b:s12+s1], $0xE00, $0x38;
	[tilespmem:$0x1B280] =	vst v63  }
0x264: {  	s12 =	rddreg [dreg:$0x1f]  }
0x265: {  	[tilespmem:s30], [sflag:$0x2] =	stream.linear.gather [hbm4b:s12+s1], $0xE00, $0x38;
	[tilespmem:$0x1B280] =	vst v63  }
0x266: {  	_ = 	snop  }
0x267: {  	[tilespmem:s14], [sflag:$0x3] =	stream.indirect.gather [spmem:s22], $0x1, s13, s5, $0xb8;
	[tilespmem:$0x1B280] =	vst v63  }
0x268: {  	_ = 	snop  }
0x269: {  	[tilespmem:s15], [sflag:$0x4] =	stream.indirect.gather [spmem:s25], $0x1, s13, s5, $0xb8;
	[tilespmem:$0x1B280] =	vst v63  }
0x26a: {  	_ =	swait.ge [sflag:s8], $0xE00  }
0x26b: {  	[sflag:s8] =	ssyncset.done $0x0  }
0x26c: {  	[sflag:s8] =	ssyncadd.s32 $0xFFFFF200  }
0x26d: {  	[spmem:s29] =	stream.indirect.scatter.add.f32 [tilespmem:s14], [sflag:$0x7], $0x1, s20, s5, $0xb8;
	[tilespmem:$0x1B280] =	vst v63  }
0x26e: {  	_ =	swait.ge [sflag:s9], $0xE00  }
0x26f: {  	[sflag:s9] =	ssyncset.done $0x0  }
0x270: {  	[sflag:s9] =	ssyncadd.s32 $0xFFFFF200  }
0x271: {  	[spmem:s2] =	stream.indirect.scatter.add.f32 [tilespmem:s15], [sflag:$0xA], $0x1, s20, s5, $0xb8;
	[tilespmem:$0x1B280] =	vst v63  }
0x272: {  	_ =	swait.ge [sflag:s31], $0xE00  }
0x273: {  	[sflag:s31] =	ssyncset.done $0x0  }
0x274: {  	[sflag:s31] =	ssyncadd.s32 $0xFFFFF200  }
0x275: {  	_ =	swait.ge [sflag:s0], $0xE00  }
0x276: {  	[sflag:s0] =	ssyncset.done $0x0  }
0x277: {  	[sflag:s0] =	ssyncadd.s32 $0xFFFFF200  }
0x278: {  	_ =	swait.ge [sflag:s18], $0xE00  }
0x279: {  	[sflag:s18] =	ssyncset.done $0x0  }
0x27a: {  	[sflag:s18] =	ssyncadd.s32 $0xFFFFF200  }
0x27b: {  	_ =	swait.ge [sflag:s19], $0xE00  }
0x27c: {  	s20 =	sld [smem:$0x7E9]  }
0x27d: {  	[sflag:s19] =	ssyncset.done $0x0  }
0x27e: {  	s13 =	sld [smem:$0x7EA];
	[sflag:s19] =	ssyncadd.s32 $0xFFFFF200  }
0x27f: {  	[tilespmem:s3], [sflag:$0x1] =	stream.linear.gather [hbm4b:s20+s1], $0xE00, $0x38;
	[tilespmem:$0x1B280] =	vst v63  }
0x280: {  	_ = 	snop  }
0x281: {  	[tilespmem:s4], [sflag:$0x2] =	stream.linear.gather [hbm4b:s13+s1], $0xE00, $0x38;
	[tilespmem:$0x1B280] =	vst v63  }
0x282: {  	_ = 	snop  }
0x283: {  	[tilespmem:s6], [sflag:$0x3] =	stream.indirect.gather [spmem:s22], $0x1, s28, s5, $0xb8;
	[tilespmem:$0x1B280] =	vst v63  }
0x284: {  	_ = 	snop  }
0x285: {  	[tilespmem:s7], [sflag:$0x4] =	stream.indirect.gather [spmem:s25], $0x1, s28, s5, $0xb8;
	[tilespmem:$0x1B280] =	vst v63  }
0x286: {  	_ =	swait.ge [sflag:s8], $0xE00  }
0x287: {  	[sflag:s8] =	ssyncset.done $0x0  }
0x288: {  	[sflag:s8] =	ssyncadd.s32 $0xFFFFF200  }
0x289: {  	[spmem:s29] =	stream.indirect.scatter.add.f32 [tilespmem:s6], [sflag:$0x5], $0x1, s30, s5, $0xb8;
	[tilespmem:$0x1B280] =	vst v63  }
0x28a: {  	_ =	swait.ge [sflag:s9], $0xE00  }
0x28b: {  	[sflag:s9] =	ssyncset.done $0x0  }
0x28c: {  	[sflag:s9] =	ssyncadd.s32 $0xFFFFF200  }
0x28d: {  	[spmem:s2] =	stream.indirect.scatter.add.f32 [tilespmem:s7], [sflag:$0x8], $0x1, s30, s5, $0xb8;
	[tilespmem:$0x1B280] =	vst v63  }
0x28e: {  	_ =	swait.ge [sflag:s31], $0xE00  }
0x28f: {  	[sflag:s31] =	ssyncset.done $0x0  }
0x290: {  	[sflag:s31] =	ssyncadd.s32 $0xFFFFF200  }
0x291: {  	_ =	swait.ge [sflag:s0], $0xE00  }
0x292: {  	[sflag:s0] =	ssyncset.done $0x0  }
0x293: {  	[sflag:s0] =	ssyncadd.s32 $0xFFFFF200  }
0x294: {  	_ =	swait.ge [sflag:s26], $0xE00  }
0x295: {  	[sflag:s26] =	ssyncset.done $0x0  }
0x296: {  	[sflag:s26] =	ssyncadd.s32 $0xFFFFF200  }
0x297: {  	_ =	swait.ge [sflag:s21], $0xE00  }
0x298: {  	[sflag:s21] =	ssyncset.done $0x0  }
0x299: {  	[sflag:s21] =	ssyncadd.s32 $0xFFFFF200  }
0x29a: {  	[tilespmem:s14], [sflag:$0x3] =	stream.indirect.gather [spmem:s22], $0x1, s3, s5, $0xb8;
	[tilespmem:$0x1B280] =	vst v63  }
0x29b: {  	_ = 	snop  }
0x29c: {  	[tilespmem:s15], [sflag:$0x4] =	stream.indirect.gather [spmem:s25], $0x1, s3, s5, $0xb8;
	[tilespmem:$0x1B280] =	vst v63  }
0x29d: {  	_ =	swait.ge [sflag:s8], $0xE00  }
0x29e: {  	[sflag:s8] =	ssyncset.done $0x0  }
0x29f: {  	[sflag:s8] =	ssyncadd.s32 $0xFFFFF200  }
0x2a0: {  	[spmem:s29] =	stream.indirect.scatter.add.f32 [tilespmem:s14], [sflag:$0x6], $0x1, s4, s5, $0xb8;
	[tilespmem:$0x1B280] =	vst v63  }
0x2a1: {  	_ =	swait.ge [sflag:s9], $0xE00  }
0x2a2: {  	[sflag:s9] =	ssyncset.done $0x0  }
0x2a3: {  	[sflag:s9] =	ssyncadd.s32 $0xFFFFF200  }
0x2a4: {  	[spmem:s2] =	stream.indirect.scatter.add.f32 [tilespmem:s15], [sflag:$0x9], $0x1, s4, s5, $0xb8;
	[tilespmem:$0x1B280] =	vst v63  }
0x2a5: {  	_ =	swait.ge [sflag:s16], $0xE00  }
0x2a6: {  	[sflag:s16] =	ssyncset.done $0x0  }
0x2a7: {  	[sflag:s16] =	ssyncadd.s32 $0xFFFFF200  }
0x2a8: {  	_ =	swait.ge [sflag:s18], $0xE00  }
0x2a9: {  	[sflag:s18] =	ssyncset.done $0x0  }
0x2aa: {  	[sflag:s18] =	ssyncadd.s32 $0xFFFFF200  }
0x2ab: {  	_ =	swait.ge [sflag:s17], $0xE00  }
0x2ac: {  	[sflag:s17] =	ssyncset.done $0x0  }
0x2ad: {  	[sflag:s17] =	ssyncadd.s32 $0xFFFFF200  }
0x2ae: {  	_ =	swait.ge [sflag:s19], $0xE00  }
0x2af: {  	[sflag:s19] =	ssyncset.done $0x0  }
0x2b0: {  	[sflag:s19] =	ssyncadd.s32 $0xFFFFF200  }
0x2b1: {  	[bflag:$0x0] =	sbarrier.arrive $0xFFFF  }
0x2b2: {  	s20 =	stileid.u32;
	s26 =	sshrl.u32 s10, $0x3;
	s10 =	sld [smem:$0x7EB]  }
0x2b3: {  	s12 =	sshll.u32 s20, $0x6  }
0x2b4: {  	s12 =	sor.u32 $0x1C0B, s12  }
0x2b5: {  	[hbm:s10], [sflag:s12] =	dma.local [spmem:s26], $0x320  }
0x2b6: {  	_ =	swait.ge [sflag:s24], $0x320  }
0x2b7: {  	s20 =	sld [smem:$0x7EC]  }
0x2b8: {  	[sflag:s24] =	ssyncset.done $0x0  }
0x2b9: {  	s11 =	sshrl.u32 s11, $0x3;
	[sflag:s24] =	ssyncadd.s32 $0xFFFFFCE0  }
0x2ba: {  	[hbm:s20], [sflag:s12] =	dma.local [spmem:s11], $0x320  }
0x2bb: {  	_ =	swait.ge [sflag:s24], $0x320  }
0x2bc: {  	s26 =	sld [smem:$0x7FD];
	_ =	sdelay $0x1  }
0x2bd: {  	s23 =	sadd.s32 $0x1, s23  }
0x2be: {  	p1 =	sne.s32 s23, s26  }
.Ltmp2:
0x2bf: {  	_ = 	snop;
	(pc) =	sbr.rel @p1 .LBB2_1-.Ltmp2, $3  }
0x2c0: {  	_ =	sdelay $0x1  }
0x2c1: {  	[sflag:s24] =	ssyncset.done $0x0  }
0x2c2: {  	[sflag:s24] =	ssyncadd.s32 $0xFFFFFCE0  }
0x2c3: {  	_ =	sfence.sel $0x180000  }
0x2c4: {  	[bflag:$0x0] =	sbarrier.arrive $0xFFFF  }
0x2c5: {  	_ =	strace $0x9000004D  }
0x2c6: {  	s0 =	stileid.u32;
	[bflag:$0x2] =	sbarrier.arrive $0xFFFF  }
0x2c7: {  	p0 =	sne.s32 s0, $0x0;
	s0 =	rddreg [dreg:$0x5]  }
0x2c8: {  	s0 =	sadd.s32 @!p0 $0x100000, s0  }
0x2c9: {  	[sflag:s0] =	ssyncadd.tile.s32 @!p0 $0x1;
	_ =	shalt  }
.Lfunc_end2:
_tile_overlayer_lowered:
.L_overlay_start_2:
0x2ca: {  	(tag) =	ssettag $0x2  }
0x2cb: {  	s0 =	rddreg [dreg:$0x0];
	s2 =	stileid.u32  }
0x2cc: {  	s1 =	rddreg [dreg:$0x1];
	p0 =	sne.s32 s2, $0x0  }
0x2cd: {  	s3 =	rddreg [dreg:$0x2];
	[bflag:$0x3] =	sbarrier.arrive $0xFFFF;
	s2 =	simm.s32 @!p0 $0x1C0B  }
0x2ce: {  	[timem:s3], [sflag:s2] =	dma.local @!p0 [hbm:s0], s1  }
0x2cf: {  	s0 =	simm.s32 @!p0 $0xB  }
0x2d0: {  	_ =	swait.ge @!p0 [sflag:s0], s1  }
0x2d1: {  	s1 =	ssub.s32 @!p0 $0x0, s1;
	[sflag:s0] =	ssyncset.done @!p0 $0x0  }
0x2d2: {  	[sflag:s0] =	ssyncadd.s32 @!p0 s1  }
0x2d3: {  	[bflag:$0x3] =	sbarrier.arrive $0xFFFF  }
0x2d4: {  	_ =	shalt  }

// kernel: kernel.15.cloned.1.call-start
scs
__scs_entry_jumppad:
0x0: {  	(pc) =	sbr.rel $0x88, $3  }
0x1: {  	(tag) =	ssettag $0x0;
	lr =	simm.s32 $0x1  }
0x2: {  	[smem:$0x3F9A] =	sst lr;
	_ =	strace $0xD0000000  }
0x3: {  	_ = 	snop  }
0x4: {  	_ = 	snop  }
0x5: {  	_ = 	snop  }
0x6: {  	_ = 	snop  }
0x7: {  	_ = 	snop  }
__scs_overlays_trampoline_lowered:
0x8: {  	[smem:$0x3FA9] =	sst s0  }
0x9: {  	[smem:$0x3FAA] =	sst s1  }
0xa: {  	[smem:$0x3FAB] =	sst s2  }
0xb: {  	[smem:$0x3FAC] =	sst s3  }
0xc: {  	[smem:$0x3FAD] =	sst s4  }
0xd: {  	[smem:$0x3FAE] =	sst s5  }
0xe: {  	[smem:$0x3FAF] =	sst s6  }
0xf: {  	[smem:$0x3FB0] =	sst s7  }
0x10: {  	[smem:$0x3FB1] =	sst s8  }
0x11: {  	[smem:$0x3FB2] =	sst s9;
	s0 =	simm.s32 @!p0 $0x0  }
0x12: {  	s1 =	sld [smem:$0x3F98];
	s0 =	simm.s32 @p0 $0x1  }
0x13: {  	[smem:$0x3FB3] =	sst s0;
	s0 =	simm.s32 @!p1 $0x0  }
0x14: {  	s2 =	sld [smem:$0x3F97];
	s0 =	simm.s32 @p1 $0x1  }
0x15: {  	[smem:$0x3FB4] =	sst s0;
	s0 =	simm.s32 @!p2 $0x0  }
0x16: {  	s3 =	sld [smem:$0x3FDB];
	s0 =	simm.s32 @p2 $0x1  }
0x17: {  	s4 =	simm.s32 $0x1BF5;
	[smem:$0x3FB6] =	sst s0  }
0x18: {  	s0 =	sld [smem:$0x3F99];
	_ =	swait.ge [sflag:s4], $0x0  }
0x19: {  	s7 =	sld [smem:$0x3F9A]  }
0x1a: {  	s8 =	sadd.s32 $0xFFFFE003, lr  }
0x1b: {  	s9 =	sadd.s32 $0xFFFFFEF7, lr;
	s5 =	simm.s32 $0xFFFFFFFF;
	p2 =	slt.u32 s8, $0xFFFFF086  }
0x1c: {  	p1 =	slt.u32 s9, $0xF7A;
	s5 =	simm.s32 @!p2 $0x0  }
0x1d: {  	s5 =	simm.s32 @p1 $0x1;
	p0 =	seq.s32 s7, s2  }
0x1e: {  	s7 =	smul.u32 @!p0 $0xF7A, s2;
	p2 =	seq.s32 @!p0 s5, $0x0  }
0x1f: {  	s9 =	smul.u32 $0xF7A, s1;
	s8 =	simm.s32 @!p0 $0x1BF5;
	p2 =	por !p2, p0  }
0x20: {  	[sflag:s8] =	ssyncset.s32 @!p0 $0xFFFFF086;
	s6 =	sadd.s32 @!p0 s3, s7;
	s7 =	simm.s32 @!p0 $0x108  }
0x21: {  	s3 =	sadd.s32 s3, s9;
	s6 =	sadd.s32 @!p0 $0x88, s6;
	s7 =	simm.s32 @p2 $0x1082  }
0x22: {  	[simem:s7], [sflag:s8] =	dma.local @!p0 [hbm:s6], $0xF7A  }
0x23: {  	s9 =	sor.u32 $0xD0000000, s2;
	s6 =	simm.s32 $0x108;
	_ =	swait.ge @!p0 [sflag:s8], $0x0  }
0x24: {  	s3 =	sadd.s32 $0x88, s3;
	s6 =	simm.s32 @!p1 $0x1082;
	[sflag:s4] =	ssyncset.s32 $0xFFFFF086  }
0x25: {  	[simem:s6], [sflag:s4] =	dma.local [hbm:s3], $0xF7A  }
0x26: {  	[smem:$0x3F9A] =	sst s1;
	(tag) =	ssettag s2;
	_ =	strace s9  }
0x27: {  	s1 =	sld [smem:$0x3FAA]  }
0x28: {  	s2 =	sld [smem:$0x3FAB]  }
0x29: {  	s4 =	sld [smem:$0x3FAD]  }
0x2a: {  	p0 =	seq.s32 s5, $0x0;
	s5 =	sld [smem:$0x3FAE]  }
0x2b: {  	s6 =	sld [smem:$0x3FAF]  }
0x2c: {  	s7 =	sld [smem:$0x3FB0]  }
0x2d: {  	s3 =	simm.s32 $0x108;
	s8 =	sld [smem:$0x3FB1]  }
0x2e: {  	s3 =	simm.s32 @!p0 $0x1082;
	s9 =	sld [smem:$0x3FB2]  }
0x2f: {  	lr =	sadd.s32 s0, s3;
	s0 =	sld [smem:$0x3FA9]  }
0x30: {  	s3 =	sld [smem:$0x3FAC]  }
0x31: {  	[smem:$0x3FB5] =	sst s10  }
0x32: {  	s10 =	sld [smem:$0x3FB3];
	_ =	sdelay $0x3  }
0x33: {  	p0 =	seq.s32 s10, $0x1;
	s10 =	sld [smem:$0x3FB5];
	_ =	sdelay $0x3  }
0x34: {  	[smem:$0x3FB5] =	sst s10  }
0x35: {  	s10 =	sld [smem:$0x3FB4];
	_ =	sdelay $0x3  }
0x36: {  	p1 =	seq.s32 s10, $0x1;
	s10 =	sld [smem:$0x3FB5];
	_ =	sdelay $0x3  }
0x37: {  	[smem:$0x3FB5] =	sst s10  }
0x38: {  	s10 =	sld [smem:$0x3FB6]  }
0x39: {  	_ = 	snop;
	(pc) =	sbr.ind lr, $3  }
0x3a: {  	_ = 	snop  }
0x3b: {  	_ = 	snop  }
0x3c: {  	p2 =	seq.s32 s10, $0x1;
	s10 =	sld [smem:$0x3FB5]  }
0x3d: {  	_ =	shalt  }
0x3e: {  	_ =	shalt  }
0x3f: {  	_ =	shalt  }
0x40: {  	_ =	shalt  }
0x41: {  	_ =	shalt  }
0x42: {  	_ =	shalt  }
0x43: {  	_ =	shalt  }
0x44: {  	_ =	shalt  }
0x45: {  	_ =	shalt  }
0x46: {  	_ =	shalt  }
0x47: {  	_ =	shalt  }
0x48: {  	_ =	shalt  }
0x49: {  	_ =	shalt  }
0x4a: {  	_ =	shalt  }
0x4b: {  	_ =	shalt  }
0x4c: {  	_ =	shalt  }
0x4d: {  	_ =	shalt  }
0x4e: {  	_ =	shalt  }
0x4f: {  	_ =	shalt  }
0x50: {  	_ =	shalt  }
0x51: {  	_ =	shalt  }
0x52: {  	_ =	shalt  }
0x53: {  	_ =	shalt  }
0x54: {  	_ =	shalt  }
0x55: {  	_ =	shalt  }
0x56: {  	_ =	shalt  }
0x57: {  	_ =	shalt  }
0x58: {  	_ =	shalt  }
0x59: {  	_ =	shalt  }
0x5a: {  	_ =	shalt  }
0x5b: {  	_ =	shalt  }
0x5c: {  	_ =	shalt  }
0x5d: {  	_ =	shalt  }
0x5e: {  	_ =	shalt  }
0x5f: {  	_ =	shalt  }
0x60: {  	_ =	shalt  }
0x61: {  	_ =	shalt  }
0x62: {  	_ =	shalt  }
0x63: {  	_ =	shalt  }
0x64: {  	_ =	shalt  }
0x65: {  	_ =	shalt  }
0x66: {  	_ =	shalt  }
0x67: {  	_ =	shalt  }
0x68: {  	_ =	shalt  }
0x69: {  	_ =	shalt  }
0x6a: {  	_ =	shalt  }
0x6b: {  	_ =	shalt  }
0x6c: {  	_ =	shalt  }
0x6d: {  	_ =	shalt  }
0x6e: {  	_ =	shalt  }
0x6f: {  	_ =	shalt  }
0x70: {  	_ =	shalt  }
0x71: {  	_ =	shalt  }
0x72: {  	_ =	shalt  }
0x73: {  	_ =	shalt  }
0x74: {  	_ =	shalt  }
0x75: {  	_ =	shalt  }
0x76: {  	_ =	shalt  }
0x77: {  	_ =	shalt  }
0x78: {  	_ =	shalt  }
0x79: {  	_ =	shalt  }
0x7a: {  	_ =	shalt  }
0x7b: {  	_ =	shalt  }
0x7c: {  	_ =	shalt  }
0x7d: {  	_ =	shalt  }
0x7e: {  	_ =	shalt  }
0x7f: {  	_ =	shalt  }
0x80: {  	_ =	shalt  }
0x81: {  	_ =	shalt  }
0x82: {  	_ =	shalt  }
0x83: {  	_ =	shalt  }
0x84: {  	_ =	shalt  }
0x85: {  	_ =	shalt  }
0x86: {  	_ =	shalt  }
0x87: {  	_ =	shalt  }
.Lfunc_end0:
.L_simem_size_0:
called_computation.3_lowered:
.L_overlay_start_0:
0x88: {  	s2 =	sld [smem:$0x3FD9]  }
0x89: {  	s3 =	sld [smem:$0x3FFE];
	_ =	sdelay $0x1  }
0x8a: {  	s1 =	srdreg.scid  }
0x8b: {  	s0 =	sand.u32 $0x1, s1  }
0x8c: {  	s17 =	sshll.u32 s0, $0xA;
	s2 =	sadd.s32 s3, s2  }
0x8d: {  	s2 =	sadd.s32 s2, s17  }
0x8e: {  	[smem:$0x3FC1] =	sst s2  }
0x8f: {  	_ = 	snop  }
0x90: {  	s2 =	sld [smem:$0x3FD0];
	(tm) =	ssettm $0x1  }
0x91: {  	s18 =	sld [smem:$0x3FFB];
	_ =	sdelay $0x3  }
0x92: {  	_ =	strace s18  }
0x93: {  	s3 =	sld [smem:$0x3FFC];
	_ =	sdelay $0x3  }
0x94: {  	_ =	strace s3  }
0x95: {  	s3 =	sld [smem:$0x3FFD];
	_ =	sdelay $0x3  }
0x96: {  	_ =	strace s3  }
0x97: {  	_ =	strace $0x8FFFFFFF  }
0x98: {  	s19 =	sld [smem:$0x3FDB];
	_ =	sdelay $0x1  }
0x99: {  	s4 =	simm.s32 $_scs_section_size  }
0x9a: {  	s5 =	simm.s32 $_size__tile_overlayer_lowered;
	s6 =	simm.s32 $_tile_overlayer_lowered  }
0x9b: {  	s22 =	simm.s32 $0x1BFF;
	s21 =	sshll.u32 s6, $0x1;
	s3 =	sadd.s32 s4, s19  }
0x9c: {  	s7 =	simm.s32 $0x0;
	s20 =	sshll.u32 s5, $0x1;
	s5 =	sadd.s32 s21, s3  }
0x9d: {  	[timem:s7], [sflag:s22] =	dma.local [hbm:s5], s20  }
0x9e: {  	_ =	swait.ge [sflag:s22], s20  }
0x9f: {  	s4 =	ssub.s32 $0x0, s20;
	[sflag:s22] =	ssyncset.done $0x0  }
0xa0: {  	[sflag:s22] =	ssyncadd.s32 s4;
	_ =	sdelay $0x1  }
0xa1: {  	s23 =	simm.s32 $0x1B8B  }
0xa2: {  	_ =	swait.ge [sflag:s23], $0x1  }
0xa3: {  	[sflag:s23] =	ssyncset.done $0x0  }
0xa4: {  	s25 =	simm.s32 $0x1B8E;
	s24 =	sld [smem:$0x3FFE];
	[sflag:s23] =	ssyncadd.s32 $0xFFFFFFFF  }
0xa5: {  	s26 =	simm.s32 $execute0_lowered;
	[smem:$0x3FD2] =	sst s25  }
0xa6: {  	s5 =	sshll.u32 s26, $0x1;
	_ =	strace $0x8000004F;
	[dreg:$0x1] =	wrdreg $0xFFFFFFFF  }
0xa7: {  	s28 =	simm.s32 $_size_execute0_lowered;
	s3 =	sadd.s32 s3, s5;
	[dreg:$0x0] =	wrdreg $0x0  }
0xa8: {  	s5 =	sshll.u32 s28, $0x1;
	[dreg:$0x2] =	wrdreg s3  }
0xa9: {  	[dreg:$0x3] =	wrdreg s5  }
0xaa: {  	[dreg:$0x4] =	wrdreg $0xC0  }
0xab: {  	_ =	task [dreg:s7], $0x5FFFF  }
0xac: {  	[dreg:$0x1] =	wrdreg $0xFFFFFFFF  }
0xad: {  	[dreg:$0x0] =	wrdreg $0x60  }
0xae: {  	[dreg:$0x2] =	wrdreg s24  }
0xaf: {  	[dreg:$0x3] =	wrdreg s2  }
0xb0: {  	[dreg:$0x4] =	wrdreg $0x0  }
0xb1: {  	[dreg:$0x5] =	wrdreg $0x100  }
0xb2: {  	[dreg:$0x6] =	wrdreg $0x200  }
0xb3: {  	[dreg:$0x7] =	wrdreg $0x9  }
0xb4: {  	_ =	task.clear_ibuf [dreg:s7], $0x8FFFF;
	_ =	strace $0x9000004F  }
0xb5: {  	s29 =	simm.s32 $0x9;
	_ =	strace $0x80000051  }
0xb6: {  	_ =	swait.ge [sflag:s29], $0x1  }
0xb7: {  	[sflag:s29] =	ssyncadd.s32 $0xFFFFFFFF  }
0xb8: {  	_ =	strace $0x90000051  }
0xb9: {  	_ =	sfence  }
0xba: {  	s30 =	sld [smem:$0x0];
	_ =	sdelay $0x2  }
0xbb: {  	s31 =	sshll.u32 s1, $0xD;
	s1 =	sshrl.u32 s1, $0x2  }
0xbc: {  	s3 =	sand.u32 $0x4000, s31;
	s1 =	sadd.s32 s1, s30  }
0xbd: {  	s0 =	sor.u32 s3, s0;
	s1 =	sshll.u32 s1, $0x11  }
0xbe: {  	s0 =	sor.u32 s1, s0  }
0xbf: {  	s0 =	sadd.s32 $0x8F2B, s0  }
0xc0: {  	[sflag:s0] =	ssyncadd.remote.s32 $0x1  }
0xc1: {  	_ =	sfence.sel $0xFFFF  }
0xc2: {  	[dreg:$0x0] =	wrdreg $0xFFFFFFFF;
	(pc) =	sbr.abs _section_cstart, $3  }
0xc3: {  	[dreg:$0x1] =	wrdreg $0xFFFFFFFF  }
0xc4: {  	_ =	task.clear_ibuf [dreg:s7], $0x2FFFF;
	_ =	strace $0x9FFFFFFF  }
0xc5: {  	(tm) =	ssettm $0x7FFFFFFF  }
tec
execute0_lowered:
.L_overlay_start_1:
0x0: {  	(tag) =	ssettag $0x1  }
0x1: {  	s0 =	rddreg [dreg:$0x0]  }
0x2: {  	s2 =	srdreg.scid;
	s1 =	rddreg [dreg:$0x2]  }
0x3: {  	s3 =	rddreg [dreg:$0x3];
	s21 =	stileid.u32  }
0x4: {  	s5 =	rddreg [dreg:$0x4];
	s6 =	simm.s32 $0x0;
	s22 =	simm.s32 $0x1  }
0x5: {  	s28 =	simm.s32 $0x4C30;
	s29 =	simm.s32 $0x58B0;
	s30 =	simm.s32 $0x6530  }
0x6: {  	s31 =	simm.s32 $0xC80;
	s2 =	sand.u32 $0x1, s2;
	[smem:$0x7FF] =	sst s6  }
0x7: {  	s7 =	sadd.s32 $0x1C00, s0;
	s8 =	sadd.s32 $0x1800, s0;
	s9 =	sadd.s32 $0x1E00, s0  }
0x8: {  	s10 =	sadd.s32 $0x2000, s0;
	s11 =	sadd.s32 $0x1A00, s0;
	p0 =	seq.s32 s21, $0x0  }
0x9: {  	s4 =	sshll.u32 s2, $0x4;
	_ =	strace $0x80000050;
	s12 =	ssub.s32 $0x2, s2  }
0xa: {  	p1 =	seq.s32 s2, $0x1;
	s2 =	sor.u32 s2, s21;
	s4 =	sor.u32 s21, s4  }
0xb: {  	s26 =	sshrl.u32 s12, $0x1;
	p0 =	por !p0, !p1;
	s4 =	smul.u32 $0x190, s4  }
0xc: {  	p2 =	sne.s32 s2, $0x0;
	s2 =	simm.s32 $0x71B0;
	p1 =	por !p0, !p0  }
0xd: {  	p0 =	sne.s32 s21, $0x0;
	s21 =	simm.s32 $0x30;
	s4 =	sadd.s32 s4, s0  }
0xe: {  	s0 =	ssub.s32 s12, s26;
	s12 =	sadd.s32 $0x85E00, s4;
	s13 =	sadd.s32 $0x32800, s4  }
0xf: {  	s14 =	sadd.s32 $0x35A00, s4;
	s15 =	sadd.s32 $0x79600, s4;
	s16 =	sadd.s32 $0x7C800, s4  }
0x10: {  	s17 =	sadd.s32 $0x76400, s4;
	s18 =	sadd.s32 $0x7FA00, s4;
	s19 =	sadd.s32 $0x82C00, s4  }
0x11: {  	v0 =	vimm.f32 $0.0e+00;
	v1 =	vimm.f32 $1.000000000e+00;
	s20 =	smax.u32 s0, $0x1;
	s0 =	simm.s32 $0x7E30;
	s4 =	simm.s32 $0xDB0  }
.LBB2_1:
0x12: {  	[tilespmem:$0xCB0] =	vst v0  }
0x13: {  	[tilespmem:$0xCC0] =	vst v0  }
0x14: {  	[tilespmem:$0xCD0] =	vst v0  }
0x15: {  	[tilespmem:$0xCE0] =	vst v0  }
0x16: {  	[tilespmem:$0xCF0] =	vst v0  }
0x17: {  	[tilespmem:$0xD00] =	vst v0  }
0x18: {  	[tilespmem:$0xD10] =	vst v0  }
0x19: {  	[tilespmem:$0xD20] =	vst v0;
	s23 =	simm.s32 $0x40;
	s24 =	simm.s32 $0x0  }
.LBB2_2:
0x1a: {  	p3 =	sne.s32 s23, $0x31C0;
	[tilespmem:s24+$0xDB0] =	vst v1;
	s24 =	smov.u32 s23;
	s23 =	sadd.s32 $0x40, s23  }
.Ltmp0:
0x1b: {  	(pc) =	sbr.rel @p3 .LBB2_2-.Ltmp0, $2  }
0x1c: {  	_ =	sdelay $0x2  }
0x1d: {  	s24 =	sshra.s32 s24, $0x2  }
0x1e: {  	[tilespmem:s24+$0xDB0] =	vst v1;
	s23 =	simm.s32 @!p0 $0xCB0;
	s24 =	simm.s32 @!p0 $0x1  }
0x1f: {  	[spmem:s1] =	stream.linear.scatter @!p0 [tilespmem:s23], [sflag:$0x1], $0x100, $0x38;
	[tilespmem:$0x8AB0] =	vst v63  }
0x20: {  	_ =	swait.ge @!p0 [sflag:s24], $0x100  }
0x21: {  	[sflag:s24] =	ssyncset.done @!p0 $0x0  }
0x22: {  	[sflag:s24] =	ssyncadd.s32 @!p0 $0xFFFFFF00  }
0x23: {  	[spmem:s3] =	stream.linear.scatter @!p0 [tilespmem:s23], [sflag:$0x1], $0x100, $0x38;
	[tilespmem:$0x8AB0] =	vst v63  }
0x24: {  	_ =	swait.ge @!p0 [sflag:s24], $0x100  }
0x25: {  	[sflag:s24] =	ssyncset.done @!p0 $0x0  }
0x26: {  	[sflag:s24] =	ssyncadd.s32 @!p0 $0xFFFFFF00  }
0x27: {  	[spmem:s5] =	stream.linear.scatter @!p0 [tilespmem:s23], [sflag:$0x1], $0x100, $0x38;
	[tilespmem:$0x8AB0] =	vst v63  }
0x28: {  	_ =	swait.ge @!p0 [sflag:s24], $0x100  }
0x29: {  	[sflag:s24] =	ssyncset.done @!p0 $0x0  }
0x2a: {  	[sflag:s24] =	ssyncadd.s32 @!p0 $0xFFFFFF00  }
0x2b: {  	s23 =	simm.s32 $0x0;
	[bflag:$0x0] =	sbarrier.arrive $0xFFFF  }
0x2c: {  	[tilespmem:s21], [sflag:$0x1] =	stream.linear.gather [hbm4b:s12+s23], $0xC80, $0x38;
	[tilespmem:$0x8AB0] =	vst v63  }
0x2d: {  	_ =	swait.ge [sflag:s22], $0xC80  }
0x2e: {  	[sflag:s22] =	ssyncset.done $0x0  }
0x2f: {  	s25 =	simm.s32 $0x1A30;
	[sflag:s22] =	ssyncadd.s32 $0xFFFFF380  }
0x30: {  	[tilespmem:s25], [sflag:$0x1] =	stream.linear.gather [hbm4b:s13+s23], $0xC80, $0x38;
	[tilespmem:$0x8AB0] =	vst v63  }
0x31: {  	_ =	swait.ge [sflag:s22], $0xC80  }
0x32: {  	[sflag:s22] =	ssyncset.done $0x0  }
0x33: {  	s26 =	simm.s32 $0x26B0;
	[sflag:s22] =	ssyncadd.s32 $0xFFFFF380  }
0x34: {  	[tilespmem:s26], [sflag:$0x1] =	stream.linear.gather [hbm4b:s14+s23], $0xC80, $0x38;
	[tilespmem:$0x8AB0] =	vst v63  }
0x35: {  	_ =	swait.ge [sflag:s22], $0xC80  }
0x36: {  	[sflag:s22] =	ssyncset.done $0x0  }
0x37: {  	s25 =	simm.s32 $0x3330;
	[sflag:s22] =	ssyncadd.s32 $0xFFFFF380  }
0x38: {  	[tilespmem:s25], [sflag:$0x1] =	stream.linear.gather [hbm4b:s15+s23], $0xC80, $0x38;
	[tilespmem:$0x8AB0] =	vst v63  }
0x39: {  	_ =	swait.ge [sflag:s22], $0xC80  }
0x3a: {  	[sflag:s22] =	ssyncset.done $0x0  }
0x3b: {  	s26 =	simm.s32 $0x3FB0;
	[sflag:s22] =	ssyncadd.s32 $0xFFFFF380  }
0x3c: {  	[tilespmem:s26], [sflag:$0x1] =	stream.linear.gather [hbm4b:s16+s23], $0xC80, $0x38;
	[tilespmem:$0x8AB0] =	vst v63  }
0x3d: {  	_ =	swait.ge [sflag:s22], $0xC80  }
0x3e: {  	[sflag:s22] =	ssyncset.done $0x0  }
0x3f: {  	[sflag:s22] =	ssyncadd.s32 $0xFFFFF380  }
0x40: {  	[tilespmem:s28], [sflag:$0x1] =	stream.linear.gather [hbm4b:s17+s23], $0xC80, $0x38;
	[tilespmem:$0x8AB0] =	vst v63  }
0x41: {  	_ =	swait.ge [sflag:s22], $0xC80  }
0x42: {  	[sflag:s22] =	ssyncset.done $0x0  }
0x43: {  	[sflag:s22] =	ssyncadd.s32 $0xFFFFF380  }
0x44: {  	[tilespmem:s29], [sflag:$0x1] =	stream.linear.gather [hbm4b:s18+s23], $0xC80, $0x38;
	[tilespmem:$0x8AB0] =	vst v63  }
0x45: {  	_ =	swait.ge [sflag:s22], $0xC80  }
0x46: {  	[sflag:s22] =	ssyncset.done $0x0  }
0x47: {  	[sflag:s22] =	ssyncadd.s32 $0xFFFFF380  }
0x48: {  	[tilespmem:s30], [sflag:$0x1] =	stream.linear.gather [hbm4b:s19+s23], $0xC80, $0x38;
	[tilespmem:$0x8AB0] =	vst v63  }
0x49: {  	_ =	swait.ge [sflag:s22], $0xC80  }
0x4a: {  	[sflag:s22] =	ssyncset.done $0x0  }
0x4b: {  	s24 =	simm.s32 $0x0;
	[sflag:s22] =	ssyncadd.s32 $0xFFFFF380  }
0x4c: {  	v2 =	vld [tilespmem:s24+$0x26B0]  }
0x4d: {  	v3 =	vld [tilespmem:s24+$0x3FB0]  }
0x4e: {  	v4 =	vld [tilespmem:s24+$0x1A30]  }
0x4f: {  	v5 =	vld [tilespmem:s24+$0x6530]  }
0x50: {  	v6 =	vld [tilespmem:s24+$0x3330]  }
0x51: {  	v9 =	vld [tilespmem:s24+$0x4C30]  }
0x52: {  	s23 =	simm.s32 $0x10;
	v8 =	vld [tilespmem:s24+$0x58B0];
	v2 =	vadd.f32 v3, v2  }
0x53: {  	v10 =	vld [tilespmem:s23+$0x26B0]  }
0x54: {  	v11 =	vld [tilespmem:s23+$0x3FB0];
	v3 =	vadd.f32 v5, v2  }
0x55: {  	v7 =	vld [tilespmem:s23+$0x6530];
	v5 =	vadd.f32 v6, v4  }
0x56: {  	v2 =	vld [tilespmem:s23+$0x1A30];
	v6 =	vmul.f32 v3, v9  }
0x57: {  	v4 =	vld [tilespmem:s23+$0x3330];
	v12 =	vadd.f32 v8, v5  }
0x58: {  	v3 =	vld [tilespmem:s23+$0x4C30];
	[tilespmem:s24+$0x7E30] =	vst v6  }
0x59: {  	s25 =	simm.s32 $0x20;
	v8 =	vadd.f32 v11, v10;
	v9 =	vmul.f32 v12, v9;
	v5 =	vld [tilespmem:s23+$0x58B0]  }
0x5a: {  	s26 =	simm.s32 $0xC0;
	v6 =	vld [tilespmem:s25+$0x26B0]  }
.LBB2_4:
0x5b: {  	p3 =	sne.s32 s26, $0x31C0;
	v10 =	vld [tilespmem:s25+$0x3FB0];
	v8 =	vadd.f32 v7, v8;
	[tilespmem:s24+$0x71B0] =	vst v9;
	s24 =	smov.u32 s23;
	s23 =	smov.u32 s25  }
0x5c: {  	v9 =	vadd.f32 v4, v2;
	v2 =	vld [tilespmem:s23+$0x1A30]  }
.Ltmp1:
0x5d: {  	v7 =	vld [tilespmem:s23+$0x6530];
	v8 =	vmul.f32 v8, v3;
	v11 =	vmov v3;
	(pc) =	sbr.rel @p3 .LBB2_4-.Ltmp1, $4  }
0x5e: {  	v4 =	vld [tilespmem:s23+$0x3330];
	v9 =	vadd.f32 v5, v9  }
0x5f: {  	v3 =	vld [tilespmem:s23+$0x4C30];
	[tilespmem:s24+$0x7E30] =	vst v8  }
0x60: {  	s25 =	sshra.s32 s26, $0x2;
	v5 =	vld [tilespmem:s23+$0x58B0];
	v8 =	vadd.f32 v10, v6;
	v9 =	vmul.f32 v9, v11  }
0x61: {  	s26 =	sadd.s32 $0x40, s26;
	v6 =	vld [tilespmem:s25+$0x26B0]  }
0x62: {  	v10 =	vld [tilespmem:s25+$0x3FB0];
	[tilespmem:s24+$0x71B0] =	vst v9;
	v7 =	vadd.f32 v7, v8  }
0x63: {  	v61 =	vld [tilespmem:s25+$0x1A30]  }
0x64: {  	v9 =	vld [tilespmem:s25+$0x6530];
	v7 =	vmul.f32 v7, v3  }
0x65: {  	v11 =	vld [tilespmem:s25+$0x3330]  }
0x66: {  	v12 =	vld [tilespmem:s25+$0x4C30];
	[tilespmem:s23+$0x7E30] =	vst v7  }
0x67: {  	v7 =	vld [tilespmem:s25+$0x58B0]  }
0x68: {  	v2 =	vadd.f32 v4, v2  }
0x69: {  	v62 =	vadd.f32 v10, v6  }
0x6a: {  	v2 =	vadd.f32 v5, v2;
	v63 =	vadd.f32 v11, v61  }
0x6b: {  	v4 =	vadd.f32 v9, v62  }
0x6c: {  	v2 =	vmul.f32 v2, v3;
	v3 =	vadd.f32 v7, v63  }
0x6d: {  	v4 =	vmul.f32 v4, v12  }
0x6e: {  	[tilespmem:s23+$0x71B0] =	vst v2;
	v2 =	vmul.f32 v3, v12  }
0x6f: {  	[tilespmem:s25+$0x7E30] =	vst v4  }
0x70: {  	[tilespmem:s25+$0x71B0] =	vst v2  }
0x71: {  	[spmem:s1] =	stream.indirect.scatter.add.f32 [tilespmem:s2], [sflag:$0x1], $0x1, s21, s31, $0xb8;
	[tilespmem:$0x8AB0] =	vst v63  }
0x72: {  	_ =	swait.ge [sflag:s22], $0xC80  }
0x73: {  	[sflag:s22] =	ssyncset.done $0x0  }
0x74: {  	[sflag:s22] =	ssyncadd.s32 $0xFFFFF380  }
0x75: {  	[spmem:s3] =	stream.indirect.scatter.add.f32 [tilespmem:s0], [sflag:$0x1], $0x1, s21, s31, $0xb8;
	[tilespmem:$0x8AB0] =	vst v63  }
0x76: {  	_ =	swait.ge [sflag:s22], $0xC80  }
0x77: {  	[sflag:s22] =	ssyncset.done $0x0  }
0x78: {  	[sflag:s22] =	ssyncadd.s32 $0xFFFFF380  }
0x79: {  	[spmem:s5] =	stream.indirect.scatter.add.f32 [tilespmem:s4], [sflag:$0x1], $0x1, s21, s31, $0xb8;
	[tilespmem:$0x8AB0] =	vst v63  }
0x7a: {  	_ =	swait.ge [sflag:s22], $0xC80  }
0x7b: {  	[sflag:s22] =	ssyncset.done $0x0  }
0x7c: {  	s23 =	stileid.u32;
	[sflag:s22] =	ssyncadd.s32 $0xFFFFF380  }
0x7d: {  	s23 =	sshll.u32 @!p2 s23, $0x6;
	[bflag:$0x0] =	sbarrier.arrive $0xFFFF  }
0x7e: {  	s24 =	sshrl.u32 @!p2 s1, $0x3;
	s23 =	sor.u32 @!p2 $0x1C01, s23;
	s25 =	rddreg [dreg:$0x1]  }
0x7f: {  	[hbm:s25], [sflag:s23] =	dma.local @!p2 [spmem:s24], $0x10  }
0x80: {  	s24 =	simm.s32 @!p2 $0x1  }
0x81: {  	_ =	swait.ge @!p2 [sflag:s24], $0x10  }
0x82: {  	[sflag:s24] =	ssyncset.done @!p2 $0x0  }
0x83: {  	s25 =	sshrl.u32 @!p2 s3, $0x3;
	[sflag:s24] =	ssyncadd.s32 @!p2 $0xFFFFFFF0  }
0x84: {  	[hbm:s7], [sflag:s23] =	dma.local @!p2 [spmem:s25], $0x10  }
0x85: {  	_ =	swait.ge @!p2 [sflag:s24], $0x10  }
0x86: {  	[sflag:s24] =	ssyncset.done @!p2 $0x0  }
0x87: {  	s25 =	sshrl.u32 @!p2 s5, $0x3;
	[sflag:s24] =	ssyncadd.s32 @!p2 $0xFFFFFFF0  }
0x88: {  	[hbm:s8], [sflag:s23] =	dma.local @!p2 [spmem:s25], $0x10  }
0x89: {  	_ =	swait.ge @!p2 [sflag:s24], $0x10  }
0x8a: {  	[sflag:s24] =	ssyncset.done @!p2 $0x0  }
0x8b: {  	s23 =	sshrl.u32 @p1 s1, $0x3;
	[sflag:s24] =	ssyncadd.s32 @!p2 $0xFFFFFFF0;
	s24 =	simm.s32 @p1 $0x1C01  }
0x8c: {  	[hbm:s9], [sflag:s24] =	dma.local @p1 [spmem:s23], $0x10  }
0x8d: {  	s23 =	simm.s32 @p1 $0x1  }
0x8e: {  	_ =	swait.ge @p1 [sflag:s23], $0x10  }
0x8f: {  	[sflag:s23] =	ssyncset.done @p1 $0x0  }
0x90: {  	s25 =	sshrl.u32 @p1 s3, $0x3;
	[sflag:s23] =	ssyncadd.s32 @p1 $0xFFFFFFF0  }
0x91: {  	[hbm:s10], [sflag:s24] =	dma.local @p1 [spmem:s25], $0x10  }
0x92: {  	s6 =	sadd.s32 $0x1, s6;
	_ =	swait.ge @p1 [sflag:s23], $0x10  }
0x93: {  	p3 =	sne.s32 s6, s20;
	[sflag:s23] =	ssyncset.done @p1 $0x0  }
.Ltmp2:
0x94: {  	s25 =	sshrl.u32 @p1 s5, $0x3;
	[sflag:s23] =	ssyncadd.s32 @p1 $0xFFFFFFF0;
	(pc) =	sbr.rel @p3 .LBB2_1-.Ltmp2, $4  }
0x95: {  	[hbm:s11], [sflag:s24] =	dma.local @p1 [spmem:s25], $0x10  }
0x96: {  	_ =	swait.ge @p1 [sflag:s23], $0x10  }
0x97: {  	[sflag:s23] =	ssyncset.done @p1 $0x0  }
0x98: {  	[sflag:s23] =	ssyncadd.s32 @p1 $0xFFFFFFF0  }
0x99: {  	_ =	sfence.sel $0x180000  }
0x9a: {  	[bflag:$0x0] =	sbarrier.arrive $0xFFFF  }
0x9b: {  	_ =	strace $0x90000050  }
0x9c: {  	[bflag:$0x2] =	sbarrier.arrive $0xFFFF  }
0x9d: {  	s0 =	rddreg [dreg:$0x5]  }
0x9e: {  	s0 =	sadd.s32 @!p0 $0x100000, s0  }
0x9f: {  	[sflag:s0] =	ssyncadd.tile.s32 @!p0 $0x1;
	_ =	shalt  }
.Lfunc_end2:
_tile_overlayer_lowered:
.L_overlay_start_2:
0xa0: {  	(tag) =	ssettag $0x2  }
0xa1: {  	s0 =	rddreg [dreg:$0x0];
	s2 =	stileid.u32  }
0xa2: {  	s1 =	rddreg [dreg:$0x1];
	p0 =	sne.s32 s2, $0x0  }
0xa3: {  	s3 =	rddreg [dreg:$0x2];
	[bflag:$0x3] =	sbarrier.arrive $0xFFFF;
	s2 =	simm.s32 @!p0 $0x1C01  }
0xa4: {  	[timem:s3], [sflag:s2] =	dma.local @!p0 [hbm:s0], s1  }
0xa5: {  	s0 =	simm.s32 @!p0 $0x1  }
0xa6: {  	_ =	swait.ge @!p0 [sflag:s0], s1  }
0xa7: {  	s1 =	ssub.s32 @!p0 $0x0, s1;
	[sflag:s0] =	ssyncset.done @!p0 $0x0  }
0xa8: {  	[sflag:s0] =	ssyncadd.s32 @!p0 s1  }
0xa9: {  	[bflag:$0x3] =	sbarrier.arrive $0xFFFF  }
0xaa: {  	_ =	shalt  }

// kernel: kernel.6.cloned.1.call-start
scs
__scs_entry_jumppad:
0x0: {  	(pc) =	sbr.rel $0x88, $3  }
0x1: {  	(tag) =	ssettag $0x0;
	lr =	simm.s32 $0x1  }
0x2: {  	[smem:$0x3F9A] =	sst lr;
	_ =	strace $0xD0000000  }
0x3: {  	_ = 	snop  }
0x4: {  	_ = 	snop  }
0x5: {  	_ = 	snop  }
0x6: {  	_ = 	snop  }
0x7: {  	_ = 	snop  }
__scs_overlays_trampoline_lowered:
0x8: {  	[smem:$0x3FA9] =	sst s0  }
0x9: {  	[smem:$0x3FAA] =	sst s1  }
0xa: {  	[smem:$0x3FAB] =	sst s2  }
0xb: {  	[smem:$0x3FAC] =	sst s3  }
0xc: {  	[smem:$0x3FAD] =	sst s4  }
0xd: {  	[smem:$0x3FAE] =	sst s5  }
0xe: {  	[smem:$0x3FAF] =	sst s6  }
0xf: {  	[smem:$0x3FB0] =	sst s7  }
0x10: {  	[smem:$0x3FB1] =	sst s8  }
0x11: {  	[smem:$0x3FB2] =	sst s9;
	s0 =	simm.s32 @!p0 $0x0  }
0x12: {  	s1 =	sld [smem:$0x3F98];
	s0 =	simm.s32 @p0 $0x1  }
0x13: {  	[smem:$0x3FB3] =	sst s0;
	s0 =	simm.s32 @!p1 $0x0  }
0x14: {  	s2 =	sld [smem:$0x3F97];
	s0 =	simm.s32 @p1 $0x1  }
0x15: {  	[smem:$0x3FB4] =	sst s0;
	s0 =	simm.s32 @!p2 $0x0  }
0x16: {  	s3 =	sld [smem:$0x3FDB];
	s0 =	simm.s32 @p2 $0x1  }
0x17: {  	s4 =	simm.s32 $0x1BF5;
	[smem:$0x3FB6] =	sst s0  }
0x18: {  	s0 =	sld [smem:$0x3F99];
	_ =	swait.ge [sflag:s4], $0x0  }
0x19: {  	s7 =	sld [smem:$0x3F9A]  }
0x1a: {  	s8 =	sadd.s32 $0xFFFFE003, lr  }
0x1b: {  	s9 =	sadd.s32 $0xFFFFFEF7, lr;
	s5 =	simm.s32 $0xFFFFFFFF;
	p2 =	slt.u32 s8, $0xFFFFF086  }
0x1c: {  	p1 =	slt.u32 s9, $0xF7A;
	s5 =	simm.s32 @!p2 $0x0  }
0x1d: {  	s5 =	simm.s32 @p1 $0x1;
	p0 =	seq.s32 s7, s2  }
0x1e: {  	s7 =	smul.u32 @!p0 $0xF7A, s2;
	p2 =	seq.s32 @!p0 s5, $0x0  }
0x1f: {  	s9 =	smul.u32 $0xF7A, s1;
	s8 =	simm.s32 @!p0 $0x1BF5;
	p2 =	por !p2, p0  }
0x20: {  	[sflag:s8] =	ssyncset.s32 @!p0 $0xFFFFF086;
	s6 =	sadd.s32 @!p0 s3, s7;
	s7 =	simm.s32 @!p0 $0x108  }
0x21: {  	s3 =	sadd.s32 s3, s9;
	s6 =	sadd.s32 @!p0 $0x88, s6;
	s7 =	simm.s32 @p2 $0x1082  }
0x22: {  	[simem:s7], [sflag:s8] =	dma.local @!p0 [hbm:s6], $0xF7A  }
0x23: {  	s9 =	sor.u32 $0xD0000000, s2;
	s6 =	simm.s32 $0x108;
	_ =	swait.ge @!p0 [sflag:s8], $0x0  }
0x24: {  	s3 =	sadd.s32 $0x88, s3;
	s6 =	simm.s32 @!p1 $0x1082;
	[sflag:s4] =	ssyncset.s32 $0xFFFFF086  }
0x25: {  	[simem:s6], [sflag:s4] =	dma.local [hbm:s3], $0xF7A  }
0x26: {  	[smem:$0x3F9A] =	sst s1;
	(tag) =	ssettag s2;
	_ =	strace s9  }
0x27: {  	s1 =	sld [smem:$0x3FAA]  }
0x28: {  	s2 =	sld [smem:$0x3FAB]  }
0x29: {  	s4 =	sld [smem:$0x3FAD]  }
0x2a: {  	p0 =	seq.s32 s5, $0x0;
	s5 =	sld [smem:$0x3FAE]  }
0x2b: {  	s6 =	sld [smem:$0x3FAF]  }
0x2c: {  	s7 =	sld [smem:$0x3FB0]  }
0x2d: {  	s3 =	simm.s32 $0x108;
	s8 =	sld [smem:$0x3FB1]  }
0x2e: {  	s3 =	simm.s32 @!p0 $0x1082;
	s9 =	sld [smem:$0x3FB2]  }
0x2f: {  	lr =	sadd.s32 s0, s3;
	s0 =	sld [smem:$0x3FA9]  }
0x30: {  	s3 =	sld [smem:$0x3FAC]  }
0x31: {  	[smem:$0x3FB5] =	sst s10  }
0x32: {  	s10 =	sld [smem:$0x3FB3];
	_ =	sdelay $0x3  }
0x33: {  	p0 =	seq.s32 s10, $0x1;
	s10 =	sld [smem:$0x3FB5];
	_ =	sdelay $0x3  }
0x34: {  	[smem:$0x3FB5] =	sst s10  }
0x35: {  	s10 =	sld [smem:$0x3FB4];
	_ =	sdelay $0x3  }
0x36: {  	p1 =	seq.s32 s10, $0x1;
	s10 =	sld [smem:$0x3FB5];
	_ =	sdelay $0x3  }
0x37: {  	[smem:$0x3FB5] =	sst s10  }
0x38: {  	s10 =	sld [smem:$0x3FB6]  }
0x39: {  	_ = 	snop;
	(pc) =	sbr.ind lr, $3  }
0x3a: {  	_ = 	snop  }
0x3b: {  	_ = 	snop  }
0x3c: {  	p2 =	seq.s32 s10, $0x1;
	s10 =	sld [smem:$0x3FB5]  }
0x3d: {  	_ =	shalt  }
0x3e: {  	_ =	shalt  }
0x3f: {  	_ =	shalt  }
0x40: {  	_ =	shalt  }
0x41: {  	_ =	shalt  }
0x42: {  	_ =	shalt  }
0x43: {  	_ =	shalt  }
0x44: {  	_ =	shalt  }
0x45: {  	_ =	shalt  }
0x46: {  	_ =	shalt  }
0x47: {  	_ =	shalt  }
0x48: {  	_ =	shalt  }
0x49: {  	_ =	shalt  }
0x4a: {  	_ =	shalt  }
0x4b: {  	_ =	shalt  }
0x4c: {  	_ =	shalt  }
0x4d: {  	_ =	shalt  }
0x4e: {  	_ =	shalt  }
0x4f: {  	_ =	shalt  }
0x50: {  	_ =	shalt  }
0x51: {  	_ =	shalt  }
0x52: {  	_ =	shalt  }
0x53: {  	_ =	shalt  }
0x54: {  	_ =	shalt  }
0x55: {  	_ =	shalt  }
0x56: {  	_ =	shalt  }
0x57: {  	_ =	shalt  }
0x58: {  	_ =	shalt  }
0x59: {  	_ =	shalt  }
0x5a: {  	_ =	shalt  }
0x5b: {  	_ =	shalt  }
0x5c: {  	_ =	shalt  }
0x5d: {  	_ =	shalt  }
0x5e: {  	_ =	shalt  }
0x5f: {  	_ =	shalt  }
0x60: {  	_ =	shalt  }
0x61: {  	_ =	shalt  }
0x62: {  	_ =	shalt  }
0x63: {  	_ =	shalt  }
0x64: {  	_ =	shalt  }
0x65: {  	_ =	shalt  }
0x66: {  	_ =	shalt  }
0x67: {  	_ =	shalt  }
0x68: {  	_ =	shalt  }
0x69: {  	_ =	shalt  }
0x6a: {  	_ =	shalt  }
0x6b: {  	_ =	shalt  }
0x6c: {  	_ =	shalt  }
0x6d: {  	_ =	shalt  }
0x6e: {  	_ =	shalt  }
0x6f: {  	_ =	shalt  }
0x70: {  	_ =	shalt  }
0x71: {  	_ =	shalt  }
0x72: {  	_ =	shalt  }
0x73: {  	_ =	shalt  }
0x74: {  	_ =	shalt  }
0x75: {  	_ =	shalt  }
0x76: {  	_ =	shalt  }
0x77: {  	_ =	shalt  }
0x78: {  	_ =	shalt  }
0x79: {  	_ =	shalt  }
0x7a: {  	_ =	shalt  }
0x7b: {  	_ =	shalt  }
0x7c: {  	_ =	shalt  }
0x7d: {  	_ =	shalt  }
0x7e: {  	_ =	shalt  }
0x7f: {  	_ =	shalt  }
0x80: {  	_ =	shalt  }
0x81: {  	_ =	shalt  }
0x82: {  	_ =	shalt  }
0x83: {  	_ =	shalt  }
0x84: {  	_ =	shalt  }
0x85: {  	_ =	shalt  }
0x86: {  	_ =	shalt  }
0x87: {  	_ =	shalt  }
.Lfunc_end0:
.L_simem_size_0:
called_computation_lowered:
.L_overlay_start_0:
0x88: {  	s2 =	sld [smem:$0x3FD9]  }
0x89: {  	s3 =	sld [smem:$0x3FFE];
	_ =	sdelay $0x1  }
0x8a: {  	s1 =	srdreg.scid  }
0x8b: {  	s0 =	sand.u32 $0x1, s1  }
0x8c: {  	s16 =	sshll.u32 s0, $0xA;
	s2 =	sadd.s32 s3, s2  }
0x8d: {  	s2 =	sadd.s32 s2, s16  }
0x8e: {  	[smem:$0x3FC1] =	sst s2  }
0x8f: {  	_ = 	snop  }
0x90: {  	(tm) =	ssettm $0x1  }
0x91: {  	s17 =	sld [smem:$0x3FFB];
	_ =	sdelay $0x3  }
0x92: {  	_ =	strace s17  }
0x93: {  	s2 =	sld [smem:$0x3FFC];
	_ =	sdelay $0x3  }
0x94: {  	_ =	strace s2  }
0x95: {  	s2 =	sld [smem:$0x3FFD];
	_ =	sdelay $0x3  }
0x96: {  	_ =	strace s2  }
0x97: {  	_ =	strace $0x8FFFFFFF  }
0x98: {  	s18 =	sld [smem:$0x3FDB];
	_ =	sdelay $0x1  }
0x99: {  	s19 =	simm.s32 $_scs_section_size  }
0x9a: {  	s4 =	simm.s32 $_size__tile_overlayer_lowered;
	s5 =	simm.s32 $_tile_overlayer_lowered  }
0x9b: {  	s22 =	simm.s32 $0x1BFF;
	s21 =	sshll.u32 s5, $0x1;
	s2 =	sadd.s32 s19, s18  }
0x9c: {  	s6 =	simm.s32 $0x0;
	s20 =	sshll.u32 s4, $0x1;
	s4 =	sadd.s32 s21, s2  }
0x9d: {  	[timem:s6], [sflag:s22] =	dma.local [hbm:s4], s20  }
0x9e: {  	_ =	swait.ge [sflag:s22], s20  }
0x9f: {  	s3 =	ssub.s32 $0x0, s20;
	[sflag:s22] =	ssyncset.done $0x0  }
0xa0: {  	[sflag:s22] =	ssyncadd.s32 s3;
	_ =	sdelay $0x1  }
0xa1: {  	s23 =	simm.s32 $0x1B8B  }
0xa2: {  	_ =	swait.ge [sflag:s23], $0x1  }
0xa3: {  	[sflag:s23] =	ssyncset.done $0x0  }
0xa4: {  	s25 =	simm.s32 $0x1B8E;
	s24 =	sld [smem:$0x3FFE];
	[sflag:s23] =	ssyncadd.s32 $0xFFFFFFFF  }
0xa5: {  	s26 =	simm.s32 $execute0_lowered;
	[smem:$0x3FD2] =	sst s25  }
0xa6: {  	s4 =	sshll.u32 s26, $0x1;
	_ =	strace $0x80000046;
	[dreg:$0x1] =	wrdreg $0xFFFFFFFF  }
0xa7: {  	s28 =	simm.s32 $_size_execute0_lowered;
	s2 =	sadd.s32 s2, s4;
	[dreg:$0x0] =	wrdreg $0x0  }
0xa8: {  	s4 =	sshll.u32 s28, $0x1;
	[dreg:$0x2] =	wrdreg s2  }
0xa9: {  	[dreg:$0x3] =	wrdreg s4  }
0xaa: {  	[dreg:$0x4] =	wrdreg $0xC0  }
0xab: {  	_ =	task [dreg:s6], $0x5FFFF  }
0xac: {  	[dreg:$0x1] =	wrdreg $0xFFFFFFFF  }
0xad: {  	[dreg:$0x0] =	wrdreg $0x60  }
0xae: {  	[dreg:$0x2] =	wrdreg s24  }
0xaf: {  	[dreg:$0x3] =	wrdreg $0x0  }
0xb0: {  	[dreg:$0x4] =	wrdreg $0x9  }
0xb1: {  	_ =	task.clear_ibuf [dreg:s6], $0x5FFFF;
	_ =	strace $0x90000046  }
0xb2: {  	s29 =	simm.s32 $0x9;
	_ =	strace $0x80000048  }
0xb3: {  	_ =	swait.ge [sflag:s29], $0x1  }
0xb4: {  	[sflag:s29] =	ssyncadd.s32 $0xFFFFFFFF  }
0xb5: {  	_ =	strace $0x90000048  }
0xb6: {  	_ =	sfence  }
0xb7: {  	s30 =	sld [smem:$0x0];
	_ =	sdelay $0x2  }
0xb8: {  	s31 =	sshll.u32 s1, $0xD;
	s1 =	sshrl.u32 s1, $0x2  }
0xb9: {  	s3 =	sand.u32 $0x4000, s31;
	s1 =	sadd.s32 s1, s30  }
0xba: {  	s0 =	sor.u32 s3, s0;
	s1 =	sshll.u32 s1, $0x11  }
0xbb: {  	s0 =	sor.u32 s1, s0  }
0xbc: {  	s0 =	sadd.s32 $0x8F2B, s0  }
0xbd: {  	[sflag:s0] =	ssyncadd.remote.s32 $0x1  }
0xbe: {  	_ =	sfence.sel $0xFFFF  }
0xbf: {  	[dreg:$0x0] =	wrdreg $0xFFFFFFFF;
	(pc) =	sbr.abs _section_cstart, $3  }
0xc0: {  	[dreg:$0x1] =	wrdreg $0xFFFFFFFF  }
0xc1: {  	_ =	task.clear_ibuf [dreg:s6], $0x2FFFF;
	_ =	strace $0x9FFFFFFF  }
0xc2: {  	(tm) =	ssettm $0x7FFFFFFF  }
0xc3: {  	_ =	shalt  }
tec
execute0_lowered:
.L_overlay_start_1:
0x0: {  	(tag) =	ssettag $0x1  }
0x1: {  	s12 =	rddreg [dreg:$0x0]  }
0x2: {  	s0 =	srdreg.scid;
	s2 =	rddreg [dreg:$0x1];
	s3 =	simm.s32 $0x0  }
0x3: {  	s16 =	simm.s32 $0x35A00;
	s18 =	simm.s32 $0x1;
	s19 =	simm.s32 $0x3500  }
0x4: {  	s20 =	simm.s32 $0x1C00;
	s21 =	simm.s32 $0x6D00;
	s22 =	simm.s32 $0x5100  }
0x5: {  	s23 =	simm.s32 $0x2;
	s24 =	simm.s32 $0x3;
	s25 =	simm.s32 $0x4  }
0x6: {  	s26 =	simm.s32 $0x0;
	s9 =	sand.u32 $0x1, s0;
	s0 =	stileid.u32  }
0x7: {  	[smem:$0x7FF] =	sst s3;
	s1 =	sshll.u32 s9, $0x4;
	s5 =	ssub.s32 $0x2, s9  }
0x8: {  	s13 =	smul.u32 $0x1900, s0;
	p0 =	seq.s32 s9, $0x1;
	s4 =	sor.u32 s0, s1  }
0x9: {  	s1 =	rddreg [dreg:$0x2];
	s6 =	sshrl.u32 s5, $0x1;
	s4 =	smul.u32 $0xC400, s4  }
0xa: {  	_ =	strace $0x80000047;
	s16 =	simm.s32 @!p0 $0x32800;
	s15 =	ssub.s32 s5, s6  }
0xb: {  	s17 =	sshrl.u32 s13, $0x3;
	s16 =	sadd.s32 s16, s12;
	s4 =	sshrl.u32 s4, $0x3  }
0xc: {  	s14 =	sadd.s32 s4, s12;
	s4 =	sadd.s32 s13, s2;
	s13 =	smax.u32 s15, $0x1  }
0xd: {  	s15 =	simm.s32 $0x8900;
	s5 =	sadd.s32 $0xC80, s4;
	s6 =	sadd.s32 $0x1800, s14  }
0xe: {  	s7 =	sadd.s32 $0x1B80, s14;
	s8 =	sadd.s32 $0x1F00, s14;
	s9 =	sadd.s32 $0x2280, s14  }
0xf: {  	s10 =	sadd.s32 $0x2600, s14;
	s11 =	sadd.s32 $0x2980, s14;
	s12 =	sadd.s32 $0x2D00, s14  }
0x10: {  	v0 =	vimm.f32 $1.000000000e+00;
	v1 =	vimm.f32 $0.0e+00;
	s14 =	sadd.s32 s16, s17;
	s16 =	simm.s32 $0x5;
	s17 =	simm.s32 $0x1900  }
.LBB2_1:
0x11: {  	s28 =	simm.s32 $0x0  }
.LBB2_2:
0x12: {  	p0 =	sne.s32 s28, $0x6FC0  }
.Ltmp0:
0x13: {  	_ = 	snop;
	(pc) =	sbr.rel @p0 .LBB2_2-.Ltmp0, $3  }
0x14: {  	_ =	sdelay $0x1  }
0x15: {  	s29 =	sshra.s32 s28, $0x2  }
0x16: {  	s28 =	sadd.s32 $0x40, s28;
	[tilespmem:s29+$0x6D00] =	vst v0  }
0x17: {  	s28 =	simm.s32 $0x40;
	s29 =	simm.s32 $0x0  }
.LBB2_4:
0x18: {  	p0 =	sne.s32 s28, $0x31C0;
	[tilespmem:s29+$0x8900] =	vst v1;
	s29 =	smov.u32 s28;
	s28 =	sadd.s32 $0x40, s28  }
.Ltmp1:
0x19: {  	(pc) =	sbr.rel @p0 .LBB2_4-.Ltmp1, $2  }
0x1a: {  	_ =	sdelay $0x2  }
0x1b: {  	s29 =	sshra.s32 s29, $0x2  }
0x1c: {  	[tilespmem:s29+$0x8900] =	vst v1  }
0x1d: {  	[spmem:s4] =	stream.linear.scatter [tilespmem:s15], [sflag:$0x5], $0xC80, $0x38;
	[tilespmem:$0x9580] =	vst v63  }
0x1e: {  	_ =	swait.ge [sflag:s16], $0xC80  }
0x1f: {  	[sflag:s16] =	ssyncset.done $0x0  }
0x20: {  	[sflag:s16] =	ssyncadd.s32 $0xFFFFF380  }
0x21: {  	[spmem:s5] =	stream.linear.scatter [tilespmem:s15], [sflag:$0x5], $0xC80, $0x38;
	[tilespmem:$0x9580] =	vst v63  }
0x22: {  	_ =	swait.ge [sflag:s16], $0xC80  }
0x23: {  	[sflag:s16] =	ssyncset.done $0x0  }
0x24: {  	[sflag:s16] =	ssyncadd.s32 $0xFFFFF380  }
0x25: {  	[bflag:$0x0] =	sbarrier.arrive $0xFFFF  }
0x26: {  	[tilespmem:s17], [sflag:$0x1] =	stream.linear.gather [hbm4b:s6+s3], $0x1C00, $0x38;
	[tilespmem:$0x9580] =	vst v63  }
0x27: {  	_ =	swait.ge [sflag:s18], $0x1C00  }
0x28: {  	[sflag:s18] =	ssyncset.done $0x0  }
0x29: {  	[sflag:s18] =	ssyncadd.s32 $0xFFFFE400  }
0x2a: {  	[tilespmem:s19], [sflag:$0x1] =	stream.linear.gather [hbm4b:s7+s3], $0x1C00, $0x38;
	[tilespmem:$0x9580] =	vst v63  }
0x2b: {  	_ = 	snop  }
0x2c: {  	[spmem:s2] =	stream.indirect.scatter.add.f32 [tilespmem:s21], [sflag:$0x2], $0x1, s17, s20, $0xb8;
	[tilespmem:$0x9580] =	vst v63  }
0x2d: {  	_ =	swait.ge [sflag:s18], $0x1C00  }
0x2e: {  	[sflag:s18] =	ssyncset.done $0x0  }
0x2f: {  	[sflag:s18] =	ssyncadd.s32 $0xFFFFE400  }
0x30: {  	[tilespmem:s22], [sflag:$0x1] =	stream.linear.gather [hbm4b:s8+s3], $0x1C00, $0x38;
	[tilespmem:$0x9580] =	vst v63  }
0x31: {  	_ = 	snop  }
0x32: {  	[spmem:s2] =	stream.indirect.scatter.add.f32 [tilespmem:s21], [sflag:$0x3], $0x1, s19, s20, $0xb8;
	[tilespmem:$0x9580] =	vst v63  }
0x33: {  	_ =	swait.ge [sflag:s18], $0x1C00  }
0x34: {  	[sflag:s18] =	ssyncset.done $0x0  }
0x35: {  	[sflag:s18] =	ssyncadd.s32 $0xFFFFE400  }
0x36: {  	_ =	swait.ge [sflag:s23], $0x1C00  }
0x37: {  	[sflag:s23] =	ssyncset.done $0x0  }
0x38: {  	[sflag:s23] =	ssyncadd.s32 $0xFFFFE400  }
0x39: {  	[tilespmem:s17], [sflag:$0x1] =	stream.linear.gather [hbm4b:s9+s3], $0x1C00, $0x38;
	[tilespmem:$0x9580] =	vst v63  }
0x3a: {  	_ = 	snop  }
0x3b: {  	[spmem:s2] =	stream.indirect.scatter.add.f32 [tilespmem:s21], [sflag:$0x4], $0x1, s22, s20, $0xb8;
	[tilespmem:$0x9580] =	vst v63  }
0x3c: {  	_ =	swait.ge [sflag:s18], $0x1C00  }
0x3d: {  	[sflag:s18] =	ssyncset.done $0x0  }
0x3e: {  	[sflag:s18] =	ssyncadd.s32 $0xFFFFE400  }
0x3f: {  	_ =	swait.ge [sflag:s24], $0x1C00  }
0x40: {  	[sflag:s24] =	ssyncset.done $0x0  }
0x41: {  	[sflag:s24] =	ssyncadd.s32 $0xFFFFE400  }
0x42: {  	[tilespmem:s19], [sflag:$0x1] =	stream.linear.gather [hbm4b:s10+s3], $0x1C00, $0x38;
	[tilespmem:$0x9580] =	vst v63  }
0x43: {  	_ = 	snop  }
0x44: {  	[spmem:s2] =	stream.indirect.scatter.add.f32 [tilespmem:s21], [sflag:$0x2], $0x1, s17, s20, $0xb8;
	[tilespmem:$0x9580] =	vst v63  }
0x45: {  	_ =	swait.ge [sflag:s18], $0x1C00  }
0x46: {  	[sflag:s18] =	ssyncset.done $0x0  }
0x47: {  	[sflag:s18] =	ssyncadd.s32 $0xFFFFE400  }
0x48: {  	_ =	swait.ge [sflag:s25], $0x1C00  }
0x49: {  	[sflag:s25] =	ssyncset.done $0x0  }
0x4a: {  	[sflag:s25] =	ssyncadd.s32 $0xFFFFE400  }
0x4b: {  	[tilespmem:s22], [sflag:$0x1] =	stream.linear.gather [hbm4b:s11+s3], $0x1C00, $0x38;
	[tilespmem:$0x9580] =	vst v63  }
0x4c: {  	_ = 	snop  }
0x4d: {  	[spmem:s2] =	stream.indirect.scatter.add.f32 [tilespmem:s21], [sflag:$0x3], $0x1, s19, s20, $0xb8;
	[tilespmem:$0x9580] =	vst v63  }
0x4e: {  	_ =	swait.ge [sflag:s18], $0x1C00  }
0x4f: {  	[sflag:s18] =	ssyncset.done $0x0  }
0x50: {  	[sflag:s18] =	ssyncadd.s32 $0xFFFFE400  }
0x51: {  	_ =	swait.ge [sflag:s23], $0x1C00  }
0x52: {  	[sflag:s23] =	ssyncset.done $0x0  }
0x53: {  	[sflag:s23] =	ssyncadd.s32 $0xFFFFE400  }
0x54: {  	[tilespmem:s17], [sflag:$0x1] =	stream.linear.gather [hbm4b:s12+s3], $0x1C00, $0x38;
	[tilespmem:$0x9580] =	vst v63  }
0x55: {  	_ = 	snop  }
0x56: {  	[spmem:s2] =	stream.indirect.scatter.add.f32 [tilespmem:s21], [sflag:$0x4], $0x1, s22, s20, $0xb8;
	[tilespmem:$0x9580] =	vst v63  }
0x57: {  	_ =	swait.ge [sflag:s18], $0x1C00  }
0x58: {  	[sflag:s18] =	ssyncset.done $0x0  }
0x59: {  	[sflag:s18] =	ssyncadd.s32 $0xFFFFE400  }
0x5a: {  	_ =	swait.ge [sflag:s24], $0x1C00  }
0x5b: {  	[sflag:s24] =	ssyncset.done $0x0  }
0x5c: {  	[sflag:s24] =	ssyncadd.s32 $0xFFFFE400  }
0x5d: {  	[spmem:s2] =	stream.indirect.scatter.add.f32 [tilespmem:s21], [sflag:$0x2], $0x1, s17, s20, $0xb8;
	[tilespmem:$0x9580] =	vst v63  }
0x5e: {  	_ =	swait.ge [sflag:s25], $0x1C00  }
0x5f: {  	[sflag:s25] =	ssyncset.done $0x0  }
0x60: {  	[sflag:s25] =	ssyncadd.s32 $0xFFFFE400  }
0x61: {  	_ =	swait.ge [sflag:s23], $0x1C00  }
0x62: {  	s28 =	sshll.u32 s0, $0x6;
	s26 =	sadd.s32 $0x1, s26;
	[sflag:s23] =	ssyncset.done $0x0  }
0x63: {  	s31 =	sshrl.u32 s4, $0x3;
	p0 =	sne.s32 s26, s13;
	[sflag:s23] =	ssyncadd.s32 $0xFFFFE400  }
.Ltmp2:
0x64: {  	s28 =	sor.u32 $0x1C05, s28;
	[bflag:$0x0] =	sbarrier.arrive $0xFFFF;
	(pc) =	sbr.rel @p0 .LBB2_1-.Ltmp2, $4  }
0x65: {  	[hbm:s14], [sflag:s28] =	dma.local [spmem:s31], $0x320  }
0x66: {  	_ =	swait.ge [sflag:s16], $0x320  }
0x67: {  	[sflag:s16] =	ssyncset.done $0x0  }
0x68: {  	[sflag:s16] =	ssyncadd.s32 $0xFFFFFCE0  }
0x69: {  	_ =	sfence.sel $0x180000  }
0x6a: {  	[bflag:$0x0] =	sbarrier.arrive $0xFFFF  }
0x6b: {  	p0 =	sne.s32 s0, $0x0;
	_ =	strace $0x90000047  }
0x6c: {  	s0 =	sadd.s32 @!p0 $0x100000, s1;
	[bflag:$0x2] =	sbarrier.arrive $0xFFFF  }
0x6d: {  	[sflag:s0] =	ssyncadd.tile.s32 @!p0 $0x1;
	_ =	shalt  }
.Lfunc_end2:
_tile_overlayer_lowered:
.L_overlay_start_2:
0x6e: {  	(tag) =	ssettag $0x2  }
0x6f: {  	s0 =	rddreg [dreg:$0x0];
	s2 =	stileid.u32  }
0x70: {  	s1 =	rddreg [dreg:$0x1];
	p0 =	sne.s32 s2, $0x0  }
0x71: {  	s3 =	rddreg [dreg:$0x2];
	[bflag:$0x3] =	sbarrier.arrive $0xFFFF;
	s2 =	simm.s32 @!p0 $0x1C05  }
0x72: {  	[timem:s3], [sflag:s2] =	dma.local @!p0 [hbm:s0], s1  }
0x73: {  	s0 =	simm.s32 @!p0 $0x5  }
0x74: {  	_ =	swait.ge @!p0 [sflag:s0], s1  }
0x75: {  	s1 =	ssub.s32 @!p0 $0x0, s1;
	[sflag:s0] =	ssyncset.done @!p0 $0x0  }
0x76: {  	[sflag:s0] =	ssyncadd.s32 @!p0 s1  }
0x77: {  	[bflag:$0x3] =	sbarrier.arrive $0xFFFF  }
0x78: {  	_ =	shalt  }

// kernel: kernel.9.cloned.1.call-start
scs
__scs_entry_jumppad:
0x0: {  	(pc) =	sbr.rel $0x88, $3  }
0x1: {  	(tag) =	ssettag $0x0;
	lr =	simm.s32 $0x1  }
0x2: {  	[smem:$0x3F9A] =	sst lr;
	_ =	strace $0xD0000000  }
0x3: {  	_ = 	snop  }
0x4: {  	_ = 	snop  }
0x5: {  	_ = 	snop  }
0x6: {  	_ = 	snop  }
0x7: {  	_ = 	snop  }
__scs_overlays_trampoline_lowered:
0x8: {  	[smem:$0x3FA9] =	sst s0  }
0x9: {  	[smem:$0x3FAA] =	sst s1  }
0xa: {  	[smem:$0x3FAB] =	sst s2  }
0xb: {  	[smem:$0x3FAC] =	sst s3  }
0xc: {  	[smem:$0x3FAD] =	sst s4  }
0xd: {  	[smem:$0x3FAE] =	sst s5  }
0xe: {  	[smem:$0x3FAF] =	sst s6  }
0xf: {  	[smem:$0x3FB0] =	sst s7  }
0x10: {  	[smem:$0x3FB1] =	sst s8  }
0x11: {  	[smem:$0x3FB2] =	sst s9;
	s0 =	simm.s32 @!p0 $0x0  }
0x12: {  	s1 =	sld [smem:$0x3F98];
	s0 =	simm.s32 @p0 $0x1  }
0x13: {  	[smem:$0x3FB3] =	sst s0;
	s0 =	simm.s32 @!p1 $0x0  }
0x14: {  	s2 =	sld [smem:$0x3F97];
	s0 =	simm.s32 @p1 $0x1  }
0x15: {  	[smem:$0x3FB4] =	sst s0;
	s0 =	simm.s32 @!p2 $0x0  }
0x16: {  	s3 =	sld [smem:$0x3FDB];
	s0 =	simm.s32 @p2 $0x1  }
0x17: {  	s4 =	simm.s32 $0x1BF5;
	[smem:$0x3FB6] =	sst s0  }
0x18: {  	s0 =	sld [smem:$0x3F99];
	_ =	swait.ge [sflag:s4], $0x0  }
0x19: {  	s7 =	sld [smem:$0x3F9A]  }
0x1a: {  	s8 =	sadd.s32 $0xFFFFE003, lr  }
0x1b: {  	s9 =	sadd.s32 $0xFFFFFEF7, lr;
	s5 =	simm.s32 $0xFFFFFFFF;
	p2 =	slt.u32 s8, $0xFFFFF086  }
0x1c: {  	p1 =	slt.u32 s9, $0xF7A;
	s5 =	simm.s32 @!p2 $0x0  }
0x1d: {  	s5 =	simm.s32 @p1 $0x1;
	p0 =	seq.s32 s7, s2  }
0x1e: {  	s7 =	smul.u32 @!p0 $0xF7A, s2;
	p2 =	seq.s32 @!p0 s5, $0x0  }
0x1f: {  	s9 =	smul.u32 $0xF7A, s1;
	s8 =	simm.s32 @!p0 $0x1BF5;
	p2 =	por !p2, p0  }
0x20: {  	[sflag:s8] =	ssyncset.s32 @!p0 $0xFFFFF086;
	s6 =	sadd.s32 @!p0 s3, s7;
	s7 =	simm.s32 @!p0 $0x108  }
0x21: {  	s3 =	sadd.s32 s3, s9;
	s6 =	sadd.s32 @!p0 $0x88, s6;
	s7 =	simm.s32 @p2 $0x1082  }
0x22: {  	[simem:s7], [sflag:s8] =	dma.local @!p0 [hbm:s6], $0xF7A  }
0x23: {  	s9 =	sor.u32 $0xD0000000, s2;
	s6 =	simm.s32 $0x108;
	_ =	swait.ge @!p0 [sflag:s8], $0x0  }
0x24: {  	s3 =	sadd.s32 $0x88, s3;
	s6 =	simm.s32 @!p1 $0x1082;
	[sflag:s4] =	ssyncset.s32 $0xFFFFF086  }
0x25: {  	[simem:s6], [sflag:s4] =	dma.local [hbm:s3], $0xF7A  }
0x26: {  	[smem:$0x3F9A] =	sst s1;
	(tag) =	ssettag s2;
	_ =	strace s9  }
0x27: {  	s1 =	sld [smem:$0x3FAA]  }
0x28: {  	s2 =	sld [smem:$0x3FAB]  }
0x29: {  	s4 =	sld [smem:$0x3FAD]  }
0x2a: {  	p0 =	seq.s32 s5, $0x0;
	s5 =	sld [smem:$0x3FAE]  }
0x2b: {  	s6 =	sld [smem:$0x3FAF]  }
0x2c: {  	s7 =	sld [smem:$0x3FB0]  }
0x2d: {  	s3 =	simm.s32 $0x108;
	s8 =	sld [smem:$0x3FB1]  }
0x2e: {  	s3 =	simm.s32 @!p0 $0x1082;
	s9 =	sld [smem:$0x3FB2]  }
0x2f: {  	lr =	sadd.s32 s0, s3;
	s0 =	sld [smem:$0x3FA9]  }
0x30: {  	s3 =	sld [smem:$0x3FAC]  }
0x31: {  	[smem:$0x3FB5] =	sst s10  }
0x32: {  	s10 =	sld [smem:$0x3FB3];
	_ =	sdelay $0x3  }
0x33: {  	p0 =	seq.s32 s10, $0x1;
	s10 =	sld [smem:$0x3FB5];
	_ =	sdelay $0x3  }
0x34: {  	[smem:$0x3FB5] =	sst s10  }
0x35: {  	s10 =	sld [smem:$0x3FB4];
	_ =	sdelay $0x3  }
0x36: {  	p1 =	seq.s32 s10, $0x1;
	s10 =	sld [smem:$0x3FB5];
	_ =	sdelay $0x3  }
0x37: {  	[smem:$0x3FB5] =	sst s10  }
0x38: {  	s10 =	sld [smem:$0x3FB6]  }
0x39: {  	_ = 	snop;
	(pc) =	sbr.ind lr, $3  }
0x3a: {  	_ = 	snop  }
0x3b: {  	_ = 	snop  }
0x3c: {  	p2 =	seq.s32 s10, $0x1;
	s10 =	sld [smem:$0x3FB5]  }
0x3d: {  	_ =	shalt  }
0x3e: {  	_ =	shalt  }
0x3f: {  	_ =	shalt  }
0x40: {  	_ =	shalt  }
0x41: {  	_ =	shalt  }
0x42: {  	_ =	shalt  }
0x43: {  	_ =	shalt  }
0x44: {  	_ =	shalt  }
0x45: {  	_ =	shalt  }
0x46: {  	_ =	shalt  }
0x47: {  	_ =	shalt  }
0x48: {  	_ =	shalt  }
0x49: {  	_ =	shalt  }
0x4a: {  	_ =	shalt  }
0x4b: {  	_ =	shalt  }
0x4c: {  	_ =	shalt  }
0x4d: {  	_ =	shalt  }
0x4e: {  	_ =	shalt  }
0x4f: {  	_ =	shalt  }
0x50: {  	_ =	shalt  }
0x51: {  	_ =	shalt  }
0x52: {  	_ =	shalt  }
0x53: {  	_ =	shalt  }
0x54: {  	_ =	shalt  }
0x55: {  	_ =	shalt  }
0x56: {  	_ =	shalt  }
0x57: {  	_ =	shalt  }
0x58: {  	_ =	shalt  }
0x59: {  	_ =	shalt  }
0x5a: {  	_ =	shalt  }
0x5b: {  	_ =	shalt  }
0x5c: {  	_ =	shalt  }
0x5d: {  	_ =	shalt  }
0x5e: {  	_ =	shalt  }
0x5f: {  	_ =	shalt  }
0x60: {  	_ =	shalt  }
0x61: {  	_ =	shalt  }
0x62: {  	_ =	shalt  }
0x63: {  	_ =	shalt  }
0x64: {  	_ =	shalt  }
0x65: {  	_ =	shalt  }
0x66: {  	_ =	shalt  }
0x67: {  	_ =	shalt  }
0x68: {  	_ =	shalt  }
0x69: {  	_ =	shalt  }
0x6a: {  	_ =	shalt  }
0x6b: {  	_ =	shalt  }
0x6c: {  	_ =	shalt  }
0x6d: {  	_ =	shalt  }
0x6e: {  	_ =	shalt  }
0x6f: {  	_ =	shalt  }
0x70: {  	_ =	shalt  }
0x71: {  	_ =	shalt  }
0x72: {  	_ =	shalt  }
0x73: {  	_ =	shalt  }
0x74: {  	_ =	shalt  }
0x75: {  	_ =	shalt  }
0x76: {  	_ =	shalt  }
0x77: {  	_ =	shalt  }
0x78: {  	_ =	shalt  }
0x79: {  	_ =	shalt  }
0x7a: {  	_ =	shalt  }
0x7b: {  	_ =	shalt  }
0x7c: {  	_ =	shalt  }
0x7d: {  	_ =	shalt  }
0x7e: {  	_ =	shalt  }
0x7f: {  	_ =	shalt  }
0x80: {  	_ =	shalt  }
0x81: {  	_ =	shalt  }
0x82: {  	_ =	shalt  }
0x83: {  	_ =	shalt  }
0x84: {  	_ =	shalt  }
0x85: {  	_ =	shalt  }
0x86: {  	_ =	shalt  }
0x87: {  	_ =	shalt  }
.Lfunc_end0:
.L_simem_size_0:
called_computation.1_lowered:
.L_overlay_start_0:
0x88: {  	s2 =	sld [smem:$0x3FD9]  }
0x89: {  	s3 =	sld [smem:$0x3FFE];
	_ =	sdelay $0x1  }
0x8a: {  	s1 =	srdreg.scid  }
0x8b: {  	s0 =	sand.u32 $0x1, s1  }
0x8c: {  	s16 =	sshll.u32 s0, $0xA;
	s2 =	sadd.s32 s3, s2  }
0x8d: {  	s2 =	sadd.s32 s2, s16  }
0x8e: {  	[smem:$0x3FC1] =	sst s2  }
0x8f: {  	_ = 	snop  }
0x90: {  	(tm) =	ssettm $0x1  }
0x91: {  	s17 =	sld [smem:$0x3FFB];
	_ =	sdelay $0x3  }
0x92: {  	_ =	strace s17  }
0x93: {  	s2 =	sld [smem:$0x3FFC];
	_ =	sdelay $0x3  }
0x94: {  	_ =	strace s2  }
0x95: {  	s2 =	sld [smem:$0x3FFD];
	_ =	sdelay $0x3  }
0x96: {  	_ =	strace s2  }
0x97: {  	_ =	strace $0x8FFFFFFF  }
0x98: {  	s18 =	sld [smem:$0x3FDB];
	_ =	sdelay $0x1  }
0x99: {  	s19 =	simm.s32 $_scs_section_size  }
0x9a: {  	s4 =	simm.s32 $_size__tile_overlayer_lowered;
	s5 =	simm.s32 $_tile_overlayer_lowered  }
0x9b: {  	s22 =	simm.s32 $0x1BFF;
	s21 =	sshll.u32 s5, $0x1;
	s2 =	sadd.s32 s19, s18  }
0x9c: {  	s6 =	simm.s32 $0x0;
	s20 =	sshll.u32 s4, $0x1;
	s4 =	sadd.s32 s21, s2  }
0x9d: {  	[timem:s6], [sflag:s22] =	dma.local [hbm:s4], s20  }
0x9e: {  	_ =	swait.ge [sflag:s22], s20  }
0x9f: {  	s3 =	ssub.s32 $0x0, s20;
	[sflag:s22] =	ssyncset.done $0x0  }
0xa0: {  	[sflag:s22] =	ssyncadd.s32 s3;
	_ =	sdelay $0x1  }
0xa1: {  	s23 =	simm.s32 $0x1B8B  }
0xa2: {  	_ =	swait.ge [sflag:s23], $0x1  }
0xa3: {  	[sflag:s23] =	ssyncset.done $0x0  }
0xa4: {  	s25 =	simm.s32 $0x1B8E;
	s24 =	sld [smem:$0x3FFE];
	[sflag:s23] =	ssyncadd.s32 $0xFFFFFFFF  }
0xa5: {  	s26 =	simm.s32 $execute0_lowered;
	[smem:$0x3FD2] =	sst s25  }
0xa6: {  	s4 =	sshll.u32 s26, $0x1;
	_ =	strace $0x80000049;
	[dreg:$0x1] =	wrdreg $0xFFFFFFFF  }
0xa7: {  	s28 =	simm.s32 $_size_execute0_lowered;
	s2 =	sadd.s32 s2, s4;
	[dreg:$0x0] =	wrdreg $0x0  }
0xa8: {  	s4 =	sshll.u32 s28, $0x1;
	[dreg:$0x2] =	wrdreg s2  }
0xa9: {  	[dreg:$0x3] =	wrdreg s4  }
0xaa: {  	[dreg:$0x4] =	wrdreg $0xC0  }
0xab: {  	_ =	task [dreg:s6], $0x5FFFF  }
0xac: {  	[dreg:$0x1] =	wrdreg $0xFFFFFFFF  }
0xad: {  	[dreg:$0x0] =	wrdreg $0x60  }
0xae: {  	[dreg:$0x2] =	wrdreg s24  }
0xaf: {  	[dreg:$0x3] =	wrdreg $0x0  }
0xb0: {  	[dreg:$0x4] =	wrdreg $0x19000  }
0xb1: {  	[dreg:$0x5] =	wrdreg $0x9  }
0xb2: {  	_ =	task.clear_ibuf [dreg:s6], $0x6FFFF;
	_ =	strace $0x90000049  }
0xb3: {  	s29 =	simm.s32 $0x9;
	_ =	strace $0x8000004B  }
0xb4: {  	_ =	swait.ge [sflag:s29], $0x1  }
0xb5: {  	[sflag:s29] =	ssyncadd.s32 $0xFFFFFFFF  }
0xb6: {  	_ =	strace $0x9000004B  }
0xb7: {  	_ =	sfence  }
0xb8: {  	s30 =	sld [smem:$0x0];
	_ =	sdelay $0x2  }
0xb9: {  	s31 =	sshll.u32 s1, $0xD;
	s1 =	sshrl.u32 s1, $0x2  }
0xba: {  	s3 =	sand.u32 $0x4000, s31;
	s1 =	sadd.s32 s1, s30  }
0xbb: {  	s0 =	sor.u32 s3, s0;
	s1 =	sshll.u32 s1, $0x11  }
0xbc: {  	s0 =	sor.u32 s1, s0  }
0xbd: {  	s0 =	sadd.s32 $0x8F2B, s0  }
0xbe: {  	[sflag:s0] =	ssyncadd.remote.s32 $0x1  }
0xbf: {  	_ =	sfence.sel $0xFFFF  }
0xc0: {  	[dreg:$0x0] =	wrdreg $0xFFFFFFFF;
	(pc) =	sbr.abs _section_cstart, $3  }
0xc1: {  	[dreg:$0x1] =	wrdreg $0xFFFFFFFF  }
0xc2: {  	_ =	task.clear_ibuf [dreg:s6], $0x2FFFF;
	_ =	strace $0x9FFFFFFF  }
0xc3: {  	(tm) =	ssettm $0x7FFFFFFF  }
tec
execute0_lowered:
.L_overlay_start_1:
0x0: {  	(tag) =	ssettag $0x1  }
0x1: {  	s0 =	rddreg [dreg:$0x0]  }
0x2: {  	s1 =	rddreg [dreg:$0x1];
	s3 =	srdreg.scid  }
0x3: {  	s2 =	rddreg [dreg:$0x2];
	s3 =	sand.u32 $0x1, s3  }
0x4: {  	s4 =	simm.s32 $0x0;
	s7 =	stileid.u32;
	s5 =	sshll.u32 s3, $0x4  }
0x5: {  	s31 =	simm.s32 $0x7;
	s6 =	smul.u32 $0x1900, s7;
	s5 =	sor.u32 s7, s5  }
0x6: {  	s30 =	simm.s32 $0x8600;
	[smem:$0x7FF] =	sst s4;
	s5 =	smul.u32 $0xC400, s5  }
0x7: {  	s24 =	sadd.s32 $0x38C00, s0;
	s8 =	sadd.s32 $0x1800, s0;
	s9 =	sadd.s32 $0x6CE00, s0  }
0x8: {  	_ =	strace $0x8000004A;
	s10 =	ssub.s32 $0x2, s3;
	s5 =	sshrl.u32 s5, $0x3  }
0x9: {  	p0 =	sne.s32 s3, $0x0;
	s12 =	sshrl.u32 s10, $0x1;
	s25 =	sadd.s32 s24, s5  }
0xa: {  	s26 =	sadd.s32 $0x380, s5;
	s13 =	sadd.s32 s8, s5;
	[dreg:$0x4] =	wrdreg s25  }
0xb: {  	s10 =	ssub.s32 s10, s12;
	[dreg:$0x5] =	wrdreg s13;
	s28 =	sadd.s32 s24, s26  }
0xc: {  	s29 =	sadd.s32 $0x700, s5;
	s12 =	sadd.s32 s8, s26;
	[dreg:$0x6] =	wrdreg s28  }
0xd: {  	s3 =	simm.s32 $0x3200;
	s14 =	sadd.s32 s24, s29;
	[dreg:$0x7] =	wrdreg s12  }
0xe: {  	s15 =	sadd.s32 $0xA80, s5;
	s13 =	sadd.s32 s8, s29;
	[dreg:$0x8] =	wrdreg s14  }
0xf: {  	s17 =	sadd.s32 $0xE00, s5;
	s16 =	sadd.s32 s24, s15;
	[dreg:$0x9] =	wrdreg s13  }
0x10: {  	s19 =	sadd.s32 $0x1180, s5;
	s18 =	sadd.s32 s24, s17;
	[dreg:$0xa] =	wrdreg s16  }
0x11: {  	s5 =	sadd.s32 $0x1500, s5;
	s20 =	sadd.s32 s24, s19;
	[dreg:$0xc] =	wrdreg s18  }
0x12: {  	s11 =	sshrl.u32 s6, $0x3;
	s7 =	sadd.s32 s24, s5;
	[dreg:$0xe] =	wrdreg s20  }
0x13: {  	s5 =	sadd.s32 s8, s5;
	s24 =	sadd.s32 s6, s1;
	[dreg:$0x10] =	wrdreg s7  }
0x14: {  	s12 =	sadd.s32 s8, s15;
	s13 =	sadd.s32 s8, s17;
	[dreg:$0x11] =	wrdreg s5  }
0x15: {  	s5 =	sadd.s32 $0x70000, s0;
	s0 =	sadd.s32 s11, s0;
	[dreg:$0x15] =	wrdreg s24  }
0x16: {  	s28 =	smax.u32 s10, $0x1;
	s7 =	simm.s32 $0x4E00;
	[dreg:$0xb] =	wrdreg s12  }
0x17: {  	s10 =	simm.s32 $0xE680;
	s14 =	simm.s32 $0x10280;
	[dreg:$0xd] =	wrdreg s13  }
0x18: {  	s15 =	simm.s32 $0x4;
	s12 =	sadd.s32 s8, s19;
	[dreg:$0x19] =	wrdreg s28  }
0x19: {  	s16 =	simm.s32 $0x5;
	s21 =	sadd.s32 $0x32800, s0;
	[dreg:$0xf] =	wrdreg s12  }
0x1a: {  	s17 =	simm.s32 $0x6;
	s22 =	sadd.s32 $0x35A00, s0;
	[dreg:$0x12] =	wrdreg s21  }
0x1b: {  	s18 =	simm.s32 $0x0;
	s25 =	sadd.s32 $0x69C00, s0;
	[dreg:$0x13] =	wrdreg s22  }
0x1c: {  	s9 =	smov.u32 @p0 s5;
	s26 =	sadd.s32 $0x76400, s0;
	[dreg:$0x16] =	wrdreg s25  }
0x1d: {  	s0 =	sadd.s32 $0x73200, s0;
	s5 =	simm.s32 $0x1;
	[dreg:$0x17] =	wrdreg s26  }
0x1e: {  	s8 =	simm.s32 $0xA200;
	s23 =	sadd.s32 s9, s11;
	[dreg:$0x18] =	wrdreg s0  }
0x1f: {  	s13 =	simm.s32 $0xBE00;
	[dreg:$0x14] =	wrdreg s23;
	s23 =	sadd.s32 s6, s2  }
0x20: {  	s9 =	simm.s32 $0x1C00;
	s11 =	simm.s32 $0x3;
	s29 =	sadd.s32 $0xC80, s23  }
0x21: {  	v0 =	vimm.f32 $0.0e+00;
	s12 =	simm.s32 $0x6A00;
	s6 =	simm.s32 $0x2;
	[dreg:$0x1a] =	wrdreg s29  }
.LBB2_1:
0x22: {  	s0 =	rddreg [dreg:$0x12];
	s19 =	simm.s32 $0x11E80  }
0x23: {  	[tilespmem:s19], [sflag:$0x7] =	stream.linear.gather [hbm4b:s0+s4], $0x1900, $0x38;
	[tilespmem:$0x19B80] =	vst v63  }
0x24: {  	_ =	swait.ge [sflag:s31], $0x1900  }
0x25: {  	[sflag:s31] =	ssyncset.done $0x0  }
0x26: {  	s25 =	simm.s32 $0x13780;
	s24 =	rddreg [dreg:$0x13];
	[sflag:s31] =	ssyncadd.s32 $0xFFFFE700  }
0x27: {  	[tilespmem:s25], [sflag:$0x7] =	stream.linear.gather [hbm4b:s24+s4], $0x1900, $0x38;
	[tilespmem:$0x19B80] =	vst v63  }
0x28: {  	_ =	swait.ge [sflag:s31], $0x1900  }
0x29: {  	[sflag:s31] =	ssyncset.done $0x0  }
0x2a: {  	s29 =	simm.s32 $0x15080;
	s26 =	rddreg [dreg:$0x16];
	[sflag:s31] =	ssyncadd.s32 $0xFFFFE700  }
0x2b: {  	[tilespmem:s29], [sflag:$0x7] =	stream.linear.gather [hbm4b:s26+s4], $0x1900, $0x38;
	[tilespmem:$0x19B80] =	vst v63  }
0x2c: {  	_ =	swait.ge [sflag:s31], $0x1900  }
0x2d: {  	[sflag:s31] =	ssyncset.done $0x0  }
0x2e: {  	s25 =	simm.s32 $0x0;
	[sflag:s31] =	ssyncadd.s32 $0xFFFFE700  }
0x2f: {  	v1 =	vld [tilespmem:s25+$0x11E80]  }
0x30: {  	v2 =	vld [tilespmem:s25+$0x13780];
	_ =	sdelay $0x3  }
0x31: {  	s20 =	simm.s32 $0x10  }
0x32: {  	v3 =	vld [tilespmem:s20+$0x11E80];
	v1 =	vadd.f32 v2, v1  }
0x33: {  	v2 =	vld [tilespmem:s20+$0x13780]  }
0x34: {  	v1 =	vadd.f32 $1.000000000e+00, v1;
	_ =	sdelay $0x1  }
0x35: {  	s22 =	simm.s32 $0x20;
	v4 =	vshrl.u32 v1, $0x1;
	v5 =	vmul.f32 $5.000000000e-01, v1  }
0x36: {  	v6 =	vld [tilespmem:s22+$0x13780];
	v1 =	vsub.s32 $0x5F3759DF, v4  }
0x37: {  	v4 =	vld [tilespmem:s22+$0x11E80];
	v2 =	vadd.f32 v2, v3;
	v3 =	vmul.f32 v1, v5;
	_ =	sdelay $0x1  }
0x38: {  	v2 =	vadd.f32 $1.000000000e+00, v2;
	v3 =	vmul.f32 v1, v3;
	_ =	sdelay $0x1  }
0x39: {  	s19 =	simm.s32 $0x30;
	v7 =	vshrl.u32 v2, $0x1;
	v8 =	vmul.f32 $5.000000000e-01, v2;
	v2 =	vsub.f32 $1.500000000e+00, v3  }
0x3a: {  	v9 =	vld [tilespmem:s19+$0x13780];
	v3 =	vsub.s32 $0x5F3759DF, v7;
	v4 =	vadd.f32 v6, v4  }
0x3b: {  	v7 =	vld [tilespmem:s19+$0x11E80];
	v6 =	vmul.f32 v3, v8;
	v2 =	vmul.f32 v1, v2  }
0x3c: {  	s21 =	simm.s32 $0x40;
	v1 =	vadd.f32 $1.000000000e+00, v4  }
0x3d: {  	v11 =	vld [tilespmem:s21+$0x11E80];
	v4 =	vmul.f32 v3, v6;
	v6 =	vmul.f32 v2, v5  }
0x3e: {  	v12 =	vld [tilespmem:s21+$0x13780];
	v10 =	vshrl.u32 v1, $0x1;
	v1 =	vmul.f32 $5.000000000e-01, v1  }
0x3f: {  	v4 =	vsub.f32 $1.500000000e+00, v4;
	v10 =	vsub.s32 $0x5F3759DF, v10;
	v6 =	vmul.f32 v6, v2  }
0x40: {  	v7 =	vadd.f32 v9, v7;
	v9 =	vmul.f32 v10, v1  }
0x41: {  	v3 =	vmul.f32 v3, v4;
	v4 =	vsub.f32 $1.500000000e+00, v6  }
0x42: {  	v6 =	vadd.f32 $1.000000000e+00, v7;
	v7 =	vmul.f32 v10, v9  }
0x43: {  	v11 =	vadd.f32 v12, v11;
	v9 =	vmul.f32 v3, v8;
	v4 =	vmul.f32 v4, v2  }
0x44: {  	v13 =	vshrl.u32 v6, $0x1;
	v2 =	vmul.f32 $5.000000000e-01, v6;
	v6 =	vsub.f32 $1.500000000e+00, v7  }
0x45: {  	s24 =	simm.s32 $0x50;
	v16 =	vsub.s32 $0x5F3759DF, v13;
	v7 =	vmul.f32 v9, v3;
	v5 =	vmul.f32 v4, v5  }
0x46: {  	v14 =	vld [tilespmem:s24+$0x13780];
	v12 =	vmul.f32 v16, v2;
	v6 =	vmul.f32 v10, v6  }
0x47: {  	v9 =	vld [tilespmem:s24+$0x11E80];
	v13 =	vadd.f32 $1.000000000e+00, v11;
	v7 =	vsub.f32 $1.500000000e+00, v7;
	v10 =	vmul.f32 v5, v4  }
0x48: {  	v12 =	vmul.f32 v16, v12;
	v15 =	vmul.f32 v6, v1  }
0x49: {  	v5 =	vmul.f32 v7, v3;
	v3 =	vmul.f32 $5.000000000e-01, v13  }
0x4a: {  	v7 =	vld [tilespmem:s25+$0x15080];
	v11 =	vsub.f32 $1.500000000e+00, v10;
	v10 =	vshrl.u32 v13, $0x1;
	v17 =	vsub.f32 $1.500000000e+00, v12  }
0x4b: {  	s26 =	simm.s32 $0x60;
	v12 =	vmul.f32 v15, v6;
	v10 =	vsub.s32 $0x5F3759DF, v10;
	v13 =	vmul.f32 v5, v8  }
0x4c: {  	s28 =	simm.s32 $0x1C0;
	v14 =	vadd.f32 v14, v9;
	v8 =	vld [tilespmem:s26+$0x11E80];
	v15 =	vmul.f32 v10, v3;
	v9 =	vmul.f32 v16, v17  }
.LBB2_2:
0x4d: {  	p1 =	sne.s32 s28, $0x63C0;
	v16 =	vld [tilespmem:s26+$0x13780];
	v12 =	vsub.f32 $1.500000000e+00, v12;
	v13 =	vmul.f32 v13, v5;
	v17 =	vmul.f32 v11, v4;
	v4 =	vmovc v5;
	v18 =	vmovc v3;
	s0 =	smov.u32 s28;
	s28 =	sadd.s32 $0x40, s28  }
.Ltmp0:
0x4e: {  	v19 =	vmovc v10;
	s29 =	smov.u32 s24;
	s24 =	smov.u32 s26;
	v3 =	vadd.f32 $1.000000000e+00, v14;
	v14 =	vmul.f32 v10, v15;
	v15 =	vmul.f32 v9, v2;
	(pc) =	sbr.rel @p1 .LBB2_2-.Ltmp0, $4  }
0x4f: {  	v5 =	vmul.f32 v12, v6;
	v11 =	vsub.f32 $1.500000000e+00, v13;
	[tilespmem:s25+$0x16980] =	vst v17;
	v17 =	vmul.f32 v17, v7;
	v7 =	vld [tilespmem:s20+$0x15080];
	v6 =	vmovc v9  }
0x50: {  	v9 =	vshrl.u32 v3, $0x1;
	v3 =	vmul.f32 $5.000000000e-01, v3;
	v20 =	vsub.f32 $1.500000000e+00, v14  }
0x51: {  	s26 =	sshra.s32 s0, $0x2;
	v12 =	vmul.f32 v15, v6;
	v10 =	vsub.s32 $0x5F3759DF, v9;
	v13 =	vmul.f32 v5, v1;
	[tilespmem:s25+$0x18280] =	vst v17;
	v1 =	vmovc v2;
	s25 =	smov.u32 s20;
	s20 =	smov.u32 s22  }
0x52: {  	v2 =	vmovc v18;
	s22 =	smov.u32 s19;
	s19 =	smov.u32 s21;
	s21 =	smov.u32 s29;
	v14 =	vadd.f32 v16, v8;
	v8 =	vld [tilespmem:s26+$0x11E80];
	v15 =	vmul.f32 v10, v3;
	v9 =	vmul.f32 v19, v20  }
0x53: {  	v16 =	vld [tilespmem:s26+$0x13780];
	_ =	sdelay $0x1  }
0x54: {  	v12 =	vsub.f32 $1.500000000e+00, v12;
	v13 =	vmul.f32 v13, v5;
	v4 =	vmul.f32 v11, v4  }
0x55: {  	v34 =	vadd.f32 $1.000000000e+00, v14;
	v35 =	vmul.f32 v10, v15;
	v36 =	vmul.f32 v9, v2  }
0x56: {  	v6 =	vmul.f32 v12, v6;
	v37 =	vsub.f32 $1.500000000e+00, v13;
	v7 =	vmul.f32 v4, v7  }
0x57: {  	v38 =	vshrl.u32 v34, $0x1;
	v11 =	vmul.f32 $5.000000000e-01, v34;
	v8 =	vadd.f32 v16, v8  }
0x58: {  	v14 =	vsub.f32 $1.500000000e+00, v35;
	v15 =	vmul.f32 v36, v9;
	v13 =	vsub.s32 $0x5F3759DF, v38  }
0x59: {  	v42 =	vld [tilespmem:s20+$0x15080];
	v1 =	vmul.f32 v6, v1;
	v45 =	vmul.f32 v37, v5;
	v8 =	vadd.f32 $1.000000000e+00, v8  }
0x5a: {  	v39 =	vmul.f32 v13, v11;
	v40 =	vmul.f32 v10, v14  }
0x5b: {  	v41 =	vsub.f32 $1.500000000e+00, v15;
	v17 =	vshrl.u32 v8, $0x1;
	v8 =	vmul.f32 $5.000000000e-01, v8  }
0x5c: {  	v1 =	vmul.f32 v1, v6;
	v16 =	vmul.f32 v13, v39;
	v17 =	vsub.s32 $0x5F3759DF, v17  }
0x5d: {  	[tilespmem:s25+$0x16980] =	vst v4;
	v18 =	vmul.f32 v40, v3;
	v44 =	vmul.f32 v17, v8  }
0x5e: {  	[tilespmem:s25+$0x18280] =	vst v7;
	v15 =	vmul.f32 v45, v42;
	v43 =	vmul.f32 v41, v9;
	v46 =	vsub.f32 $1.500000000e+00, v16  }
0x5f: {  	v48 =	vld [tilespmem:s22+$0x15080];
	v1 =	vsub.f32 $1.500000000e+00, v1;
	v47 =	vmul.f32 v18, v40;
	v9 =	vmul.f32 v17, v44  }
0x60: {  	v2 =	vmul.f32 v43, v2;
	v7 =	vmul.f32 v13, v46  }
0x61: {  	v1 =	vmul.f32 v1, v6;
	v12 =	vsub.f32 $1.500000000e+00, v47;
	v9 =	vsub.f32 $1.500000000e+00, v9  }
0x62: {  	v2 =	vmul.f32 v2, v43;
	v49 =	vmul.f32 v7, v11  }
0x63: {  	[tilespmem:s20+$0x16980] =	vst v45;
	v50 =	vmul.f32 v12, v40;
	v9 =	vmul.f32 v17, v9  }
0x64: {  	[tilespmem:s20+$0x18280] =	vst v15;
	v51 =	vmul.f32 v1, v48;
	v6 =	vmul.f32 v49, v7  }
0x65: {  	v52 =	vld [tilespmem:s19+$0x15080];
	v3 =	vmul.f32 v50, v3;
	v53 =	vmul.f32 v9, v8  }
0x66: {  	[tilespmem:s22+$0x16980] =	vst v1;
	v2 =	vsub.f32 $1.500000000e+00, v2;
	v1 =	vsub.f32 $1.500000000e+00, v6  }
0x67: {  	[tilespmem:s22+$0x18280] =	vst v51;
	v3 =	vmul.f32 v3, v50;
	v54 =	vmul.f32 v53, v9  }
0x68: {  	v2 =	vmul.f32 v2, v43;
	v55 =	vld [tilespmem:s21+$0x15080];
	v1 =	vmul.f32 v1, v7  }
0x69: {  	v3 =	vsub.f32 $1.500000000e+00, v3;
	v6 =	vsub.f32 $1.500000000e+00, v54  }
0x6a: {  	v56 =	vmul.f32 v2, v52;
	v57 =	vmul.f32 v1, v11  }
0x6b: {  	[tilespmem:s19+$0x16980] =	vst v2;
	v2 =	vmul.f32 v3, v50;
	v3 =	vmul.f32 v6, v9  }
0x6c: {  	v58 =	vmul.f32 v57, v1  }
0x6d: {  	[tilespmem:s19+$0x18280] =	vst v56;
	v4 =	vmul.f32 v2, v55;
	v60 =	vmul.f32 v3, v8  }
0x6e: {  	v59 =	vld [tilespmem:s24+$0x15080];
	[tilespmem:s21+$0x16980] =	vst v2  }
0x6f: {  	v2 =	vsub.f32 $1.500000000e+00, v58;
	[tilespmem:s21+$0x18280] =	vst v4;
	v61 =	vmul.f32 v60, v3  }
0x70: {  	v62 =	vld [tilespmem:s26+$0x15080]  }
0x71: {  	v1 =	vmul.f32 v2, v1;
	v2 =	vsub.f32 $1.500000000e+00, v61;
	_ =	sdelay $0x1  }
0x72: {  	v63 =	vmul.f32 v1, v59;
	v2 =	vmul.f32 v2, v3  }
0x73: {  	[tilespmem:s24+$0x16980] =	vst v1  }
0x74: {  	[tilespmem:s24+$0x18280] =	vst v63;
	v1 =	vmul.f32 v2, v62  }
0x75: {  	[tilespmem:s26+$0x16980] =	vst v2  }
0x76: {  	s0 =	rddreg [dreg:$0x15];
	s29 =	simm.s32 $0x18280;
	[tilespmem:s26+$0x18280] =	vst v1  }
0x77: {  	[spmem:s0] =	stream.linear.scatter [tilespmem:s29], [sflag:$0x7], $0x1900, $0x38;
	[tilespmem:$0x19B80] =	vst v63  }
0x78: {  	_ =	swait.ge [sflag:s31], $0x1900  }
0x79: {  	[sflag:s31] =	ssyncset.done $0x0  }
0x7a: {  	s20 =	simm.s32 $0x0;
	s19 =	simm.s32 $0x40;
	[sflag:s31] =	ssyncadd.s32 $0xFFFFE700  }
.LBB2_4:
0x7b: {  	p1 =	sne.s32 s19, $0x31C0;
	[tilespmem:s20+$0xDA00] =	vst v0;
	s0 =	smov.u32 s19;
	s19 =	sadd.s32 $0x40, s19  }
.Ltmp1:
0x7c: {  	(pc) =	sbr.rel @p1 .LBB2_4-.Ltmp1, $2  }
0x7d: {  	_ =	sdelay $0x2  }
0x7e: {  	s20 =	sshra.s32 s0, $0x2  }
0x7f: {  	[tilespmem:s20+$0xDA00] =	vst v0;
	s19 =	simm.s32 $0xDA00  }
0x80: {  	[spmem:s23] =	stream.linear.scatter [tilespmem:s19], [sflag:$0x7], $0xC80, $0x38;
	[tilespmem:$0x19B80] =	vst v63  }
0x81: {  	_ =	swait.ge [sflag:s31], $0xC80  }
0x82: {  	[sflag:s31] =	ssyncset.done $0x0  }
0x83: {  	s0 =	rddreg [dreg:$0x1a];
	[sflag:s31] =	ssyncadd.s32 $0xFFFFF380  }
0x84: {  	[spmem:s0] =	stream.linear.scatter [tilespmem:s19], [sflag:$0x7], $0xC80, $0x38;
	[tilespmem:$0x19B80] =	vst v63  }
0x85: {  	_ =	swait.ge [sflag:s31], $0xC80  }
0x86: {  	s0 =	simm.s32 @!p0 $0x0;
	[sflag:s31] =	ssyncset.done $0x0  }
0x87: {  	s19 =	simm.s32 @!p0 $0x16980;
	s20 =	rddreg [dreg:$0x17];
	[sflag:s31] =	ssyncadd.s32 $0xFFFFF380  }
0x88: {  	[hbm4b:s20+s0] =	stream.linear.scatter @!p0 [tilespmem:s19], [sflag:$0x7], $0x1900, $0x38;
	[tilespmem:$0x19B80] =	vst v63  }
0x89: {  	s19 =	simm.s32 @!p0 $0x7  }
0x8a: {  	_ =	swait.ge @!p0 [sflag:s19], $0x1900  }
0x8b: {  	[sflag:s19] =	ssyncset.done @!p0 $0x0  }
0x8c: {  	s20 =	simm.s32 @!p0 $0x18280;
	s21 =	rddreg [dreg:$0x18];
	[sflag:s19] =	ssyncadd.s32 @!p0 $0xFFFFE700  }
0x8d: {  	[hbm4b:s21+s0] =	stream.linear.scatter @!p0 [tilespmem:s20], [sflag:$0x7], $0x1900, $0x38;
	[tilespmem:$0x19B80] =	vst v63  }
0x8e: {  	_ =	swait.ge @!p0 [sflag:s19], $0x1900  }
0x8f: {  	[sflag:s19] =	ssyncset.done @!p0 $0x0  }
0x90: {  	[sflag:s19] =	ssyncadd.s32 @!p0 $0xFFFFE700  }
0x91: {  	[bflag:$0x0] =	sbarrier.arrive $0xFFFF  }
0x92: {  	s19 =	rddreg [dreg:$0x4]  }
0x93: {  	[tilespmem:s3], [sflag:$0x1] =	stream.linear.gather [hbm4b:s19+s4], $0x1C00, $0x38;
	[tilespmem:$0x19B80] =	vst v63  }
0x94: {  	s20 =	rddreg [dreg:$0x5]  }
0x95: {  	[tilespmem:s30], [sflag:$0x2] =	stream.linear.gather [hbm4b:s20+s4], $0x1C00, $0x38;
	[tilespmem:$0x19B80] =	vst v63  }
0x96: {  	_ =	swait.ge [sflag:s5], $0x1C00  }
0x97: {  	[sflag:s5] =	ssyncset.done $0x0  }
0x98: {  	[sflag:s5] =	ssyncadd.s32 $0xFFFFE400  }
0x99: {  	_ =	swait.ge [sflag:s6], $0x1C00  }
0x9a: {  	[sflag:s6] =	ssyncset.done $0x0  }
0x9b: {  	s21 =	rddreg [dreg:$0x6];
	[sflag:s6] =	ssyncadd.s32 $0xFFFFE400  }
0x9c: {  	[tilespmem:s7], [sflag:$0x1] =	stream.linear.gather [hbm4b:s21+s4], $0x1C00, $0x38;
	[tilespmem:$0x19B80] =	vst v63  }
0x9d: {  	s22 =	rddreg [dreg:$0x7]  }
0x9e: {  	[tilespmem:s8], [sflag:$0x2] =	stream.linear.gather [hbm4b:s22+s4], $0x1C00, $0x38;
	[tilespmem:$0x19B80] =	vst v63  }
0x9f: {  	_ = 	snop  }
0xa0: {  	[tilespmem:s10], [sflag:$0x3] =	stream.indirect.gather [spmem:s1], $0x1, s3, s9, $0xb8;
	[tilespmem:$0x19B80] =	vst v63  }
0xa1: {  	_ =	swait.ge [sflag:s11], $0x1C00  }
0xa2: {  	[sflag:s11] =	ssyncset.done $0x0  }
0xa3: {  	[sflag:s11] =	ssyncadd.s32 $0xFFFFE400  }
0xa4: {  	[spmem:s2] =	stream.indirect.scatter.add.f32 [tilespmem:s10], [sflag:$0x4], $0x1, s30, s9, $0xb8;
	[tilespmem:$0x19B80] =	vst v63  }
0xa5: {  	_ =	swait.ge [sflag:s5], $0x1C00  }
0xa6: {  	[sflag:s5] =	ssyncset.done $0x0  }
0xa7: {  	[sflag:s5] =	ssyncadd.s32 $0xFFFFE400  }
0xa8: {  	_ =	swait.ge [sflag:s6], $0x1C00  }
0xa9: {  	[sflag:s6] =	ssyncset.done $0x0  }
0xaa: {  	s24 =	rddreg [dreg:$0x8];
	[sflag:s6] =	ssyncadd.s32 $0xFFFFE400  }
0xab: {  	[tilespmem:s12], [sflag:$0x1] =	stream.linear.gather [hbm4b:s24+s4], $0x1C00, $0x38;
	[tilespmem:$0x19B80] =	vst v63  }
0xac: {  	s25 =	rddreg [dreg:$0x9]  }
0xad: {  	[tilespmem:s13], [sflag:$0x2] =	stream.linear.gather [hbm4b:s25+s4], $0x1C00, $0x38;
	[tilespmem:$0x19B80] =	vst v63  }
0xae: {  	_ = 	snop  }
0xaf: {  	[tilespmem:s14], [sflag:$0x3] =	stream.indirect.gather [spmem:s1], $0x1, s7, s9, $0xb8;
	[tilespmem:$0x19B80] =	vst v63  }
0xb0: {  	_ =	swait.ge [sflag:s11], $0x1C00  }
0xb1: {  	[sflag:s11] =	ssyncset.done $0x0  }
0xb2: {  	[sflag:s11] =	ssyncadd.s32 $0xFFFFE400  }
0xb3: {  	[spmem:s2] =	stream.indirect.scatter.add.f32 [tilespmem:s14], [sflag:$0x5], $0x1, s8, s9, $0xb8;
	[tilespmem:$0x19B80] =	vst v63  }
0xb4: {  	_ =	swait.ge [sflag:s5], $0x1C00  }
0xb5: {  	[sflag:s5] =	ssyncset.done $0x0  }
0xb6: {  	[sflag:s5] =	ssyncadd.s32 $0xFFFFE400  }
0xb7: {  	_ =	swait.ge [sflag:s6], $0x1C00  }
0xb8: {  	[sflag:s6] =	ssyncset.done $0x0  }
0xb9: {  	[sflag:s6] =	ssyncadd.s32 $0xFFFFE400  }
0xba: {  	_ =	swait.ge [sflag:s15], $0x1C00  }
0xbb: {  	[sflag:s15] =	ssyncset.done $0x0  }
0xbc: {  	s26 =	rddreg [dreg:$0xa];
	[sflag:s15] =	ssyncadd.s32 $0xFFFFE400  }
0xbd: {  	[tilespmem:s3], [sflag:$0x1] =	stream.linear.gather [hbm4b:s26+s4], $0x1C00, $0x38;
	[tilespmem:$0x19B80] =	vst v63  }
0xbe: {  	s28 =	rddreg [dreg:$0xb]  }
0xbf: {  	[tilespmem:s30], [sflag:$0x2] =	stream.linear.gather [hbm4b:s28+s4], $0x1C00, $0x38;
	[tilespmem:$0x19B80] =	vst v63  }
0xc0: {  	_ = 	snop  }
0xc1: {  	[tilespmem:s10], [sflag:$0x3] =	stream.indirect.gather [spmem:s1], $0x1, s12, s9, $0xb8;
	[tilespmem:$0x19B80] =	vst v63  }
0xc2: {  	_ =	swait.ge [sflag:s11], $0x1C00  }
0xc3: {  	[sflag:s11] =	ssyncset.done $0x0  }
0xc4: {  	[sflag:s11] =	ssyncadd.s32 $0xFFFFE400  }
0xc5: {  	[spmem:s2] =	stream.indirect.scatter.add.f32 [tilespmem:s10], [sflag:$0x6], $0x1, s13, s9, $0xb8;
	[tilespmem:$0x19B80] =	vst v63  }
0xc6: {  	_ =	swait.ge [sflag:s5], $0x1C00  }
0xc7: {  	[sflag:s5] =	ssyncset.done $0x0  }
0xc8: {  	[sflag:s5] =	ssyncadd.s32 $0xFFFFE400  }
0xc9: {  	_ =	swait.ge [sflag:s6], $0x1C00  }
0xca: {  	[sflag:s6] =	ssyncset.done $0x0  }
0xcb: {  	[sflag:s6] =	ssyncadd.s32 $0xFFFFE400  }
0xcc: {  	_ =	swait.ge [sflag:s16], $0x1C00  }
0xcd: {  	[sflag:s16] =	ssyncset.done $0x0  }
0xce: {  	s29 =	rddreg [dreg:$0xc];
	[sflag:s16] =	ssyncadd.s32 $0xFFFFE400  }
0xcf: {  	[tilespmem:s7], [sflag:$0x1] =	stream.linear.gather [hbm4b:s29+s4], $0x1C00, $0x38;
	[tilespmem:$0x19B80] =	vst v63  }
0xd0: {  	s19 =	rddreg [dreg:$0xd]  }
0xd1: {  	[tilespmem:s8], [sflag:$0x2] =	stream.linear.gather [hbm4b:s19+s4], $0x1C00, $0x38;
	[tilespmem:$0x19B80] =	vst v63  }
0xd2: {  	_ = 	snop  }
0xd3: {  	[tilespmem:s14], [sflag:$0x3] =	stream.indirect.gather [spmem:s1], $0x1, s3, s9, $0xb8;
	[tilespmem:$0x19B80] =	vst v63  }
0xd4: {  	_ =	swait.ge [sflag:s11], $0x1C00  }
0xd5: {  	[sflag:s11] =	ssyncset.done $0x0  }
0xd6: {  	[sflag:s11] =	ssyncadd.s32 $0xFFFFE400  }
0xd7: {  	[spmem:s2] =	stream.indirect.scatter.add.f32 [tilespmem:s14], [sflag:$0x4], $0x1, s30, s9, $0xb8;
	[tilespmem:$0x19B80] =	vst v63  }
0xd8: {  	_ =	swait.ge [sflag:s5], $0x1C00  }
0xd9: {  	[sflag:s5] =	ssyncset.done $0x0  }
0xda: {  	[sflag:s5] =	ssyncadd.s32 $0xFFFFE400  }
0xdb: {  	_ =	swait.ge [sflag:s6], $0x1C00  }
0xdc: {  	[sflag:s6] =	ssyncset.done $0x0  }
0xdd: {  	[sflag:s6] =	ssyncadd.s32 $0xFFFFE400  }
0xde: {  	_ =	swait.ge [sflag:s17], $0x1C00  }
0xdf: {  	[sflag:s17] =	ssyncset.done $0x0  }
0xe0: {  	s20 =	rddreg [dreg:$0xe];
	[sflag:s17] =	ssyncadd.s32 $0xFFFFE400  }
0xe1: {  	[tilespmem:s12], [sflag:$0x1] =	stream.linear.gather [hbm4b:s20+s4], $0x1C00, $0x38;
	[tilespmem:$0x19B80] =	vst v63  }
0xe2: {  	s21 =	rddreg [dreg:$0xf]  }
0xe3: {  	[tilespmem:s13], [sflag:$0x2] =	stream.linear.gather [hbm4b:s21+s4], $0x1C00, $0x38;
	[tilespmem:$0x19B80] =	vst v63  }
0xe4: {  	_ = 	snop  }
0xe5: {  	[tilespmem:s10], [sflag:$0x3] =	stream.indirect.gather [spmem:s1], $0x1, s7, s9, $0xb8;
	[tilespmem:$0x19B80] =	vst v63  }
0xe6: {  	_ =	swait.ge [sflag:s11], $0x1C00  }
0xe7: {  	[sflag:s11] =	ssyncset.done $0x0  }
0xe8: {  	[sflag:s11] =	ssyncadd.s32 $0xFFFFE400  }
0xe9: {  	[spmem:s2] =	stream.indirect.scatter.add.f32 [tilespmem:s10], [sflag:$0x5], $0x1, s8, s9, $0xb8;
	[tilespmem:$0x19B80] =	vst v63  }
0xea: {  	_ =	swait.ge [sflag:s5], $0x1C00  }
0xeb: {  	[sflag:s5] =	ssyncset.done $0x0  }
0xec: {  	[sflag:s5] =	ssyncadd.s32 $0xFFFFE400  }
0xed: {  	_ =	swait.ge [sflag:s6], $0x1C00  }
0xee: {  	[sflag:s6] =	ssyncset.done $0x0  }
0xef: {  	[sflag:s6] =	ssyncadd.s32 $0xFFFFE400  }
0xf0: {  	_ =	swait.ge [sflag:s15], $0x1C00  }
0xf1: {  	[sflag:s15] =	ssyncset.done $0x0  }
0xf2: {  	s22 =	rddreg [dreg:$0x10];
	[sflag:s15] =	ssyncadd.s32 $0xFFFFE400  }
0xf3: {  	[tilespmem:s3], [sflag:$0x1] =	stream.linear.gather [hbm4b:s22+s4], $0x1C00, $0x38;
	[tilespmem:$0x19B80] =	vst v63  }
0xf4: {  	s24 =	rddreg [dreg:$0x11]  }
0xf5: {  	[tilespmem:s30], [sflag:$0x2] =	stream.linear.gather [hbm4b:s24+s4], $0x1C00, $0x38;
	[tilespmem:$0x19B80] =	vst v63  }
0xf6: {  	_ = 	snop  }
0xf7: {  	[tilespmem:s14], [sflag:$0x3] =	stream.indirect.gather [spmem:s1], $0x1, s12, s9, $0xb8;
	[tilespmem:$0x19B80] =	vst v63  }
0xf8: {  	_ =	swait.ge [sflag:s11], $0x1C00  }
0xf9: {  	[sflag:s11] =	ssyncset.done $0x0  }
0xfa: {  	[sflag:s11] =	ssyncadd.s32 $0xFFFFE400  }
0xfb: {  	[spmem:s2] =	stream.indirect.scatter.add.f32 [tilespmem:s14], [sflag:$0x6], $0x1, s13, s9, $0xb8;
	[tilespmem:$0x19B80] =	vst v63  }
0xfc: {  	_ =	swait.ge [sflag:s5], $0x1C00  }
0xfd: {  	[sflag:s5] =	ssyncset.done $0x0  }
0xfe: {  	[sflag:s5] =	ssyncadd.s32 $0xFFFFE400  }
0xff: {  	_ =	swait.ge [sflag:s6], $0x1C00  }
0x100: {  	[sflag:s6] =	ssyncset.done $0x0  }
0x101: {  	[sflag:s6] =	ssyncadd.s32 $0xFFFFE400  }
0x102: {  	_ =	swait.ge [sflag:s16], $0x1C00  }
0x103: {  	[sflag:s16] =	ssyncset.done $0x0  }
0x104: {  	[sflag:s16] =	ssyncadd.s32 $0xFFFFE400  }
0x105: {  	[tilespmem:s10], [sflag:$0x3] =	stream.indirect.gather [spmem:s1], $0x1, s3, s9, $0xb8;
	[tilespmem:$0x19B80] =	vst v63  }
0x106: {  	_ =	swait.ge [sflag:s11], $0x1C00  }
0x107: {  	[sflag:s11] =	ssyncset.done $0x0  }
0x108: {  	[sflag:s11] =	ssyncadd.s32 $0xFFFFE400  }
0x109: {  	[spmem:s2] =	stream.indirect.scatter.add.f32 [tilespmem:s10], [sflag:$0x4], $0x1, s30, s9, $0xb8;
	[tilespmem:$0x19B80] =	vst v63  }
0x10a: {  	_ =	swait.ge [sflag:s17], $0x1C00  }
0x10b: {  	[sflag:s17] =	ssyncset.done $0x0  }
0x10c: {  	[sflag:s17] =	ssyncadd.s32 $0xFFFFE400  }
0x10d: {  	_ =	swait.ge [sflag:s15], $0x1C00  }
0x10e: {  	[sflag:s15] =	ssyncset.done $0x0  }
0x10f: {  	s25 =	stileid.u32;
	[sflag:s15] =	ssyncadd.s32 $0xFFFFE400  }
0x110: {  	s0 =	sshll.u32 s25, $0x6;
	[bflag:$0x0] =	sbarrier.arrive $0xFFFF  }
0x111: {  	s0 =	sor.u32 $0x1C07, s0;
	s26 =	sshrl.u32 s23, $0x3;
	s28 =	rddreg [dreg:$0x14]  }
0x112: {  	[hbm:s28], [sflag:s0] =	dma.local [spmem:s26], $0x320  }
0x113: {  	_ =	swait.ge [sflag:s31], $0x320  }
0x114: {  	s18 =	sadd.s32 $0x1, s18;
	s29 =	rddreg [dreg:$0x19]  }
0x115: {  	p1 =	sne.s32 s18, s29  }
.Ltmp2:
0x116: {  	_ = 	snop;
	(pc) =	sbr.rel @p1 .LBB2_1-.Ltmp2, $3  }
0x117: {  	_ =	sdelay $0x1  }
0x118: {  	[sflag:s31] =	ssyncset.done $0x0  }
0x119: {  	[sflag:s31] =	ssyncadd.s32 $0xFFFFFCE0  }
0x11a: {  	_ =	sfence.sel $0x180000  }
0x11b: {  	[bflag:$0x0] =	sbarrier.arrive $0xFFFF  }
0x11c: {  	_ =	strace $0x9000004A  }
0x11d: {  	s0 =	stileid.u32;
	[bflag:$0x2] =	sbarrier.arrive $0xFFFF  }
0x11e: {  	p0 =	sne.s32 s0, $0x0;
	s0 =	rddreg [dreg:$0x3]  }
0x11f: {  	s0 =	sadd.s32 @!p0 $0x100000, s0  }
0x120: {  	[sflag:s0] =	ssyncadd.tile.s32 @!p0 $0x1;
	_ =	shalt  }
.Lfunc_end2:
_tile_overlayer_lowered:
.L_overlay_start_2:
0x121: {  	(tag) =	ssettag $0x2  }
0x122: {  	s0 =	rddreg [dreg:$0x0];
	s2 =	stileid.u32  }
0x123: {  	s1 =	rddreg [dreg:$0x1];
	p0 =	sne.s32 s2, $0x0  }
0x124: {  	s3 =	rddreg [dreg:$0x2];
	[bflag:$0x3] =	sbarrier.arrive $0xFFFF;
	s2 =	simm.s32 @!p0 $0x1C07  }
0x125: {  	[timem:s3], [sflag:s2] =	dma.local @!p0 [hbm:s0], s1  }
0x126: {  	s0 =	simm.s32 @!p0 $0x7  }
0x127: {  	_ =	swait.ge @!p0 [sflag:s0], s1  }
0x128: {  	s1 =	ssub.s32 @!p0 $0x0, s1;
	[sflag:s0] =	ssyncset.done @!p0 $0x0  }
0x129: {  	[sflag:s0] =	ssyncadd.s32 @!p0 s1  }
0x12a: {  	[bflag:$0x3] =	sbarrier.arrive $0xFFFF  }
0x12b: {  	_ =	shalt  }

</sc_bundles>
